<compile_context>
chip_gen: v7x
topology: tpu7x:2x2x1
jax: 0.10.2.dev20260603
libtpu: 0.0.44.dev20260713+nightly
codegen_flags: <defaults>
</compile_context>

<pallas_src>
import functools

import jax
import jax.numpy as jnp
from jax import lax
from jax.experimental import pallas as pl
from jax.experimental.pallas import tpu as pltpu
from jax.experimental.pallas import tpu_sc as plsc

NC = 2
NS = 16
NW = NC * NS


def _make_segsum(N, E, D):
  ch = 40
  nbuf = 4
  nset = 2
  ep = E // NW
  pe = ch * nbuf
  nfull = ep // pe
  nmain = nfull // 4 * 4
  if nmain == nfull and nmain > 0:
    nmain -= 4
  tail = ep - nfull * pe
  ntail = tail // ch
  assert ep % ch == 0
  rch = 40
  nrc = N // rch
  nrc_per_tile = -(-nrc // NS)

  mesh = plsc.VectorSubcoreMesh(core_axis_name="c", subcore_axis_name="s")

  @functools.partial(
      pl.kernel,
      out_type=jax.ShapeDtypeStruct((NC, N, D), jnp.float32),
      mesh=mesh,
      scratch_types=[
          [pltpu.VMEM((pe,), jnp.int32)] * 2,
          [[pltpu.VMEM((ch,), jnp.int32)] * nbuf] * 4,
          [pltpu.VMEM((ch, D), jnp.float32)] * (nbuf * nset),
          pltpu.VMEM_SHARED((N, D), jnp.float32),
          [pltpu.SemaphoreType.DMA] * 2,
          [pltpu.SemaphoreType.DMA] * 4,
          [pltpu.SemaphoreType.DMA] * (nbuf * nset),
          [pltpu.SemaphoreType.DMA] * (nbuf * nset),
      ],
  )
  def segsum(src_hbm, dst_hbm, x_hbm, out_hbm, sidxb, didxb, rows, yacc,
             isem, dsem, gsem, ssem):
    c = lax.axis_index("c")
    s = lax.axis_index("s")
    wid = c * NS + s
    ebase = wid * ep

    def idx_prefetch(t, q, nch):
      si, di = q % 2, q % 4
      off = pl.multiple_of(ebase + t * pe, 8)
      if nch == nbuf:
        pltpu.async_copy(src_hbm.at[pl.ds(off, pe)], sidxb[si], isem[si])
      else:
        pltpu.async_copy(src_hbm.at[pl.ds(off, nch * ch)],
                         sidxb[si].at[pl.ds(0, nch * ch)], isem[si])
      for b in range(nch):
        boff = pl.multiple_of(ebase + t * pe + b * ch, 8)
        pltpu.async_copy(dst_hbm.at[pl.ds(boff, ch)], didxb[di][b], dsem[di])

    def idx_wait(q, nch):
      si, di = q % 2, q % 4
      if nch == nbuf:
        pltpu.make_async_copy(src_hbm.at[pl.ds(0, pe)], sidxb[si],
                              isem[si]).wait()
      else:
        pltpu.make_async_copy(src_hbm.at[pl.ds(0, nch * ch)],
                              sidxb[si].at[pl.ds(0, nch * ch)],
                              isem[si]).wait()
      for b in range(nch):
        pltpu.make_async_copy(dst_hbm.at[pl.ds(0, ch)], didxb[di][b],
                              dsem[di]).wait()

    def drain_scatters(q, nch):
      p = q % 2
      for b in range(nch):
        pltpu.make_async_copy(x_hbm.at[sidxb[0].at[pl.ds(0, ch)]],
                              rows[p * nbuf + b], ssem[p * nbuf + b]).wait()

    def do_pass(q, nch):
      p, si, di = q % 2, q % 2, q % 4
      R = rows[p * nbuf:p * nbuf + nch]
      gh = [pltpu.async_copy(
          x_hbm.at[sidxb[si].at[pl.ds(b * ch, ch)]], R[b],
          gsem[p * nbuf + b]) for b in range(nch)]
      for b in range(nch):
        gh[b].wait()
        pltpu.async_copy(R[b], yacc.at[didxb[di][b]],
                         ssem[p * nbuf + b], add=True)

    idx_prefetch(0, 0, nbuf)

    zv = jnp.zeros((16,), jnp.float32)

    def zrow(r, carry):
      for k in range(D // 16):
        rows[0][r, pl.ds(k * 16, 16)] = zv
      return carry

    lax.fori_loop(0, rch, zrow, 0)

    for z in range(nrc_per_tile):
      ci = s + NS * z

      @pl.when(ci < nrc)
      def _():
        pltpu.sync_copy(rows[0],
                        yacc.at[pl.ds(pl.multiple_of(ci * rch, 8), rch)])

    plsc.subcore_barrier()

    def four_passes(v, carry):
      for q in range(4):
        t = 4 * v + q
        idx_prefetch(t + 1, q + 1, nbuf)
        idx_wait(q, nbuf)

        @pl.when(t >= 2)
        def _():
          drain_scatters(q, nbuf)

        do_pass(q, nbuf)
      return carry

    lax.fori_loop(0, nmain // 4, four_passes, 0)

    for t in range(nmain, nfull):
      q = t % 4
      if t + 1 < nfull:
        idx_prefetch(t + 1, q + 1, nbuf)
      elif ntail:
        idx_prefetch(t + 1, q + 1, ntail)
      idx_wait(q, nbuf)
      drain_scatters(q, nbuf)
      do_pass(q, nbuf)

    if ntail:
      q = nfull % 4
      idx_wait(q, ntail)
      drain_scatters(q, ntail)
      do_pass(q, ntail)

    for b in range(nbuf * nset):
      pltpu.make_async_copy(x_hbm.at[sidxb[0].at[pl.ds(0, ch)]],
                            rows[b], ssem[b]).wait()

    plsc.subcore_barrier()

    for z in range(nrc_per_tile):
      ci = s + NS * z

      @pl.when(ci < nrc)
      def _():
        r0 = pl.multiple_of(ci * rch, 8)
        pltpu.sync_copy(yacc.at[pl.ds(r0, rch)], out_hbm.at[c, pl.ds(r0, rch)])

  return segsum


def _dense_body(yp_ref, x_ref, w1_ref, b1_ref, w2_ref, b2_ref, eps_ref,
                gamma_ref, beta_ref, o_ref):
  n = x_ref.shape[0]
  y = yp_ref[0] + yp_ref[1]
  h = y + (1.0 + eps_ref[0]) * x_ref[...]
  h = lax.dot_general(h, w1_ref[...], (((1,), (1,)), ((), ())),
                      preferred_element_type=jnp.float32)
  h = jnp.maximum(h + b1_ref[...][None, :], 0.0)
  h = lax.dot_general(h, w2_ref[...], (((1,), (1,)), ((), ())),
                      preferred_element_type=jnp.float32)
  h = h + b2_ref[...][None, :]
  mean = jnp.sum(h, axis=0, keepdims=True) * (1.0 / n)
  d = h - mean
  var = jnp.sum(d * d, axis=0, keepdims=True) * (1.0 / n)
  o_ref[...] = d * lax.rsqrt(var + 1e-5) * gamma_ref[...][None, :] \
      + beta_ref[...][None, :]


def kernel(x, edge_index, W1, b1, W2, b2, eps, gamma, beta):
  N, D = x.shape
  E = edge_index.shape[1]

  yp = _make_segsum(N, E, D)(edge_index[0], edge_index[1], x)

  vmem = pl.BlockSpec(memory_space=pltpu.VMEM)
  smem = pl.BlockSpec(memory_space=pltpu.SMEM)
  out = pl.pallas_call(
      _dense_body,
      out_shape=jax.ShapeDtypeStruct((N, D), jnp.float32),
      in_specs=[vmem, vmem, vmem, vmem, vmem, vmem, smem, vmem, vmem],
      out_specs=vmem,
  )(yp, x, W1, b1, W2, b2, eps, gamma, beta)
  return out

# --- scband reference (transcript-rebuilt; emitter-appended) ---
"""Pipeline reference for scband-gin-conv-14250701488895 (READ-ONLY COPY).

The authoritative reference and input builder live on the scoring server;
editing this copy changes nothing except your own understanding.
"""

import jax, jax.numpy as jnp
import numpy as np

N = 10000
E = 320000
D_IN = 128
D_OUT = 128


def setup_inputs(seed: int = 0) -> dict:
    key = jax.random.key(seed)
    k1, k2, k3, k4, k5, k6 = jax.random.split(key, 6)
    x = jax.random.normal(k1, (N, D_IN), dtype=jnp.float32)
    edge_index = jax.random.randint(k2, (2, E), 0, N, dtype=jnp.int32)
    s1 = 1.0 / np.sqrt(D_IN)
    s2 = 1.0 / np.sqrt(D_OUT)
    W1 = jax.random.uniform(k3, (D_OUT, D_IN), dtype=jnp.float32, minval=-s1, maxval=s1)
    b1 = jax.random.uniform(k4, (D_OUT,), dtype=jnp.float32, minval=-s1, maxval=s1)
    W2 = jax.random.uniform(k5, (D_OUT, D_OUT), dtype=jnp.float32, minval=-s2, maxval=s2)
    b2 = jax.random.uniform(k6, (D_OUT,), dtype=jnp.float32, minval=-s2, maxval=s2)
    eps = jnp.zeros((1,), dtype=jnp.float32)
    gamma = jnp.ones((D_OUT,), dtype=jnp.float32)
    beta = jnp.zeros((D_OUT,), dtype=jnp.float32)
    return {"x": x, "edge_index": edge_index, "W1": W1, "b1": b1, "W2": W2, "b2": b2, "eps": eps, "gamma": gamma, "beta": beta}


def reference(x, edge_index, W1, b1, W2, b2, eps, gamma, beta):
    # y = spmm(adj, x): binary adjacency, row = dst, col = src
    src = edge_index[0]
    dst = edge_index[1]
    y = jax.ops.segment_sum(jnp.take(x, src, axis=0), dst, num_segments=x.shape[0])
    h = y + (1.0 + eps) * x
    h = h @ W1.T + b1
    h = jax.nn.relu(h)
    h = h @ W2.T + b2
    # BatchNorm1d (training mode, biased variance)
    mean = jnp.mean(h, axis=0)
    var = jnp.mean((h - mean) ** 2, axis=0)
    h = (h - mean) / jnp.sqrt(var + 1e-5) * gamma + beta
    # F.dropout(x, 0) is identity
    return h

if __name__ == "__main__":
    import jax
    _d = setup_inputs()
    print(jax.jit(kernel)(*tuple(_d.values())))

</pallas_src>

<mosaic_0001>
#map = affine_map<(d0, d1) -> (0)>
#map1 = affine_map<(d0, d1) -> (0, 0)>
#map2 = affine_map<(d0, d1) -> (0, 0, 0)>
module attributes {stable_mosaic.version = 14 : i64} {
  func.func @segsum(%arg0: i32, %arg1: i32, %arg2: memref<320000xi32, #tpu.memory_space<hbm>>, %arg3: memref<320000xi32, #tpu.memory_space<hbm>>, %arg4: memref<10000x128xf32, #tpu.memory_space<hbm>>, %arg5: memref<2x10000x128xf32, #tpu.memory_space<hbm>>, %arg6: memref<160xi32, #tpu.memory_space<vmem>>, %arg7: memref<160xi32, #tpu.memory_space<vmem>>, %arg8: memref<40xi32, #tpu.memory_space<vmem>>, %arg9: memref<40xi32, #tpu.memory_space<vmem>>, %arg10: memref<40xi32, #tpu.memory_space<vmem>>, %arg11: memref<40xi32, #tpu.memory_space<vmem>>, %arg12: memref<40xi32, #tpu.memory_space<vmem>>, %arg13: memref<40xi32, #tpu.memory_space<vmem>>, %arg14: memref<40xi32, #tpu.memory_space<vmem>>, %arg15: memref<40xi32, #tpu.memory_space<vmem>>, %arg16: memref<40xi32, #tpu.memory_space<vmem>>, %arg17: memref<40xi32, #tpu.memory_space<vmem>>, %arg18: memref<40xi32, #tpu.memory_space<vmem>>, %arg19: memref<40xi32, #tpu.memory_space<vmem>>, %arg20: memref<40xi32, #tpu.memory_space<vmem>>, %arg21: memref<40xi32, #tpu.memory_space<vmem>>, %arg22: memref<40xi32, #tpu.memory_space<vmem>>, %arg23: memref<40xi32, #tpu.memory_space<vmem>>, %arg24: memref<40x128xf32, #tpu.memory_space<vmem>>, %arg25: memref<40x128xf32, #tpu.memory_space<vmem>>, %arg26: memref<40x128xf32, #tpu.memory_space<vmem>>, %arg27: memref<40x128xf32, #tpu.memory_space<vmem>>, %arg28: memref<40x128xf32, #tpu.memory_space<vmem>>, %arg29: memref<40x128xf32, #tpu.memory_space<vmem>>, %arg30: memref<40x128xf32, #tpu.memory_space<vmem>>, %arg31: memref<40x128xf32, #tpu.memory_space<vmem>>, %arg32: memref<10000x128xf32, #tpu.memory_space<vmem_shared>>, %arg33: memref<!tpu.dma_semaphore, #tpu.memory_space<semaphore_mem>>, %arg34: memref<!tpu.dma_semaphore, #tpu.memory_space<semaphore_mem>>, %arg35: memref<!tpu.dma_semaphore, #tpu.memory_space<semaphore_mem>>, %arg36: memref<!tpu.dma_semaphore, #tpu.memory_space<semaphore_mem>>, %arg37: memref<!tpu.dma_semaphore, #tpu.memory_space<semaphore_mem>>, %arg38: memref<!tpu.dma_semaphore, #tpu.memory_space<semaphore_mem>>, %arg39: memref<!tpu.dma_semaphore, #tpu.memory_space<semaphore_mem>>, %arg40: memref<!tpu.dma_semaphore, #tpu.memory_space<semaphore_mem>>, %arg41: memref<!tpu.dma_semaphore, #tpu.memory_space<semaphore_mem>>, %arg42: memref<!tpu.dma_semaphore, #tpu.memory_space<semaphore_mem>>, %arg43: memref<!tpu.dma_semaphore, #tpu.memory_space<semaphore_mem>>, %arg44: memref<!tpu.dma_semaphore, #tpu.memory_space<semaphore_mem>>, %arg45: memref<!tpu.dma_semaphore, #tpu.memory_space<semaphore_mem>>, %arg46: memref<!tpu.dma_semaphore, #tpu.memory_space<semaphore_mem>>, %arg47: memref<!tpu.dma_semaphore, #tpu.memory_space<semaphore_mem>>, %arg48: memref<!tpu.dma_semaphore, #tpu.memory_space<semaphore_mem>>, %arg49: memref<!tpu.dma_semaphore, #tpu.memory_space<semaphore_mem>>, %arg50: memref<!tpu.dma_semaphore, #tpu.memory_space<semaphore_mem>>, %arg51: memref<!tpu.dma_semaphore, #tpu.memory_space<semaphore_mem>>, %arg52: memref<!tpu.dma_semaphore, #tpu.memory_space<semaphore_mem>>, %arg53: memref<!tpu.dma_semaphore, #tpu.memory_space<semaphore_mem>>, %arg54: memref<!tpu.dma_semaphore, #tpu.memory_space<semaphore_mem>>) attributes {dimension_semantics = [#tpu.dimension_semantics<core_parallel>, #tpu.dimension_semantics<subcore_parallel>], iteration_bounds = array<i64: 2, 16>, scalar_prefetch = 0 : i64, scratch_operands = 49 : i64, tpu.core_type = #tpu.core_type<sc_vector_subcore>, window_params = [{transform_indices = #map}, {transform_indices = #map}, {transform_indices = #map1}, {transform_indices = #map2}]} {
    %mul3A = arith.constant 16 : i32
    %mul3A_0 = arith.muli %arg0, %mul3A : i32
    %add3A = arith.addi %mul3A_0, %arg1 : i32
    %mul3A_1 = arith.constant 10000 : i32
    %mul3A_2 = arith.muli %add3A, %mul3A_1 : i32
    %add3A_3 = arith.constant 0 : i32
    %add3A_4 = arith.addi %mul3A_2, %add3A_3 : i32
    %multiple_of3A = tpu.assume_multiple %add3A_4, 8 : i32
    %dma_start3A = tpu.memref_slice %arg2[%multiple_of3A] : memref<320000xi32, #tpu.memory_space<hbm>> -> memref<160xi32, #tpu.memory_space<hbm>>
    %dma_start3A_5 = tpu.memref_slice %arg2[%multiple_of3A] : memref<320000xi32, #tpu.memory_space<hbm>> -> memref<160xi32, #tpu.memory_space<hbm>>
    tpu.enqueue_dma source(%dma_start3A_5 : memref<160xi32, #tpu.memory_space<hbm>>) target(%arg6 : memref<160xi32, #tpu.memory_space<vmem>>) target_semaphore(%arg33 : memref<!tpu.dma_semaphore, #tpu.memory_space<semaphore_mem>>)
    %add3A_6 = arith.constant 0 : i32
    %add3A_7 = arith.addi %mul3A_2, %add3A_6 : i32
    %add3A_8 = arith.constant 0 : i32
    %add3A_9 = arith.addi %add3A_7, %add3A_8 : i32
    %multiple_of3A_10 = tpu.assume_multiple %add3A_9, 8 : i32
    %dma_start3A_11 = tpu.memref_slice %arg3[%multiple_of3A_10] : memref<320000xi32, #tpu.memory_space<hbm>> -> memref<40xi32, #tpu.memory_space<hbm>>
    %dma_start3A_12 = tpu.memref_slice %arg3[%multiple_of3A_10] : memref<320000xi32, #tpu.memory_space<hbm>> -> memref<40xi32, #tpu.memory_space<hbm>>
    tpu.enqueue_dma source(%dma_start3A_12 : memref<40xi32, #tpu.memory_space<hbm>>) target(%arg8 : memref<40xi32, #tpu.memory_space<vmem>>) target_semaphore(%arg35 : memref<!tpu.dma_semaphore, #tpu.memory_space<semaphore_mem>>)
    %add3A_13 = arith.constant 0 : i32
    %add3A_14 = arith.addi %mul3A_2, %add3A_13 : i32
    %add3A_15 = arith.constant 40 : i32
    %add3A_16 = arith.addi %add3A_14, %add3A_15 : i32
    %multiple_of3A_17 = tpu.assume_multiple %add3A_16, 8 : i32
    %dma_start3A_18 = tpu.memref_slice %arg3[%multiple_of3A_17] : memref<320000xi32, #tpu.memory_space<hbm>> -> memref<40xi32, #tpu.memory_space<hbm>>
    %dma_start3A_19 = tpu.memref_slice %arg3[%multiple_of3A_17] : memref<320000xi32, #tpu.memory_space<hbm>> -> memref<40xi32, #tpu.memory_space<hbm>>
    tpu.enqueue_dma source(%dma_start3A_19 : memref<40xi32, #tpu.memory_space<hbm>>) target(%arg9 : memref<40xi32, #tpu.memory_space<vmem>>) target_semaphore(%arg35 : memref<!tpu.dma_semaphore, #tpu.memory_space<semaphore_mem>>)
    %add3A_20 = arith.constant 0 : i32
    %add3A_21 = arith.addi %mul3A_2, %add3A_20 : i32
    %add3A_22 = arith.constant 80 : i32
    %add3A_23 = arith.addi %add3A_21, %add3A_22 : i32
    %multiple_of3A_24 = tpu.assume_multiple %add3A_23, 8 : i32
    %dma_start3A_25 = tpu.memref_slice %arg3[%multiple_of3A_24] : memref<320000xi32, #tpu.memory_space<hbm>> -> memref<40xi32, #tpu.memory_space<hbm>>
    %dma_start3A_26 = tpu.memref_slice %arg3[%multiple_of3A_24] : memref<320000xi32, #tpu.memory_space<hbm>> -> memref<40xi32, #tpu.memory_space<hbm>>
    tpu.enqueue_dma source(%dma_start3A_26 : memref<40xi32, #tpu.memory_space<hbm>>) target(%arg10 : memref<40xi32, #tpu.memory_space<vmem>>) target_semaphore(%arg35 : memref<!tpu.dma_semaphore, #tpu.memory_space<semaphore_mem>>)
    %add3A_27 = arith.constant 0 : i32
    %add3A_28 = arith.addi %mul3A_2, %add3A_27 : i32
    %add3A_29 = arith.constant 120 : i32
    %add3A_30 = arith.addi %add3A_28, %add3A_29 : i32
    %multiple_of3A_31 = tpu.assume_multiple %add3A_30, 8 : i32
    %dma_start3A_32 = tpu.memref_slice %arg3[%multiple_of3A_31] : memref<320000xi32, #tpu.memory_space<hbm>> -> memref<40xi32, #tpu.memory_space<hbm>>
    %dma_start3A_33 = tpu.memref_slice %arg3[%multiple_of3A_31] : memref<320000xi32, #tpu.memory_space<hbm>> -> memref<40xi32, #tpu.memory_space<hbm>>
    tpu.enqueue_dma source(%dma_start3A_33 : memref<40xi32, #tpu.memory_space<hbm>>) target(%arg11 : memref<40xi32, #tpu.memory_space<vmem>>) target_semaphore(%arg35 : memref<!tpu.dma_semaphore, #tpu.memory_space<semaphore_mem>>)
    %broadcast_in_dim3A = arith.constant 0.000000e+00 : f32
    %broadcast_in_dim3A_34 = vector.broadcast %broadcast_in_dim3A : f32 to vector<16xf32>
    %scan3A = arith.constant 0 : i32
    %scan3A_35 = arith.constant 0 : i32
    %scan3A_36 = arith.constant 40 : i32
    %scan3A_37 = arith.addi %scan3A_35, %scan3A_36 : i32
    %scan3A_38 = arith.constant 1 : i32
    scf.for %scan3A_599 = %scan3A_35 to %scan3A_37 step %scan3A_38  : i32 {
      %swap3A = arith.index_cast %scan3A_599 : i32 to index
      %swap3A_600 = arith.constant 0 : index
      %swap3A_601 = tpu.vector_load %arg24[%swap3A, %swap3A_600] {strides = array<i32>} : memref<40x128xf32, #tpu.memory_space<vmem>>, vector<1x16xf32>,
      %swap3A_602 = vector.shape_cast %swap3A_601 : vector<1x16xf32> to vector<16xf32>
      %swap3A_603 = vector.shape_cast %broadcast_in_dim3A_34 : vector<16xf32> to vector<1x16xf32>
      tpu.vector_store %arg24[%swap3A, %swap3A_600], %swap3A_603 {strides = array<i32>} : memref<40x128xf32, #tpu.memory_space<vmem>>, vector<1x16xf32>,
      %swap3A_604 = arith.index_cast %scan3A_599 : i32 to index
      %swap3A_605 = arith.constant 16 : index
      %swap3A_606 = tpu.vector_load %arg24[%swap3A_604, %swap3A_605] {strides = array<i32>} : memref<40x128xf32, #tpu.memory_space<vmem>>, vector<1x16xf32>,
      %swap3A_607 = vector.shape_cast %swap3A_606 : vector<1x16xf32> to vector<16xf32>
      %swap3A_608 = vector.shape_cast %broadcast_in_dim3A_34 : vector<16xf32> to vector<1x16xf32>
      tpu.vector_store %arg24[%swap3A_604, %swap3A_605], %swap3A_608 {strides = array<i32>} : memref<40x128xf32, #tpu.memory_space<vmem>>, vector<1x16xf32>,
      %swap3A_609 = arith.index_cast %scan3A_599 : i32 to index
      %swap3A_610 = arith.constant 32 : index
      %swap3A_611 = tpu.vector_load %arg24[%swap3A_609, %swap3A_610] {strides = array<i32>} : memref<40x128xf32, #tpu.memory_space<vmem>>, vector<1x16xf32>,
      %swap3A_612 = vector.shape_cast %swap3A_611 : vector<1x16xf32> to vector<16xf32>
      %swap3A_613 = vector.shape_cast %broadcast_in_dim3A_34 : vector<16xf32> to vector<1x16xf32>
      tpu.vector_store %arg24[%swap3A_609, %swap3A_610], %swap3A_613 {strides = array<i32>} : memref<40x128xf32, #tpu.memory_space<vmem>>, vector<1x16xf32>,
      %swap3A_614 = arith.index_cast %scan3A_599 : i32 to index
      %swap3A_615 = arith.constant 48 : index
      %swap3A_616 = tpu.vector_load %arg24[%swap3A_614, %swap3A_615] {strides = array<i32>} : memref<40x128xf32, #tpu.memory_space<vmem>>, vector<1x16xf32>,
      %swap3A_617 = vector.shape_cast %swap3A_616 : vector<1x16xf32> to vector<16xf32>
      %swap3A_618 = vector.shape_cast %broadcast_in_dim3A_34 : vector<16xf32> to vector<1x16xf32>
      tpu.vector_store %arg24[%swap3A_614, %swap3A_615], %swap3A_618 {strides = array<i32>} : memref<40x128xf32, #tpu.memory_space<vmem>>, vector<1x16xf32>,
      %swap3A_619 = arith.index_cast %scan3A_599 : i32 to index
      %swap3A_620 = arith.constant 64 : index
      %swap3A_621 = tpu.vector_load %arg24[%swap3A_619, %swap3A_620] {strides = array<i32>} : memref<40x128xf32, #tpu.memory_space<vmem>>, vector<1x16xf32>,
      %swap3A_622 = vector.shape_cast %swap3A_621 : vector<1x16xf32> to vector<16xf32>
      %swap3A_623 = vector.shape_cast %broadcast_in_dim3A_34 : vector<16xf32> to vector<1x16xf32>
      tpu.vector_store %arg24[%swap3A_619, %swap3A_620], %swap3A_623 {strides = array<i32>} : memref<40x128xf32, #tpu.memory_space<vmem>>, vector<1x16xf32>,
      %swap3A_624 = arith.index_cast %scan3A_599 : i32 to index
      %swap3A_625 = arith.constant 80 : index
      %swap3A_626 = tpu.vector_load %arg24[%swap3A_624, %swap3A_625] {strides = array<i32>} : memref<40x128xf32, #tpu.memory_space<vmem>>, vector<1x16xf32>,
      %swap3A_627 = vector.shape_cast %swap3A_626 : vector<1x16xf32> to vector<16xf32>
      %swap3A_628 = vector.shape_cast %broadcast_in_dim3A_34 : vector<16xf32> to vector<1x16xf32>
      tpu.vector_store %arg24[%swap3A_624, %swap3A_625], %swap3A_628 {strides = array<i32>} : memref<40x128xf32, #tpu.memory_space<vmem>>, vector<1x16xf32>,
      %swap3A_629 = arith.index_cast %scan3A_599 : i32 to index
      %swap3A_630 = arith.constant 96 : index
      %swap3A_631 = tpu.vector_load %arg24[%swap3A_629, %swap3A_630] {strides = array<i32>} : memref<40x128xf32, #tpu.memory_space<vmem>>, vector<1x16xf32>,
      %swap3A_632 = vector.shape_cast %swap3A_631 : vector<1x16xf32> to vector<16xf32>
      %swap3A_633 = vector.shape_cast %broadcast_in_dim3A_34 : vector<16xf32> to vector<1x16xf32>
      tpu.vector_store %arg24[%swap3A_629, %swap3A_630], %swap3A_633 {strides = array<i32>} : memref<40x128xf32, #tpu.memory_space<vmem>>, vector<1x16xf32>,
      %swap3A_634 = arith.index_cast %scan3A_599 : i32 to index
      %swap3A_635 = arith.constant 112 : index
      %swap3A_636 = tpu.vector_load %arg24[%swap3A_634, %swap3A_635] {strides = array<i32>} : memref<40x128xf32, #tpu.memory_space<vmem>>, vector<1x16xf32>,
      %swap3A_637 = vector.shape_cast %swap3A_636 : vector<1x16xf32> to vector<16xf32>
      %swap3A_638 = vector.shape_cast %broadcast_in_dim3A_34 : vector<16xf32> to vector<1x16xf32>
      tpu.vector_store %arg24[%swap3A_634, %swap3A_635], %swap3A_638 {strides = array<i32>} : memref<40x128xf32, #tpu.memory_space<vmem>>, vector<1x16xf32>,
    }
    %scan3A_39 = arith.constant 40 : i32
    %add3A_40 = arith.constant 0 : i32
    %add3A_41 = arith.addi %arg1, %add3A_40 : i32
    %lt3A = arith.constant 250 : i32
    %lt3A_42 = arith.cmpi slt, %add3A_41, %lt3A : i32
    %convert_element_type3A = arith.extui %lt3A_42 : i1 to i32
    %cond3A = arith.constant 0 : i32
    %cond3A_43 = arith.cmpi ne, %convert_element_type3A, %cond3A : i32
    scf.if %cond3A_43 {
      %mul3A_599 = arith.constant 40 : i32
      %mul3A_600 = arith.muli %add3A_41, %mul3A_599 : i32
      %multiple_of3A_601 = tpu.assume_multiple %mul3A_600, 8 : i32
      "tpu.region"() ({
        %run_scoped3A = tpu.sem_alloc : memref<!tpu.dma_semaphore, #tpu.memory_space<semaphore_mem>>
        %dma_start3A_602 = arith.constant 0 : i32
        %dma_start3A_603 = tpu.memref_slice %arg32[%multiple_of3A_601, %dma_start3A_602] : memref<10000x128xf32, #tpu.memory_space<vmem_shared>> -> memref<40x128xf32, #tpu.memory_space<vmem_shared>>
        %dma_start3A_604 = arith.constant 0 : i32
        %dma_start3A_605 = tpu.memref_slice %arg32[%multiple_of3A_601, %dma_start3A_604] : memref<10000x128xf32, #tpu.memory_space<vmem_shared>> -> memref<40x128xf32, #tpu.memory_space<vmem_shared>>
        tpu.enqueue_dma source(%arg24 : memref<40x128xf32, #tpu.memory_space<vmem>>) target(%dma_start3A_605 : memref<40x128xf32, #tpu.memory_space<vmem_shared>>) target_semaphore(%run_scoped3A : memref<!tpu.dma_semaphore, #tpu.memory_space<semaphore_mem>>)
        %dma_wait3A_606 = arith.constant 0 : i32
        %dma_wait3A_607 = tpu.memref_slice %arg32[%multiple_of3A_601, %dma_wait3A_606] : memref<10000x128xf32, #tpu.memory_space<vmem_shared>> -> memref<40x128xf32, #tpu.memory_space<vmem_shared>>
        %dma_wait3A_608 = arith.constant 0 : i32
        %dma_wait3A_609 = tpu.memref_slice %arg32[%multiple_of3A_601, %dma_wait3A_608] : memref<10000x128xf32, #tpu.memory_space<vmem_shared>> -> memref<40x128xf32, #tpu.memory_space<vmem_shared>>
        tpu.wait_dma2 semaphore(%run_scoped3A : memref<!tpu.dma_semaphore, #tpu.memory_space<semaphore_mem>>) src(%arg24 : memref<40x128xf32, #tpu.memory_space<vmem>>) dst(%dma_wait3A_609 : memref<40x128xf32, #tpu.memory_space<vmem_shared>>)
        tpu.yield
      }) : () -> ()
    } else {
    }
    %add3A_44 = arith.constant 16 : i32
    %add3A_45 = arith.addi %arg1, %add3A_44 : i32
    %lt3A_46 = arith.constant 250 : i32
    %lt3A_47 = arith.cmpi slt, %add3A_45, %lt3A_46 : i32
    %convert_element_type3A_48 = arith.extui %lt3A_47 : i1 to i32
    %cond3A_49 = arith.constant 0 : i32
    %cond3A_50 = arith.cmpi ne, %convert_element_type3A_48, %cond3A_49 : i32
    scf.if %cond3A_50 {
      %mul3A_599 = arith.constant 40 : i32
      %mul3A_600 = arith.muli %add3A_45, %mul3A_599 : i32
      %multiple_of3A_601 = tpu.assume_multiple %mul3A_600, 8 : i32
      "tpu.region"() ({
        %run_scoped3A = tpu.sem_alloc : memref<!tpu.dma_semaphore, #tpu.memory_space<semaphore_mem>>
        %dma_start3A_602 = arith.constant 0 : i32
        %dma_start3A_603 = tpu.memref_slice %arg32[%multiple_of3A_601, %dma_start3A_602] : memref<10000x128xf32, #tpu.memory_space<vmem_shared>> -> memref<40x128xf32, #tpu.memory_space<vmem_shared>>
        %dma_start3A_604 = arith.constant 0 : i32
        %dma_start3A_605 = tpu.memref_slice %arg32[%multiple_of3A_601, %dma_start3A_604] : memref<10000x128xf32, #tpu.memory_space<vmem_shared>> -> memref<40x128xf32, #tpu.memory_space<vmem_shared>>
        tpu.enqueue_dma source(%arg24 : memref<40x128xf32, #tpu.memory_space<vmem>>) target(%dma_start3A_605 : memref<40x128xf32, #tpu.memory_space<vmem_shared>>) target_semaphore(%run_scoped3A : memref<!tpu.dma_semaphore, #tpu.memory_space<semaphore_mem>>)
        %dma_wait3A_606 = arith.constant 0 : i32
        %dma_wait3A_607 = tpu.memref_slice %arg32[%multiple_of3A_601, %dma_wait3A_606] : memref<10000x128xf32, #tpu.memory_space<vmem_shared>> -> memref<40x128xf32, #tpu.memory_space<vmem_shared>>
        %dma_wait3A_608 = arith.constant 0 : i32
        %dma_wait3A_609 = tpu.memref_slice %arg32[%multiple_of3A_601, %dma_wait3A_608] : memref<10000x128xf32, #tpu.memory_space<vmem_shared>> -> memref<40x128xf32, #tpu.memory_space<vmem_shared>>
        tpu.wait_dma2 semaphore(%run_scoped3A : memref<!tpu.dma_semaphore, #tpu.memory_space<semaphore_mem>>) src(%arg24 : memref<40x128xf32, #tpu.memory_space<vmem>>) dst(%dma_wait3A_609 : memref<40x128xf32, #tpu.memory_space<vmem_shared>>)
        tpu.yield
      }) : () -> ()
    } else {
    }
    %add3A_51 = arith.constant 32 : i32
    %add3A_52 = arith.addi %arg1, %add3A_51 : i32
    %lt3A_53 = arith.constant 250 : i32
    %lt3A_54 = arith.cmpi slt, %add3A_52, %lt3A_53 : i32
    %convert_element_type3A_55 = arith.extui %lt3A_54 : i1 to i32
    %cond3A_56 = arith.constant 0 : i32
    %cond3A_57 = arith.cmpi ne, %convert_element_type3A_55, %cond3A_56 : i32
    scf.if %cond3A_57 {
      %mul3A_599 = arith.constant 40 : i32
      %mul3A_600 = arith.muli %add3A_52, %mul3A_599 : i32
      %multiple_of3A_601 = tpu.assume_multiple %mul3A_600, 8 : i32
      "tpu.region"() ({
        %run_scoped3A = tpu.sem_alloc : memref<!tpu.dma_semaphore, #tpu.memory_space<semaphore_mem>>
        %dma_start3A_602 = arith.constant 0 : i32
        %dma_start3A_603 = tpu.memref_slice %arg32[%multiple_of3A_601, %dma_start3A_602] : memref<10000x128xf32, #tpu.memory_space<vmem_shared>> -> memref<40x128xf32, #tpu.memory_space<vmem_shared>>
        %dma_start3A_604 = arith.constant 0 : i32
        %dma_start3A_605 = tpu.memref_slice %arg32[%multiple_of3A_601, %dma_start3A_604] : memref<10000x128xf32, #tpu.memory_space<vmem_shared>> -> memref<40x128xf32, #tpu.memory_space<vmem_shared>>
        tpu.enqueue_dma source(%arg24 : memref<40x128xf32, #tpu.memory_space<vmem>>) target(%dma_start3A_605 : memref<40x128xf32, #tpu.memory_space<vmem_shared>>) target_semaphore(%run_scoped3A : memref<!tpu.dma_semaphore, #tpu.memory_space<semaphore_mem>>)
        %dma_wait3A_606 = arith.constant 0 : i32
        %dma_wait3A_607 = tpu.memref_slice %arg32[%multiple_of3A_601, %dma_wait3A_606] : memref<10000x128xf32, #tpu.memory_space<vmem_shared>> -> memref<40x128xf32, #tpu.memory_space<vmem_shared>>
        %dma_wait3A_608 = arith.constant 0 : i32
        %dma_wait3A_609 = tpu.memref_slice %arg32[%multiple_of3A_601, %dma_wait3A_608] : memref<10000x128xf32, #tpu.memory_space<vmem_shared>> -> memref<40x128xf32, #tpu.memory_space<vmem_shared>>
        tpu.wait_dma2 semaphore(%run_scoped3A : memref<!tpu.dma_semaphore, #tpu.memory_space<semaphore_mem>>) src(%arg24 : memref<40x128xf32, #tpu.memory_space<vmem>>) dst(%dma_wait3A_609 : memref<40x128xf32, #tpu.memory_space<vmem_shared>>)
        tpu.yield
      }) : () -> ()
    } else {
    }
    %add3A_58 = arith.constant 48 : i32
    %add3A_59 = arith.addi %arg1, %add3A_58 : i32
    %lt3A_60 = arith.constant 250 : i32
    %lt3A_61 = arith.cmpi slt, %add3A_59, %lt3A_60 : i32
    %convert_element_type3A_62 = arith.extui %lt3A_61 : i1 to i32
    %cond3A_63 = arith.constant 0 : i32
    %cond3A_64 = arith.cmpi ne, %convert_element_type3A_62, %cond3A_63 : i32
    scf.if %cond3A_64 {
      %mul3A_599 = arith.constant 40 : i32
      %mul3A_600 = arith.muli %add3A_59, %mul3A_599 : i32
      %multiple_of3A_601 = tpu.assume_multiple %mul3A_600, 8 : i32
      "tpu.region"() ({
        %run_scoped3A = tpu.sem_alloc : memref<!tpu.dma_semaphore, #tpu.memory_space<semaphore_mem>>
        %dma_start3A_602 = arith.constant 0 : i32
        %dma_start3A_603 = tpu.memref_slice %arg32[%multiple_of3A_601, %dma_start3A_602] : memref<10000x128xf32, #tpu.memory_space<vmem_shared>> -> memref<40x128xf32, #tpu.memory_space<vmem_shared>>
        %dma_start3A_604 = arith.constant 0 : i32
        %dma_start3A_605 = tpu.memref_slice %arg32[%multiple_of3A_601, %dma_start3A_604] : memref<10000x128xf32, #tpu.memory_space<vmem_shared>> -> memref<40x128xf32, #tpu.memory_space<vmem_shared>>
        tpu.enqueue_dma source(%arg24 : memref<40x128xf32, #tpu.memory_space<vmem>>) target(%dma_start3A_605 : memref<40x128xf32, #tpu.memory_space<vmem_shared>>) target_semaphore(%run_scoped3A : memref<!tpu.dma_semaphore, #tpu.memory_space<semaphore_mem>>)
        %dma_wait3A_606 = arith.constant 0 : i32
        %dma_wait3A_607 = tpu.memref_slice %arg32[%multiple_of3A_601, %dma_wait3A_606] : memref<10000x128xf32, #tpu.memory_space<vmem_shared>> -> memref<40x128xf32, #tpu.memory_space<vmem_shared>>
        %dma_wait3A_608 = arith.constant 0 : i32
        %dma_wait3A_609 = tpu.memref_slice %arg32[%multiple_of3A_601, %dma_wait3A_608] : memref<10000x128xf32, #tpu.memory_space<vmem_shared>> -> memref<40x128xf32, #tpu.memory_space<vmem_shared>>
        tpu.wait_dma2 semaphore(%run_scoped3A : memref<!tpu.dma_semaphore, #tpu.memory_space<semaphore_mem>>) src(%arg24 : memref<40x128xf32, #tpu.memory_space<vmem>>) dst(%dma_wait3A_609 : memref<40x128xf32, #tpu.memory_space<vmem_shared>>)
        tpu.yield
      }) : () -> ()
    } else {
    }
    %add3A_65 = arith.constant 64 : i32
    %add3A_66 = arith.addi %arg1, %add3A_65 : i32
    %lt3A_67 = arith.constant 250 : i32
    %lt3A_68 = arith.cmpi slt, %add3A_66, %lt3A_67 : i32
    %convert_element_type3A_69 = arith.extui %lt3A_68 : i1 to i32
    %cond3A_70 = arith.constant 0 : i32
    %cond3A_71 = arith.cmpi ne, %convert_element_type3A_69, %cond3A_70 : i32
    scf.if %cond3A_71 {
      %mul3A_599 = arith.constant 40 : i32
      %mul3A_600 = arith.muli %add3A_66, %mul3A_599 : i32
      %multiple_of3A_601 = tpu.assume_multiple %mul3A_600, 8 : i32
      "tpu.region"() ({
        %run_scoped3A = tpu.sem_alloc : memref<!tpu.dma_semaphore, #tpu.memory_space<semaphore_mem>>
        %dma_start3A_602 = arith.constant 0 : i32
        %dma_start3A_603 = tpu.memref_slice %arg32[%multiple_of3A_601, %dma_start3A_602] : memref<10000x128xf32, #tpu.memory_space<vmem_shared>> -> memref<40x128xf32, #tpu.memory_space<vmem_shared>>
        %dma_start3A_604 = arith.constant 0 : i32
        %dma_start3A_605 = tpu.memref_slice %arg32[%multiple_of3A_601, %dma_start3A_604] : memref<10000x128xf32, #tpu.memory_space<vmem_shared>> -> memref<40x128xf32, #tpu.memory_space<vmem_shared>>
        tpu.enqueue_dma source(%arg24 : memref<40x128xf32, #tpu.memory_space<vmem>>) target(%dma_start3A_605 : memref<40x128xf32, #tpu.memory_space<vmem_shared>>) target_semaphore(%run_scoped3A : memref<!tpu.dma_semaphore, #tpu.memory_space<semaphore_mem>>)
        %dma_wait3A_606 = arith.constant 0 : i32
        %dma_wait3A_607 = tpu.memref_slice %arg32[%multiple_of3A_601, %dma_wait3A_606] : memref<10000x128xf32, #tpu.memory_space<vmem_shared>> -> memref<40x128xf32, #tpu.memory_space<vmem_shared>>
        %dma_wait3A_608 = arith.constant 0 : i32
        %dma_wait3A_609 = tpu.memref_slice %arg32[%multiple_of3A_601, %dma_wait3A_608] : memref<10000x128xf32, #tpu.memory_space<vmem_shared>> -> memref<40x128xf32, #tpu.memory_space<vmem_shared>>
        tpu.wait_dma2 semaphore(%run_scoped3A : memref<!tpu.dma_semaphore, #tpu.memory_space<semaphore_mem>>) src(%arg24 : memref<40x128xf32, #tpu.memory_space<vmem>>) dst(%dma_wait3A_609 : memref<40x128xf32, #tpu.memory_space<vmem_shared>>)
        tpu.yield
      }) : () -> ()
    } else {
    }
    %add3A_72 = arith.constant 80 : i32
    %add3A_73 = arith.addi %arg1, %add3A_72 : i32
    %lt3A_74 = arith.constant 250 : i32
    %lt3A_75 = arith.cmpi slt, %add3A_73, %lt3A_74 : i32
    %convert_element_type3A_76 = arith.extui %lt3A_75 : i1 to i32
    %cond3A_77 = arith.constant 0 : i32
    %cond3A_78 = arith.cmpi ne, %convert_element_type3A_76, %cond3A_77 : i32
    scf.if %cond3A_78 {
      %mul3A_599 = arith.constant 40 : i32
      %mul3A_600 = arith.muli %add3A_73, %mul3A_599 : i32
      %multiple_of3A_601 = tpu.assume_multiple %mul3A_600, 8 : i32
      "tpu.region"() ({
        %run_scoped3A = tpu.sem_alloc : memref<!tpu.dma_semaphore, #tpu.memory_space<semaphore_mem>>
        %dma_start3A_602 = arith.constant 0 : i32
        %dma_start3A_603 = tpu.memref_slice %arg32[%multiple_of3A_601, %dma_start3A_602] : memref<10000x128xf32, #tpu.memory_space<vmem_shared>> -> memref<40x128xf32, #tpu.memory_space<vmem_shared>>
        %dma_start3A_604 = arith.constant 0 : i32
        %dma_start3A_605 = tpu.memref_slice %arg32[%multiple_of3A_601, %dma_start3A_604] : memref<10000x128xf32, #tpu.memory_space<vmem_shared>> -> memref<40x128xf32, #tpu.memory_space<vmem_shared>>
        tpu.enqueue_dma source(%arg24 : memref<40x128xf32, #tpu.memory_space<vmem>>) target(%dma_start3A_605 : memref<40x128xf32, #tpu.memory_space<vmem_shared>>) target_semaphore(%run_scoped3A : memref<!tpu.dma_semaphore, #tpu.memory_space<semaphore_mem>>)
        %dma_wait3A_606 = arith.constant 0 : i32
        %dma_wait3A_607 = tpu.memref_slice %arg32[%multiple_of3A_601, %dma_wait3A_606] : memref<10000x128xf32, #tpu.memory_space<vmem_shared>> -> memref<40x128xf32, #tpu.memory_space<vmem_shared>>
        %dma_wait3A_608 = arith.constant 0 : i32
        %dma_wait3A_609 = tpu.memref_slice %arg32[%multiple_of3A_601, %dma_wait3A_608] : memref<10000x128xf32, #tpu.memory_space<vmem_shared>> -> memref<40x128xf32, #tpu.memory_space<vmem_shared>>
        tpu.wait_dma2 semaphore(%run_scoped3A : memref<!tpu.dma_semaphore, #tpu.memory_space<semaphore_mem>>) src(%arg24 : memref<40x128xf32, #tpu.memory_space<vmem>>) dst(%dma_wait3A_609 : memref<40x128xf32, #tpu.memory_space<vmem_shared>>)
        tpu.yield
      }) : () -> ()
    } else {
    }
    %add3A_79 = arith.constant 96 : i32
    %add3A_80 = arith.addi %arg1, %add3A_79 : i32
    %lt3A_81 = arith.constant 250 : i32
    %lt3A_82 = arith.cmpi slt, %add3A_80, %lt3A_81 : i32
    %convert_element_type3A_83 = arith.extui %lt3A_82 : i1 to i32
    %cond3A_84 = arith.constant 0 : i32
    %cond3A_85 = arith.cmpi ne, %convert_element_type3A_83, %cond3A_84 : i32
    scf.if %cond3A_85 {
      %mul3A_599 = arith.constant 40 : i32
      %mul3A_600 = arith.muli %add3A_80, %mul3A_599 : i32
      %multiple_of3A_601 = tpu.assume_multiple %mul3A_600, 8 : i32
      "tpu.region"() ({
        %run_scoped3A = tpu.sem_alloc : memref<!tpu.dma_semaphore, #tpu.memory_space<semaphore_mem>>
        %dma_start3A_602 = arith.constant 0 : i32
        %dma_start3A_603 = tpu.memref_slice %arg32[%multiple_of3A_601, %dma_start3A_602] : memref<10000x128xf32, #tpu.memory_space<vmem_shared>> -> memref<40x128xf32, #tpu.memory_space<vmem_shared>>
        %dma_start3A_604 = arith.constant 0 : i32
        %dma_start3A_605 = tpu.memref_slice %arg32[%multiple_of3A_601, %dma_start3A_604] : memref<10000x128xf32, #tpu.memory_space<vmem_shared>> -> memref<40x128xf32, #tpu.memory_space<vmem_shared>>
        tpu.enqueue_dma source(%arg24 : memref<40x128xf32, #tpu.memory_space<vmem>>) target(%dma_start3A_605 : memref<40x128xf32, #tpu.memory_space<vmem_shared>>) target_semaphore(%run_scoped3A : memref<!tpu.dma_semaphore, #tpu.memory_space<semaphore_mem>>)
        %dma_wait3A_606 = arith.constant 0 : i32
        %dma_wait3A_607 = tpu.memref_slice %arg32[%multiple_of3A_601, %dma_wait3A_606] : memref<10000x128xf32, #tpu.memory_space<vmem_shared>> -> memref<40x128xf32, #tpu.memory_space<vmem_shared>>
        %dma_wait3A_608 = arith.constant 0 : i32
        %dma_wait3A_609 = tpu.memref_slice %arg32[%multiple_of3A_601, %dma_wait3A_608] : memref<10000x128xf32, #tpu.memory_space<vmem_shared>> -> memref<40x128xf32, #tpu.memory_space<vmem_shared>>
        tpu.wait_dma2 semaphore(%run_scoped3A : memref<!tpu.dma_semaphore, #tpu.memory_space<semaphore_mem>>) src(%arg24 : memref<40x128xf32, #tpu.memory_space<vmem>>) dst(%dma_wait3A_609 : memref<40x128xf32, #tpu.memory_space<vmem_shared>>)
        tpu.yield
      }) : () -> ()
    } else {
    }
    %add3A_86 = arith.constant 112 : i32
    %add3A_87 = arith.addi %arg1, %add3A_86 : i32
    %lt3A_88 = arith.constant 250 : i32
    %lt3A_89 = arith.cmpi slt, %add3A_87, %lt3A_88 : i32
    %convert_element_type3A_90 = arith.extui %lt3A_89 : i1 to i32
    %cond3A_91 = arith.constant 0 : i32
    %cond3A_92 = arith.cmpi ne, %convert_element_type3A_90, %cond3A_91 : i32
    scf.if %cond3A_92 {
      %mul3A_599 = arith.constant 40 : i32
      %mul3A_600 = arith.muli %add3A_87, %mul3A_599 : i32
      %multiple_of3A_601 = tpu.assume_multiple %mul3A_600, 8 : i32
      "tpu.region"() ({
        %run_scoped3A = tpu.sem_alloc : memref<!tpu.dma_semaphore, #tpu.memory_space<semaphore_mem>>
        %dma_start3A_602 = arith.constant 0 : i32
        %dma_start3A_603 = tpu.memref_slice %arg32[%multiple_of3A_601, %dma_start3A_602] : memref<10000x128xf32, #tpu.memory_space<vmem_shared>> -> memref<40x128xf32, #tpu.memory_space<vmem_shared>>
        %dma_start3A_604 = arith.constant 0 : i32
        %dma_start3A_605 = tpu.memref_slice %arg32[%multiple_of3A_601, %dma_start3A_604] : memref<10000x128xf32, #tpu.memory_space<vmem_shared>> -> memref<40x128xf32, #tpu.memory_space<vmem_shared>>
        tpu.enqueue_dma source(%arg24 : memref<40x128xf32, #tpu.memory_space<vmem>>) target(%dma_start3A_605 : memref<40x128xf32, #tpu.memory_space<vmem_shared>>) target_semaphore(%run_scoped3A : memref<!tpu.dma_semaphore, #tpu.memory_space<semaphore_mem>>)
        %dma_wait3A_606 = arith.constant 0 : i32
        %dma_wait3A_607 = tpu.memref_slice %arg32[%multiple_of3A_601, %dma_wait3A_606] : memref<10000x128xf32, #tpu.memory_space<vmem_shared>> -> memref<40x128xf32, #tpu.memory_space<vmem_shared>>
        %dma_wait3A_608 = arith.constant 0 : i32
        %dma_wait3A_609 = tpu.memref_slice %arg32[%multiple_of3A_601, %dma_wait3A_608] : memref<10000x128xf32, #tpu.memory_space<vmem_shared>> -> memref<40x128xf32, #tpu.memory_space<vmem_shared>>
        tpu.wait_dma2 semaphore(%run_scoped3A : memref<!tpu.dma_semaphore, #tpu.memory_space<semaphore_mem>>) src(%arg24 : memref<40x128xf32, #tpu.memory_space<vmem>>) dst(%dma_wait3A_609 : memref<40x128xf32, #tpu.memory_space<vmem_shared>>)
        tpu.yield
      }) : () -> ()
    } else {
    }
    %add3A_93 = arith.constant 128 : i32
    %add3A_94 = arith.addi %arg1, %add3A_93 : i32
    %lt3A_95 = arith.constant 250 : i32
    %lt3A_96 = arith.cmpi slt, %add3A_94, %lt3A_95 : i32
    %convert_element_type3A_97 = arith.extui %lt3A_96 : i1 to i32
    %cond3A_98 = arith.constant 0 : i32
    %cond3A_99 = arith.cmpi ne, %convert_element_type3A_97, %cond3A_98 : i32
    scf.if %cond3A_99 {
      %mul3A_599 = arith.constant 40 : i32
      %mul3A_600 = arith.muli %add3A_94, %mul3A_599 : i32
      %multiple_of3A_601 = tpu.assume_multiple %mul3A_600, 8 : i32
      "tpu.region"() ({
        %run_scoped3A = tpu.sem_alloc : memref<!tpu.dma_semaphore, #tpu.memory_space<semaphore_mem>>
        %dma_start3A_602 = arith.constant 0 : i32
        %dma_start3A_603 = tpu.memref_slice %arg32[%multiple_of3A_601, %dma_start3A_602] : memref<10000x128xf32, #tpu.memory_space<vmem_shared>> -> memref<40x128xf32, #tpu.memory_space<vmem_shared>>
        %dma_start3A_604 = arith.constant 0 : i32
        %dma_start3A_605 = tpu.memref_slice %arg32[%multiple_of3A_601, %dma_start3A_604] : memref<10000x128xf32, #tpu.memory_space<vmem_shared>> -> memref<40x128xf32, #tpu.memory_space<vmem_shared>>
        tpu.enqueue_dma source(%arg24 : memref<40x128xf32, #tpu.memory_space<vmem>>) target(%dma_start3A_605 : memref<40x128xf32, #tpu.memory_space<vmem_shared>>) target_semaphore(%run_scoped3A : memref<!tpu.dma_semaphore, #tpu.memory_space<semaphore_mem>>)
        %dma_wait3A_606 = arith.constant 0 : i32
        %dma_wait3A_607 = tpu.memref_slice %arg32[%multiple_of3A_601, %dma_wait3A_606] : memref<10000x128xf32, #tpu.memory_space<vmem_shared>> -> memref<40x128xf32, #tpu.memory_space<vmem_shared>>
        %dma_wait3A_608 = arith.constant 0 : i32
        %dma_wait3A_609 = tpu.memref_slice %arg32[%multiple_of3A_601, %dma_wait3A_608] : memref<10000x128xf32, #tpu.memory_space<vmem_shared>> -> memref<40x128xf32, #tpu.memory_space<vmem_shared>>
        tpu.wait_dma2 semaphore(%run_scoped3A : memref<!tpu.dma_semaphore, #tpu.memory_space<semaphore_mem>>) src(%arg24 : memref<40x128xf32, #tpu.memory_space<vmem>>) dst(%dma_wait3A_609 : memref<40x128xf32, #tpu.memory_space<vmem_shared>>)
        tpu.yield
      }) : () -> ()
    } else {
    }
    %add3A_100 = arith.constant 144 : i32
    %add3A_101 = arith.addi %arg1, %add3A_100 : i32
    %lt3A_102 = arith.constant 250 : i32
    %lt3A_103 = arith.cmpi slt, %add3A_101, %lt3A_102 : i32
    %convert_element_type3A_104 = arith.extui %lt3A_103 : i1 to i32
    %cond3A_105 = arith.constant 0 : i32
    %cond3A_106 = arith.cmpi ne, %convert_element_type3A_104, %cond3A_105 : i32
    scf.if %cond3A_106 {
      %mul3A_599 = arith.constant 40 : i32
      %mul3A_600 = arith.muli %add3A_101, %mul3A_599 : i32
      %multiple_of3A_601 = tpu.assume_multiple %mul3A_600, 8 : i32
      "tpu.region"() ({
        %run_scoped3A = tpu.sem_alloc : memref<!tpu.dma_semaphore, #tpu.memory_space<semaphore_mem>>
        %dma_start3A_602 = arith.constant 0 : i32
        %dma_start3A_603 = tpu.memref_slice %arg32[%multiple_of3A_601, %dma_start3A_602] : memref<10000x128xf32, #tpu.memory_space<vmem_shared>> -> memref<40x128xf32, #tpu.memory_space<vmem_shared>>
        %dma_start3A_604 = arith.constant 0 : i32
        %dma_start3A_605 = tpu.memref_slice %arg32[%multiple_of3A_601, %dma_start3A_604] : memref<10000x128xf32, #tpu.memory_space<vmem_shared>> -> memref<40x128xf32, #tpu.memory_space<vmem_shared>>
        tpu.enqueue_dma source(%arg24 : memref<40x128xf32, #tpu.memory_space<vmem>>) target(%dma_start3A_605 : memref<40x128xf32, #tpu.memory_space<vmem_shared>>) target_semaphore(%run_scoped3A : memref<!tpu.dma_semaphore, #tpu.memory_space<semaphore_mem>>)
        %dma_wait3A_606 = arith.constant 0 : i32
        %dma_wait3A_607 = tpu.memref_slice %arg32[%multiple_of3A_601, %dma_wait3A_606] : memref<10000x128xf32, #tpu.memory_space<vmem_shared>> -> memref<40x128xf32, #tpu.memory_space<vmem_shared>>
        %dma_wait3A_608 = arith.constant 0 : i32
        %dma_wait3A_609 = tpu.memref_slice %arg32[%multiple_of3A_601, %dma_wait3A_608] : memref<10000x128xf32, #tpu.memory_space<vmem_shared>> -> memref<40x128xf32, #tpu.memory_space<vmem_shared>>
        tpu.wait_dma2 semaphore(%run_scoped3A : memref<!tpu.dma_semaphore, #tpu.memory_space<semaphore_mem>>) src(%arg24 : memref<40x128xf32, #tpu.memory_space<vmem>>) dst(%dma_wait3A_609 : memref<40x128xf32, #tpu.memory_space<vmem_shared>>)
        tpu.yield
      }) : () -> ()
    } else {
    }
    %add3A_107 = arith.constant 160 : i32
    %add3A_108 = arith.addi %arg1, %add3A_107 : i32
    %lt3A_109 = arith.constant 250 : i32
    %lt3A_110 = arith.cmpi slt, %add3A_108, %lt3A_109 : i32
    %convert_element_type3A_111 = arith.extui %lt3A_110 : i1 to i32
    %cond3A_112 = arith.constant 0 : i32
    %cond3A_113 = arith.cmpi ne, %convert_element_type3A_111, %cond3A_112 : i32
    scf.if %cond3A_113 {
      %mul3A_599 = arith.constant 40 : i32
      %mul3A_600 = arith.muli %add3A_108, %mul3A_599 : i32
      %multiple_of3A_601 = tpu.assume_multiple %mul3A_600, 8 : i32
      "tpu.region"() ({
        %run_scoped3A = tpu.sem_alloc : memref<!tpu.dma_semaphore, #tpu.memory_space<semaphore_mem>>
        %dma_start3A_602 = arith.constant 0 : i32
        %dma_start3A_603 = tpu.memref_slice %arg32[%multiple_of3A_601, %dma_start3A_602] : memref<10000x128xf32, #tpu.memory_space<vmem_shared>> -> memref<40x128xf32, #tpu.memory_space<vmem_shared>>
        %dma_start3A_604 = arith.constant 0 : i32
        %dma_start3A_605 = tpu.memref_slice %arg32[%multiple_of3A_601, %dma_start3A_604] : memref<10000x128xf32, #tpu.memory_space<vmem_shared>> -> memref<40x128xf32, #tpu.memory_space<vmem_shared>>
        tpu.enqueue_dma source(%arg24 : memref<40x128xf32, #tpu.memory_space<vmem>>) target(%dma_start3A_605 : memref<40x128xf32, #tpu.memory_space<vmem_shared>>) target_semaphore(%run_scoped3A : memref<!tpu.dma_semaphore, #tpu.memory_space<semaphore_mem>>)
        %dma_wait3A_606 = arith.constant 0 : i32
        %dma_wait3A_607 = tpu.memref_slice %arg32[%multiple_of3A_601, %dma_wait3A_606] : memref<10000x128xf32, #tpu.memory_space<vmem_shared>> -> memref<40x128xf32, #tpu.memory_space<vmem_shared>>
        %dma_wait3A_608 = arith.constant 0 : i32
        %dma_wait3A_609 = tpu.memref_slice %arg32[%multiple_of3A_601, %dma_wait3A_608] : memref<10000x128xf32, #tpu.memory_space<vmem_shared>> -> memref<40x128xf32, #tpu.memory_space<vmem_shared>>
        tpu.wait_dma2 semaphore(%run_scoped3A : memref<!tpu.dma_semaphore, #tpu.memory_space<semaphore_mem>>) src(%arg24 : memref<40x128xf32, #tpu.memory_space<vmem>>) dst(%dma_wait3A_609 : memref<40x128xf32, #tpu.memory_space<vmem_shared>>)
        tpu.yield
      }) : () -> ()
    } else {
    }
    %add3A_114 = arith.constant 176 : i32
    %add3A_115 = arith.addi %arg1, %add3A_114 : i32
    %lt3A_116 = arith.constant 250 : i32
    %lt3A_117 = arith.cmpi slt, %add3A_115, %lt3A_116 : i32
    %convert_element_type3A_118 = arith.extui %lt3A_117 : i1 to i32
    %cond3A_119 = arith.constant 0 : i32
    %cond3A_120 = arith.cmpi ne, %convert_element_type3A_118, %cond3A_119 : i32
    scf.if %cond3A_120 {
      %mul3A_599 = arith.constant 40 : i32
      %mul3A_600 = arith.muli %add3A_115, %mul3A_599 : i32
      %multiple_of3A_601 = tpu.assume_multiple %mul3A_600, 8 : i32
      "tpu.region"() ({
        %run_scoped3A = tpu.sem_alloc : memref<!tpu.dma_semaphore, #tpu.memory_space<semaphore_mem>>
        %dma_start3A_602 = arith.constant 0 : i32
        %dma_start3A_603 = tpu.memref_slice %arg32[%multiple_of3A_601, %dma_start3A_602] : memref<10000x128xf32, #tpu.memory_space<vmem_shared>> -> memref<40x128xf32, #tpu.memory_space<vmem_shared>>
        %dma_start3A_604 = arith.constant 0 : i32
        %dma_start3A_605 = tpu.memref_slice %arg32[%multiple_of3A_601, %dma_start3A_604] : memref<10000x128xf32, #tpu.memory_space<vmem_shared>> -> memref<40x128xf32, #tpu.memory_space<vmem_shared>>
        tpu.enqueue_dma source(%arg24 : memref<40x128xf32, #tpu.memory_space<vmem>>) target(%dma_start3A_605 : memref<40x128xf32, #tpu.memory_space<vmem_shared>>) target_semaphore(%run_scoped3A : memref<!tpu.dma_semaphore, #tpu.memory_space<semaphore_mem>>)
        %dma_wait3A_606 = arith.constant 0 : i32
        %dma_wait3A_607 = tpu.memref_slice %arg32[%multiple_of3A_601, %dma_wait3A_606] : memref<10000x128xf32, #tpu.memory_space<vmem_shared>> -> memref<40x128xf32, #tpu.memory_space<vmem_shared>>
        %dma_wait3A_608 = arith.constant 0 : i32
        %dma_wait3A_609 = tpu.memref_slice %arg32[%multiple_of3A_601, %dma_wait3A_608] : memref<10000x128xf32, #tpu.memory_space<vmem_shared>> -> memref<40x128xf32, #tpu.memory_space<vmem_shared>>
        tpu.wait_dma2 semaphore(%run_scoped3A : memref<!tpu.dma_semaphore, #tpu.memory_space<semaphore_mem>>) src(%arg24 : memref<40x128xf32, #tpu.memory_space<vmem>>) dst(%dma_wait3A_609 : memref<40x128xf32, #tpu.memory_space<vmem_shared>>)
        tpu.yield
      }) : () -> ()
    } else {
    }
    %add3A_121 = arith.constant 192 : i32
    %add3A_122 = arith.addi %arg1, %add3A_121 : i32
    %lt3A_123 = arith.constant 250 : i32
    %lt3A_124 = arith.cmpi slt, %add3A_122, %lt3A_123 : i32
    %convert_element_type3A_125 = arith.extui %lt3A_124 : i1 to i32
    %cond3A_126 = arith.constant 0 : i32
    %cond3A_127 = arith.cmpi ne, %convert_element_type3A_125, %cond3A_126 : i32
    scf.if %cond3A_127 {
      %mul3A_599 = arith.constant 40 : i32
      %mul3A_600 = arith.muli %add3A_122, %mul3A_599 : i32
      %multiple_of3A_601 = tpu.assume_multiple %mul3A_600, 8 : i32
      "tpu.region"() ({
        %run_scoped3A = tpu.sem_alloc : memref<!tpu.dma_semaphore, #tpu.memory_space<semaphore_mem>>
        %dma_start3A_602 = arith.constant 0 : i32
        %dma_start3A_603 = tpu.memref_slice %arg32[%multiple_of3A_601, %dma_start3A_602] : memref<10000x128xf32, #tpu.memory_space<vmem_shared>> -> memref<40x128xf32, #tpu.memory_space<vmem_shared>>
        %dma_start3A_604 = arith.constant 0 : i32
        %dma_start3A_605 = tpu.memref_slice %arg32[%multiple_of3A_601, %dma_start3A_604] : memref<10000x128xf32, #tpu.memory_space<vmem_shared>> -> memref<40x128xf32, #tpu.memory_space<vmem_shared>>
        tpu.enqueue_dma source(%arg24 : memref<40x128xf32, #tpu.memory_space<vmem>>) target(%dma_start3A_605 : memref<40x128xf32, #tpu.memory_space<vmem_shared>>) target_semaphore(%run_scoped3A : memref<!tpu.dma_semaphore, #tpu.memory_space<semaphore_mem>>)
        %dma_wait3A_606 = arith.constant 0 : i32
        %dma_wait3A_607 = tpu.memref_slice %arg32[%multiple_of3A_601, %dma_wait3A_606] : memref<10000x128xf32, #tpu.memory_space<vmem_shared>> -> memref<40x128xf32, #tpu.memory_space<vmem_shared>>
        %dma_wait3A_608 = arith.constant 0 : i32
        %dma_wait3A_609 = tpu.memref_slice %arg32[%multiple_of3A_601, %dma_wait3A_608] : memref<10000x128xf32, #tpu.memory_space<vmem_shared>> -> memref<40x128xf32, #tpu.memory_space<vmem_shared>>
        tpu.wait_dma2 semaphore(%run_scoped3A : memref<!tpu.dma_semaphore, #tpu.memory_space<semaphore_mem>>) src(%arg24 : memref<40x128xf32, #tpu.memory_space<vmem>>) dst(%dma_wait3A_609 : memref<40x128xf32, #tpu.memory_space<vmem_shared>>)
        tpu.yield
      }) : () -> ()
    } else {
    }
    %add3A_128 = arith.constant 208 : i32
    %add3A_129 = arith.addi %arg1, %add3A_128 : i32
    %lt3A_130 = arith.constant 250 : i32
    %lt3A_131 = arith.cmpi slt, %add3A_129, %lt3A_130 : i32
    %convert_element_type3A_132 = arith.extui %lt3A_131 : i1 to i32
    %cond3A_133 = arith.constant 0 : i32
    %cond3A_134 = arith.cmpi ne, %convert_element_type3A_132, %cond3A_133 : i32
    scf.if %cond3A_134 {
      %mul3A_599 = arith.constant 40 : i32
      %mul3A_600 = arith.muli %add3A_129, %mul3A_599 : i32
      %multiple_of3A_601 = tpu.assume_multiple %mul3A_600, 8 : i32
      "tpu.region"() ({
        %run_scoped3A = tpu.sem_alloc : memref<!tpu.dma_semaphore, #tpu.memory_space<semaphore_mem>>
        %dma_start3A_602 = arith.constant 0 : i32
        %dma_start3A_603 = tpu.memref_slice %arg32[%multiple_of3A_601, %dma_start3A_602] : memref<10000x128xf32, #tpu.memory_space<vmem_shared>> -> memref<40x128xf32, #tpu.memory_space<vmem_shared>>
        %dma_start3A_604 = arith.constant 0 : i32
        %dma_start3A_605 = tpu.memref_slice %arg32[%multiple_of3A_601, %dma_start3A_604] : memref<10000x128xf32, #tpu.memory_space<vmem_shared>> -> memref<40x128xf32, #tpu.memory_space<vmem_shared>>
        tpu.enqueue_dma source(%arg24 : memref<40x128xf32, #tpu.memory_space<vmem>>) target(%dma_start3A_605 : memref<40x128xf32, #tpu.memory_space<vmem_shared>>) target_semaphore(%run_scoped3A : memref<!tpu.dma_semaphore, #tpu.memory_space<semaphore_mem>>)
        %dma_wait3A_606 = arith.constant 0 : i32
        %dma_wait3A_607 = tpu.memref_slice %arg32[%multiple_of3A_601, %dma_wait3A_606] : memref<10000x128xf32, #tpu.memory_space<vmem_shared>> -> memref<40x128xf32, #tpu.memory_space<vmem_shared>>
        %dma_wait3A_608 = arith.constant 0 : i32
        %dma_wait3A_609 = tpu.memref_slice %arg32[%multiple_of3A_601, %dma_wait3A_608] : memref<10000x128xf32, #tpu.memory_space<vmem_shared>> -> memref<40x128xf32, #tpu.memory_space<vmem_shared>>
        tpu.wait_dma2 semaphore(%run_scoped3A : memref<!tpu.dma_semaphore, #tpu.memory_space<semaphore_mem>>) src(%arg24 : memref<40x128xf32, #tpu.memory_space<vmem>>) dst(%dma_wait3A_609 : memref<40x128xf32, #tpu.memory_space<vmem_shared>>)
        tpu.yield
      }) : () -> ()
    } else {
    }
    %add3A_135 = arith.constant 224 : i32
    %add3A_136 = arith.addi %arg1, %add3A_135 : i32
    %lt3A_137 = arith.constant 250 : i32
    %lt3A_138 = arith.cmpi slt, %add3A_136, %lt3A_137 : i32
    %convert_element_type3A_139 = arith.extui %lt3A_138 : i1 to i32
    %cond3A_140 = arith.constant 0 : i32
    %cond3A_141 = arith.cmpi ne, %convert_element_type3A_139, %cond3A_140 : i32
    scf.if %cond3A_141 {
      %mul3A_599 = arith.constant 40 : i32
      %mul3A_600 = arith.muli %add3A_136, %mul3A_599 : i32
      %multiple_of3A_601 = tpu.assume_multiple %mul3A_600, 8 : i32
      "tpu.region"() ({
        %run_scoped3A = tpu.sem_alloc : memref<!tpu.dma_semaphore, #tpu.memory_space<semaphore_mem>>
        %dma_start3A_602 = arith.constant 0 : i32
        %dma_start3A_603 = tpu.memref_slice %arg32[%multiple_of3A_601, %dma_start3A_602] : memref<10000x128xf32, #tpu.memory_space<vmem_shared>> -> memref<40x128xf32, #tpu.memory_space<vmem_shared>>
        %dma_start3A_604 = arith.constant 0 : i32
        %dma_start3A_605 = tpu.memref_slice %arg32[%multiple_of3A_601, %dma_start3A_604] : memref<10000x128xf32, #tpu.memory_space<vmem_shared>> -> memref<40x128xf32, #tpu.memory_space<vmem_shared>>
        tpu.enqueue_dma source(%arg24 : memref<40x128xf32, #tpu.memory_space<vmem>>) target(%dma_start3A_605 : memref<40x128xf32, #tpu.memory_space<vmem_shared>>) target_semaphore(%run_scoped3A : memref<!tpu.dma_semaphore, #tpu.memory_space<semaphore_mem>>)
        %dma_wait3A_606 = arith.constant 0 : i32
        %dma_wait3A_607 = tpu.memref_slice %arg32[%multiple_of3A_601, %dma_wait3A_606] : memref<10000x128xf32, #tpu.memory_space<vmem_shared>> -> memref<40x128xf32, #tpu.memory_space<vmem_shared>>
        %dma_wait3A_608 = arith.constant 0 : i32
        %dma_wait3A_609 = tpu.memref_slice %arg32[%multiple_of3A_601, %dma_wait3A_608] : memref<10000x128xf32, #tpu.memory_space<vmem_shared>> -> memref<40x128xf32, #tpu.memory_space<vmem_shared>>
        tpu.wait_dma2 semaphore(%run_scoped3A : memref<!tpu.dma_semaphore, #tpu.memory_space<semaphore_mem>>) src(%arg24 : memref<40x128xf32, #tpu.memory_space<vmem>>) dst(%dma_wait3A_609 : memref<40x128xf32, #tpu.memory_space<vmem_shared>>)
        tpu.yield
      }) : () -> ()
    } else {
    }
    %add3A_142 = arith.constant 240 : i32
    %add3A_143 = arith.addi %arg1, %add3A_142 : i32
    %lt3A_144 = arith.constant 250 : i32
    %lt3A_145 = arith.cmpi slt, %add3A_143, %lt3A_144 : i32
    %convert_element_type3A_146 = arith.extui %lt3A_145 : i1 to i32
    %cond3A_147 = arith.constant 0 : i32
    %cond3A_148 = arith.cmpi ne, %convert_element_type3A_146, %cond3A_147 : i32
    scf.if %cond3A_148 {
      %mul3A_599 = arith.constant 40 : i32
      %mul3A_600 = arith.muli %add3A_143, %mul3A_599 : i32
      %multiple_of3A_601 = tpu.assume_multiple %mul3A_600, 8 : i32
      "tpu.region"() ({
        %run_scoped3A = tpu.sem_alloc : memref<!tpu.dma_semaphore, #tpu.memory_space<semaphore_mem>>
        %dma_start3A_602 = arith.constant 0 : i32
        %dma_start3A_603 = tpu.memref_slice %arg32[%multiple_of3A_601, %dma_start3A_602] : memref<10000x128xf32, #tpu.memory_space<vmem_shared>> -> memref<40x128xf32, #tpu.memory_space<vmem_shared>>
        %dma_start3A_604 = arith.constant 0 : i32
        %dma_start3A_605 = tpu.memref_slice %arg32[%multiple_of3A_601, %dma_start3A_604] : memref<10000x128xf32, #tpu.memory_space<vmem_shared>> -> memref<40x128xf32, #tpu.memory_space<vmem_shared>>
        tpu.enqueue_dma source(%arg24 : memref<40x128xf32, #tpu.memory_space<vmem>>) target(%dma_start3A_605 : memref<40x128xf32, #tpu.memory_space<vmem_shared>>) target_semaphore(%run_scoped3A : memref<!tpu.dma_semaphore, #tpu.memory_space<semaphore_mem>>)
        %dma_wait3A_606 = arith.constant 0 : i32
        %dma_wait3A_607 = tpu.memref_slice %arg32[%multiple_of3A_601, %dma_wait3A_606] : memref<10000x128xf32, #tpu.memory_space<vmem_shared>> -> memref<40x128xf32, #tpu.memory_space<vmem_shared>>
        %dma_wait3A_608 = arith.constant 0 : i32
        %dma_wait3A_609 = tpu.memref_slice %arg32[%multiple_of3A_601, %dma_wait3A_608] : memref<10000x128xf32, #tpu.memory_space<vmem_shared>> -> memref<40x128xf32, #tpu.memory_space<vmem_shared>>
        tpu.wait_dma2 semaphore(%run_scoped3A : memref<!tpu.dma_semaphore, #tpu.memory_space<semaphore_mem>>) src(%arg24 : memref<40x128xf32, #tpu.memory_space<vmem>>) dst(%dma_wait3A_609 : memref<40x128xf32, #tpu.memory_space<vmem_shared>>)
        tpu.yield
      }) : () -> ()
    } else {
    }
    %barrier3A = arith.constant 0 : index
    tpu.barrier barrier_id(%barrier3A)
    %scan3A_149 = arith.constant 0 : i32
    %scan3A_150 = arith.constant 0 : i32
    %scan3A_151 = arith.constant 15 : i32
    %scan3A_152 = arith.addi %scan3A_150, %scan3A_151 : i32
    %scan3A_153 = arith.constant 1 : i32
    scf.for %scan3A_599 = %scan3A_150 to %scan3A_152 step %scan3A_153  : i32 {
      %mul3A_600 = arith.constant 4 : i32
      %mul3A_601 = arith.muli %mul3A_600, %scan3A_599 : i32
      %add3A_602 = arith.constant 0 : i32
      %add3A_603 = arith.addi %mul3A_601, %add3A_602 : i32
      %add3A_604 = arith.constant 1 : i32
      %add3A_605 = arith.addi %add3A_603, %add3A_604 : i32
      %mul3A_606 = arith.constant 160 : i32
      %mul3A_607 = arith.muli %add3A_605, %mul3A_606 : i32
      %add3A_608 = arith.addi %mul3A_2, %mul3A_607 : i32
      %multiple_of3A_609 = tpu.assume_multiple %add3A_608, 8 : i32
      %dma_start3A_610 = tpu.memref_slice %arg2[%multiple_of3A_609] : memref<320000xi32, #tpu.memory_space<hbm>> -> memref<160xi32, #tpu.memory_space<hbm>>
      %dma_start3A_611 = tpu.memref_slice %arg2[%multiple_of3A_609] : memref<320000xi32, #tpu.memory_space<hbm>> -> memref<160xi32, #tpu.memory_space<hbm>>
      tpu.enqueue_dma source(%dma_start3A_611 : memref<160xi32, #tpu.memory_space<hbm>>) target(%arg7 : memref<160xi32, #tpu.memory_space<vmem>>) target_semaphore(%arg34 : memref<!tpu.dma_semaphore, #tpu.memory_space<semaphore_mem>>)
      %mul3A_612 = arith.constant 160 : i32
      %mul3A_613 = arith.muli %add3A_605, %mul3A_612 : i32
      %add3A_614 = arith.addi %mul3A_2, %mul3A_613 : i32
      %add3A_615 = arith.constant 0 : i32
      %add3A_616 = arith.addi %add3A_614, %add3A_615 : i32
      %multiple_of3A_617 = tpu.assume_multiple %add3A_616, 8 : i32
      %dma_start3A_618 = tpu.memref_slice %arg3[%multiple_of3A_617] : memref<320000xi32, #tpu.memory_space<hbm>> -> memref<40xi32, #tpu.memory_space<hbm>>
      %dma_start3A_619 = tpu.memref_slice %arg3[%multiple_of3A_617] : memref<320000xi32, #tpu.memory_space<hbm>> -> memref<40xi32, #tpu.memory_space<hbm>>
      tpu.enqueue_dma source(%dma_start3A_619 : memref<40xi32, #tpu.memory_space<hbm>>) target(%arg12 : memref<40xi32, #tpu.memory_space<vmem>>) target_semaphore(%arg36 : memref<!tpu.dma_semaphore, #tpu.memory_space<semaphore_mem>>)
      %mul3A_620 = arith.constant 160 : i32
      %mul3A_621 = arith.muli %add3A_605, %mul3A_620 : i32
      %add3A_622 = arith.addi %mul3A_2, %mul3A_621 : i32
      %add3A_623 = arith.constant 40 : i32
      %add3A_624 = arith.addi %add3A_622, %add3A_623 : i32
      %multiple_of3A_625 = tpu.assume_multiple %add3A_624, 8 : i32
      %dma_start3A_626 = tpu.memref_slice %arg3[%multiple_of3A_625] : memref<320000xi32, #tpu.memory_space<hbm>> -> memref<40xi32, #tpu.memory_space<hbm>>
      %dma_start3A_627 = tpu.memref_slice %arg3[%multiple_of3A_625] : memref<320000xi32, #tpu.memory_space<hbm>> -> memref<40xi32, #tpu.memory_space<hbm>>
      tpu.enqueue_dma source(%dma_start3A_627 : memref<40xi32, #tpu.memory_space<hbm>>) target(%arg13 : memref<40xi32, #tpu.memory_space<vmem>>) target_semaphore(%arg36 : memref<!tpu.dma_semaphore, #tpu.memory_space<semaphore_mem>>)
      %mul3A_628 = arith.constant 160 : i32
      %mul3A_629 = arith.muli %add3A_605, %mul3A_628 : i32
      %add3A_630 = arith.addi %mul3A_2, %mul3A_629 : i32
      %add3A_631 = arith.constant 80 : i32
      %add3A_632 = arith.addi %add3A_630, %add3A_631 : i32
      %multiple_of3A_633 = tpu.assume_multiple %add3A_632, 8 : i32
      %dma_start3A_634 = tpu.memref_slice %arg3[%multiple_of3A_633] : memref<320000xi32, #tpu.memory_space<hbm>> -> memref<40xi32, #tpu.memory_space<hbm>>
      %dma_start3A_635 = tpu.memref_slice %arg3[%multiple_of3A_633] : memref<320000xi32, #tpu.memory_space<hbm>> -> memref<40xi32, #tpu.memory_space<hbm>>
      tpu.enqueue_dma source(%dma_start3A_635 : memref<40xi32, #tpu.memory_space<hbm>>) target(%arg14 : memref<40xi32, #tpu.memory_space<vmem>>) target_semaphore(%arg36 : memref<!tpu.dma_semaphore, #tpu.memory_space<semaphore_mem>>)
      %mul3A_636 = arith.constant 160 : i32
      %mul3A_637 = arith.muli %add3A_605, %mul3A_636 : i32
      %add3A_638 = arith.addi %mul3A_2, %mul3A_637 : i32
      %add3A_639 = arith.constant 120 : i32
      %add3A_640 = arith.addi %add3A_638, %add3A_639 : i32
      %multiple_of3A_641 = tpu.assume_multiple %add3A_640, 8 : i32
      %dma_start3A_642 = tpu.memref_slice %arg3[%multiple_of3A_641] : memref<320000xi32, #tpu.memory_space<hbm>> -> memref<40xi32, #tpu.memory_space<hbm>>
      %dma_start3A_643 = tpu.memref_slice %arg3[%multiple_of3A_641] : memref<320000xi32, #tpu.memory_space<hbm>> -> memref<40xi32, #tpu.memory_space<hbm>>
      tpu.enqueue_dma source(%dma_start3A_643 : memref<40xi32, #tpu.memory_space<hbm>>) target(%arg15 : memref<40xi32, #tpu.memory_space<vmem>>) target_semaphore(%arg36 : memref<!tpu.dma_semaphore, #tpu.memory_space<semaphore_mem>>)
      %dma_wait3A_644 = arith.constant 0 : i32
      %dma_wait3A_645 = tpu.memref_slice %arg2[%dma_wait3A_644] : memref<320000xi32, #tpu.memory_space<hbm>> -> memref<160xi32, #tpu.memory_space<hbm>>
      %dma_wait3A_646 = arith.constant 0 : i32
      %dma_wait3A_647 = tpu.memref_slice %arg2[%dma_wait3A_646] : memref<320000xi32, #tpu.memory_space<hbm>> -> memref<160xi32, #tpu.memory_space<hbm>>
      tpu.wait_dma2 semaphore(%arg33 : memref<!tpu.dma_semaphore, #tpu.memory_space<semaphore_mem>>) src(%dma_wait3A_647 : memref<160xi32, #tpu.memory_space<hbm>>) dst(%arg6 : memref<160xi32, #tpu.memory_space<vmem>>)
      %dma_wait3A_648 = arith.constant 0 : i32
      %dma_wait3A_649 = tpu.memref_slice %arg3[%dma_wait3A_648] : memref<320000xi32, #tpu.memory_space<hbm>> -> memref<40xi32, #tpu.memory_space<hbm>>
      %dma_wait3A_650 = arith.constant 0 : i32
      %dma_wait3A_651 = tpu.memref_slice %arg3[%dma_wait3A_650] : memref<320000xi32, #tpu.memory_space<hbm>> -> memref<40xi32, #tpu.memory_space<hbm>>
      tpu.wait_dma2 semaphore(%arg35 : memref<!tpu.dma_semaphore, #tpu.memory_space<semaphore_mem>>) src(%dma_wait3A_651 : memref<40xi32, #tpu.memory_space<hbm>>) dst(%arg8 : memref<40xi32, #tpu.memory_space<vmem>>)
      %dma_wait3A_652 = arith.constant 0 : i32
      %dma_wait3A_653 = tpu.memref_slice %arg3[%dma_wait3A_652] : memref<320000xi32, #tpu.memory_space<hbm>> -> memref<40xi32, #tpu.memory_space<hbm>>
      %dma_wait3A_654 = arith.constant 0 : i32
      %dma_wait3A_655 = tpu.memref_slice %arg3[%dma_wait3A_654] : memref<320000xi32, #tpu.memory_space<hbm>> -> memref<40xi32, #tpu.memory_space<hbm>>
      tpu.wait_dma2 semaphore(%arg35 : memref<!tpu.dma_semaphore, #tpu.memory_space<semaphore_mem>>) src(%dma_wait3A_655 : memref<40xi32, #tpu.memory_space<hbm>>) dst(%arg9 : memref<40xi32, #tpu.memory_space<vmem>>)
      %dma_wait3A_656 = arith.constant 0 : i32
      %dma_wait3A_657 = tpu.memref_slice %arg3[%dma_wait3A_656] : memref<320000xi32, #tpu.memory_space<hbm>> -> memref<40xi32, #tpu.memory_space<hbm>>
      %dma_wait3A_658 = arith.constant 0 : i32
      %dma_wait3A_659 = tpu.memref_slice %arg3[%dma_wait3A_658] : memref<320000xi32, #tpu.memory_space<hbm>> -> memref<40xi32, #tpu.memory_space<hbm>>
      tpu.wait_dma2 semaphore(%arg35 : memref<!tpu.dma_semaphore, #tpu.memory_space<semaphore_mem>>) src(%dma_wait3A_659 : memref<40xi32, #tpu.memory_space<hbm>>) dst(%arg10 : memref<40xi32, #tpu.memory_space<vmem>>)
      %dma_wait3A_660 = arith.constant 0 : i32
      %dma_wait3A_661 = tpu.memref_slice %arg3[%dma_wait3A_660] : memref<320000xi32, #tpu.memory_space<hbm>> -> memref<40xi32, #tpu.memory_space<hbm>>
      %dma_wait3A_662 = arith.constant 0 : i32
      %dma_wait3A_663 = tpu.memref_slice %arg3[%dma_wait3A_662] : memref<320000xi32, #tpu.memory_space<hbm>> -> memref<40xi32, #tpu.memory_space<hbm>>
      tpu.wait_dma2 semaphore(%arg35 : memref<!tpu.dma_semaphore, #tpu.memory_space<semaphore_mem>>) src(%dma_wait3A_663 : memref<40xi32, #tpu.memory_space<hbm>>) dst(%arg11 : memref<40xi32, #tpu.memory_space<vmem>>)
      %ge3A = arith.constant 2 : i32
      %ge3A_664 = arith.cmpi sge, %add3A_603, %ge3A : i32
      %convert_element_type3A_665 = arith.extui %ge3A_664 : i1 to i32
      %cond3A_666 = arith.constant 0 : i32
      %cond3A_667 = arith.cmpi ne, %convert_element_type3A_665, %cond3A_666 : i32
      scf.if %cond3A_667 {
        %dma_wait3A_1083 = arith.constant 0 : i32
        %dma_wait3A_1084 = tpu.memref_slice %arg6[%dma_wait3A_1083] : memref<160xi32, #tpu.memory_space<vmem>> -> memref<40xi32, #tpu.memory_space<vmem>>
        %dma_wait3A_1085 = arith.constant 0 : i32
        %dma_wait3A_1086 = arith.constant 0 : i32
        %dma_wait3A_1087 = tpu.memref_slice %arg4[%dma_wait3A_1085, %dma_wait3A_1086] : memref<10000x128xf32, #tpu.memory_space<hbm>> -> memref<10000x128xf32, #tpu.memory_space<hbm>>
        tpu.wait_indirect_dma semaphore(%arg47 : memref<!tpu.dma_semaphore, #tpu.memory_space<semaphore_mem>>) src(%dma_wait3A_1087 : memref<10000x128xf32, #tpu.memory_space<hbm>>) dst(%arg24 : memref<40x128xf32, #tpu.memory_space<vmem>>)
        %dma_wait3A_1088 = arith.constant 0 : i32
        %dma_wait3A_1089 = tpu.memref_slice %arg6[%dma_wait3A_1088] : memref<160xi32, #tpu.memory_space<vmem>> -> memref<40xi32, #tpu.memory_space<vmem>>
        %dma_wait3A_1090 = arith.constant 0 : i32
        %dma_wait3A_1091 = arith.constant 0 : i32
        %dma_wait3A_1092 = tpu.memref_slice %arg4[%dma_wait3A_1090, %dma_wait3A_1091] : memref<10000x128xf32, #tpu.memory_space<hbm>> -> memref<10000x128xf32, #tpu.memory_space<hbm>>
        tpu.wait_indirect_dma semaphore(%arg48 : memref<!tpu.dma_semaphore, #tpu.memory_space<semaphore_mem>>) src(%dma_wait3A_1092 : memref<10000x128xf32, #tpu.memory_space<hbm>>) dst(%arg25 : memref<40x128xf32, #tpu.memory_space<vmem>>)
        %dma_wait3A_1093 = arith.constant 0 : i32
        %dma_wait3A_1094 = tpu.memref_slice %arg6[%dma_wait3A_1093] : memref<160xi32, #tpu.memory_space<vmem>> -> memref<40xi32, #tpu.memory_space<vmem>>
        %dma_wait3A_1095 = arith.constant 0 : i32
        %dma_wait3A_1096 = arith.constant 0 : i32
        %dma_wait3A_1097 = tpu.memref_slice %arg4[%dma_wait3A_1095, %dma_wait3A_1096] : memref<10000x128xf32, #tpu.memory_space<hbm>> -> memref<10000x128xf32, #tpu.memory_space<hbm>>
        tpu.wait_indirect_dma semaphore(%arg49 : memref<!tpu.dma_semaphore, #tpu.memory_space<semaphore_mem>>) src(%dma_wait3A_1097 : memref<10000x128xf32, #tpu.memory_space<hbm>>) dst(%arg26 : memref<40x128xf32, #tpu.memory_space<vmem>>)
        %dma_wait3A_1098 = arith.constant 0 : i32
        %dma_wait3A_1099 = tpu.memref_slice %arg6[%dma_wait3A_1098] : memref<160xi32, #tpu.memory_space<vmem>> -> memref<40xi32, #tpu.memory_space<vmem>>
        %dma_wait3A_1100 = arith.constant 0 : i32
        %dma_wait3A_1101 = arith.constant 0 : i32
        %dma_wait3A_1102 = tpu.memref_slice %arg4[%dma_wait3A_1100, %dma_wait3A_1101] : memref<10000x128xf32, #tpu.memory_space<hbm>> -> memref<10000x128xf32, #tpu.memory_space<hbm>>
        tpu.wait_indirect_dma semaphore(%arg50 : memref<!tpu.dma_semaphore, #tpu.memory_space<semaphore_mem>>) src(%dma_wait3A_1102 : memref<10000x128xf32, #tpu.memory_space<hbm>>) dst(%arg27 : memref<40x128xf32, #tpu.memory_space<vmem>>)
      } else {
      }
      %dma_start3A_668 = arith.constant 0 : i32
      %dma_start3A_669 = tpu.memref_slice %arg6[%dma_start3A_668] : memref<160xi32, #tpu.memory_space<vmem>> -> memref<40xi32, #tpu.memory_space<vmem>>
      %dma_start3A_670 = arith.constant 0 : i32
      %dma_start3A_671 = arith.constant 0 : i32
      %dma_start3A_672 = tpu.memref_slice %arg4[%dma_start3A_670, %dma_start3A_671] : memref<10000x128xf32, #tpu.memory_space<hbm>> -> memref<10000x128xf32, #tpu.memory_space<hbm>>
      tpu.enqueue_indirect_dma source(%dma_start3A_672 : memref<10000x128xf32, #tpu.memory_space<hbm>>) target(%arg24 : memref<40x128xf32, #tpu.memory_space<vmem>>) offsets(%dma_start3A_669 : memref<40xi32, #tpu.memory_space<vmem>>) semaphore(%arg39 : memref<!tpu.dma_semaphore, #tpu.memory_space<semaphore_mem>>)
      %dma_start3A_673 = arith.constant 40 : i32
      %dma_start3A_674 = tpu.memref_slice %arg6[%dma_start3A_673] : memref<160xi32, #tpu.memory_space<vmem>> -> memref<40xi32, #tpu.memory_space<vmem>>
      %dma_start3A_675 = arith.constant 0 : i32
      %dma_start3A_676 = arith.constant 0 : i32
      %dma_start3A_677 = tpu.memref_slice %arg4[%dma_start3A_675, %dma_start3A_676] : memref<10000x128xf32, #tpu.memory_space<hbm>> -> memref<10000x128xf32, #tpu.memory_space<hbm>>
      tpu.enqueue_indirect_dma source(%dma_start3A_677 : memref<10000x128xf32, #tpu.memory_space<hbm>>) target(%arg25 : memref<40x128xf32, #tpu.memory_space<vmem>>) offsets(%dma_start3A_674 : memref<40xi32, #tpu.memory_space<vmem>>) semaphore(%arg40 : memref<!tpu.dma_semaphore, #tpu.memory_space<semaphore_mem>>)
      %dma_start3A_678 = arith.constant 80 : i32
      %dma_start3A_679 = tpu.memref_slice %arg6[%dma_start3A_678] : memref<160xi32, #tpu.memory_space<vmem>> -> memref<40xi32, #tpu.memory_space<vmem>>
      %dma_start3A_680 = arith.constant 0 : i32
      %dma_start3A_681 = arith.constant 0 : i32
      %dma_start3A_682 = tpu.memref_slice %arg4[%dma_start3A_680, %dma_start3A_681] : memref<10000x128xf32, #tpu.memory_space<hbm>> -> memref<10000x128xf32, #tpu.memory_space<hbm>>
      tpu.enqueue_indirect_dma source(%dma_start3A_682 : memref<10000x128xf32, #tpu.memory_space<hbm>>) target(%arg26 : memref<40x128xf32, #tpu.memory_space<vmem>>) offsets(%dma_start3A_679 : memref<40xi32, #tpu.memory_space<vmem>>) semaphore(%arg41 : memref<!tpu.dma_semaphore, #tpu.memory_space<semaphore_mem>>)
      %dma_start3A_683 = arith.constant 120 : i32
      %dma_start3A_684 = tpu.memref_slice %arg6[%dma_start3A_683] : memref<160xi32, #tpu.memory_space<vmem>> -> memref<40xi32, #tpu.memory_space<vmem>>
      %dma_start3A_685 = arith.constant 0 : i32
      %dma_start3A_686 = arith.constant 0 : i32
      %dma_start3A_687 = tpu.memref_slice %arg4[%dma_start3A_685, %dma_start3A_686] : memref<10000x128xf32, #tpu.memory_space<hbm>> -> memref<10000x128xf32, #tpu.memory_space<hbm>>
      tpu.enqueue_indirect_dma source(%dma_start3A_687 : memref<10000x128xf32, #tpu.memory_space<hbm>>) target(%arg27 : memref<40x128xf32, #tpu.memory_space<vmem>>) offsets(%dma_start3A_684 : memref<40xi32, #tpu.memory_space<vmem>>) semaphore(%arg42 : memref<!tpu.dma_semaphore, #tpu.memory_space<semaphore_mem>>)
      %dma_wait3A_688 = arith.constant 0 : i32
      %dma_wait3A_689 = tpu.memref_slice %arg6[%dma_wait3A_688] : memref<160xi32, #tpu.memory_space<vmem>> -> memref<40xi32, #tpu.memory_space<vmem>>
      %dma_wait3A_690 = arith.constant 0 : i32
      %dma_wait3A_691 = arith.constant 0 : i32
      %dma_wait3A_692 = tpu.memref_slice %arg4[%dma_wait3A_690, %dma_wait3A_691] : memref<10000x128xf32, #tpu.memory_space<hbm>> -> memref<10000x128xf32, #tpu.memory_space<hbm>>
      tpu.wait_indirect_dma semaphore(%arg39 : memref<!tpu.dma_semaphore, #tpu.memory_space<semaphore_mem>>) src(%dma_wait3A_692 : memref<10000x128xf32, #tpu.memory_space<hbm>>) dst(%arg24 : memref<40x128xf32, #tpu.memory_space<vmem>>)
      %dma_start3A_693 = arith.constant 0 : i32
      %dma_start3A_694 = arith.constant 0 : i32
      %dma_start3A_695 = tpu.memref_slice %arg32[%dma_start3A_693, %dma_start3A_694] : memref<10000x128xf32, #tpu.memory_space<vmem_shared>> -> memref<10000x128xf32, #tpu.memory_space<vmem_shared>>
      tpu.enqueue_indirect_dma source(%arg24 : memref<40x128xf32, #tpu.memory_space<vmem>>) target(%dma_start3A_695 : memref<10000x128xf32, #tpu.memory_space<vmem_shared>>) offsets(%arg8 : memref<40xi32, #tpu.memory_space<vmem>>) semaphore(%arg47 : memref<!tpu.dma_semaphore, #tpu.memory_space<semaphore_mem>>) {add = true}
      %dma_wait3A_696 = arith.constant 40 : i32
      %dma_wait3A_697 = tpu.memref_slice %arg6[%dma_wait3A_696] : memref<160xi32, #tpu.memory_space<vmem>> -> memref<40xi32, #tpu.memory_space<vmem>>
      %dma_wait3A_698 = arith.constant 0 : i32
      %dma_wait3A_699 = arith.constant 0 : i32
      %dma_wait3A_700 = tpu.memref_slice %arg4[%dma_wait3A_698, %dma_wait3A_699] : memref<10000x128xf32, #tpu.memory_space<hbm>> -> memref<10000x128xf32, #tpu.memory_space<hbm>>
      tpu.wait_indirect_dma semaphore(%arg40 : memref<!tpu.dma_semaphore, #tpu.memory_space<semaphore_mem>>) src(%dma_wait3A_700 : memref<10000x128xf32, #tpu.memory_space<hbm>>) dst(%arg25 : memref<40x128xf32, #tpu.memory_space<vmem>>)
      %dma_start3A_701 = arith.constant 0 : i32
      %dma_start3A_702 = arith.constant 0 : i32
      %dma_start3A_703 = tpu.memref_slice %arg32[%dma_start3A_701, %dma_start3A_702] : memref<10000x128xf32, #tpu.memory_space<vmem_shared>> -> memref<10000x128xf32, #tpu.memory_space<vmem_shared>>
      tpu.enqueue_indirect_dma source(%arg25 : memref<40x128xf32, #tpu.memory_space<vmem>>) target(%dma_start3A_703 : memref<10000x128xf32, #tpu.memory_space<vmem_shared>>) offsets(%arg9 : memref<40xi32, #tpu.memory_space<vmem>>) semaphore(%arg48 : memref<!tpu.dma_semaphore, #tpu.memory_space<semaphore_mem>>) {add = true}
      %dma_wait3A_704 = arith.constant 80 : i32
      %dma_wait3A_705 = tpu.memref_slice %arg6[%dma_wait3A_704] : memref<160xi32, #tpu.memory_space<vmem>> -> memref<40xi32, #tpu.memory_space<vmem>>
      %dma_wait3A_706 = arith.constant 0 : i32
      %dma_wait3A_707 = arith.constant 0 : i32
      %dma_wait3A_708 = tpu.memref_slice %arg4[%dma_wait3A_706, %dma_wait3A_707] : memref<10000x128xf32, #tpu.memory_space<hbm>> -> memref<10000x128xf32, #tpu.memory_space<hbm>>
      tpu.wait_indirect_dma semaphore(%arg41 : memref<!tpu.dma_semaphore, #tpu.memory_space<semaphore_mem>>) src(%dma_wait3A_708 : memref<10000x128xf32, #tpu.memory_space<hbm>>) dst(%arg26 : memref<40x128xf32, #tpu.memory_space<vmem>>)
      %dma_start3A_709 = arith.constant 0 : i32
      %dma_start3A_710 = arith.constant 0 : i32
      %dma_start3A_711 = tpu.memref_slice %arg32[%dma_start3A_709, %dma_start3A_710] : memref<10000x128xf32, #tpu.memory_space<vmem_shared>> -> memref<10000x128xf32, #tpu.memory_space<vmem_shared>>
      tpu.enqueue_indirect_dma source(%arg26 : memref<40x128xf32, #tpu.memory_space<vmem>>) target(%dma_start3A_711 : memref<10000x128xf32, #tpu.memory_space<vmem_shared>>) offsets(%arg10 : memref<40xi32, #tpu.memory_space<vmem>>) semaphore(%arg49 : memref<!tpu.dma_semaphore, #tpu.memory_space<semaphore_mem>>) {add = true}
      %dma_wait3A_712 = arith.constant 120 : i32
      %dma_wait3A_713 = tpu.memref_slice %arg6[%dma_wait3A_712] : memref<160xi32, #tpu.memory_space<vmem>> -> memref<40xi32, #tpu.memory_space<vmem>>
      %dma_wait3A_714 = arith.constant 0 : i32
      %dma_wait3A_715 = arith.constant 0 : i32
      %dma_wait3A_716 = tpu.memref_slice %arg4[%dma_wait3A_714, %dma_wait3A_715] : memref<10000x128xf32, #tpu.memory_space<hbm>> -> memref<10000x128xf32, #tpu.memory_space<hbm>>
      tpu.wait_indirect_dma semaphore(%arg42 : memref<!tpu.dma_semaphore, #tpu.memory_space<semaphore_mem>>) src(%dma_wait3A_716 : memref<10000x128xf32, #tpu.memory_space<hbm>>) dst(%arg27 : memref<40x128xf32, #tpu.memory_space<vmem>>)
      %dma_start3A_717 = arith.constant 0 : i32
      %dma_start3A_718 = arith.constant 0 : i32
      %dma_start3A_719 = tpu.memref_slice %arg32[%dma_start3A_717, %dma_start3A_718] : memref<10000x128xf32, #tpu.memory_space<vmem_shared>> -> memref<10000x128xf32, #tpu.memory_space<vmem_shared>>
      tpu.enqueue_indirect_dma source(%arg27 : memref<40x128xf32, #tpu.memory_space<vmem>>) target(%dma_start3A_719 : memref<10000x128xf32, #tpu.memory_space<vmem_shared>>) offsets(%arg11 : memref<40xi32, #tpu.memory_space<vmem>>) semaphore(%arg50 : memref<!tpu.dma_semaphore, #tpu.memory_space<semaphore_mem>>) {add = true}
      %mul3A_720 = arith.constant 4 : i32
      %mul3A_721 = arith.muli %mul3A_720, %scan3A_599 : i32
      %add3A_722 = arith.constant 1 : i32
      %add3A_723 = arith.addi %mul3A_721, %add3A_722 : i32
      %add3A_724 = arith.constant 1 : i32
      %add3A_725 = arith.addi %add3A_723, %add3A_724 : i32
      %mul3A_726 = arith.constant 160 : i32
      %mul3A_727 = arith.muli %add3A_725, %mul3A_726 : i32
      %add3A_728 = arith.addi %mul3A_2, %mul3A_727 : i32
      %multiple_of3A_729 = tpu.assume_multiple %add3A_728, 8 : i32
      %dma_start3A_730 = tpu.memref_slice %arg2[%multiple_of3A_729] : memref<320000xi32, #tpu.memory_space<hbm>> -> memref<160xi32, #tpu.memory_space<hbm>>
      %dma_start3A_731 = tpu.memref_slice %arg2[%multiple_of3A_729] : memref<320000xi32, #tpu.memory_space<hbm>> -> memref<160xi32, #tpu.memory_space<hbm>>
      tpu.enqueue_dma source(%dma_start3A_731 : memref<160xi32, #tpu.memory_space<hbm>>) target(%arg6 : memref<160xi32, #tpu.memory_space<vmem>>) target_semaphore(%arg33 : memref<!tpu.dma_semaphore, #tpu.memory_space<semaphore_mem>>)
      %mul3A_732 = arith.constant 160 : i32
      %mul3A_733 = arith.muli %add3A_725, %mul3A_732 : i32
      %add3A_734 = arith.addi %mul3A_2, %mul3A_733 : i32
      %add3A_735 = arith.constant 0 : i32
      %add3A_736 = arith.addi %add3A_734, %add3A_735 : i32
      %multiple_of3A_737 = tpu.assume_multiple %add3A_736, 8 : i32
      %dma_start3A_738 = tpu.memref_slice %arg3[%multiple_of3A_737] : memref<320000xi32, #tpu.memory_space<hbm>> -> memref<40xi32, #tpu.memory_space<hbm>>
      %dma_start3A_739 = tpu.memref_slice %arg3[%multiple_of3A_737] : memref<320000xi32, #tpu.memory_space<hbm>> -> memref<40xi32, #tpu.memory_space<hbm>>
      tpu.enqueue_dma source(%dma_start3A_739 : memref<40xi32, #tpu.memory_space<hbm>>) target(%arg16 : memref<40xi32, #tpu.memory_space<vmem>>) target_semaphore(%arg37 : memref<!tpu.dma_semaphore, #tpu.memory_space<semaphore_mem>>)
      %mul3A_740 = arith.constant 160 : i32
      %mul3A_741 = arith.muli %add3A_725, %mul3A_740 : i32
      %add3A_742 = arith.addi %mul3A_2, %mul3A_741 : i32
      %add3A_743 = arith.constant 40 : i32
      %add3A_744 = arith.addi %add3A_742, %add3A_743 : i32
      %multiple_of3A_745 = tpu.assume_multiple %add3A_744, 8 : i32
      %dma_start3A_746 = tpu.memref_slice %arg3[%multiple_of3A_745] : memref<320000xi32, #tpu.memory_space<hbm>> -> memref<40xi32, #tpu.memory_space<hbm>>
      %dma_start3A_747 = tpu.memref_slice %arg3[%multiple_of3A_745] : memref<320000xi32, #tpu.memory_space<hbm>> -> memref<40xi32, #tpu.memory_space<hbm>>
      tpu.enqueue_dma source(%dma_start3A_747 : memref<40xi32, #tpu.memory_space<hbm>>) target(%arg17 : memref<40xi32, #tpu.memory_space<vmem>>) target_semaphore(%arg37 : memref<!tpu.dma_semaphore, #tpu.memory_space<semaphore_mem>>)
      %mul3A_748 = arith.constant 160 : i32
      %mul3A_749 = arith.muli %add3A_725, %mul3A_748 : i32
      %add3A_750 = arith.addi %mul3A_2, %mul3A_749 : i32
      %add3A_751 = arith.constant 80 : i32
      %add3A_752 = arith.addi %add3A_750, %add3A_751 : i32
      %multiple_of3A_753 = tpu.assume_multiple %add3A_752, 8 : i32
      %dma_start3A_754 = tpu.memref_slice %arg3[%multiple_of3A_753] : memref<320000xi32, #tpu.memory_space<hbm>> -> memref<40xi32, #tpu.memory_space<hbm>>
      %dma_start3A_755 = tpu.memref_slice %arg3[%multiple_of3A_753] : memref<320000xi32, #tpu.memory_space<hbm>> -> memref<40xi32, #tpu.memory_space<hbm>>
      tpu.enqueue_dma source(%dma_start3A_755 : memref<40xi32, #tpu.memory_space<hbm>>) target(%arg18 : memref<40xi32, #tpu.memory_space<vmem>>) target_semaphore(%arg37 : memref<!tpu.dma_semaphore, #tpu.memory_space<semaphore_mem>>)
      %mul3A_756 = arith.constant 160 : i32
      %mul3A_757 = arith.muli %add3A_725, %mul3A_756 : i32
      %add3A_758 = arith.addi %mul3A_2, %mul3A_757 : i32
      %add3A_759 = arith.constant 120 : i32
      %add3A_760 = arith.addi %add3A_758, %add3A_759 : i32
      %multiple_of3A_761 = tpu.assume_multiple %add3A_760, 8 : i32
      %dma_start3A_762 = tpu.memref_slice %arg3[%multiple_of3A_761] : memref<320000xi32, #tpu.memory_space<hbm>> -> memref<40xi32, #tpu.memory_space<hbm>>
      %dma_start3A_763 = tpu.memref_slice %arg3[%multiple_of3A_761] : memref<320000xi32, #tpu.memory_space<hbm>> -> memref<40xi32, #tpu.memory_space<hbm>>
      tpu.enqueue_dma source(%dma_start3A_763 : memref<40xi32, #tpu.memory_space<hbm>>) target(%arg19 : memref<40xi32, #tpu.memory_space<vmem>>) target_semaphore(%arg37 : memref<!tpu.dma_semaphore, #tpu.memory_space<semaphore_mem>>)
      %dma_wait3A_764 = arith.constant 0 : i32
      %dma_wait3A_765 = tpu.memref_slice %arg2[%dma_wait3A_764] : memref<320000xi32, #tpu.memory_space<hbm>> -> memref<160xi32, #tpu.memory_space<hbm>>
      %dma_wait3A_766 = arith.constant 0 : i32
      %dma_wait3A_767 = tpu.memref_slice %arg2[%dma_wait3A_766] : memref<320000xi32, #tpu.memory_space<hbm>> -> memref<160xi32, #tpu.memory_space<hbm>>
      tpu.wait_dma2 semaphore(%arg34 : memref<!tpu.dma_semaphore, #tpu.memory_space<semaphore_mem>>) src(%dma_wait3A_767 : memref<160xi32, #tpu.memory_space<hbm>>) dst(%arg7 : memref<160xi32, #tpu.memory_space<vmem>>)
      %dma_wait3A_768 = arith.constant 0 : i32
      %dma_wait3A_769 = tpu.memref_slice %arg3[%dma_wait3A_768] : memref<320000xi32, #tpu.memory_space<hbm>> -> memref<40xi32, #tpu.memory_space<hbm>>
      %dma_wait3A_770 = arith.constant 0 : i32
      %dma_wait3A_771 = tpu.memref_slice %arg3[%dma_wait3A_770] : memref<320000xi32, #tpu.memory_space<hbm>> -> memref<40xi32, #tpu.memory_space<hbm>>
      tpu.wait_dma2 semaphore(%arg36 : memref<!tpu.dma_semaphore, #tpu.memory_space<semaphore_mem>>) src(%dma_wait3A_771 : memref<40xi32, #tpu.memory_space<hbm>>) dst(%arg12 : memref<40xi32, #tpu.memory_space<vmem>>)
      %dma_wait3A_772 = arith.constant 0 : i32
      %dma_wait3A_773 = tpu.memref_slice %arg3[%dma_wait3A_772] : memref<320000xi32, #tpu.memory_space<hbm>> -> memref<40xi32, #tpu.memory_space<hbm>>
      %dma_wait3A_774 = arith.constant 0 : i32
      %dma_wait3A_775 = tpu.memref_slice %arg3[%dma_wait3A_774] : memref<320000xi32, #tpu.memory_space<hbm>> -> memref<40xi32, #tpu.memory_space<hbm>>
      tpu.wait_dma2 semaphore(%arg36 : memref<!tpu.dma_semaphore, #tpu.memory_space<semaphore_mem>>) src(%dma_wait3A_775 : memref<40xi32, #tpu.memory_space<hbm>>) dst(%arg13 : memref<40xi32, #tpu.memory_space<vmem>>)
      %dma_wait3A_776 = arith.constant 0 : i32
      %dma_wait3A_777 = tpu.memref_slice %arg3[%dma_wait3A_776] : memref<320000xi32, #tpu.memory_space<hbm>> -> memref<40xi32, #tpu.memory_space<hbm>>
      %dma_wait3A_778 = arith.constant 0 : i32
      %dma_wait3A_779 = tpu.memref_slice %arg3[%dma_wait3A_778] : memref<320000xi32, #tpu.memory_space<hbm>> -> memref<40xi32, #tpu.memory_space<hbm>>
      tpu.wait_dma2 semaphore(%arg36 : memref<!tpu.dma_semaphore, #tpu.memory_space<semaphore_mem>>) src(%dma_wait3A_779 : memref<40xi32, #tpu.memory_space<hbm>>) dst(%arg14 : memref<40xi32, #tpu.memory_space<vmem>>)
      %dma_wait3A_780 = arith.constant 0 : i32
      %dma_wait3A_781 = tpu.memref_slice %arg3[%dma_wait3A_780] : memref<320000xi32, #tpu.memory_space<hbm>> -> memref<40xi32, #tpu.memory_space<hbm>>
      %dma_wait3A_782 = arith.constant 0 : i32
      %dma_wait3A_783 = tpu.memref_slice %arg3[%dma_wait3A_782] : memref<320000xi32, #tpu.memory_space<hbm>> -> memref<40xi32, #tpu.memory_space<hbm>>
      tpu.wait_dma2 semaphore(%arg36 : memref<!tpu.dma_semaphore, #tpu.memory_space<semaphore_mem>>) src(%dma_wait3A_783 : memref<40xi32, #tpu.memory_space<hbm>>) dst(%arg15 : memref<40xi32, #tpu.memory_space<vmem>>)
      %ge3A_784 = arith.constant 2 : i32
      %ge3A_785 = arith.cmpi sge, %add3A_723, %ge3A_784 : i32
      %convert_element_type3A_786 = arith.extui %ge3A_785 : i1 to i32
      %cond3A_787 = arith.constant 0 : i32
      %cond3A_788 = arith.cmpi ne, %convert_element_type3A_786, %cond3A_787 : i32
      scf.if %cond3A_788 {
        %dma_wait3A_1083 = arith.constant 0 : i32
        %dma_wait3A_1084 = tpu.memref_slice %arg6[%dma_wait3A_1083] : memref<160xi32, #tpu.memory_space<vmem>> -> memref<40xi32, #tpu.memory_space<vmem>>
        %dma_wait3A_1085 = arith.constant 0 : i32
        %dma_wait3A_1086 = arith.constant 0 : i32
        %dma_wait3A_1087 = tpu.memref_slice %arg4[%dma_wait3A_1085, %dma_wait3A_1086] : memref<10000x128xf32, #tpu.memory_space<hbm>> -> memref<10000x128xf32, #tpu.memory_space<hbm>>
        tpu.wait_indirect_dma semaphore(%arg51 : memref<!tpu.dma_semaphore, #tpu.memory_space<semaphore_mem>>) src(%dma_wait3A_1087 : memref<10000x128xf32, #tpu.memory_space<hbm>>) dst(%arg28 : memref<40x128xf32, #tpu.memory_space<vmem>>)
        %dma_wait3A_1088 = arith.constant 0 : i32
        %dma_wait3A_1089 = tpu.memref_slice %arg6[%dma_wait3A_1088] : memref<160xi32, #tpu.memory_space<vmem>> -> memref<40xi32, #tpu.memory_space<vmem>>
        %dma_wait3A_1090 = arith.constant 0 : i32
        %dma_wait3A_1091 = arith.constant 0 : i32
        %dma_wait3A_1092 = tpu.memref_slice %arg4[%dma_wait3A_1090, %dma_wait3A_1091] : memref<10000x128xf32, #tpu.memory_space<hbm>> -> memref<10000x128xf32, #tpu.memory_space<hbm>>
        tpu.wait_indirect_dma semaphore(%arg52 : memref<!tpu.dma_semaphore, #tpu.memory_space<semaphore_mem>>) src(%dma_wait3A_1092 : memref<10000x128xf32, #tpu.memory_space<hbm>>) dst(%arg29 : memref<40x128xf32, #tpu.memory_space<vmem>>)
        %dma_wait3A_1093 = arith.constant 0 : i32
        %dma_wait3A_1094 = tpu.memref_slice %arg6[%dma_wait3A_1093] : memref<160xi32, #tpu.memory_space<vmem>> -> memref<40xi32, #tpu.memory_space<vmem>>
        %dma_wait3A_1095 = arith.constant 0 : i32
        %dma_wait3A_1096 = arith.constant 0 : i32
        %dma_wait3A_1097 = tpu.memref_slice %arg4[%dma_wait3A_1095, %dma_wait3A_1096] : memref<10000x128xf32, #tpu.memory_space<hbm>> -> memref<10000x128xf32, #tpu.memory_space<hbm>>
        tpu.wait_indirect_dma semaphore(%arg53 : memref<!tpu.dma_semaphore, #tpu.memory_space<semaphore_mem>>) src(%dma_wait3A_1097 : memref<10000x128xf32, #tpu.memory_space<hbm>>) dst(%arg30 : memref<40x128xf32, #tpu.memory_space<vmem>>)
        %dma_wait3A_1098 = arith.constant 0 : i32
        %dma_wait3A_1099 = tpu.memref_slice %arg6[%dma_wait3A_1098] : memref<160xi32, #tpu.memory_space<vmem>> -> memref<40xi32, #tpu.memory_space<vmem>>
        %dma_wait3A_1100 = arith.constant 0 : i32
        %dma_wait3A_1101 = arith.constant 0 : i32
        %dma_wait3A_1102 = tpu.memref_slice %arg4[%dma_wait3A_1100, %dma_wait3A_1101] : memref<10000x128xf32, #tpu.memory_space<hbm>> -> memref<10000x128xf32, #tpu.memory_space<hbm>>
        tpu.wait_indirect_dma semaphore(%arg54 : memref<!tpu.dma_semaphore, #tpu.memory_space<semaphore_mem>>) src(%dma_wait3A_1102 : memref<10000x128xf32, #tpu.memory_space<hbm>>) dst(%arg31 : memref<40x128xf32, #tpu.memory_space<vmem>>)
      } else {
      }
      %dma_start3A_789 = arith.constant 0 : i32
      %dma_start3A_790 = tpu.memref_slice %arg7[%dma_start3A_789] : memref<160xi32, #tpu.memory_space<vmem>> -> memref<40xi32, #tpu.memory_space<vmem>>
      %dma_start3A_791 = arith.constant 0 : i32
      %dma_start3A_792 = arith.constant 0 : i32
      %dma_start3A_793 = tpu.memref_slice %arg4[%dma_start3A_791, %dma_start3A_792] : memref<10000x128xf32, #tpu.memory_space<hbm>> -> memref<10000x128xf32, #tpu.memory_space<hbm>>
      tpu.enqueue_indirect_dma source(%dma_start3A_793 : memref<10000x128xf32, #tpu.memory_space<hbm>>) target(%arg28 : memref<40x128xf32, #tpu.memory_space<vmem>>) offsets(%dma_start3A_790 : memref<40xi32, #tpu.memory_space<vmem>>) semaphore(%arg43 : memref<!tpu.dma_semaphore, #tpu.memory_space<semaphore_mem>>)
      %dma_start3A_794 = arith.constant 40 : i32
      %dma_start3A_795 = tpu.memref_slice %arg7[%dma_start3A_794] : memref<160xi32, #tpu.memory_space<vmem>> -> memref<40xi32, #tpu.memory_space<vmem>>
      %dma_start3A_796 = arith.constant 0 : i32
      %dma_start3A_797 = arith.constant 0 : i32
      %dma_start3A_798 = tpu.memref_slice %arg4[%dma_start3A_796, %dma_start3A_797] : memref<10000x128xf32, #tpu.memory_space<hbm>> -> memref<10000x128xf32, #tpu.memory_space<hbm>>
      tpu.enqueue_indirect_dma source(%dma_start3A_798 : memref<10000x128xf32, #tpu.memory_space<hbm>>) target(%arg29 : memref<40x128xf32, #tpu.memory_space<vmem>>) offsets(%dma_start3A_795 : memref<40xi32, #tpu.memory_space<vmem>>) semaphore(%arg44 : memref<!tpu.dma_semaphore, #tpu.memory_space<semaphore_mem>>)
      %dma_start3A_799 = arith.constant 80 : i32
      %dma_start3A_800 = tpu.memref_slice %arg7[%dma_start3A_799] : memref<160xi32, #tpu.memory_space<vmem>> -> memref<40xi32, #tpu.memory_space<vmem>>
      %dma_start3A_801 = arith.constant 0 : i32
      %dma_start3A_802 = arith.constant 0 : i32
      %dma_start3A_803 = tpu.memref_slice %arg4[%dma_start3A_801, %dma_start3A_802] : memref<10000x128xf32, #tpu.memory_space<hbm>> -> memref<10000x128xf32, #tpu.memory_space<hbm>>
      tpu.enqueue_indirect_dma source(%dma_start3A_803 : memref<10000x128xf32, #tpu.memory_space<hbm>>) target(%arg30 : memref<40x128xf32, #tpu.memory_space<vmem>>) offsets(%dma_start3A_800 : memref<40xi32, #tpu.memory_space<vmem>>) semaphore(%arg45 : memref<!tpu.dma_semaphore, #tpu.memory_space<semaphore_mem>>)
      %dma_start3A_804 = arith.constant 120 : i32
      %dma_start3A_805 = tpu.memref_slice %arg7[%dma_start3A_804] : memref<160xi32, #tpu.memory_space<vmem>> -> memref<40xi32, #tpu.memory_space<vmem>>
      %dma_start3A_806 = arith.constant 0 : i32
      %dma_start3A_807 = arith.constant 0 : i32
      %dma_start3A_808 = tpu.memref_slice %arg4[%dma_start3A_806, %dma_start3A_807] : memref<10000x128xf32, #tpu.memory_space<hbm>> -> memref<10000x128xf32, #tpu.memory_space<hbm>>
      tpu.enqueue_indirect_dma source(%dma_start3A_808 : memref<10000x128xf32, #tpu.memory_space<hbm>>) target(%arg31 : memref<40x128xf32, #tpu.memory_space<vmem>>) offsets(%dma_start3A_805 : memref<40xi32, #tpu.memory_space<vmem>>) semaphore(%arg46 : memref<!tpu.dma_semaphore, #tpu.memory_space<semaphore_mem>>)
      %dma_wait3A_809 = arith.constant 0 : i32
      %dma_wait3A_810 = tpu.memref_slice %arg7[%dma_wait3A_809] : memref<160xi32, #tpu.memory_space<vmem>> -> memref<40xi32, #tpu.memory_space<vmem>>
      %dma_wait3A_811 = arith.constant 0 : i32
      %dma_wait3A_812 = arith.constant 0 : i32
      %dma_wait3A_813 = tpu.memref_slice %arg4[%dma_wait3A_811, %dma_wait3A_812] : memref<10000x128xf32, #tpu.memory_space<hbm>> -> memref<10000x128xf32, #tpu.memory_space<hbm>>
      tpu.wait_indirect_dma semaphore(%arg43 : memref<!tpu.dma_semaphore, #tpu.memory_space<semaphore_mem>>) src(%dma_wait3A_813 : memref<10000x128xf32, #tpu.memory_space<hbm>>) dst(%arg28 : memref<40x128xf32, #tpu.memory_space<vmem>>)
      %dma_start3A_814 = arith.constant 0 : i32
      %dma_start3A_815 = arith.constant 0 : i32
      %dma_start3A_816 = tpu.memref_slice %arg32[%dma_start3A_814, %dma_start3A_815] : memref<10000x128xf32, #tpu.memory_space<vmem_shared>> -> memref<10000x128xf32, #tpu.memory_space<vmem_shared>>
      tpu.enqueue_indirect_dma source(%arg28 : memref<40x128xf32, #tpu.memory_space<vmem>>) target(%dma_start3A_816 : memref<10000x128xf32, #tpu.memory_space<vmem_shared>>) offsets(%arg12 : memref<40xi32, #tpu.memory_space<vmem>>) semaphore(%arg51 : memref<!tpu.dma_semaphore, #tpu.memory_space<semaphore_mem>>) {add = true}
      %dma_wait3A_817 = arith.constant 40 : i32
      %dma_wait3A_818 = tpu.memref_slice %arg7[%dma_wait3A_817] : memref<160xi32, #tpu.memory_space<vmem>> -> memref<40xi32, #tpu.memory_space<vmem>>
      %dma_wait3A_819 = arith.constant 0 : i32
      %dma_wait3A_820 = arith.constant 0 : i32
      %dma_wait3A_821 = tpu.memref_slice %arg4[%dma_wait3A_819, %dma_wait3A_820] : memref<10000x128xf32, #tpu.memory_space<hbm>> -> memref<10000x128xf32, #tpu.memory_space<hbm>>
      tpu.wait_indirect_dma semaphore(%arg44 : memref<!tpu.dma_semaphore, #tpu.memory_space<semaphore_mem>>) src(%dma_wait3A_821 : memref<10000x128xf32, #tpu.memory_space<hbm>>) dst(%arg29 : memref<40x128xf32, #tpu.memory_space<vmem>>)
      %dma_start3A_822 = arith.constant 0 : i32
      %dma_start3A_823 = arith.constant 0 : i32
      %dma_start3A_824 = tpu.memref_slice %arg32[%dma_start3A_822, %dma_start3A_823] : memref<10000x128xf32, #tpu.memory_space<vmem_shared>> -> memref<10000x128xf32, #tpu.memory_space<vmem_shared>>
      tpu.enqueue_indirect_dma source(%arg29 : memref<40x128xf32, #tpu.memory_space<vmem>>) target(%dma_start3A_824 : memref<10000x128xf32, #tpu.memory_space<vmem_shared>>) offsets(%arg13 : memref<40xi32, #tpu.memory_space<vmem>>) semaphore(%arg52 : memref<!tpu.dma_semaphore, #tpu.memory_space<semaphore_mem>>) {add = true}
      %dma_wait3A_825 = arith.constant 80 : i32
      %dma_wait3A_826 = tpu.memref_slice %arg7[%dma_wait3A_825] : memref<160xi32, #tpu.memory_space<vmem>> -> memref<40xi32, #tpu.memory_space<vmem>>
      %dma_wait3A_827 = arith.constant 0 : i32
      %dma_wait3A_828 = arith.constant 0 : i32
      %dma_wait3A_829 = tpu.memref_slice %arg4[%dma_wait3A_827, %dma_wait3A_828] : memref<10000x128xf32, #tpu.memory_space<hbm>> -> memref<10000x128xf32, #tpu.memory_space<hbm>>
      tpu.wait_indirect_dma semaphore(%arg45 : memref<!tpu.dma_semaphore, #tpu.memory_space<semaphore_mem>>) src(%dma_wait3A_829 : memref<10000x128xf32, #tpu.memory_space<hbm>>) dst(%arg30 : memref<40x128xf32, #tpu.memory_space<vmem>>)
      %dma_start3A_830 = arith.constant 0 : i32
      %dma_start3A_831 = arith.constant 0 : i32
      %dma_start3A_832 = tpu.memref_slice %arg32[%dma_start3A_830, %dma_start3A_831] : memref<10000x128xf32, #tpu.memory_space<vmem_shared>> -> memref<10000x128xf32, #tpu.memory_space<vmem_shared>>
      tpu.enqueue_indirect_dma source(%arg30 : memref<40x128xf32, #tpu.memory_space<vmem>>) target(%dma_start3A_832 : memref<10000x128xf32, #tpu.memory_space<vmem_shared>>) offsets(%arg14 : memref<40xi32, #tpu.memory_space<vmem>>) semaphore(%arg53 : memref<!tpu.dma_semaphore, #tpu.memory_space<semaphore_mem>>) {add = true}
      %dma_wait3A_833 = arith.constant 120 : i32
      %dma_wait3A_834 = tpu.memref_slice %arg7[%dma_wait3A_833] : memref<160xi32, #tpu.memory_space<vmem>> -> memref<40xi32, #tpu.memory_space<vmem>>
      %dma_wait3A_835 = arith.constant 0 : i32
      %dma_wait3A_836 = arith.constant 0 : i32
      %dma_wait3A_837 = tpu.memref_slice %arg4[%dma_wait3A_835, %dma_wait3A_836] : memref<10000x128xf32, #tpu.memory_space<hbm>> -> memref<10000x128xf32, #tpu.memory_space<hbm>>
      tpu.wait_indirect_dma semaphore(%arg46 : memref<!tpu.dma_semaphore, #tpu.memory_space<semaphore_mem>>) src(%dma_wait3A_837 : memref<10000x128xf32, #tpu.memory_space<hbm>>) dst(%arg31 : memref<40x128xf32, #tpu.memory_space<vmem>>)
      %dma_start3A_838 = arith.constant 0 : i32
      %dma_start3A_839 = arith.constant 0 : i32
      %dma_start3A_840 = tpu.memref_slice %arg32[%dma_start3A_838, %dma_start3A_839] : memref<10000x128xf32, #tpu.memory_space<vmem_shared>> -> memref<10000x128xf32, #tpu.memory_space<vmem_shared>>
      tpu.enqueue_indirect_dma source(%arg31 : memref<40x128xf32, #tpu.memory_space<vmem>>) target(%dma_start3A_840 : memref<10000x128xf32, #tpu.memory_space<vmem_shared>>) offsets(%arg15 : memref<40xi32, #tpu.memory_space<vmem>>) semaphore(%arg54 : memref<!tpu.dma_semaphore, #tpu.memory_space<semaphore_mem>>) {add = true}
      %mul3A_841 = arith.constant 4 : i32
      %mul3A_842 = arith.muli %mul3A_841, %scan3A_599 : i32
      %add3A_843 = arith.constant 2 : i32
      %add3A_844 = arith.addi %mul3A_842, %add3A_843 : i32
      %add3A_845 = arith.constant 1 : i32
      %add3A_846 = arith.addi %add3A_844, %add3A_845 : i32
      %mul3A_847 = arith.constant 160 : i32
      %mul3A_848 = arith.muli %add3A_846, %mul3A_847 : i32
      %add3A_849 = arith.addi %mul3A_2, %mul3A_848 : i32
      %multiple_of3A_850 = tpu.assume_multiple %add3A_849, 8 : i32
      %dma_start3A_851 = tpu.memref_slice %arg2[%multiple_of3A_850] : memref<320000xi32, #tpu.memory_space<hbm>> -> memref<160xi32, #tpu.memory_space<hbm>>
      %dma_start3A_852 = tpu.memref_slice %arg2[%multiple_of3A_850] : memref<320000xi32, #tpu.memory_space<hbm>> -> memref<160xi32, #tpu.memory_space<hbm>>
      tpu.enqueue_dma source(%dma_start3A_852 : memref<160xi32, #tpu.memory_space<hbm>>) target(%arg7 : memref<160xi32, #tpu.memory_space<vmem>>) target_semaphore(%arg34 : memref<!tpu.dma_semaphore, #tpu.memory_space<semaphore_mem>>)
      %mul3A_853 = arith.constant 160 : i32
      %mul3A_854 = arith.muli %add3A_846, %mul3A_853 : i32
      %add3A_855 = arith.addi %mul3A_2, %mul3A_854 : i32
      %add3A_856 = arith.constant 0 : i32
      %add3A_857 = arith.addi %add3A_855, %add3A_856 : i32
      %multiple_of3A_858 = tpu.assume_multiple %add3A_857, 8 : i32
      %dma_start3A_859 = tpu.memref_slice %arg3[%multiple_of3A_858] : memref<320000xi32, #tpu.memory_space<hbm>> -> memref<40xi32, #tpu.memory_space<hbm>>
      %dma_start3A_860 = tpu.memref_slice %arg3[%multiple_of3A_858] : memref<320000xi32, #tpu.memory_space<hbm>> -> memref<40xi32, #tpu.memory_space<hbm>>
      tpu.enqueue_dma source(%dma_start3A_860 : memref<40xi32, #tpu.memory_space<hbm>>) target(%arg20 : memref<40xi32, #tpu.memory_space<vmem>>) target_semaphore(%arg38 : memref<!tpu.dma_semaphore, #tpu.memory_space<semaphore_mem>>)
      %mul3A_861 = arith.constant 160 : i32
      %mul3A_862 = arith.muli %add3A_846, %mul3A_861 : i32
      %add3A_863 = arith.addi %mul3A_2, %mul3A_862 : i32
      %add3A_864 = arith.constant 40 : i32
      %add3A_865 = arith.addi %add3A_863, %add3A_864 : i32
      %multiple_of3A_866 = tpu.assume_multiple %add3A_865, 8 : i32
      %dma_start3A_867 = tpu.memref_slice %arg3[%multiple_of3A_866] : memref<320000xi32, #tpu.memory_space<hbm>> -> memref<40xi32, #tpu.memory_space<hbm>>
      %dma_start3A_868 = tpu.memref_slice %arg3[%multiple_of3A_866] : memref<320000xi32, #tpu.memory_space<hbm>> -> memref<40xi32, #tpu.memory_space<hbm>>
      tpu.enqueue_dma source(%dma_start3A_868 : memref<40xi32, #tpu.memory_space<hbm>>) target(%arg21 : memref<40xi32, #tpu.memory_space<vmem>>) target_semaphore(%arg38 : memref<!tpu.dma_semaphore, #tpu.memory_space<semaphore_mem>>)
      %mul3A_869 = arith.constant 160 : i32
      %mul3A_870 = arith.muli %add3A_846, %mul3A_869 : i32
      %add3A_871 = arith.addi %mul3A_2, %mul3A_870 : i32
      %add3A_872 = arith.constant 80 : i32
      %add3A_873 = arith.addi %add3A_871, %add3A_872 : i32
      %multiple_of3A_874 = tpu.assume_multiple %add3A_873, 8 : i32
      %dma_start3A_875 = tpu.memref_slice %arg3[%multiple_of3A_874] : memref<320000xi32, #tpu.memory_space<hbm>> -> memref<40xi32, #tpu.memory_space<hbm>>
      %dma_start3A_876 = tpu.memref_slice %arg3[%multiple_of3A_874] : memref<320000xi32, #tpu.memory_space<hbm>> -> memref<40xi32, #tpu.memory_space<hbm>>
      tpu.enqueue_dma source(%dma_start3A_876 : memref<40xi32, #tpu.memory_space<hbm>>) target(%arg22 : memref<40xi32, #tpu.memory_space<vmem>>) target_semaphore(%arg38 : memref<!tpu.dma_semaphore, #tpu.memory_space<semaphore_mem>>)
      %mul3A_877 = arith.constant 160 : i32
      %mul3A_878 = arith.muli %add3A_846, %mul3A_877 : i32
      %add3A_879 = arith.addi %mul3A_2, %mul3A_878 : i32
      %add3A_880 = arith.constant 120 : i32
      %add3A_881 = arith.addi %add3A_879, %add3A_880 : i32
      %multiple_of3A_882 = tpu.assume_multiple %add3A_881, 8 : i32
      %dma_start3A_883 = tpu.memref_slice %arg3[%multiple_of3A_882] : memref<320000xi32, #tpu.memory_space<hbm>> -> memref<40xi32, #tpu.memory_space<hbm>>
      %dma_start3A_884 = tpu.memref_slice %arg3[%multiple_of3A_882] : memref<320000xi32, #tpu.memory_space<hbm>> -> memref<40xi32, #tpu.memory_space<hbm>>
      tpu.enqueue_dma source(%dma_start3A_884 : memref<40xi32, #tpu.memory_space<hbm>>) target(%arg23 : memref<40xi32, #tpu.memory_space<vmem>>) target_semaphore(%arg38 : memref<!tpu.dma_semaphore, #tpu.memory_space<semaphore_mem>>)
      %dma_wait3A_885 = arith.constant 0 : i32
      %dma_wait3A_886 = tpu.memref_slice %arg2[%dma_wait3A_885] : memref<320000xi32, #tpu.memory_space<hbm>> -> memref<160xi32, #tpu.memory_space<hbm>>
      %dma_wait3A_887 = arith.constant 0 : i32
      %dma_wait3A_888 = tpu.memref_slice %arg2[%dma_wait3A_887] : memref<320000xi32, #tpu.memory_space<hbm>> -> memref<160xi32, #tpu.memory_space<hbm>>
      tpu.wait_dma2 semaphore(%arg33 : memref<!tpu.dma_semaphore, #tpu.memory_space<semaphore_mem>>) src(%dma_wait3A_888 : memref<160xi32, #tpu.memory_space<hbm>>) dst(%arg6 : memref<160xi32, #tpu.memory_space<vmem>>)
      %dma_wait3A_889 = arith.constant 0 : i32
      %dma_wait3A_890 = tpu.memref_slice %arg3[%dma_wait3A_889] : memref<320000xi32, #tpu.memory_space<hbm>> -> memref<40xi32, #tpu.memory_space<hbm>>
      %dma_wait3A_891 = arith.constant 0 : i32
      %dma_wait3A_892 = tpu.memref_slice %arg3[%dma_wait3A_891] : memref<320000xi32, #tpu.memory_space<hbm>> -> memref<40xi32, #tpu.memory_space<hbm>>
      tpu.wait_dma2 semaphore(%arg37 : memref<!tpu.dma_semaphore, #tpu.memory_space<semaphore_mem>>) src(%dma_wait3A_892 : memref<40xi32, #tpu.memory_space<hbm>>) dst(%arg16 : memref<40xi32, #tpu.memory_space<vmem>>)
      %dma_wait3A_893 = arith.constant 0 : i32
      %dma_wait3A_894 = tpu.memref_slice %arg3[%dma_wait3A_893] : memref<320000xi32, #tpu.memory_space<hbm>> -> memref<40xi32, #tpu.memory_space<hbm>>
      %dma_wait3A_895 = arith.constant 0 : i32
      %dma_wait3A_896 = tpu.memref_slice %arg3[%dma_wait3A_895] : memref<320000xi32, #tpu.memory_space<hbm>> -> memref<40xi32, #tpu.memory_space<hbm>>
      tpu.wait_dma2 semaphore(%arg37 : memref<!tpu.dma_semaphore, #tpu.memory_space<semaphore_mem>>) src(%dma_wait3A_896 : memref<40xi32, #tpu.memory_space<hbm>>) dst(%arg17 : memref<40xi32, #tpu.memory_space<vmem>>)
      %dma_wait3A_897 = arith.constant 0 : i32
      %dma_wait3A_898 = tpu.memref_slice %arg3[%dma_wait3A_897] : memref<320000xi32, #tpu.memory_space<hbm>> -> memref<40xi32, #tpu.memory_space<hbm>>
      %dma_wait3A_899 = arith.constant 0 : i32
      %dma_wait3A_900 = tpu.memref_slice %arg3[%dma_wait3A_899] : memref<320000xi32, #tpu.memory_space<hbm>> -> memref<40xi32, #tpu.memory_space<hbm>>
      tpu.wait_dma2 semaphore(%arg37 : memref<!tpu.dma_semaphore, #tpu.memory_space<semaphore_mem>>) src(%dma_wait3A_900 : memref<40xi32, #tpu.memory_space<hbm>>) dst(%arg18 : memref<40xi32, #tpu.memory_space<vmem>>)
      %dma_wait3A_901 = arith.constant 0 : i32
      %dma_wait3A_902 = tpu.memref_slice %arg3[%dma_wait3A_901] : memref<320000xi32, #tpu.memory_space<hbm>> -> memref<40xi32, #tpu.memory_space<hbm>>
      %dma_wait3A_903 = arith.constant 0 : i32
      %dma_wait3A_904 = tpu.memref_slice %arg3[%dma_wait3A_903] : memref<320000xi32, #tpu.memory_space<hbm>> -> memref<40xi32, #tpu.memory_space<hbm>>
      tpu.wait_dma2 semaphore(%arg37 : memref<!tpu.dma_semaphore, #tpu.memory_space<semaphore_mem>>) src(%dma_wait3A_904 : memref<40xi32, #tpu.memory_space<hbm>>) dst(%arg19 : memref<40xi32, #tpu.memory_space<vmem>>)
      %ge3A_905 = arith.constant 2 : i32
      %ge3A_906 = arith.cmpi sge, %add3A_844, %ge3A_905 : i32
      %convert_element_type3A_907 = arith.extui %ge3A_906 : i1 to i32
      %cond3A_908 = arith.constant 0 : i32
      %cond3A_909 = arith.cmpi ne, %convert_element_type3A_907, %cond3A_908 : i32
      scf.if %cond3A_909 {
        %dma_wait3A_1083 = arith.constant 0 : i32
        %dma_wait3A_1084 = tpu.memref_slice %arg6[%dma_wait3A_1083] : memref<160xi32, #tpu.memory_space<vmem>> -> memref<40xi32, #tpu.memory_space<vmem>>
        %dma_wait3A_1085 = arith.constant 0 : i32
        %dma_wait3A_1086 = arith.constant 0 : i32
        %dma_wait3A_1087 = tpu.memref_slice %arg4[%dma_wait3A_1085, %dma_wait3A_1086] : memref<10000x128xf32, #tpu.memory_space<hbm>> -> memref<10000x128xf32, #tpu.memory_space<hbm>>
        tpu.wait_indirect_dma semaphore(%arg47 : memref<!tpu.dma_semaphore, #tpu.memory_space<semaphore_mem>>) src(%dma_wait3A_1087 : memref<10000x128xf32, #tpu.memory_space<hbm>>) dst(%arg24 : memref<40x128xf32, #tpu.memory_space<vmem>>)
        %dma_wait3A_1088 = arith.constant 0 : i32
        %dma_wait3A_1089 = tpu.memref_slice %arg6[%dma_wait3A_1088] : memref<160xi32, #tpu.memory_space<vmem>> -> memref<40xi32, #tpu.memory_space<vmem>>
        %dma_wait3A_1090 = arith.constant 0 : i32
        %dma_wait3A_1091 = arith.constant 0 : i32
        %dma_wait3A_1092 = tpu.memref_slice %arg4[%dma_wait3A_1090, %dma_wait3A_1091] : memref<10000x128xf32, #tpu.memory_space<hbm>> -> memref<10000x128xf32, #tpu.memory_space<hbm>>
        tpu.wait_indirect_dma semaphore(%arg48 : memref<!tpu.dma_semaphore, #tpu.memory_space<semaphore_mem>>) src(%dma_wait3A_1092 : memref<10000x128xf32, #tpu.memory_space<hbm>>) dst(%arg25 : memref<40x128xf32, #tpu.memory_space<vmem>>)
        %dma_wait3A_1093 = arith.constant 0 : i32
        %dma_wait3A_1094 = tpu.memref_slice %arg6[%dma_wait3A_1093] : memref<160xi32, #tpu.memory_space<vmem>> -> memref<40xi32, #tpu.memory_space<vmem>>
        %dma_wait3A_1095 = arith.constant 0 : i32
        %dma_wait3A_1096 = arith.constant 0 : i32
        %dma_wait3A_1097 = tpu.memref_slice %arg4[%dma_wait3A_1095, %dma_wait3A_1096] : memref<10000x128xf32, #tpu.memory_space<hbm>> -> memref<10000x128xf32, #tpu.memory_space<hbm>>
        tpu.wait_indirect_dma semaphore(%arg49 : memref<!tpu.dma_semaphore, #tpu.memory_space<semaphore_mem>>) src(%dma_wait3A_1097 : memref<10000x128xf32, #tpu.memory_space<hbm>>) dst(%arg26 : memref<40x128xf32, #tpu.memory_space<vmem>>)
        %dma_wait3A_1098 = arith.constant 0 : i32
        %dma_wait3A_1099 = tpu.memref_slice %arg6[%dma_wait3A_1098] : memref<160xi32, #tpu.memory_space<vmem>> -> memref<40xi32, #tpu.memory_space<vmem>>
        %dma_wait3A_1100 = arith.constant 0 : i32
        %dma_wait3A_1101 = arith.constant 0 : i32
        %dma_wait3A_1102 = tpu.memref_slice %arg4[%dma_wait3A_1100, %dma_wait3A_1101] : memref<10000x128xf32, #tpu.memory_space<hbm>> -> memref<10000x128xf32, #tpu.memory_space<hbm>>
        tpu.wait_indirect_dma semaphore(%arg50 : memref<!tpu.dma_semaphore, #tpu.memory_space<semaphore_mem>>) src(%dma_wait3A_1102 : memref<10000x128xf32, #tpu.memory_space<hbm>>) dst(%arg27 : memref<40x128xf32, #tpu.memory_space<vmem>>)
      } else {
      }
      %dma_start3A_910 = arith.constant 0 : i32
      %dma_start3A_911 = tpu.memref_slice %arg6[%dma_start3A_910] : memref<160xi32, #tpu.memory_space<vmem>> -> memref<40xi32, #tpu.memory_space<vmem>>
      %dma_start3A_912 = arith.constant 0 : i32
      %dma_start3A_913 = arith.constant 0 : i32
      %dma_start3A_914 = tpu.memref_slice %arg4[%dma_start3A_912, %dma_start3A_913] : memref<10000x128xf32, #tpu.memory_space<hbm>> -> memref<10000x128xf32, #tpu.memory_space<hbm>>
      tpu.enqueue_indirect_dma source(%dma_start3A_914 : memref<10000x128xf32, #tpu.memory_space<hbm>>) target(%arg24 : memref<40x128xf32, #tpu.memory_space<vmem>>) offsets(%dma_start3A_911 : memref<40xi32, #tpu.memory_space<vmem>>) semaphore(%arg39 : memref<!tpu.dma_semaphore, #tpu.memory_space<semaphore_mem>>)
      %dma_start3A_915 = arith.constant 40 : i32
      %dma_start3A_916 = tpu.memref_slice %arg6[%dma_start3A_915] : memref<160xi32, #tpu.memory_space<vmem>> -> memref<40xi32, #tpu.memory_space<vmem>>
      %dma_start3A_917 = arith.constant 0 : i32
      %dma_start3A_918 = arith.constant 0 : i32
      %dma_start3A_919 = tpu.memref_slice %arg4[%dma_start3A_917, %dma_start3A_918] : memref<10000x128xf32, #tpu.memory_space<hbm>> -> memref<10000x128xf32, #tpu.memory_space<hbm>>
      tpu.enqueue_indirect_dma source(%dma_start3A_919 : memref<10000x128xf32, #tpu.memory_space<hbm>>) target(%arg25 : memref<40x128xf32, #tpu.memory_space<vmem>>) offsets(%dma_start3A_916 : memref<40xi32, #tpu.memory_space<vmem>>) semaphore(%arg40 : memref<!tpu.dma_semaphore, #tpu.memory_space<semaphore_mem>>)
      %dma_start3A_920 = arith.constant 80 : i32
      %dma_start3A_921 = tpu.memref_slice %arg6[%dma_start3A_920] : memref<160xi32, #tpu.memory_space<vmem>> -> memref<40xi32, #tpu.memory_space<vmem>>
      %dma_start3A_922 = arith.constant 0 : i32
      %dma_start3A_923 = arith.constant 0 : i32
      %dma_start3A_924 = tpu.memref_slice %arg4[%dma_start3A_922, %dma_start3A_923] : memref<10000x128xf32, #tpu.memory_space<hbm>> -> memref<10000x128xf32, #tpu.memory_space<hbm>>
      tpu.enqueue_indirect_dma source(%dma_start3A_924 : memref<10000x128xf32, #tpu.memory_space<hbm>>) target(%arg26 : memref<40x128xf32, #tpu.memory_space<vmem>>) offsets(%dma_start3A_921 : memref<40xi32, #tpu.memory_space<vmem>>) semaphore(%arg41 : memref<!tpu.dma_semaphore, #tpu.memory_space<semaphore_mem>>)
      %dma_start3A_925 = arith.constant 120 : i32
      %dma_start3A_926 = tpu.memref_slice %arg6[%dma_start3A_925] : memref<160xi32, #tpu.memory_space<vmem>> -> memref<40xi32, #tpu.memory_space<vmem>>
      %dma_start3A_927 = arith.constant 0 : i32
      %dma_start3A_928 = arith.constant 0 : i32
      %dma_start3A_929 = tpu.memref_slice %arg4[%dma_start3A_927, %dma_start3A_928] : memref<10000x128xf32, #tpu.memory_space<hbm>> -> memref<10000x128xf32, #tpu.memory_space<hbm>>
      tpu.enqueue_indirect_dma source(%dma_start3A_929 : memref<10000x128xf32, #tpu.memory_space<hbm>>) target(%arg27 : memref<40x128xf32, #tpu.memory_space<vmem>>) offsets(%dma_start3A_926 : memref<40xi32, #tpu.memory_space<vmem>>) semaphore(%arg42 : memref<!tpu.dma_semaphore, #tpu.memory_space<semaphore_mem>>)
      %dma_wait3A_930 = arith.constant 0 : i32
      %dma_wait3A_931 = tpu.memref_slice %arg6[%dma_wait3A_930] : memref<160xi32, #tpu.memory_space<vmem>> -> memref<40xi32, #tpu.memory_space<vmem>>
      %dma_wait3A_932 = arith.constant 0 : i32
      %dma_wait3A_933 = arith.constant 0 : i32
      %dma_wait3A_934 = tpu.memref_slice %arg4[%dma_wait3A_932, %dma_wait3A_933] : memref<10000x128xf32, #tpu.memory_space<hbm>> -> memref<10000x128xf32, #tpu.memory_space<hbm>>
      tpu.wait_indirect_dma semaphore(%arg39 : memref<!tpu.dma_semaphore, #tpu.memory_space<semaphore_mem>>) src(%dma_wait3A_934 : memref<10000x128xf32, #tpu.memory_space<hbm>>) dst(%arg24 : memref<40x128xf32, #tpu.memory_space<vmem>>)
      %dma_start3A_935 = arith.constant 0 : i32
      %dma_start3A_936 = arith.constant 0 : i32
      %dma_start3A_937 = tpu.memref_slice %arg32[%dma_start3A_935, %dma_start3A_936] : memref<10000x128xf32, #tpu.memory_space<vmem_shared>> -> memref<10000x128xf32, #tpu.memory_space<vmem_shared>>
      tpu.enqueue_indirect_dma source(%arg24 : memref<40x128xf32, #tpu.memory_space<vmem>>) target(%dma_start3A_937 : memref<10000x128xf32, #tpu.memory_space<vmem_shared>>) offsets(%arg16 : memref<40xi32, #tpu.memory_space<vmem>>) semaphore(%arg47 : memref<!tpu.dma_semaphore, #tpu.memory_space<semaphore_mem>>) {add = true}
      %dma_wait3A_938 = arith.constant 40 : i32
      %dma_wait3A_939 = tpu.memref_slice %arg6[%dma_wait3A_938] : memref<160xi32, #tpu.memory_space<vmem>> -> memref<40xi32, #tpu.memory_space<vmem>>
      %dma_wait3A_940 = arith.constant 0 : i32
      %dma_wait3A_941 = arith.constant 0 : i32
      %dma_wait3A_942 = tpu.memref_slice %arg4[%dma_wait3A_940, %dma_wait3A_941] : memref<10000x128xf32, #tpu.memory_space<hbm>> -> memref<10000x128xf32, #tpu.memory_space<hbm>>
      tpu.wait_indirect_dma semaphore(%arg40 : memref<!tpu.dma_semaphore, #tpu.memory_space<semaphore_mem>>) src(%dma_wait3A_942 : memref<10000x128xf32, #tpu.memory_space<hbm>>) dst(%arg25 : memref<40x128xf32, #tpu.memory_space<vmem>>)
      %dma_start3A_943 = arith.constant 0 : i32
      %dma_start3A_944 = arith.constant 0 : i32
      %dma_start3A_945 = tpu.memref_slice %arg32[%dma_start3A_943, %dma_start3A_944] : memref<10000x128xf32, #tpu.memory_space<vmem_shared>> -> memref<10000x128xf32, #tpu.memory_space<vmem_shared>>
      tpu.enqueue_indirect_dma source(%arg25 : memref<40x128xf32, #tpu.memory_space<vmem>>) target(%dma_start3A_945 : memref<10000x128xf32, #tpu.memory_space<vmem_shared>>) offsets(%arg17 : memref<40xi32, #tpu.memory_space<vmem>>) semaphore(%arg48 : memref<!tpu.dma_semaphore, #tpu.memory_space<semaphore_mem>>) {add = true}
      %dma_wait3A_946 = arith.constant 80 : i32
      %dma_wait3A_947 = tpu.memref_slice %arg6[%dma_wait3A_946] : memref<160xi32, #tpu.memory_space<vmem>> -> memref<40xi32, #tpu.memory_space<vmem>>
      %dma_wait3A_948 = arith.constant 0 : i32
      %dma_wait3A_949 = arith.constant 0 : i32
      %dma_wait3A_950 = tpu.memref_slice %arg4[%dma_wait3A_948, %dma_wait3A_949] : memref<10000x128xf32, #tpu.memory_space<hbm>> -> memref<10000x128xf32, #tpu.memory_space<hbm>>
      tpu.wait_indirect_dma semaphore(%arg41 : memref<!tpu.dma_semaphore, #tpu.memory_space<semaphore_mem>>) src(%dma_wait3A_950 : memref<10000x128xf32, #tpu.memory_space<hbm>>) dst(%arg26 : memref<40x128xf32, #tpu.memory_space<vmem>>)
      %dma_start3A_951 = arith.constant 0 : i32
      %dma_start3A_952 = arith.constant 0 : i32
      %dma_start3A_953 = tpu.memref_slice %arg32[%dma_start3A_951, %dma_start3A_952] : memref<10000x128xf32, #tpu.memory_space<vmem_shared>> -> memref<10000x128xf32, #tpu.memory_space<vmem_shared>>
      tpu.enqueue_indirect_dma source(%arg26 : memref<40x128xf32, #tpu.memory_space<vmem>>) target(%dma_start3A_953 : memref<10000x128xf32, #tpu.memory_space<vmem_shared>>) offsets(%arg18 : memref<40xi32, #tpu.memory_space<vmem>>) semaphore(%arg49 : memref<!tpu.dma_semaphore, #tpu.memory_space<semaphore_mem>>) {add = true}
      %dma_wait3A_954 = arith.constant 120 : i32
      %dma_wait3A_955 = tpu.memref_slice %arg6[%dma_wait3A_954] : memref<160xi32, #tpu.memory_space<vmem>> -> memref<40xi32, #tpu.memory_space<vmem>>
      %dma_wait3A_956 = arith.constant 0 : i32
      %dma_wait3A_957 = arith.constant 0 : i32
      %dma_wait3A_958 = tpu.memref_slice %arg4[%dma_wait3A_956, %dma_wait3A_957] : memref<10000x128xf32, #tpu.memory_space<hbm>> -> memref<10000x128xf32, #tpu.memory_space<hbm>>
      tpu.wait_indirect_dma semaphore(%arg42 : memref<!tpu.dma_semaphore, #tpu.memory_space<semaphore_mem>>) src(%dma_wait3A_958 : memref<10000x128xf32, #tpu.memory_space<hbm>>) dst(%arg27 : memref<40x128xf32, #tpu.memory_space<vmem>>)
      %dma_start3A_959 = arith.constant 0 : i32
      %dma_start3A_960 = arith.constant 0 : i32
      %dma_start3A_961 = tpu.memref_slice %arg32[%dma_start3A_959, %dma_start3A_960] : memref<10000x128xf32, #tpu.memory_space<vmem_shared>> -> memref<10000x128xf32, #tpu.memory_space<vmem_shared>>
      tpu.enqueue_indirect_dma source(%arg27 : memref<40x128xf32, #tpu.memory_space<vmem>>) target(%dma_start3A_961 : memref<10000x128xf32, #tpu.memory_space<vmem_shared>>) offsets(%arg19 : memref<40xi32, #tpu.memory_space<vmem>>) semaphore(%arg50 : memref<!tpu.dma_semaphore, #tpu.memory_space<semaphore_mem>>) {add = true}
      %mul3A_962 = arith.constant 4 : i32
      %mul3A_963 = arith.muli %mul3A_962, %scan3A_599 : i32
      %add3A_964 = arith.constant 3 : i32
      %add3A_965 = arith.addi %mul3A_963, %add3A_964 : i32
      %add3A_966 = arith.constant 1 : i32
      %add3A_967 = arith.addi %add3A_965, %add3A_966 : i32
      %mul3A_968 = arith.constant 160 : i32
      %mul3A_969 = arith.muli %add3A_967, %mul3A_968 : i32
      %add3A_970 = arith.addi %mul3A_2, %mul3A_969 : i32
      %multiple_of3A_971 = tpu.assume_multiple %add3A_970, 8 : i32
      %dma_start3A_972 = tpu.memref_slice %arg2[%multiple_of3A_971] : memref<320000xi32, #tpu.memory_space<hbm>> -> memref<160xi32, #tpu.memory_space<hbm>>
      %dma_start3A_973 = tpu.memref_slice %arg2[%multiple_of3A_971] : memref<320000xi32, #tpu.memory_space<hbm>> -> memref<160xi32, #tpu.memory_space<hbm>>
      tpu.enqueue_dma source(%dma_start3A_973 : memref<160xi32, #tpu.memory_space<hbm>>) target(%arg6 : memref<160xi32, #tpu.memory_space<vmem>>) target_semaphore(%arg33 : memref<!tpu.dma_semaphore, #tpu.memory_space<semaphore_mem>>)
      %mul3A_974 = arith.constant 160 : i32
      %mul3A_975 = arith.muli %add3A_967, %mul3A_974 : i32
      %add3A_976 = arith.addi %mul3A_2, %mul3A_975 : i32
      %add3A_977 = arith.constant 0 : i32
      %add3A_978 = arith.addi %add3A_976, %add3A_977 : i32
      %multiple_of3A_979 = tpu.assume_multiple %add3A_978, 8 : i32
      %dma_start3A_980 = tpu.memref_slice %arg3[%multiple_of3A_979] : memref<320000xi32, #tpu.memory_space<hbm>> -> memref<40xi32, #tpu.memory_space<hbm>>
      %dma_start3A_981 = tpu.memref_slice %arg3[%multiple_of3A_979] : memref<320000xi32, #tpu.memory_space<hbm>> -> memref<40xi32, #tpu.memory_space<hbm>>
      tpu.enqueue_dma source(%dma_start3A_981 : memref<40xi32, #tpu.memory_space<hbm>>) target(%arg8 : memref<40xi32, #tpu.memory_space<vmem>>) target_semaphore(%arg35 : memref<!tpu.dma_semaphore, #tpu.memory_space<semaphore_mem>>)
      %mul3A_982 = arith.constant 160 : i32
      %mul3A_983 = arith.muli %add3A_967, %mul3A_982 : i32
      %add3A_984 = arith.addi %mul3A_2, %mul3A_983 : i32
      %add3A_985 = arith.constant 40 : i32
      %add3A_986 = arith.addi %add3A_984, %add3A_985 : i32
      %multiple_of3A_987 = tpu.assume_multiple %add3A_986, 8 : i32
      %dma_start3A_988 = tpu.memref_slice %arg3[%multiple_of3A_987] : memref<320000xi32, #tpu.memory_space<hbm>> -> memref<40xi32, #tpu.memory_space<hbm>>
      %dma_start3A_989 = tpu.memref_slice %arg3[%multiple_of3A_987] : memref<320000xi32, #tpu.memory_space<hbm>> -> memref<40xi32, #tpu.memory_space<hbm>>
      tpu.enqueue_dma source(%dma_start3A_989 : memref<40xi32, #tpu.memory_space<hbm>>) target(%arg9 : memref<40xi32, #tpu.memory_space<vmem>>) target_semaphore(%arg35 : memref<!tpu.dma_semaphore, #tpu.memory_space<semaphore_mem>>)
      %mul3A_990 = arith.constant 160 : i32
      %mul3A_991 = arith.muli %add3A_967, %mul3A_990 : i32
      %add3A_992 = arith.addi %mul3A_2, %mul3A_991 : i32
      %add3A_993 = arith.constant 80 : i32
      %add3A_994 = arith.addi %add3A_992, %add3A_993 : i32
      %multiple_of3A_995 = tpu.assume_multiple %add3A_994, 8 : i32
      %dma_start3A_996 = tpu.memref_slice %arg3[%multiple_of3A_995] : memref<320000xi32, #tpu.memory_space<hbm>> -> memref<40xi32, #tpu.memory_space<hbm>>
      %dma_start3A_997 = tpu.memref_slice %arg3[%multiple_of3A_995] : memref<320000xi32, #tpu.memory_space<hbm>> -> memref<40xi32, #tpu.memory_space<hbm>>
      tpu.enqueue_dma source(%dma_start3A_997 : memref<40xi32, #tpu.memory_space<hbm>>) target(%arg10 : memref<40xi32, #tpu.memory_space<vmem>>) target_semaphore(%arg35 : memref<!tpu.dma_semaphore, #tpu.memory_space<semaphore_mem>>)
      %mul3A_998 = arith.constant 160 : i32
      %mul3A_999 = arith.muli %add3A_967, %mul3A_998 : i32
      %add3A_1000 = arith.addi %mul3A_2, %mul3A_999 : i32
      %add3A_1001 = arith.constant 120 : i32
      %add3A_1002 = arith.addi %add3A_1000, %add3A_1001 : i32
      %multiple_of3A_1003 = tpu.assume_multiple %add3A_1002, 8 : i32
      %dma_start3A_1004 = tpu.memref_slice %arg3[%multiple_of3A_1003] : memref<320000xi32, #tpu.memory_space<hbm>> -> memref<40xi32, #tpu.memory_space<hbm>>
      %dma_start3A_1005 = tpu.memref_slice %arg3[%multiple_of3A_1003] : memref<320000xi32, #tpu.memory_space<hbm>> -> memref<40xi32, #tpu.memory_space<hbm>>
      tpu.enqueue_dma source(%dma_start3A_1005 : memref<40xi32, #tpu.memory_space<hbm>>) target(%arg11 : memref<40xi32, #tpu.memory_space<vmem>>) target_semaphore(%arg35 : memref<!tpu.dma_semaphore, #tpu.memory_space<semaphore_mem>>)
      %dma_wait3A_1006 = arith.constant 0 : i32
      %dma_wait3A_1007 = tpu.memref_slice %arg2[%dma_wait3A_1006] : memref<320000xi32, #tpu.memory_space<hbm>> -> memref<160xi32, #tpu.memory_space<hbm>>
      %dma_wait3A_1008 = arith.constant 0 : i32
      %dma_wait3A_1009 = tpu.memref_slice %arg2[%dma_wait3A_1008] : memref<320000xi32, #tpu.memory_space<hbm>> -> memref<160xi32, #tpu.memory_space<hbm>>
      tpu.wait_dma2 semaphore(%arg34 : memref<!tpu.dma_semaphore, #tpu.memory_space<semaphore_mem>>) src(%dma_wait3A_1009 : memref<160xi32, #tpu.memory_space<hbm>>) dst(%arg7 : memref<160xi32, #tpu.memory_space<vmem>>)
      %dma_wait3A_1010 = arith.constant 0 : i32
      %dma_wait3A_1011 = tpu.memref_slice %arg3[%dma_wait3A_1010] : memref<320000xi32, #tpu.memory_space<hbm>> -> memref<40xi32, #tpu.memory_space<hbm>>
      %dma_wait3A_1012 = arith.constant 0 : i32
      %dma_wait3A_1013 = tpu.memref_slice %arg3[%dma_wait3A_1012] : memref<320000xi32, #tpu.memory_space<hbm>> -> memref<40xi32, #tpu.memory_space<hbm>>
      tpu.wait_dma2 semaphore(%arg38 : memref<!tpu.dma_semaphore, #tpu.memory_space<semaphore_mem>>) src(%dma_wait3A_1013 : memref<40xi32, #tpu.memory_space<hbm>>) dst(%arg20 : memref<40xi32, #tpu.memory_space<vmem>>)
      %dma_wait3A_1014 = arith.constant 0 : i32
      %dma_wait3A_1015 = tpu.memref_slice %arg3[%dma_wait3A_1014] : memref<320000xi32, #tpu.memory_space<hbm>> -> memref<40xi32, #tpu.memory_space<hbm>>
      %dma_wait3A_1016 = arith.constant 0 : i32
      %dma_wait3A_1017 = tpu.memref_slice %arg3[%dma_wait3A_1016] : memref<320000xi32, #tpu.memory_space<hbm>> -> memref<40xi32, #tpu.memory_space<hbm>>
      tpu.wait_dma2 semaphore(%arg38 : memref<!tpu.dma_semaphore, #tpu.memory_space<semaphore_mem>>) src(%dma_wait3A_1017 : memref<40xi32, #tpu.memory_space<hbm>>) dst(%arg21 : memref<40xi32, #tpu.memory_space<vmem>>)
      %dma_wait3A_1018 = arith.constant 0 : i32
      %dma_wait3A_1019 = tpu.memref_slice %arg3[%dma_wait3A_1018] : memref<320000xi32, #tpu.memory_space<hbm>> -> memref<40xi32, #tpu.memory_space<hbm>>
      %dma_wait3A_1020 = arith.constant 0 : i32
      %dma_wait3A_1021 = tpu.memref_slice %arg3[%dma_wait3A_1020] : memref<320000xi32, #tpu.memory_space<hbm>> -> memref<40xi32, #tpu.memory_space<hbm>>
      tpu.wait_dma2 semaphore(%arg38 : memref<!tpu.dma_semaphore, #tpu.memory_space<semaphore_mem>>) src(%dma_wait3A_1021 : memref<40xi32, #tpu.memory_space<hbm>>) dst(%arg22 : memref<40xi32, #tpu.memory_space<vmem>>)
      %dma_wait3A_1022 = arith.constant 0 : i32
      %dma_wait3A_1023 = tpu.memref_slice %arg3[%dma_wait3A_1022] : memref<320000xi32, #tpu.memory_space<hbm>> -> memref<40xi32, #tpu.memory_space<hbm>>
      %dma_wait3A_1024 = arith.constant 0 : i32
      %dma_wait3A_1025 = tpu.memref_slice %arg3[%dma_wait3A_1024] : memref<320000xi32, #tpu.memory_space<hbm>> -> memref<40xi32, #tpu.memory_space<hbm>>
      tpu.wait_dma2 semaphore(%arg38 : memref<!tpu.dma_semaphore, #tpu.memory_space<semaphore_mem>>) src(%dma_wait3A_1025 : memref<40xi32, #tpu.memory_space<hbm>>) dst(%arg23 : memref<40xi32, #tpu.memory_space<vmem>>)
      %ge3A_1026 = arith.constant 2 : i32
      %ge3A_1027 = arith.cmpi sge, %add3A_965, %ge3A_1026 : i32
      %convert_element_type3A_1028 = arith.extui %ge3A_1027 : i1 to i32
      %cond3A_1029 = arith.constant 0 : i32
      %cond3A_1030 = arith.cmpi ne, %convert_element_type3A_1028, %cond3A_1029 : i32
      scf.if %cond3A_1030 {
        %dma_wait3A_1083 = arith.constant 0 : i32
        %dma_wait3A_1084 = tpu.memref_slice %arg6[%dma_wait3A_1083] : memref<160xi32, #tpu.memory_space<vmem>> -> memref<40xi32, #tpu.memory_space<vmem>>
        %dma_wait3A_1085 = arith.constant 0 : i32
        %dma_wait3A_1086 = arith.constant 0 : i32
        %dma_wait3A_1087 = tpu.memref_slice %arg4[%dma_wait3A_1085, %dma_wait3A_1086] : memref<10000x128xf32, #tpu.memory_space<hbm>> -> memref<10000x128xf32, #tpu.memory_space<hbm>>
        tpu.wait_indirect_dma semaphore(%arg51 : memref<!tpu.dma_semaphore, #tpu.memory_space<semaphore_mem>>) src(%dma_wait3A_1087 : memref<10000x128xf32, #tpu.memory_space<hbm>>) dst(%arg28 : memref<40x128xf32, #tpu.memory_space<vmem>>)
        %dma_wait3A_1088 = arith.constant 0 : i32
        %dma_wait3A_1089 = tpu.memref_slice %arg6[%dma_wait3A_1088] : memref<160xi32, #tpu.memory_space<vmem>> -> memref<40xi32, #tpu.memory_space<vmem>>
        %dma_wait3A_1090 = arith.constant 0 : i32
        %dma_wait3A_1091 = arith.constant 0 : i32
        %dma_wait3A_1092 = tpu.memref_slice %arg4[%dma_wait3A_1090, %dma_wait3A_1091] : memref<10000x128xf32, #tpu.memory_space<hbm>> -> memref<10000x128xf32, #tpu.memory_space<hbm>>
        tpu.wait_indirect_dma semaphore(%arg52 : memref<!tpu.dma_semaphore, #tpu.memory_space<semaphore_mem>>) src(%dma_wait3A_1092 : memref<10000x128xf32, #tpu.memory_space<hbm>>) dst(%arg29 : memref<40x128xf32, #tpu.memory_space<vmem>>)
        %dma_wait3A_1093 = arith.constant 0 : i32
        %dma_wait3A_1094 = tpu.memref_slice %arg6[%dma_wait3A_1093] : memref<160xi32, #tpu.memory_space<vmem>> -> memref<40xi32, #tpu.memory_space<vmem>>
        %dma_wait3A_1095 = arith.constant 0 : i32
        %dma_wait3A_1096 = arith.constant 0 : i32
        %dma_wait3A_1097 = tpu.memref_slice %arg4[%dma_wait3A_1095, %dma_wait3A_1096] : memref<10000x128xf32, #tpu.memory_space<hbm>> -> memref<10000x128xf32, #tpu.memory_space<hbm>>
        tpu.wait_indirect_dma semaphore(%arg53 : memref<!tpu.dma_semaphore, #tpu.memory_space<semaphore_mem>>) src(%dma_wait3A_1097 : memref<10000x128xf32, #tpu.memory_space<hbm>>) dst(%arg30 : memref<40x128xf32, #tpu.memory_space<vmem>>)
        %dma_wait3A_1098 = arith.constant 0 : i32
        %dma_wait3A_1099 = tpu.memref_slice %arg6[%dma_wait3A_1098] : memref<160xi32, #tpu.memory_space<vmem>> -> memref<40xi32, #tpu.memory_space<vmem>>
        %dma_wait3A_1100 = arith.constant 0 : i32
        %dma_wait3A_1101 = arith.constant 0 : i32
        %dma_wait3A_1102 = tpu.memref_slice %arg4[%dma_wait3A_1100, %dma_wait3A_1101] : memref<10000x128xf32, #tpu.memory_space<hbm>> -> memref<10000x128xf32, #tpu.memory_space<hbm>>
        tpu.wait_indirect_dma semaphore(%arg54 : memref<!tpu.dma_semaphore, #tpu.memory_space<semaphore_mem>>) src(%dma_wait3A_1102 : memref<10000x128xf32, #tpu.memory_space<hbm>>) dst(%arg31 : memref<40x128xf32, #tpu.memory_space<vmem>>)
      } else {
      }
      %dma_start3A_1031 = arith.constant 0 : i32
      %dma_start3A_1032 = tpu.memref_slice %arg7[%dma_start3A_1031] : memref<160xi32, #tpu.memory_space<vmem>> -> memref<40xi32, #tpu.memory_space<vmem>>
      %dma_start3A_1033 = arith.constant 0 : i32
      %dma_start3A_1034 = arith.constant 0 : i32
      %dma_start3A_1035 = tpu.memref_slice %arg4[%dma_start3A_1033, %dma_start3A_1034] : memref<10000x128xf32, #tpu.memory_space<hbm>> -> memref<10000x128xf32, #tpu.memory_space<hbm>>
      tpu.enqueue_indirect_dma source(%dma_start3A_1035 : memref<10000x128xf32, #tpu.memory_space<hbm>>) target(%arg28 : memref<40x128xf32, #tpu.memory_space<vmem>>) offsets(%dma_start3A_1032 : memref<40xi32, #tpu.memory_space<vmem>>) semaphore(%arg43 : memref<!tpu.dma_semaphore, #tpu.memory_space<semaphore_mem>>)
      %dma_start3A_1036 = arith.constant 40 : i32
      %dma_start3A_1037 = tpu.memref_slice %arg7[%dma_start3A_1036] : memref<160xi32, #tpu.memory_space<vmem>> -> memref<40xi32, #tpu.memory_space<vmem>>
      %dma_start3A_1038 = arith.constant 0 : i32
      %dma_start3A_1039 = arith.constant 0 : i32
      %dma_start3A_1040 = tpu.memref_slice %arg4[%dma_start3A_1038, %dma_start3A_1039] : memref<10000x128xf32, #tpu.memory_space<hbm>> -> memref<10000x128xf32, #tpu.memory_space<hbm>>
      tpu.enqueue_indirect_dma source(%dma_start3A_1040 : memref<10000x128xf32, #tpu.memory_space<hbm>>) target(%arg29 : memref<40x128xf32, #tpu.memory_space<vmem>>) offsets(%dma_start3A_1037 : memref<40xi32, #tpu.memory_space<vmem>>) semaphore(%arg44 : memref<!tpu.dma_semaphore, #tpu.memory_space<semaphore_mem>>)
      %dma_start3A_1041 = arith.constant 80 : i32
      %dma_start3A_1042 = tpu.memref_slice %arg7[%dma_start3A_1041] : memref<160xi32, #tpu.memory_space<vmem>> -> memref<40xi32, #tpu.memory_space<vmem>>
      %dma_start3A_1043 = arith.constant 0 : i32
      %dma_start3A_1044 = arith.constant 0 : i32
      %dma_start3A_1045 = tpu.memref_slice %arg4[%dma_start3A_1043, %dma_start3A_1044] : memref<10000x128xf32, #tpu.memory_space<hbm>> -> memref<10000x128xf32, #tpu.memory_space<hbm>>
      tpu.enqueue_indirect_dma source(%dma_start3A_1045 : memref<10000x128xf32, #tpu.memory_space<hbm>>) target(%arg30 : memref<40x128xf32, #tpu.memory_space<vmem>>) offsets(%dma_start3A_1042 : memref<40xi32, #tpu.memory_space<vmem>>) semaphore(%arg45 : memref<!tpu.dma_semaphore, #tpu.memory_space<semaphore_mem>>)
      %dma_start3A_1046 = arith.constant 120 : i32
      %dma_start3A_1047 = tpu.memref_slice %arg7[%dma_start3A_1046] : memref<160xi32, #tpu.memory_space<vmem>> -> memref<40xi32, #tpu.memory_space<vmem>>
      %dma_start3A_1048 = arith.constant 0 : i32
      %dma_start3A_1049 = arith.constant 0 : i32
      %dma_start3A_1050 = tpu.memref_slice %arg4[%dma_start3A_1048, %dma_start3A_1049] : memref<10000x128xf32, #tpu.memory_space<hbm>> -> memref<10000x128xf32, #tpu.memory_space<hbm>>
      tpu.enqueue_indirect_dma source(%dma_start3A_1050 : memref<10000x128xf32, #tpu.memory_space<hbm>>) target(%arg31 : memref<40x128xf32, #tpu.memory_space<vmem>>) offsets(%dma_start3A_1047 : memref<40xi32, #tpu.memory_space<vmem>>) semaphore(%arg46 : memref<!tpu.dma_semaphore, #tpu.memory_space<semaphore_mem>>)
      %dma_wait3A_1051 = arith.constant 0 : i32
      %dma_wait3A_1052 = tpu.memref_slice %arg7[%dma_wait3A_1051] : memref<160xi32, #tpu.memory_space<vmem>> -> memref<40xi32, #tpu.memory_space<vmem>>
      %dma_wait3A_1053 = arith.constant 0 : i32
      %dma_wait3A_1054 = arith.constant 0 : i32
      %dma_wait3A_1055 = tpu.memref_slice %arg4[%dma_wait3A_1053, %dma_wait3A_1054] : memref<10000x128xf32, #tpu.memory_space<hbm>> -> memref<10000x128xf32, #tpu.memory_space<hbm>>
      tpu.wait_indirect_dma semaphore(%arg43 : memref<!tpu.dma_semaphore, #tpu.memory_space<semaphore_mem>>) src(%dma_wait3A_1055 : memref<10000x128xf32, #tpu.memory_space<hbm>>) dst(%arg28 : memref<40x128xf32, #tpu.memory_space<vmem>>)
      %dma_start3A_1056 = arith.constant 0 : i32
      %dma_start3A_1057 = arith.constant 0 : i32
      %dma_start3A_1058 = tpu.memref_slice %arg32[%dma_start3A_1056, %dma_start3A_1057] : memref<10000x128xf32, #tpu.memory_space<vmem_shared>> -> memref<10000x128xf32, #tpu.memory_space<vmem_shared>>
      tpu.enqueue_indirect_dma source(%arg28 : memref<40x128xf32, #tpu.memory_space<vmem>>) target(%dma_start3A_1058 : memref<10000x128xf32, #tpu.memory_space<vmem_shared>>) offsets(%arg20 : memref<40xi32, #tpu.memory_space<vmem>>) semaphore(%arg51 : memref<!tpu.dma_semaphore, #tpu.memory_space<semaphore_mem>>) {add = true}
      %dma_wait3A_1059 = arith.constant 40 : i32
      %dma_wait3A_1060 = tpu.memref_slice %arg7[%dma_wait3A_1059] : memref<160xi32, #tpu.memory_space<vmem>> -> memref<40xi32, #tpu.memory_space<vmem>>
      %dma_wait3A_1061 = arith.constant 0 : i32
      %dma_wait3A_1062 = arith.constant 0 : i32
      %dma_wait3A_1063 = tpu.memref_slice %arg4[%dma_wait3A_1061, %dma_wait3A_1062] : memref<10000x128xf32, #tpu.memory_space<hbm>> -> memref<10000x128xf32, #tpu.memory_space<hbm>>
      tpu.wait_indirect_dma semaphore(%arg44 : memref<!tpu.dma_semaphore, #tpu.memory_space<semaphore_mem>>) src(%dma_wait3A_1063 : memref<10000x128xf32, #tpu.memory_space<hbm>>) dst(%arg29 : memref<40x128xf32, #tpu.memory_space<vmem>>)
      %dma_start3A_1064 = arith.constant 0 : i32
      %dma_start3A_1065 = arith.constant 0 : i32
      %dma_start3A_1066 = tpu.memref_slice %arg32[%dma_start3A_1064, %dma_start3A_1065] : memref<10000x128xf32, #tpu.memory_space<vmem_shared>> -> memref<10000x128xf32, #tpu.memory_space<vmem_shared>>
      tpu.enqueue_indirect_dma source(%arg29 : memref<40x128xf32, #tpu.memory_space<vmem>>) target(%dma_start3A_1066 : memref<10000x128xf32, #tpu.memory_space<vmem_shared>>) offsets(%arg21 : memref<40xi32, #tpu.memory_space<vmem>>) semaphore(%arg52 : memref<!tpu.dma_semaphore, #tpu.memory_space<semaphore_mem>>) {add = true}
      %dma_wait3A_1067 = arith.constant 80 : i32
      %dma_wait3A_1068 = tpu.memref_slice %arg7[%dma_wait3A_1067] : memref<160xi32, #tpu.memory_space<vmem>> -> memref<40xi32, #tpu.memory_space<vmem>>
      %dma_wait3A_1069 = arith.constant 0 : i32
      %dma_wait3A_1070 = arith.constant 0 : i32
      %dma_wait3A_1071 = tpu.memref_slice %arg4[%dma_wait3A_1069, %dma_wait3A_1070] : memref<10000x128xf32, #tpu.memory_space<hbm>> -> memref<10000x128xf32, #tpu.memory_space<hbm>>
      tpu.wait_indirect_dma semaphore(%arg45 : memref<!tpu.dma_semaphore, #tpu.memory_space<semaphore_mem>>) src(%dma_wait3A_1071 : memref<10000x128xf32, #tpu.memory_space<hbm>>) dst(%arg30 : memref<40x128xf32, #tpu.memory_space<vmem>>)
      %dma_start3A_1072 = arith.constant 0 : i32
      %dma_start3A_1073 = arith.constant 0 : i32
      %dma_start3A_1074 = tpu.memref_slice %arg32[%dma_start3A_1072, %dma_start3A_1073] : memref<10000x128xf32, #tpu.memory_space<vmem_shared>> -> memref<10000x128xf32, #tpu.memory_space<vmem_shared>>
      tpu.enqueue_indirect_dma source(%arg30 : memref<40x128xf32, #tpu.memory_space<vmem>>) target(%dma_start3A_1074 : memref<10000x128xf32, #tpu.memory_space<vmem_shared>>) offsets(%arg22 : memref<40xi32, #tpu.memory_space<vmem>>) semaphore(%arg53 : memref<!tpu.dma_semaphore, #tpu.memory_space<semaphore_mem>>) {add = true}
      %dma_wait3A_1075 = arith.constant 120 : i32
      %dma_wait3A_1076 = tpu.memref_slice %arg7[%dma_wait3A_1075] : memref<160xi32, #tpu.memory_space<vmem>> -> memref<40xi32, #tpu.memory_space<vmem>>
      %dma_wait3A_1077 = arith.constant 0 : i32
      %dma_wait3A_1078 = arith.constant 0 : i32
      %dma_wait3A_1079 = tpu.memref_slice %arg4[%dma_wait3A_1077, %dma_wait3A_1078] : memref<10000x128xf32, #tpu.memory_space<hbm>> -> memref<10000x128xf32, #tpu.memory_space<hbm>>
      tpu.wait_indirect_dma semaphore(%arg46 : memref<!tpu.dma_semaphore, #tpu.memory_space<semaphore_mem>>) src(%dma_wait3A_1079 : memref<10000x128xf32, #tpu.memory_space<hbm>>) dst(%arg31 : memref<40x128xf32, #tpu.memory_space<vmem>>)
      %dma_start3A_1080 = arith.constant 0 : i32
      %dma_start3A_1081 = arith.constant 0 : i32
      %dma_start3A_1082 = tpu.memref_slice %arg32[%dma_start3A_1080, %dma_start3A_1081] : memref<10000x128xf32, #tpu.memory_space<vmem_shared>> -> memref<10000x128xf32, #tpu.memory_space<vmem_shared>>
      tpu.enqueue_indirect_dma source(%arg31 : memref<40x128xf32, #tpu.memory_space<vmem>>) target(%dma_start3A_1082 : memref<10000x128xf32, #tpu.memory_space<vmem_shared>>) offsets(%arg23 : memref<40xi32, #tpu.memory_space<vmem>>) semaphore(%arg54 : memref<!tpu.dma_semaphore, #tpu.memory_space<semaphore_mem>>) {add = true}
    }
    %scan3A_154 = arith.constant 15 : i32
    %add3A_155 = arith.constant 9760 : i32
    %add3A_156 = arith.addi %mul3A_2, %add3A_155 : i32
    %multiple_of3A_157 = tpu.assume_multiple %add3A_156, 8 : i32
    %dma_start3A_158 = tpu.memref_slice %arg2[%multiple_of3A_157] : memref<320000xi32, #tpu.memory_space<hbm>> -> memref<160xi32, #tpu.memory_space<hbm>>
    %dma_start3A_159 = tpu.memref_slice %arg2[%multiple_of3A_157] : memref<320000xi32, #tpu.memory_space<hbm>> -> memref<160xi32, #tpu.memory_space<hbm>>
    tpu.enqueue_dma source(%dma_start3A_159 : memref<160xi32, #tpu.memory_space<hbm>>) target(%arg7 : memref<160xi32, #tpu.memory_space<vmem>>) target_semaphore(%arg34 : memref<!tpu.dma_semaphore, #tpu.memory_space<semaphore_mem>>)
    %add3A_160 = arith.constant 9760 : i32
    %add3A_161 = arith.addi %mul3A_2, %add3A_160 : i32
    %add3A_162 = arith.constant 0 : i32
    %add3A_163 = arith.addi %add3A_161, %add3A_162 : i32
    %multiple_of3A_164 = tpu.assume_multiple %add3A_163, 8 : i32
    %dma_start3A_165 = tpu.memref_slice %arg3[%multiple_of3A_164] : memref<320000xi32, #tpu.memory_space<hbm>> -> memref<40xi32, #tpu.memory_space<hbm>>
    %dma_start3A_166 = tpu.memref_slice %arg3[%multiple_of3A_164] : memref<320000xi32, #tpu.memory_space<hbm>> -> memref<40xi32, #tpu.memory_space<hbm>>
    tpu.enqueue_dma source(%dma_start3A_166 : memref<40xi32, #tpu.memory_space<hbm>>) target(%arg12 : memref<40xi32, #tpu.memory_space<vmem>>) target_semaphore(%arg36 : memref<!tpu.dma_semaphore, #tpu.memory_space<semaphore_mem>>)
    %add3A_167 = arith.constant 9760 : i32
    %add3A_168 = arith.addi %mul3A_2, %add3A_167 : i32
    %add3A_169 = arith.constant 40 : i32
    %add3A_170 = arith.addi %add3A_168, %add3A_169 : i32
    %multiple_of3A_171 = tpu.assume_multiple %add3A_170, 8 : i32
    %dma_start3A_172 = tpu.memref_slice %arg3[%multiple_of3A_171] : memref<320000xi32, #tpu.memory_space<hbm>> -> memref<40xi32, #tpu.memory_space<hbm>>
    %dma_start3A_173 = tpu.memref_slice %arg3[%multiple_of3A_171] : memref<320000xi32, #tpu.memory_space<hbm>> -> memref<40xi32, #tpu.memory_space<hbm>>
    tpu.enqueue_dma source(%dma_start3A_173 : memref<40xi32, #tpu.memory_space<hbm>>) target(%arg13 : memref<40xi32, #tpu.memory_space<vmem>>) target_semaphore(%arg36 : memref<!tpu.dma_semaphore, #tpu.memory_space<semaphore_mem>>)
    %add3A_174 = arith.constant 9760 : i32
    %add3A_175 = arith.addi %mul3A_2, %add3A_174 : i32
    %add3A_176 = arith.constant 80 : i32
    %add3A_177 = arith.addi %add3A_175, %add3A_176 : i32
    %multiple_of3A_178 = tpu.assume_multiple %add3A_177, 8 : i32
    %dma_start3A_179 = tpu.memref_slice %arg3[%multiple_of3A_178] : memref<320000xi32, #tpu.memory_space<hbm>> -> memref<40xi32, #tpu.memory_space<hbm>>
    %dma_start3A_180 = tpu.memref_slice %arg3[%multiple_of3A_178] : memref<320000xi32, #tpu.memory_space<hbm>> -> memref<40xi32, #tpu.memory_space<hbm>>
    tpu.enqueue_dma source(%dma_start3A_180 : memref<40xi32, #tpu.memory_space<hbm>>) target(%arg14 : memref<40xi32, #tpu.memory_space<vmem>>) target_semaphore(%arg36 : memref<!tpu.dma_semaphore, #tpu.memory_space<semaphore_mem>>)
    %add3A_181 = arith.constant 9760 : i32
    %add3A_182 = arith.addi %mul3A_2, %add3A_181 : i32
    %add3A_183 = arith.constant 120 : i32
    %add3A_184 = arith.addi %add3A_182, %add3A_183 : i32
    %multiple_of3A_185 = tpu.assume_multiple %add3A_184, 8 : i32
    %dma_start3A_186 = tpu.memref_slice %arg3[%multiple_of3A_185] : memref<320000xi32, #tpu.memory_space<hbm>> -> memref<40xi32, #tpu.memory_space<hbm>>
    %dma_start3A_187 = tpu.memref_slice %arg3[%multiple_of3A_185] : memref<320000xi32, #tpu.memory_space<hbm>> -> memref<40xi32, #tpu.memory_space<hbm>>
    tpu.enqueue_dma source(%dma_start3A_187 : memref<40xi32, #tpu.memory_space<hbm>>) target(%arg15 : memref<40xi32, #tpu.memory_space<vmem>>) target_semaphore(%arg36 : memref<!tpu.dma_semaphore, #tpu.memory_space<semaphore_mem>>)
    %dma_wait3A = arith.constant 0 : i32
    %dma_wait3A_188 = tpu.memref_slice %arg2[%dma_wait3A] : memref<320000xi32, #tpu.memory_space<hbm>> -> memref<160xi32, #tpu.memory_space<hbm>>
    %dma_wait3A_189 = arith.constant 0 : i32
    %dma_wait3A_190 = tpu.memref_slice %arg2[%dma_wait3A_189] : memref<320000xi32, #tpu.memory_space<hbm>> -> memref<160xi32, #tpu.memory_space<hbm>>
    tpu.wait_dma2 semaphore(%arg33 : memref<!tpu.dma_semaphore, #tpu.memory_space<semaphore_mem>>) src(%dma_wait3A_190 : memref<160xi32, #tpu.memory_space<hbm>>) dst(%arg6 : memref<160xi32, #tpu.memory_space<vmem>>)
    %dma_wait3A_191 = arith.constant 0 : i32
    %dma_wait3A_192 = tpu.memref_slice %arg3[%dma_wait3A_191] : memref<320000xi32, #tpu.memory_space<hbm>> -> memref<40xi32, #tpu.memory_space<hbm>>
    %dma_wait3A_193 = arith.constant 0 : i32
    %dma_wait3A_194 = tpu.memref_slice %arg3[%dma_wait3A_193] : memref<320000xi32, #tpu.memory_space<hbm>> -> memref<40xi32, #tpu.memory_space<hbm>>
    tpu.wait_dma2 semaphore(%arg35 : memref<!tpu.dma_semaphore, #tpu.memory_space<semaphore_mem>>) src(%dma_wait3A_194 : memref<40xi32, #tpu.memory_space<hbm>>) dst(%arg8 : memref<40xi32, #tpu.memory_space<vmem>>)
    %dma_wait3A_195 = arith.constant 0 : i32
    %dma_wait3A_196 = tpu.memref_slice %arg3[%dma_wait3A_195] : memref<320000xi32, #tpu.memory_space<hbm>> -> memref<40xi32, #tpu.memory_space<hbm>>
    %dma_wait3A_197 = arith.constant 0 : i32
    %dma_wait3A_198 = tpu.memref_slice %arg3[%dma_wait3A_197] : memref<320000xi32, #tpu.memory_space<hbm>> -> memref<40xi32, #tpu.memory_space<hbm>>
    tpu.wait_dma2 semaphore(%arg35 : memref<!tpu.dma_semaphore, #tpu.memory_space<semaphore_mem>>) src(%dma_wait3A_198 : memref<40xi32, #tpu.memory_space<hbm>>) dst(%arg9 : memref<40xi32, #tpu.memory_space<vmem>>)
    %dma_wait3A_199 = arith.constant 0 : i32
    %dma_wait3A_200 = tpu.memref_slice %arg3[%dma_wait3A_199] : memref<320000xi32, #tpu.memory_space<hbm>> -> memref<40xi32, #tpu.memory_space<hbm>>
    %dma_wait3A_201 = arith.constant 0 : i32
    %dma_wait3A_202 = tpu.memref_slice %arg3[%dma_wait3A_201] : memref<320000xi32, #tpu.memory_space<hbm>> -> memref<40xi32, #tpu.memory_space<hbm>>
    tpu.wait_dma2 semaphore(%arg35 : memref<!tpu.dma_semaphore, #tpu.memory_space<semaphore_mem>>) src(%dma_wait3A_202 : memref<40xi32, #tpu.memory_space<hbm>>) dst(%arg10 : memref<40xi32, #tpu.memory_space<vmem>>)
    %dma_wait3A_203 = arith.constant 0 : i32
    %dma_wait3A_204 = tpu.memref_slice %arg3[%dma_wait3A_203] : memref<320000xi32, #tpu.memory_space<hbm>> -> memref<40xi32, #tpu.memory_space<hbm>>
    %dma_wait3A_205 = arith.constant 0 : i32
    %dma_wait3A_206 = tpu.memref_slice %arg3[%dma_wait3A_205] : memref<320000xi32, #tpu.memory_space<hbm>> -> memref<40xi32, #tpu.memory_space<hbm>>
    tpu.wait_dma2 semaphore(%arg35 : memref<!tpu.dma_semaphore, #tpu.memory_space<semaphore_mem>>) src(%dma_wait3A_206 : memref<40xi32, #tpu.memory_space<hbm>>) dst(%arg11 : memref<40xi32, #tpu.memory_space<vmem>>)
    %dma_wait3A_207 = arith.constant 0 : i32
    %dma_wait3A_208 = tpu.memref_slice %arg6[%dma_wait3A_207] : memref<160xi32, #tpu.memory_space<vmem>> -> memref<40xi32, #tpu.memory_space<vmem>>
    %dma_wait3A_209 = arith.constant 0 : i32
    %dma_wait3A_210 = arith.constant 0 : i32
    %dma_wait3A_211 = tpu.memref_slice %arg4[%dma_wait3A_209, %dma_wait3A_210] : memref<10000x128xf32, #tpu.memory_space<hbm>> -> memref<10000x128xf32, #tpu.memory_space<hbm>>
    tpu.wait_indirect_dma semaphore(%arg47 : memref<!tpu.dma_semaphore, #tpu.memory_space<semaphore_mem>>) src(%dma_wait3A_211 : memref<10000x128xf32, #tpu.memory_space<hbm>>) dst(%arg24 : memref<40x128xf32, #tpu.memory_space<vmem>>)
    %dma_wait3A_212 = arith.constant 0 : i32
    %dma_wait3A_213 = tpu.memref_slice %arg6[%dma_wait3A_212] : memref<160xi32, #tpu.memory_space<vmem>> -> memref<40xi32, #tpu.memory_space<vmem>>
    %dma_wait3A_214 = arith.constant 0 : i32
    %dma_wait3A_215 = arith.constant 0 : i32
    %dma_wait3A_216 = tpu.memref_slice %arg4[%dma_wait3A_214, %dma_wait3A_215] : memref<10000x128xf32, #tpu.memory_space<hbm>> -> memref<10000x128xf32, #tpu.memory_space<hbm>>
    tpu.wait_indirect_dma semaphore(%arg48 : memref<!tpu.dma_semaphore, #tpu.memory_space<semaphore_mem>>) src(%dma_wait3A_216 : memref<10000x128xf32, #tpu.memory_space<hbm>>) dst(%arg25 : memref<40x128xf32, #tpu.memory_space<vmem>>)
    %dma_wait3A_217 = arith.constant 0 : i32
    %dma_wait3A_218 = tpu.memref_slice %arg6[%dma_wait3A_217] : memref<160xi32, #tpu.memory_space<vmem>> -> memref<40xi32, #tpu.memory_space<vmem>>
    %dma_wait3A_219 = arith.constant 0 : i32
    %dma_wait3A_220 = arith.constant 0 : i32
    %dma_wait3A_221 = tpu.memref_slice %arg4[%dma_wait3A_219, %dma_wait3A_220] : memref<10000x128xf32, #tpu.memory_space<hbm>> -> memref<10000x128xf32, #tpu.memory_space<hbm>>
    tpu.wait_indirect_dma semaphore(%arg49 : memref<!tpu.dma_semaphore, #tpu.memory_space<semaphore_mem>>) src(%dma_wait3A_221 : memref<10000x128xf32, #tpu.memory_space<hbm>>) dst(%arg26 : memref<40x128xf32, #tpu.memory_space<vmem>>)
    %dma_wait3A_222 = arith.constant 0 : i32
    %dma_wait3A_223 = tpu.memref_slice %arg6[%dma_wait3A_222] : memref<160xi32, #tpu.memory_space<vmem>> -> memref<40xi32, #tpu.memory_space<vmem>>
    %dma_wait3A_224 = arith.constant 0 : i32
    %dma_wait3A_225 = arith.constant 0 : i32
    %dma_wait3A_226 = tpu.memref_slice %arg4[%dma_wait3A_224, %dma_wait3A_225] : memref<10000x128xf32, #tpu.memory_space<hbm>> -> memref<10000x128xf32, #tpu.memory_space<hbm>>
    tpu.wait_indirect_dma semaphore(%arg50 : memref<!tpu.dma_semaphore, #tpu.memory_space<semaphore_mem>>) src(%dma_wait3A_226 : memref<10000x128xf32, #tpu.memory_space<hbm>>) dst(%arg27 : memref<40x128xf32, #tpu.memory_space<vmem>>)
    %dma_start3A_227 = arith.constant 0 : i32
    %dma_start3A_228 = tpu.memref_slice %arg6[%dma_start3A_227] : memref<160xi32, #tpu.memory_space<vmem>> -> memref<40xi32, #tpu.memory_space<vmem>>
    %dma_start3A_229 = arith.constant 0 : i32
    %dma_start3A_230 = arith.constant 0 : i32
    %dma_start3A_231 = tpu.memref_slice %arg4[%dma_start3A_229, %dma_start3A_230] : memref<10000x128xf32, #tpu.memory_space<hbm>> -> memref<10000x128xf32, #tpu.memory_space<hbm>>
    tpu.enqueue_indirect_dma source(%dma_start3A_231 : memref<10000x128xf32, #tpu.memory_space<hbm>>) target(%arg24 : memref<40x128xf32, #tpu.memory_space<vmem>>) offsets(%dma_start3A_228 : memref<40xi32, #tpu.memory_space<vmem>>) semaphore(%arg39 : memref<!tpu.dma_semaphore, #tpu.memory_space<semaphore_mem>>)
    %dma_start3A_232 = arith.constant 40 : i32
    %dma_start3A_233 = tpu.memref_slice %arg6[%dma_start3A_232] : memref<160xi32, #tpu.memory_space<vmem>> -> memref<40xi32, #tpu.memory_space<vmem>>
    %dma_start3A_234 = arith.constant 0 : i32
    %dma_start3A_235 = arith.constant 0 : i32
    %dma_start3A_236 = tpu.memref_slice %arg4[%dma_start3A_234, %dma_start3A_235] : memref<10000x128xf32, #tpu.memory_space<hbm>> -> memref<10000x128xf32, #tpu.memory_space<hbm>>
    tpu.enqueue_indirect_dma source(%dma_start3A_236 : memref<10000x128xf32, #tpu.memory_space<hbm>>) target(%arg25 : memref<40x128xf32, #tpu.memory_space<vmem>>) offsets(%dma_start3A_233 : memref<40xi32, #tpu.memory_space<vmem>>) semaphore(%arg40 : memref<!tpu.dma_semaphore, #tpu.memory_space<semaphore_mem>>)
    %dma_start3A_237 = arith.constant 80 : i32
    %dma_start3A_238 = tpu.memref_slice %arg6[%dma_start3A_237] : memref<160xi32, #tpu.memory_space<vmem>> -> memref<40xi32, #tpu.memory_space<vmem>>
    %dma_start3A_239 = arith.constant 0 : i32
    %dma_start3A_240 = arith.constant 0 : i32
    %dma_start3A_241 = tpu.memref_slice %arg4[%dma_start3A_239, %dma_start3A_240] : memref<10000x128xf32, #tpu.memory_space<hbm>> -> memref<10000x128xf32, #tpu.memory_space<hbm>>
    tpu.enqueue_indirect_dma source(%dma_start3A_241 : memref<10000x128xf32, #tpu.memory_space<hbm>>) target(%arg26 : memref<40x128xf32, #tpu.memory_space<vmem>>) offsets(%dma_start3A_238 : memref<40xi32, #tpu.memory_space<vmem>>) semaphore(%arg41 : memref<!tpu.dma_semaphore, #tpu.memory_space<semaphore_mem>>)
    %dma_start3A_242 = arith.constant 120 : i32
    %dma_start3A_243 = tpu.memref_slice %arg6[%dma_start3A_242] : memref<160xi32, #tpu.memory_space<vmem>> -> memref<40xi32, #tpu.memory_space<vmem>>
    %dma_start3A_244 = arith.constant 0 : i32
    %dma_start3A_245 = arith.constant 0 : i32
    %dma_start3A_246 = tpu.memref_slice %arg4[%dma_start3A_244, %dma_start3A_245] : memref<10000x128xf32, #tpu.memory_space<hbm>> -> memref<10000x128xf32, #tpu.memory_space<hbm>>
    tpu.enqueue_indirect_dma source(%dma_start3A_246 : memref<10000x128xf32, #tpu.memory_space<hbm>>) target(%arg27 : memref<40x128xf32, #tpu.memory_space<vmem>>) offsets(%dma_start3A_243 : memref<40xi32, #tpu.memory_space<vmem>>) semaphore(%arg42 : memref<!tpu.dma_semaphore, #tpu.memory_space<semaphore_mem>>)
    %dma_wait3A_247 = arith.constant 0 : i32
    %dma_wait3A_248 = tpu.memref_slice %arg6[%dma_wait3A_247] : memref<160xi32, #tpu.memory_space<vmem>> -> memref<40xi32, #tpu.memory_space<vmem>>
    %dma_wait3A_249 = arith.constant 0 : i32
    %dma_wait3A_250 = arith.constant 0 : i32
    %dma_wait3A_251 = tpu.memref_slice %arg4[%dma_wait3A_249, %dma_wait3A_250] : memref<10000x128xf32, #tpu.memory_space<hbm>> -> memref<10000x128xf32, #tpu.memory_space<hbm>>
    tpu.wait_indirect_dma semaphore(%arg39 : memref<!tpu.dma_semaphore, #tpu.memory_space<semaphore_mem>>) src(%dma_wait3A_251 : memref<10000x128xf32, #tpu.memory_space<hbm>>) dst(%arg24 : memref<40x128xf32, #tpu.memory_space<vmem>>)
    %dma_start3A_252 = arith.constant 0 : i32
    %dma_start3A_253 = arith.constant 0 : i32
    %dma_start3A_254 = tpu.memref_slice %arg32[%dma_start3A_252, %dma_start3A_253] : memref<10000x128xf32, #tpu.memory_space<vmem_shared>> -> memref<10000x128xf32, #tpu.memory_space<vmem_shared>>
    tpu.enqueue_indirect_dma source(%arg24 : memref<40x128xf32, #tpu.memory_space<vmem>>) target(%dma_start3A_254 : memref<10000x128xf32, #tpu.memory_space<vmem_shared>>) offsets(%arg8 : memref<40xi32, #tpu.memory_space<vmem>>) semaphore(%arg47 : memref<!tpu.dma_semaphore, #tpu.memory_space<semaphore_mem>>) {add = true}
    %dma_wait3A_255 = arith.constant 40 : i32
    %dma_wait3A_256 = tpu.memref_slice %arg6[%dma_wait3A_255] : memref<160xi32, #tpu.memory_space<vmem>> -> memref<40xi32, #tpu.memory_space<vmem>>
    %dma_wait3A_257 = arith.constant 0 : i32
    %dma_wait3A_258 = arith.constant 0 : i32
    %dma_wait3A_259 = tpu.memref_slice %arg4[%dma_wait3A_257, %dma_wait3A_258] : memref<10000x128xf32, #tpu.memory_space<hbm>> -> memref<10000x128xf32, #tpu.memory_space<hbm>>
    tpu.wait_indirect_dma semaphore(%arg40 : memref<!tpu.dma_semaphore, #tpu.memory_space<semaphore_mem>>) src(%dma_wait3A_259 : memref<10000x128xf32, #tpu.memory_space<hbm>>) dst(%arg25 : memref<40x128xf32, #tpu.memory_space<vmem>>)
    %dma_start3A_260 = arith.constant 0 : i32
    %dma_start3A_261 = arith.constant 0 : i32
    %dma_start3A_262 = tpu.memref_slice %arg32[%dma_start3A_260, %dma_start3A_261] : memref<10000x128xf32, #tpu.memory_space<vmem_shared>> -> memref<10000x128xf32, #tpu.memory_space<vmem_shared>>
    tpu.enqueue_indirect_dma source(%arg25 : memref<40x128xf32, #tpu.memory_space<vmem>>) target(%dma_start3A_262 : memref<10000x128xf32, #tpu.memory_space<vmem_shared>>) offsets(%arg9 : memref<40xi32, #tpu.memory_space<vmem>>) semaphore(%arg48 : memref<!tpu.dma_semaphore, #tpu.memory_space<semaphore_mem>>) {add = true}
    %dma_wait3A_263 = arith.constant 80 : i32
    %dma_wait3A_264 = tpu.memref_slice %arg6[%dma_wait3A_263] : memref<160xi32, #tpu.memory_space<vmem>> -> memref<40xi32, #tpu.memory_space<vmem>>
    %dma_wait3A_265 = arith.constant 0 : i32
    %dma_wait3A_266 = arith.constant 0 : i32
    %dma_wait3A_267 = tpu.memref_slice %arg4[%dma_wait3A_265, %dma_wait3A_266] : memref<10000x128xf32, #tpu.memory_space<hbm>> -> memref<10000x128xf32, #tpu.memory_space<hbm>>
    tpu.wait_indirect_dma semaphore(%arg41 : memref<!tpu.dma_semaphore, #tpu.memory_space<semaphore_mem>>) src(%dma_wait3A_267 : memref<10000x128xf32, #tpu.memory_space<hbm>>) dst(%arg26 : memref<40x128xf32, #tpu.memory_space<vmem>>)
    %dma_start3A_268 = arith.constant 0 : i32
    %dma_start3A_269 = arith.constant 0 : i32
    %dma_start3A_270 = tpu.memref_slice %arg32[%dma_start3A_268, %dma_start3A_269] : memref<10000x128xf32, #tpu.memory_space<vmem_shared>> -> memref<10000x128xf32, #tpu.memory_space<vmem_shared>>
    tpu.enqueue_indirect_dma source(%arg26 : memref<40x128xf32, #tpu.memory_space<vmem>>) target(%dma_start3A_270 : memref<10000x128xf32, #tpu.memory_space<vmem_shared>>) offsets(%arg10 : memref<40xi32, #tpu.memory_space<vmem>>) semaphore(%arg49 : memref<!tpu.dma_semaphore, #tpu.memory_space<semaphore_mem>>) {add = true}
    %dma_wait3A_271 = arith.constant 120 : i32
    %dma_wait3A_272 = tpu.memref_slice %arg6[%dma_wait3A_271] : memref<160xi32, #tpu.memory_space<vmem>> -> memref<40xi32, #tpu.memory_space<vmem>>
    %dma_wait3A_273 = arith.constant 0 : i32
    %dma_wait3A_274 = arith.constant 0 : i32
    %dma_wait3A_275 = tpu.memref_slice %arg4[%dma_wait3A_273, %dma_wait3A_274] : memref<10000x128xf32, #tpu.memory_space<hbm>> -> memref<10000x128xf32, #tpu.memory_space<hbm>>
    tpu.wait_indirect_dma semaphore(%arg42 : memref<!tpu.dma_semaphore, #tpu.memory_space<semaphore_mem>>) src(%dma_wait3A_275 : memref<10000x128xf32, #tpu.memory_space<hbm>>) dst(%arg27 : memref<40x128xf32, #tpu.memory_space<vmem>>)
    %dma_start3A_276 = arith.constant 0 : i32
    %dma_start3A_277 = arith.constant 0 : i32
    %dma_start3A_278 = tpu.memref_slice %arg32[%dma_start3A_276, %dma_start3A_277] : memref<10000x128xf32, #tpu.memory_space<vmem_shared>> -> memref<10000x128xf32, #tpu.memory_space<vmem_shared>>
    tpu.enqueue_indirect_dma source(%arg27 : memref<40x128xf32, #tpu.memory_space<vmem>>) target(%dma_start3A_278 : memref<10000x128xf32, #tpu.memory_space<vmem_shared>>) offsets(%arg11 : memref<40xi32, #tpu.memory_space<vmem>>) semaphore(%arg50 : memref<!tpu.dma_semaphore, #tpu.memory_space<semaphore_mem>>) {add = true}
    %add3A_279 = arith.constant 9920 : i32
    %add3A_280 = arith.addi %mul3A_2, %add3A_279 : i32
    %multiple_of3A_281 = tpu.assume_multiple %add3A_280, 8 : i32
    %dma_start3A_282 = arith.constant 0 : i32
    %dma_start3A_283 = tpu.memref_slice %arg6[%dma_start3A_282] : memref<160xi32, #tpu.memory_space<vmem>> -> memref<80xi32, #tpu.memory_space<vmem>>
    %dma_start3A_284 = tpu.memref_slice %arg2[%multiple_of3A_281] : memref<320000xi32, #tpu.memory_space<hbm>> -> memref<80xi32, #tpu.memory_space<hbm>>
    %dma_start3A_285 = arith.constant 0 : i32
    %dma_start3A_286 = tpu.memref_slice %arg6[%dma_start3A_285] : memref<160xi32, #tpu.memory_space<vmem>> -> memref<80xi32, #tpu.memory_space<vmem>>
    %dma_start3A_287 = tpu.memref_slice %arg2[%multiple_of3A_281] : memref<320000xi32, #tpu.memory_space<hbm>> -> memref<80xi32, #tpu.memory_space<hbm>>
    tpu.enqueue_dma source(%dma_start3A_287 : memref<80xi32, #tpu.memory_space<hbm>>) target(%dma_start3A_286 : memref<80xi32, #tpu.memory_space<vmem>>) target_semaphore(%arg33 : memref<!tpu.dma_semaphore, #tpu.memory_space<semaphore_mem>>)
    %add3A_288 = arith.constant 9920 : i32
    %add3A_289 = arith.addi %mul3A_2, %add3A_288 : i32
    %add3A_290 = arith.constant 0 : i32
    %add3A_291 = arith.addi %add3A_289, %add3A_290 : i32
    %multiple_of3A_292 = tpu.assume_multiple %add3A_291, 8 : i32
    %dma_start3A_293 = tpu.memref_slice %arg3[%multiple_of3A_292] : memref<320000xi32, #tpu.memory_space<hbm>> -> memref<40xi32, #tpu.memory_space<hbm>>
    %dma_start3A_294 = tpu.memref_slice %arg3[%multiple_of3A_292] : memref<320000xi32, #tpu.memory_space<hbm>> -> memref<40xi32, #tpu.memory_space<hbm>>
    tpu.enqueue_dma source(%dma_start3A_294 : memref<40xi32, #tpu.memory_space<hbm>>) target(%arg16 : memref<40xi32, #tpu.memory_space<vmem>>) target_semaphore(%arg37 : memref<!tpu.dma_semaphore, #tpu.memory_space<semaphore_mem>>)
    %add3A_295 = arith.constant 9920 : i32
    %add3A_296 = arith.addi %mul3A_2, %add3A_295 : i32
    %add3A_297 = arith.constant 40 : i32
    %add3A_298 = arith.addi %add3A_296, %add3A_297 : i32
    %multiple_of3A_299 = tpu.assume_multiple %add3A_298, 8 : i32
    %dma_start3A_300 = tpu.memref_slice %arg3[%multiple_of3A_299] : memref<320000xi32, #tpu.memory_space<hbm>> -> memref<40xi32, #tpu.memory_space<hbm>>
    %dma_start3A_301 = tpu.memref_slice %arg3[%multiple_of3A_299] : memref<320000xi32, #tpu.memory_space<hbm>> -> memref<40xi32, #tpu.memory_space<hbm>>
    tpu.enqueue_dma source(%dma_start3A_301 : memref<40xi32, #tpu.memory_space<hbm>>) target(%arg17 : memref<40xi32, #tpu.memory_space<vmem>>) target_semaphore(%arg37 : memref<!tpu.dma_semaphore, #tpu.memory_space<semaphore_mem>>)
    %dma_wait3A_302 = arith.constant 0 : i32
    %dma_wait3A_303 = tpu.memref_slice %arg2[%dma_wait3A_302] : memref<320000xi32, #tpu.memory_space<hbm>> -> memref<160xi32, #tpu.memory_space<hbm>>
    %dma_wait3A_304 = arith.constant 0 : i32
    %dma_wait3A_305 = tpu.memref_slice %arg2[%dma_wait3A_304] : memref<320000xi32, #tpu.memory_space<hbm>> -> memref<160xi32, #tpu.memory_space<hbm>>
    tpu.wait_dma2 semaphore(%arg34 : memref<!tpu.dma_semaphore, #tpu.memory_space<semaphore_mem>>) src(%dma_wait3A_305 : memref<160xi32, #tpu.memory_space<hbm>>) dst(%arg7 : memref<160xi32, #tpu.memory_space<vmem>>)
    %dma_wait3A_306 = arith.constant 0 : i32
    %dma_wait3A_307 = tpu.memref_slice %arg3[%dma_wait3A_306] : memref<320000xi32, #tpu.memory_space<hbm>> -> memref<40xi32, #tpu.memory_space<hbm>>
    %dma_wait3A_308 = arith.constant 0 : i32
    %dma_wait3A_309 = tpu.memref_slice %arg3[%dma_wait3A_308] : memref<320000xi32, #tpu.memory_space<hbm>> -> memref<40xi32, #tpu.memory_space<hbm>>
    tpu.wait_dma2 semaphore(%arg36 : memref<!tpu.dma_semaphore, #tpu.memory_space<semaphore_mem>>) src(%dma_wait3A_309 : memref<40xi32, #tpu.memory_space<hbm>>) dst(%arg12 : memref<40xi32, #tpu.memory_space<vmem>>)
    %dma_wait3A_310 = arith.constant 0 : i32
    %dma_wait3A_311 = tpu.memref_slice %arg3[%dma_wait3A_310] : memref<320000xi32, #tpu.memory_space<hbm>> -> memref<40xi32, #tpu.memory_space<hbm>>
    %dma_wait3A_312 = arith.constant 0 : i32
    %dma_wait3A_313 = tpu.memref_slice %arg3[%dma_wait3A_312] : memref<320000xi32, #tpu.memory_space<hbm>> -> memref<40xi32, #tpu.memory_space<hbm>>
    tpu.wait_dma2 semaphore(%arg36 : memref<!tpu.dma_semaphore, #tpu.memory_space<semaphore_mem>>) src(%dma_wait3A_313 : memref<40xi32, #tpu.memory_space<hbm>>) dst(%arg13 : memref<40xi32, #tpu.memory_space<vmem>>)
    %dma_wait3A_314 = arith.constant 0 : i32
    %dma_wait3A_315 = tpu.memref_slice %arg3[%dma_wait3A_314] : memref<320000xi32, #tpu.memory_space<hbm>> -> memref<40xi32, #tpu.memory_space<hbm>>
    %dma_wait3A_316 = arith.constant 0 : i32
    %dma_wait3A_317 = tpu.memref_slice %arg3[%dma_wait3A_316] : memref<320000xi32, #tpu.memory_space<hbm>> -> memref<40xi32, #tpu.memory_space<hbm>>
    tpu.wait_dma2 semaphore(%arg36 : memref<!tpu.dma_semaphore, #tpu.memory_space<semaphore_mem>>) src(%dma_wait3A_317 : memref<40xi32, #tpu.memory_space<hbm>>) dst(%arg14 : memref<40xi32, #tpu.memory_space<vmem>>)
    %dma_wait3A_318 = arith.constant 0 : i32
    %dma_wait3A_319 = tpu.memref_slice %arg3[%dma_wait3A_318] : memref<320000xi32, #tpu.memory_space<hbm>> -> memref<40xi32, #tpu.memory_space<hbm>>
    %dma_wait3A_320 = arith.constant 0 : i32
    %dma_wait3A_321 = tpu.memref_slice %arg3[%dma_wait3A_320] : memref<320000xi32, #tpu.memory_space<hbm>> -> memref<40xi32, #tpu.memory_space<hbm>>
    tpu.wait_dma2 semaphore(%arg36 : memref<!tpu.dma_semaphore, #tpu.memory_space<semaphore_mem>>) src(%dma_wait3A_321 : memref<40xi32, #tpu.memory_space<hbm>>) dst(%arg15 : memref<40xi32, #tpu.memory_space<vmem>>)
    %dma_wait3A_322 = arith.constant 0 : i32
    %dma_wait3A_323 = tpu.memref_slice %arg6[%dma_wait3A_322] : memref<160xi32, #tpu.memory_space<vmem>> -> memref<40xi32, #tpu.memory_space<vmem>>
    %dma_wait3A_324 = arith.constant 0 : i32
    %dma_wait3A_325 = arith.constant 0 : i32
    %dma_wait3A_326 = tpu.memref_slice %arg4[%dma_wait3A_324, %dma_wait3A_325] : memref<10000x128xf32, #tpu.memory_space<hbm>> -> memref<10000x128xf32, #tpu.memory_space<hbm>>
    tpu.wait_indirect_dma semaphore(%arg51 : memref<!tpu.dma_semaphore, #tpu.memory_space<semaphore_mem>>) src(%dma_wait3A_326 : memref<10000x128xf32, #tpu.memory_space<hbm>>) dst(%arg28 : memref<40x128xf32, #tpu.memory_space<vmem>>)
    %dma_wait3A_327 = arith.constant 0 : i32
    %dma_wait3A_328 = tpu.memref_slice %arg6[%dma_wait3A_327] : memref<160xi32, #tpu.memory_space<vmem>> -> memref<40xi32, #tpu.memory_space<vmem>>
    %dma_wait3A_329 = arith.constant 0 : i32
    %dma_wait3A_330 = arith.constant 0 : i32
    %dma_wait3A_331 = tpu.memref_slice %arg4[%dma_wait3A_329, %dma_wait3A_330] : memref<10000x128xf32, #tpu.memory_space<hbm>> -> memref<10000x128xf32, #tpu.memory_space<hbm>>
    tpu.wait_indirect_dma semaphore(%arg52 : memref<!tpu.dma_semaphore, #tpu.memory_space<semaphore_mem>>) src(%dma_wait3A_331 : memref<10000x128xf32, #tpu.memory_space<hbm>>) dst(%arg29 : memref<40x128xf32, #tpu.memory_space<vmem>>)
    %dma_wait3A_332 = arith.constant 0 : i32
    %dma_wait3A_333 = tpu.memref_slice %arg6[%dma_wait3A_332] : memref<160xi32, #tpu.memory_space<vmem>> -> memref<40xi32, #tpu.memory_space<vmem>>
    %dma_wait3A_334 = arith.constant 0 : i32
    %dma_wait3A_335 = arith.constant 0 : i32
    %dma_wait3A_336 = tpu.memref_slice %arg4[%dma_wait3A_334, %dma_wait3A_335] : memref<10000x128xf32, #tpu.memory_space<hbm>> -> memref<10000x128xf32, #tpu.memory_space<hbm>>
    tpu.wait_indirect_dma semaphore(%arg53 : memref<!tpu.dma_semaphore, #tpu.memory_space<semaphore_mem>>) src(%dma_wait3A_336 : memref<10000x128xf32, #tpu.memory_space<hbm>>) dst(%arg30 : memref<40x128xf32, #tpu.memory_space<vmem>>)
    %dma_wait3A_337 = arith.constant 0 : i32
    %dma_wait3A_338 = tpu.memref_slice %arg6[%dma_wait3A_337] : memref<160xi32, #tpu.memory_space<vmem>> -> memref<40xi32, #tpu.memory_space<vmem>>
    %dma_wait3A_339 = arith.constant 0 : i32
    %dma_wait3A_340 = arith.constant 0 : i32
    %dma_wait3A_341 = tpu.memref_slice %arg4[%dma_wait3A_339, %dma_wait3A_340] : memref<10000x128xf32, #tpu.memory_space<hbm>> -> memref<10000x128xf32, #tpu.memory_space<hbm>>
    tpu.wait_indirect_dma semaphore(%arg54 : memref<!tpu.dma_semaphore, #tpu.memory_space<semaphore_mem>>) src(%dma_wait3A_341 : memref<10000x128xf32, #tpu.memory_space<hbm>>) dst(%arg31 : memref<40x128xf32, #tpu.memory_space<vmem>>)
    %dma_start3A_342 = arith.constant 0 : i32
    %dma_start3A_343 = tpu.memref_slice %arg7[%dma_start3A_342] : memref<160xi32, #tpu.memory_space<vmem>> -> memref<40xi32, #tpu.memory_space<vmem>>
    %dma_start3A_344 = arith.constant 0 : i32
    %dma_start3A_345 = arith.constant 0 : i32
    %dma_start3A_346 = tpu.memref_slice %arg4[%dma_start3A_344, %dma_start3A_345] : memref<10000x128xf32, #tpu.memory_space<hbm>> -> memref<10000x128xf32, #tpu.memory_space<hbm>>
    tpu.enqueue_indirect_dma source(%dma_start3A_346 : memref<10000x128xf32, #tpu.memory_space<hbm>>) target(%arg28 : memref<40x128xf32, #tpu.memory_space<vmem>>) offsets(%dma_start3A_343 : memref<40xi32, #tpu.memory_space<vmem>>) semaphore(%arg43 : memref<!tpu.dma_semaphore, #tpu.memory_space<semaphore_mem>>)
    %dma_start3A_347 = arith.constant 40 : i32
    %dma_start3A_348 = tpu.memref_slice %arg7[%dma_start3A_347] : memref<160xi32, #tpu.memory_space<vmem>> -> memref<40xi32, #tpu.memory_space<vmem>>
    %dma_start3A_349 = arith.constant 0 : i32
    %dma_start3A_350 = arith.constant 0 : i32
    %dma_start3A_351 = tpu.memref_slice %arg4[%dma_start3A_349, %dma_start3A_350] : memref<10000x128xf32, #tpu.memory_space<hbm>> -> memref<10000x128xf32, #tpu.memory_space<hbm>>
    tpu.enqueue_indirect_dma source(%dma_start3A_351 : memref<10000x128xf32, #tpu.memory_space<hbm>>) target(%arg29 : memref<40x128xf32, #tpu.memory_space<vmem>>) offsets(%dma_start3A_348 : memref<40xi32, #tpu.memory_space<vmem>>) semaphore(%arg44 : memref<!tpu.dma_semaphore, #tpu.memory_space<semaphore_mem>>)
    %dma_start3A_352 = arith.constant 80 : i32
    %dma_start3A_353 = tpu.memref_slice %arg7[%dma_start3A_352] : memref<160xi32, #tpu.memory_space<vmem>> -> memref<40xi32, #tpu.memory_space<vmem>>
    %dma_start3A_354 = arith.constant 0 : i32
    %dma_start3A_355 = arith.constant 0 : i32
    %dma_start3A_356 = tpu.memref_slice %arg4[%dma_start3A_354, %dma_start3A_355] : memref<10000x128xf32, #tpu.memory_space<hbm>> -> memref<10000x128xf32, #tpu.memory_space<hbm>>
    tpu.enqueue_indirect_dma source(%dma_start3A_356 : memref<10000x128xf32, #tpu.memory_space<hbm>>) target(%arg30 : memref<40x128xf32, #tpu.memory_space<vmem>>) offsets(%dma_start3A_353 : memref<40xi32, #tpu.memory_space<vmem>>) semaphore(%arg45 : memref<!tpu.dma_semaphore, #tpu.memory_space<semaphore_mem>>)
    %dma_start3A_357 = arith.constant 120 : i32
    %dma_start3A_358 = tpu.memref_slice %arg7[%dma_start3A_357] : memref<160xi32, #tpu.memory_space<vmem>> -> memref<40xi32, #tpu.memory_space<vmem>>
    %dma_start3A_359 = arith.constant 0 : i32
    %dma_start3A_360 = arith.constant 0 : i32
    %dma_start3A_361 = tpu.memref_slice %arg4[%dma_start3A_359, %dma_start3A_360] : memref<10000x128xf32, #tpu.memory_space<hbm>> -> memref<10000x128xf32, #tpu.memory_space<hbm>>
    tpu.enqueue_indirect_dma source(%dma_start3A_361 : memref<10000x128xf32, #tpu.memory_space<hbm>>) target(%arg31 : memref<40x128xf32, #tpu.memory_space<vmem>>) offsets(%dma_start3A_358 : memref<40xi32, #tpu.memory_space<vmem>>) semaphore(%arg46 : memref<!tpu.dma_semaphore, #tpu.memory_space<semaphore_mem>>)
    %dma_wait3A_362 = arith.constant 0 : i32
    %dma_wait3A_363 = tpu.memref_slice %arg7[%dma_wait3A_362] : memref<160xi32, #tpu.memory_space<vmem>> -> memref<40xi32, #tpu.memory_space<vmem>>
    %dma_wait3A_364 = arith.constant 0 : i32
    %dma_wait3A_365 = arith.constant 0 : i32
    %dma_wait3A_366 = tpu.memref_slice %arg4[%dma_wait3A_364, %dma_wait3A_365] : memref<10000x128xf32, #tpu.memory_space<hbm>> -> memref<10000x128xf32, #tpu.memory_space<hbm>>
    tpu.wait_indirect_dma semaphore(%arg43 : memref<!tpu.dma_semaphore, #tpu.memory_space<semaphore_mem>>) src(%dma_wait3A_366 : memref<10000x128xf32, #tpu.memory_space<hbm>>) dst(%arg28 : memref<40x128xf32, #tpu.memory_space<vmem>>)
    %dma_start3A_367 = arith.constant 0 : i32
    %dma_start3A_368 = arith.constant 0 : i32
    %dma_start3A_369 = tpu.memref_slice %arg32[%dma_start3A_367, %dma_start3A_368] : memref<10000x128xf32, #tpu.memory_space<vmem_shared>> -> memref<10000x128xf32, #tpu.memory_space<vmem_shared>>
    tpu.enqueue_indirect_dma source(%arg28 : memref<40x128xf32, #tpu.memory_space<vmem>>) target(%dma_start3A_369 : memref<10000x128xf32, #tpu.memory_space<vmem_shared>>) offsets(%arg12 : memref<40xi32, #tpu.memory_space<vmem>>) semaphore(%arg51 : memref<!tpu.dma_semaphore, #tpu.memory_space<semaphore_mem>>) {add = true}
    %dma_wait3A_370 = arith.constant 40 : i32
    %dma_wait3A_371 = tpu.memref_slice %arg7[%dma_wait3A_370] : memref<160xi32, #tpu.memory_space<vmem>> -> memref<40xi32, #tpu.memory_space<vmem>>
    %dma_wait3A_372 = arith.constant 0 : i32
    %dma_wait3A_373 = arith.constant 0 : i32
    %dma_wait3A_374 = tpu.memref_slice %arg4[%dma_wait3A_372, %dma_wait3A_373] : memref<10000x128xf32, #tpu.memory_space<hbm>> -> memref<10000x128xf32, #tpu.memory_space<hbm>>
    tpu.wait_indirect_dma semaphore(%arg44 : memref<!tpu.dma_semaphore, #tpu.memory_space<semaphore_mem>>) src(%dma_wait3A_374 : memref<10000x128xf32, #tpu.memory_space<hbm>>) dst(%arg29 : memref<40x128xf32, #tpu.memory_space<vmem>>)
    %dma_start3A_375 = arith.constant 0 : i32
    %dma_start3A_376 = arith.constant 0 : i32
    %dma_start3A_377 = tpu.memref_slice %arg32[%dma_start3A_375, %dma_start3A_376] : memref<10000x128xf32, #tpu.memory_space<vmem_shared>> -> memref<10000x128xf32, #tpu.memory_space<vmem_shared>>
    tpu.enqueue_indirect_dma source(%arg29 : memref<40x128xf32, #tpu.memory_space<vmem>>) target(%dma_start3A_377 : memref<10000x128xf32, #tpu.memory_space<vmem_shared>>) offsets(%arg13 : memref<40xi32, #tpu.memory_space<vmem>>) semaphore(%arg52 : memref<!tpu.dma_semaphore, #tpu.memory_space<semaphore_mem>>) {add = true}
    %dma_wait3A_378 = arith.constant 80 : i32
    %dma_wait3A_379 = tpu.memref_slice %arg7[%dma_wait3A_378] : memref<160xi32, #tpu.memory_space<vmem>> -> memref<40xi32, #tpu.memory_space<vmem>>
    %dma_wait3A_380 = arith.constant 0 : i32
    %dma_wait3A_381 = arith.constant 0 : i32
    %dma_wait3A_382 = tpu.memref_slice %arg4[%dma_wait3A_380, %dma_wait3A_381] : memref<10000x128xf32, #tpu.memory_space<hbm>> -> memref<10000x128xf32, #tpu.memory_space<hbm>>
    tpu.wait_indirect_dma semaphore(%arg45 : memref<!tpu.dma_semaphore, #tpu.memory_space<semaphore_mem>>) src(%dma_wait3A_382 : memref<10000x128xf32, #tpu.memory_space<hbm>>) dst(%arg30 : memref<40x128xf32, #tpu.memory_space<vmem>>)
    %dma_start3A_383 = arith.constant 0 : i32
    %dma_start3A_384 = arith.constant 0 : i32
    %dma_start3A_385 = tpu.memref_slice %arg32[%dma_start3A_383, %dma_start3A_384] : memref<10000x128xf32, #tpu.memory_space<vmem_shared>> -> memref<10000x128xf32, #tpu.memory_space<vmem_shared>>
    tpu.enqueue_indirect_dma source(%arg30 : memref<40x128xf32, #tpu.memory_space<vmem>>) target(%dma_start3A_385 : memref<10000x128xf32, #tpu.memory_space<vmem_shared>>) offsets(%arg14 : memref<40xi32, #tpu.memory_space<vmem>>) semaphore(%arg53 : memref<!tpu.dma_semaphore, #tpu.memory_space<semaphore_mem>>) {add = true}
    %dma_wait3A_386 = arith.constant 120 : i32
    %dma_wait3A_387 = tpu.memref_slice %arg7[%dma_wait3A_386] : memref<160xi32, #tpu.memory_space<vmem>> -> memref<40xi32, #tpu.memory_space<vmem>>
    %dma_wait3A_388 = arith.constant 0 : i32
    %dma_wait3A_389 = arith.constant 0 : i32
    %dma_wait3A_390 = tpu.memref_slice %arg4[%dma_wait3A_388, %dma_wait3A_389] : memref<10000x128xf32, #tpu.memory_space<hbm>> -> memref<10000x128xf32, #tpu.memory_space<hbm>>
    tpu.wait_indirect_dma semaphore(%arg46 : memref<!tpu.dma_semaphore, #tpu.memory_space<semaphore_mem>>) src(%dma_wait3A_390 : memref<10000x128xf32, #tpu.memory_space<hbm>>) dst(%arg31 : memref<40x128xf32, #tpu.memory_space<vmem>>)
    %dma_start3A_391 = arith.constant 0 : i32
    %dma_start3A_392 = arith.constant 0 : i32
    %dma_start3A_393 = tpu.memref_slice %arg32[%dma_start3A_391, %dma_start3A_392] : memref<10000x128xf32, #tpu.memory_space<vmem_shared>> -> memref<10000x128xf32, #tpu.memory_space<vmem_shared>>
    tpu.enqueue_indirect_dma source(%arg31 : memref<40x128xf32, #tpu.memory_space<vmem>>) target(%dma_start3A_393 : memref<10000x128xf32, #tpu.memory_space<vmem_shared>>) offsets(%arg15 : memref<40xi32, #tpu.memory_space<vmem>>) semaphore(%arg54 : memref<!tpu.dma_semaphore, #tpu.memory_space<semaphore_mem>>) {add = true}
    %dma_wait3A_394 = arith.constant 0 : i32
    %dma_wait3A_395 = tpu.memref_slice %arg6[%dma_wait3A_394] : memref<160xi32, #tpu.memory_space<vmem>> -> memref<80xi32, #tpu.memory_space<vmem>>
    %dma_wait3A_396 = arith.constant 0 : i32
    %dma_wait3A_397 = tpu.memref_slice %arg2[%dma_wait3A_396] : memref<320000xi32, #tpu.memory_space<hbm>> -> memref<80xi32, #tpu.memory_space<hbm>>
    %dma_wait3A_398 = arith.constant 0 : i32
    %dma_wait3A_399 = tpu.memref_slice %arg6[%dma_wait3A_398] : memref<160xi32, #tpu.memory_space<vmem>> -> memref<80xi32, #tpu.memory_space<vmem>>
    %dma_wait3A_400 = arith.constant 0 : i32
    %dma_wait3A_401 = tpu.memref_slice %arg2[%dma_wait3A_400] : memref<320000xi32, #tpu.memory_space<hbm>> -> memref<80xi32, #tpu.memory_space<hbm>>
    tpu.wait_dma2 semaphore(%arg33 : memref<!tpu.dma_semaphore, #tpu.memory_space<semaphore_mem>>) src(%dma_wait3A_401 : memref<80xi32, #tpu.memory_space<hbm>>) dst(%dma_wait3A_399 : memref<80xi32, #tpu.memory_space<vmem>>)
    %dma_wait3A_402 = arith.constant 0 : i32
    %dma_wait3A_403 = tpu.memref_slice %arg3[%dma_wait3A_402] : memref<320000xi32, #tpu.memory_space<hbm>> -> memref<40xi32, #tpu.memory_space<hbm>>
    %dma_wait3A_404 = arith.constant 0 : i32
    %dma_wait3A_405 = tpu.memref_slice %arg3[%dma_wait3A_404] : memref<320000xi32, #tpu.memory_space<hbm>> -> memref<40xi32, #tpu.memory_space<hbm>>
    tpu.wait_dma2 semaphore(%arg37 : memref<!tpu.dma_semaphore, #tpu.memory_space<semaphore_mem>>) src(%dma_wait3A_405 : memref<40xi32, #tpu.memory_space<hbm>>) dst(%arg16 : memref<40xi32, #tpu.memory_space<vmem>>)
    %dma_wait3A_406 = arith.constant 0 : i32
    %dma_wait3A_407 = tpu.memref_slice %arg3[%dma_wait3A_406] : memref<320000xi32, #tpu.memory_space<hbm>> -> memref<40xi32, #tpu.memory_space<hbm>>
    %dma_wait3A_408 = arith.constant 0 : i32
    %dma_wait3A_409 = tpu.memref_slice %arg3[%dma_wait3A_408] : memref<320000xi32, #tpu.memory_space<hbm>> -> memref<40xi32, #tpu.memory_space<hbm>>
    tpu.wait_dma2 semaphore(%arg37 : memref<!tpu.dma_semaphore, #tpu.memory_space<semaphore_mem>>) src(%dma_wait3A_409 : memref<40xi32, #tpu.memory_space<hbm>>) dst(%arg17 : memref<40xi32, #tpu.memory_space<vmem>>)
    %dma_wait3A_410 = arith.constant 0 : i32
    %dma_wait3A_411 = tpu.memref_slice %arg6[%dma_wait3A_410] : memref<160xi32, #tpu.memory_space<vmem>> -> memref<40xi32, #tpu.memory_space<vmem>>
    %dma_wait3A_412 = arith.constant 0 : i32
    %dma_wait3A_413 = arith.constant 0 : i32
    %dma_wait3A_414 = tpu.memref_slice %arg4[%dma_wait3A_412, %dma_wait3A_413] : memref<10000x128xf32, #tpu.memory_space<hbm>> -> memref<10000x128xf32, #tpu.memory_space<hbm>>
    tpu.wait_indirect_dma semaphore(%arg47 : memref<!tpu.dma_semaphore, #tpu.memory_space<semaphore_mem>>) src(%dma_wait3A_414 : memref<10000x128xf32, #tpu.memory_space<hbm>>) dst(%arg24 : memref<40x128xf32, #tpu.memory_space<vmem>>)
    %dma_wait3A_415 = arith.constant 0 : i32
    %dma_wait3A_416 = tpu.memref_slice %arg6[%dma_wait3A_415] : memref<160xi32, #tpu.memory_space<vmem>> -> memref<40xi32, #tpu.memory_space<vmem>>
    %dma_wait3A_417 = arith.constant 0 : i32
    %dma_wait3A_418 = arith.constant 0 : i32
    %dma_wait3A_419 = tpu.memref_slice %arg4[%dma_wait3A_417, %dma_wait3A_418] : memref<10000x128xf32, #tpu.memory_space<hbm>> -> memref<10000x128xf32, #tpu.memory_space<hbm>>
    tpu.wait_indirect_dma semaphore(%arg48 : memref<!tpu.dma_semaphore, #tpu.memory_space<semaphore_mem>>) src(%dma_wait3A_419 : memref<10000x128xf32, #tpu.memory_space<hbm>>) dst(%arg25 : memref<40x128xf32, #tpu.memory_space<vmem>>)
    %dma_start3A_420 = arith.constant 0 : i32
    %dma_start3A_421 = tpu.memref_slice %arg6[%dma_start3A_420] : memref<160xi32, #tpu.memory_space<vmem>> -> memref<40xi32, #tpu.memory_space<vmem>>
    %dma_start3A_422 = arith.constant 0 : i32
    %dma_start3A_423 = arith.constant 0 : i32
    %dma_start3A_424 = tpu.memref_slice %arg4[%dma_start3A_422, %dma_start3A_423] : memref<10000x128xf32, #tpu.memory_space<hbm>> -> memref<10000x128xf32, #tpu.memory_space<hbm>>
    tpu.enqueue_indirect_dma source(%dma_start3A_424 : memref<10000x128xf32, #tpu.memory_space<hbm>>) target(%arg24 : memref<40x128xf32, #tpu.memory_space<vmem>>) offsets(%dma_start3A_421 : memref<40xi32, #tpu.memory_space<vmem>>) semaphore(%arg39 : memref<!tpu.dma_semaphore, #tpu.memory_space<semaphore_mem>>)
    %dma_start3A_425 = arith.constant 40 : i32
    %dma_start3A_426 = tpu.memref_slice %arg6[%dma_start3A_425] : memref<160xi32, #tpu.memory_space<vmem>> -> memref<40xi32, #tpu.memory_space<vmem>>
    %dma_start3A_427 = arith.constant 0 : i32
    %dma_start3A_428 = arith.constant 0 : i32
    %dma_start3A_429 = tpu.memref_slice %arg4[%dma_start3A_427, %dma_start3A_428] : memref<10000x128xf32, #tpu.memory_space<hbm>> -> memref<10000x128xf32, #tpu.memory_space<hbm>>
    tpu.enqueue_indirect_dma source(%dma_start3A_429 : memref<10000x128xf32, #tpu.memory_space<hbm>>) target(%arg25 : memref<40x128xf32, #tpu.memory_space<vmem>>) offsets(%dma_start3A_426 : memref<40xi32, #tpu.memory_space<vmem>>) semaphore(%arg40 : memref<!tpu.dma_semaphore, #tpu.memory_space<semaphore_mem>>)
    %dma_wait3A_430 = arith.constant 0 : i32
    %dma_wait3A_431 = tpu.memref_slice %arg6[%dma_wait3A_430] : memref<160xi32, #tpu.memory_space<vmem>> -> memref<40xi32, #tpu.memory_space<vmem>>
    %dma_wait3A_432 = arith.constant 0 : i32
    %dma_wait3A_433 = arith.constant 0 : i32
    %dma_wait3A_434 = tpu.memref_slice %arg4[%dma_wait3A_432, %dma_wait3A_433] : memref<10000x128xf32, #tpu.memory_space<hbm>> -> memref<10000x128xf32, #tpu.memory_space<hbm>>
    tpu.wait_indirect_dma semaphore(%arg39 : memref<!tpu.dma_semaphore, #tpu.memory_space<semaphore_mem>>) src(%dma_wait3A_434 : memref<10000x128xf32, #tpu.memory_space<hbm>>) dst(%arg24 : memref<40x128xf32, #tpu.memory_space<vmem>>)
    %dma_start3A_435 = arith.constant 0 : i32
    %dma_start3A_436 = arith.constant 0 : i32
    %dma_start3A_437 = tpu.memref_slice %arg32[%dma_start3A_435, %dma_start3A_436] : memref<10000x128xf32, #tpu.memory_space<vmem_shared>> -> memref<10000x128xf32, #tpu.memory_space<vmem_shared>>
    tpu.enqueue_indirect_dma source(%arg24 : memref<40x128xf32, #tpu.memory_space<vmem>>) target(%dma_start3A_437 : memref<10000x128xf32, #tpu.memory_space<vmem_shared>>) offsets(%arg16 : memref<40xi32, #tpu.memory_space<vmem>>) semaphore(%arg47 : memref<!tpu.dma_semaphore, #tpu.memory_space<semaphore_mem>>) {add = true}
    %dma_wait3A_438 = arith.constant 40 : i32
    %dma_wait3A_439 = tpu.memref_slice %arg6[%dma_wait3A_438] : memref<160xi32, #tpu.memory_space<vmem>> -> memref<40xi32, #tpu.memory_space<vmem>>
    %dma_wait3A_440 = arith.constant 0 : i32
    %dma_wait3A_441 = arith.constant 0 : i32
    %dma_wait3A_442 = tpu.memref_slice %arg4[%dma_wait3A_440, %dma_wait3A_441] : memref<10000x128xf32, #tpu.memory_space<hbm>> -> memref<10000x128xf32, #tpu.memory_space<hbm>>
    tpu.wait_indirect_dma semaphore(%arg40 : memref<!tpu.dma_semaphore, #tpu.memory_space<semaphore_mem>>) src(%dma_wait3A_442 : memref<10000x128xf32, #tpu.memory_space<hbm>>) dst(%arg25 : memref<40x128xf32, #tpu.memory_space<vmem>>)
    %dma_start3A_443 = arith.constant 0 : i32
    %dma_start3A_444 = arith.constant 0 : i32
    %dma_start3A_445 = tpu.memref_slice %arg32[%dma_start3A_443, %dma_start3A_444] : memref<10000x128xf32, #tpu.memory_space<vmem_shared>> -> memref<10000x128xf32, #tpu.memory_space<vmem_shared>>
    tpu.enqueue_indirect_dma source(%arg25 : memref<40x128xf32, #tpu.memory_space<vmem>>) target(%dma_start3A_445 : memref<10000x128xf32, #tpu.memory_space<vmem_shared>>) offsets(%arg17 : memref<40xi32, #tpu.memory_space<vmem>>) semaphore(%arg48 : memref<!tpu.dma_semaphore, #tpu.memory_space<semaphore_mem>>) {add = true}
    %dma_wait3A_446 = arith.constant 0 : i32
    %dma_wait3A_447 = tpu.memref_slice %arg6[%dma_wait3A_446] : memref<160xi32, #tpu.memory_space<vmem>> -> memref<40xi32, #tpu.memory_space<vmem>>
    %dma_wait3A_448 = arith.constant 0 : i32
    %dma_wait3A_449 = arith.constant 0 : i32
    %dma_wait3A_450 = tpu.memref_slice %arg4[%dma_wait3A_448, %dma_wait3A_449] : memref<10000x128xf32, #tpu.memory_space<hbm>> -> memref<10000x128xf32, #tpu.memory_space<hbm>>
    tpu.wait_indirect_dma semaphore(%arg47 : memref<!tpu.dma_semaphore, #tpu.memory_space<semaphore_mem>>) src(%dma_wait3A_450 : memref<10000x128xf32, #tpu.memory_space<hbm>>) dst(%arg24 : memref<40x128xf32, #tpu.memory_space<vmem>>)
    %dma_wait3A_451 = arith.constant 0 : i32
    %dma_wait3A_452 = tpu.memref_slice %arg6[%dma_wait3A_451] : memref<160xi32, #tpu.memory_space<vmem>> -> memref<40xi32, #tpu.memory_space<vmem>>
    %dma_wait3A_453 = arith.constant 0 : i32
    %dma_wait3A_454 = arith.constant 0 : i32
    %dma_wait3A_455 = tpu.memref_slice %arg4[%dma_wait3A_453, %dma_wait3A_454] : memref<10000x128xf32, #tpu.memory_space<hbm>> -> memref<10000x128xf32, #tpu.memory_space<hbm>>
    tpu.wait_indirect_dma semaphore(%arg48 : memref<!tpu.dma_semaphore, #tpu.memory_space<semaphore_mem>>) src(%dma_wait3A_455 : memref<10000x128xf32, #tpu.memory_space<hbm>>) dst(%arg25 : memref<40x128xf32, #tpu.memory_space<vmem>>)
    %dma_wait3A_456 = arith.constant 0 : i32
    %dma_wait3A_457 = tpu.memref_slice %arg6[%dma_wait3A_456] : memref<160xi32, #tpu.memory_space<vmem>> -> memref<40xi32, #tpu.memory_space<vmem>>
    %dma_wait3A_458 = arith.constant 0 : i32
    %dma_wait3A_459 = arith.constant 0 : i32
    %dma_wait3A_460 = tpu.memref_slice %arg4[%dma_wait3A_458, %dma_wait3A_459] : memref<10000x128xf32, #tpu.memory_space<hbm>> -> memref<10000x128xf32, #tpu.memory_space<hbm>>
    tpu.wait_indirect_dma semaphore(%arg49 : memref<!tpu.dma_semaphore, #tpu.memory_space<semaphore_mem>>) src(%dma_wait3A_460 : memref<10000x128xf32, #tpu.memory_space<hbm>>) dst(%arg26 : memref<40x128xf32, #tpu.memory_space<vmem>>)
    %dma_wait3A_461 = arith.constant 0 : i32
    %dma_wait3A_462 = tpu.memref_slice %arg6[%dma_wait3A_461] : memref<160xi32, #tpu.memory_space<vmem>> -> memref<40xi32, #tpu.memory_space<vmem>>
    %dma_wait3A_463 = arith.constant 0 : i32
    %dma_wait3A_464 = arith.constant 0 : i32
    %dma_wait3A_465 = tpu.memref_slice %arg4[%dma_wait3A_463, %dma_wait3A_464] : memref<10000x128xf32, #tpu.memory_space<hbm>> -> memref<10000x128xf32, #tpu.memory_space<hbm>>
    tpu.wait_indirect_dma semaphore(%arg50 : memref<!tpu.dma_semaphore, #tpu.memory_space<semaphore_mem>>) src(%dma_wait3A_465 : memref<10000x128xf32, #tpu.memory_space<hbm>>) dst(%arg27 : memref<40x128xf32, #tpu.memory_space<vmem>>)
    %dma_wait3A_466 = arith.constant 0 : i32
    %dma_wait3A_467 = tpu.memref_slice %arg6[%dma_wait3A_466] : memref<160xi32, #tpu.memory_space<vmem>> -> memref<40xi32, #tpu.memory_space<vmem>>
    %dma_wait3A_468 = arith.constant 0 : i32
    %dma_wait3A_469 = arith.constant 0 : i32
    %dma_wait3A_470 = tpu.memref_slice %arg4[%dma_wait3A_468, %dma_wait3A_469] : memref<10000x128xf32, #tpu.memory_space<hbm>> -> memref<10000x128xf32, #tpu.memory_space<hbm>>
    tpu.wait_indirect_dma semaphore(%arg51 : memref<!tpu.dma_semaphore, #tpu.memory_space<semaphore_mem>>) src(%dma_wait3A_470 : memref<10000x128xf32, #tpu.memory_space<hbm>>) dst(%arg28 : memref<40x128xf32, #tpu.memory_space<vmem>>)
    %dma_wait3A_471 = arith.constant 0 : i32
    %dma_wait3A_472 = tpu.memref_slice %arg6[%dma_wait3A_471] : memref<160xi32, #tpu.memory_space<vmem>> -> memref<40xi32, #tpu.memory_space<vmem>>
    %dma_wait3A_473 = arith.constant 0 : i32
    %dma_wait3A_474 = arith.constant 0 : i32
    %dma_wait3A_475 = tpu.memref_slice %arg4[%dma_wait3A_473, %dma_wait3A_474] : memref<10000x128xf32, #tpu.memory_space<hbm>> -> memref<10000x128xf32, #tpu.memory_space<hbm>>
    tpu.wait_indirect_dma semaphore(%arg52 : memref<!tpu.dma_semaphore, #tpu.memory_space<semaphore_mem>>) src(%dma_wait3A_475 : memref<10000x128xf32, #tpu.memory_space<hbm>>) dst(%arg29 : memref<40x128xf32, #tpu.memory_space<vmem>>)
    %dma_wait3A_476 = arith.constant 0 : i32
    %dma_wait3A_477 = tpu.memref_slice %arg6[%dma_wait3A_476] : memref<160xi32, #tpu.memory_space<vmem>> -> memref<40xi32, #tpu.memory_space<vmem>>
    %dma_wait3A_478 = arith.constant 0 : i32
    %dma_wait3A_479 = arith.constant 0 : i32
    %dma_wait3A_480 = tpu.memref_slice %arg4[%dma_wait3A_478, %dma_wait3A_479] : memref<10000x128xf32, #tpu.memory_space<hbm>> -> memref<10000x128xf32, #tpu.memory_space<hbm>>
    tpu.wait_indirect_dma semaphore(%arg53 : memref<!tpu.dma_semaphore, #tpu.memory_space<semaphore_mem>>) src(%dma_wait3A_480 : memref<10000x128xf32, #tpu.memory_space<hbm>>) dst(%arg30 : memref<40x128xf32, #tpu.memory_space<vmem>>)
    %dma_wait3A_481 = arith.constant 0 : i32
    %dma_wait3A_482 = tpu.memref_slice %arg6[%dma_wait3A_481] : memref<160xi32, #tpu.memory_space<vmem>> -> memref<40xi32, #tpu.memory_space<vmem>>
    %dma_wait3A_483 = arith.constant 0 : i32
    %dma_wait3A_484 = arith.constant 0 : i32
    %dma_wait3A_485 = tpu.memref_slice %arg4[%dma_wait3A_483, %dma_wait3A_484] : memref<10000x128xf32, #tpu.memory_space<hbm>> -> memref<10000x128xf32, #tpu.memory_space<hbm>>
    tpu.wait_indirect_dma semaphore(%arg54 : memref<!tpu.dma_semaphore, #tpu.memory_space<semaphore_mem>>) src(%dma_wait3A_485 : memref<10000x128xf32, #tpu.memory_space<hbm>>) dst(%arg31 : memref<40x128xf32, #tpu.memory_space<vmem>>)
    %barrier3A_486 = arith.constant 0 : index
    tpu.barrier barrier_id(%barrier3A_486)
    %add3A_487 = arith.constant 0 : i32
    %add3A_488 = arith.addi %arg1, %add3A_487 : i32
    %lt3A_489 = arith.constant 250 : i32
    %lt3A_490 = arith.cmpi slt, %add3A_488, %lt3A_489 : i32
    %convert_element_type3A_491 = arith.extui %lt3A_490 : i1 to i32
    %cond3A_492 = arith.constant 0 : i32
    %cond3A_493 = arith.cmpi ne, %convert_element_type3A_491, %cond3A_492 : i32
    scf.if %cond3A_493 {
      %mul3A_599 = arith.constant 40 : i32
      %mul3A_600 = arith.muli %add3A_488, %mul3A_599 : i32
      %multiple_of3A_601 = tpu.assume_multiple %mul3A_600, 8 : i32
      "tpu.region"() ({
        %run_scoped3A = tpu.sem_alloc : memref<!tpu.dma_semaphore, #tpu.memory_space<semaphore_mem>>
        %dma_start3A_602 = arith.constant 0 : i32
        %dma_start3A_603 = tpu.memref_slice %arg5[%arg0, %multiple_of3A_601, %dma_start3A_602] : memref<2x10000x128xf32, #tpu.memory_space<hbm>> -> memref<1x40x128xf32, #tpu.memory_space<hbm>>
        %dma_start3A_604 = tpu.memref_squeeze %dma_start3A_603 : memref<1x40x128xf32, #tpu.memory_space<hbm>> -> memref<40x128xf32, #tpu.memory_space<hbm>>
        %dma_start3A_605 = arith.constant 0 : i32
        %dma_start3A_606 = tpu.memref_slice %arg32[%multiple_of3A_601, %dma_start3A_605] : memref<10000x128xf32, #tpu.memory_space<vmem_shared>> -> memref<40x128xf32, #tpu.memory_space<vmem_shared>>
        tpu.enqueue_dma source(%dma_start3A_606 : memref<40x128xf32, #tpu.memory_space<vmem_shared>>) target(%dma_start3A_604 : memref<40x128xf32, #tpu.memory_space<hbm>>) target_semaphore(%run_scoped3A : memref<!tpu.dma_semaphore, #tpu.memory_space<semaphore_mem>>)
        %dma_wait3A_607 = arith.constant 0 : i32
        %dma_wait3A_608 = tpu.memref_slice %arg5[%arg0, %multiple_of3A_601, %dma_wait3A_607] : memref<2x10000x128xf32, #tpu.memory_space<hbm>> -> memref<1x40x128xf32, #tpu.memory_space<hbm>>
        %dma_wait3A_609 = tpu.memref_squeeze %dma_wait3A_608 : memref<1x40x128xf32, #tpu.memory_space<hbm>> -> memref<40x128xf32, #tpu.memory_space<hbm>>
        %dma_wait3A_610 = arith.constant 0 : i32
        %dma_wait3A_611 = tpu.memref_slice %arg32[%multiple_of3A_601, %dma_wait3A_610] : memref<10000x128xf32, #tpu.memory_space<vmem_shared>> -> memref<40x128xf32, #tpu.memory_space<vmem_shared>>
        tpu.wait_dma2 semaphore(%run_scoped3A : memref<!tpu.dma_semaphore, #tpu.memory_space<semaphore_mem>>) src(%dma_wait3A_611 : memref<40x128xf32, #tpu.memory_space<vmem_shared>>) dst(%dma_wait3A_609 : memref<40x128xf32, #tpu.memory_space<hbm>>)
        tpu.yield
      }) : () -> ()
    } else {
    }
    %add3A_494 = arith.constant 16 : i32
    %add3A_495 = arith.addi %arg1, %add3A_494 : i32
    %lt3A_496 = arith.constant 250 : i32
    %lt3A_497 = arith.cmpi slt, %add3A_495, %lt3A_496 : i32
    %convert_element_type3A_498 = arith.extui %lt3A_497 : i1 to i32
    %cond3A_499 = arith.constant 0 : i32
    %cond3A_500 = arith.cmpi ne, %convert_element_type3A_498, %cond3A_499 : i32
    scf.if %cond3A_500 {
      %mul3A_599 = arith.constant 40 : i32
      %mul3A_600 = arith.muli %add3A_495, %mul3A_599 : i32
      %multiple_of3A_601 = tpu.assume_multiple %mul3A_600, 8 : i32
      "tpu.region"() ({
        %run_scoped3A = tpu.sem_alloc : memref<!tpu.dma_semaphore, #tpu.memory_space<semaphore_mem>>
        %dma_start3A_602 = arith.constant 0 : i32
        %dma_start3A_603 = tpu.memref_slice %arg5[%arg0, %multiple_of3A_601, %dma_start3A_602] : memref<2x10000x128xf32, #tpu.memory_space<hbm>> -> memref<1x40x128xf32, #tpu.memory_space<hbm>>
        %dma_start3A_604 = tpu.memref_squeeze %dma_start3A_603 : memref<1x40x128xf32, #tpu.memory_space<hbm>> -> memref<40x128xf32, #tpu.memory_space<hbm>>
        %dma_start3A_605 = arith.constant 0 : i32
        %dma_start3A_606 = tpu.memref_slice %arg32[%multiple_of3A_601, %dma_start3A_605] : memref<10000x128xf32, #tpu.memory_space<vmem_shared>> -> memref<40x128xf32, #tpu.memory_space<vmem_shared>>
        tpu.enqueue_dma source(%dma_start3A_606 : memref<40x128xf32, #tpu.memory_space<vmem_shared>>) target(%dma_start3A_604 : memref<40x128xf32, #tpu.memory_space<hbm>>) target_semaphore(%run_scoped3A : memref<!tpu.dma_semaphore, #tpu.memory_space<semaphore_mem>>)
        %dma_wait3A_607 = arith.constant 0 : i32
        %dma_wait3A_608 = tpu.memref_slice %arg5[%arg0, %multiple_of3A_601, %dma_wait3A_607] : memref<2x10000x128xf32, #tpu.memory_space<hbm>> -> memref<1x40x128xf32, #tpu.memory_space<hbm>>
        %dma_wait3A_609 = tpu.memref_squeeze %dma_wait3A_608 : memref<1x40x128xf32, #tpu.memory_space<hbm>> -> memref<40x128xf32, #tpu.memory_space<hbm>>
        %dma_wait3A_610 = arith.constant 0 : i32
        %dma_wait3A_611 = tpu.memref_slice %arg32[%multiple_of3A_601, %dma_wait3A_610] : memref<10000x128xf32, #tpu.memory_space<vmem_shared>> -> memref<40x128xf32, #tpu.memory_space<vmem_shared>>
        tpu.wait_dma2 semaphore(%run_scoped3A : memref<!tpu.dma_semaphore, #tpu.memory_space<semaphore_mem>>) src(%dma_wait3A_611 : memref<40x128xf32, #tpu.memory_space<vmem_shared>>) dst(%dma_wait3A_609 : memref<40x128xf32, #tpu.memory_space<hbm>>)
        tpu.yield
      }) : () -> ()
    } else {
    }
    %add3A_501 = arith.constant 32 : i32
    %add3A_502 = arith.addi %arg1, %add3A_501 : i32
    %lt3A_503 = arith.constant 250 : i32
    %lt3A_504 = arith.cmpi slt, %add3A_502, %lt3A_503 : i32
    %convert_element_type3A_505 = arith.extui %lt3A_504 : i1 to i32
    %cond3A_506 = arith.constant 0 : i32
    %cond3A_507 = arith.cmpi ne, %convert_element_type3A_505, %cond3A_506 : i32
    scf.if %cond3A_507 {
      %mul3A_599 = arith.constant 40 : i32
      %mul3A_600 = arith.muli %add3A_502, %mul3A_599 : i32
      %multiple_of3A_601 = tpu.assume_multiple %mul3A_600, 8 : i32
      "tpu.region"() ({
        %run_scoped3A = tpu.sem_alloc : memref<!tpu.dma_semaphore, #tpu.memory_space<semaphore_mem>>
        %dma_start3A_602 = arith.constant 0 : i32
        %dma_start3A_603 = tpu.memref_slice %arg5[%arg0, %multiple_of3A_601, %dma_start3A_602] : memref<2x10000x128xf32, #tpu.memory_space<hbm>> -> memref<1x40x128xf32, #tpu.memory_space<hbm>>
        %dma_start3A_604 = tpu.memref_squeeze %dma_start3A_603 : memref<1x40x128xf32, #tpu.memory_space<hbm>> -> memref<40x128xf32, #tpu.memory_space<hbm>>
        %dma_start3A_605 = arith.constant 0 : i32
        %dma_start3A_606 = tpu.memref_slice %arg32[%multiple_of3A_601, %dma_start3A_605] : memref<10000x128xf32, #tpu.memory_space<vmem_shared>> -> memref<40x128xf32, #tpu.memory_space<vmem_shared>>
        tpu.enqueue_dma source(%dma_start3A_606 : memref<40x128xf32, #tpu.memory_space<vmem_shared>>) target(%dma_start3A_604 : memref<40x128xf32, #tpu.memory_space<hbm>>) target_semaphore(%run_scoped3A : memref<!tpu.dma_semaphore, #tpu.memory_space<semaphore_mem>>)
        %dma_wait3A_607 = arith.constant 0 : i32
        %dma_wait3A_608 = tpu.memref_slice %arg5[%arg0, %multiple_of3A_601, %dma_wait3A_607] : memref<2x10000x128xf32, #tpu.memory_space<hbm>> -> memref<1x40x128xf32, #tpu.memory_space<hbm>>
        %dma_wait3A_609 = tpu.memref_squeeze %dma_wait3A_608 : memref<1x40x128xf32, #tpu.memory_space<hbm>> -> memref<40x128xf32, #tpu.memory_space<hbm>>
        %dma_wait3A_610 = arith.constant 0 : i32
        %dma_wait3A_611 = tpu.memref_slice %arg32[%multiple_of3A_601, %dma_wait3A_610] : memref<10000x128xf32, #tpu.memory_space<vmem_shared>> -> memref<40x128xf32, #tpu.memory_space<vmem_shared>>
        tpu.wait_dma2 semaphore(%run_scoped3A : memref<!tpu.dma_semaphore, #tpu.memory_space<semaphore_mem>>) src(%dma_wait3A_611 : memref<40x128xf32, #tpu.memory_space<vmem_shared>>) dst(%dma_wait3A_609 : memref<40x128xf32, #tpu.memory_space<hbm>>)
        tpu.yield
      }) : () -> ()
    } else {
    }
    %add3A_508 = arith.constant 48 : i32
    %add3A_509 = arith.addi %arg1, %add3A_508 : i32
    %lt3A_510 = arith.constant 250 : i32
    %lt3A_511 = arith.cmpi slt, %add3A_509, %lt3A_510 : i32
    %convert_element_type3A_512 = arith.extui %lt3A_511 : i1 to i32
    %cond3A_513 = arith.constant 0 : i32
    %cond3A_514 = arith.cmpi ne, %convert_element_type3A_512, %cond3A_513 : i32
    scf.if %cond3A_514 {
      %mul3A_599 = arith.constant 40 : i32
      %mul3A_600 = arith.muli %add3A_509, %mul3A_599 : i32
      %multiple_of3A_601 = tpu.assume_multiple %mul3A_600, 8 : i32
      "tpu.region"() ({
        %run_scoped3A = tpu.sem_alloc : memref<!tpu.dma_semaphore, #tpu.memory_space<semaphore_mem>>
        %dma_start3A_602 = arith.constant 0 : i32
        %dma_start3A_603 = tpu.memref_slice %arg5[%arg0, %multiple_of3A_601, %dma_start3A_602] : memref<2x10000x128xf32, #tpu.memory_space<hbm>> -> memref<1x40x128xf32, #tpu.memory_space<hbm>>
        %dma_start3A_604 = tpu.memref_squeeze %dma_start3A_603 : memref<1x40x128xf32, #tpu.memory_space<hbm>> -> memref<40x128xf32, #tpu.memory_space<hbm>>
        %dma_start3A_605 = arith.constant 0 : i32
        %dma_start3A_606 = tpu.memref_slice %arg32[%multiple_of3A_601, %dma_start3A_605] : memref<10000x128xf32, #tpu.memory_space<vmem_shared>> -> memref<40x128xf32, #tpu.memory_space<vmem_shared>>
        tpu.enqueue_dma source(%dma_start3A_606 : memref<40x128xf32, #tpu.memory_space<vmem_shared>>) target(%dma_start3A_604 : memref<40x128xf32, #tpu.memory_space<hbm>>) target_semaphore(%run_scoped3A : memref<!tpu.dma_semaphore, #tpu.memory_space<semaphore_mem>>)
        %dma_wait3A_607 = arith.constant 0 : i32
        %dma_wait3A_608 = tpu.memref_slice %arg5[%arg0, %multiple_of3A_601, %dma_wait3A_607] : memref<2x10000x128xf32, #tpu.memory_space<hbm>> -> memref<1x40x128xf32, #tpu.memory_space<hbm>>
        %dma_wait3A_609 = tpu.memref_squeeze %dma_wait3A_608 : memref<1x40x128xf32, #tpu.memory_space<hbm>> -> memref<40x128xf32, #tpu.memory_space<hbm>>
        %dma_wait3A_610 = arith.constant 0 : i32
        %dma_wait3A_611 = tpu.memref_slice %arg32[%multiple_of3A_601, %dma_wait3A_610] : memref<10000x128xf32, #tpu.memory_space<vmem_shared>> -> memref<40x128xf32, #tpu.memory_space<vmem_shared>>
        tpu.wait_dma2 semaphore(%run_scoped3A : memref<!tpu.dma_semaphore, #tpu.memory_space<semaphore_mem>>) src(%dma_wait3A_611 : memref<40x128xf32, #tpu.memory_space<vmem_shared>>) dst(%dma_wait3A_609 : memref<40x128xf32, #tpu.memory_space<hbm>>)
        tpu.yield
      }) : () -> ()
    } else {
    }
    %add3A_515 = arith.constant 64 : i32
    %add3A_516 = arith.addi %arg1, %add3A_515 : i32
    %lt3A_517 = arith.constant 250 : i32
    %lt3A_518 = arith.cmpi slt, %add3A_516, %lt3A_517 : i32
    %convert_element_type3A_519 = arith.extui %lt3A_518 : i1 to i32
    %cond3A_520 = arith.constant 0 : i32
    %cond3A_521 = arith.cmpi ne, %convert_element_type3A_519, %cond3A_520 : i32
    scf.if %cond3A_521 {
      %mul3A_599 = arith.constant 40 : i32
      %mul3A_600 = arith.muli %add3A_516, %mul3A_599 : i32
      %multiple_of3A_601 = tpu.assume_multiple %mul3A_600, 8 : i32
      "tpu.region"() ({
        %run_scoped3A = tpu.sem_alloc : memref<!tpu.dma_semaphore, #tpu.memory_space<semaphore_mem>>
        %dma_start3A_602 = arith.constant 0 : i32
        %dma_start3A_603 = tpu.memref_slice %arg5[%arg0, %multiple_of3A_601, %dma_start3A_602] : memref<2x10000x128xf32, #tpu.memory_space<hbm>> -> memref<1x40x128xf32, #tpu.memory_space<hbm>>
        %dma_start3A_604 = tpu.memref_squeeze %dma_start3A_603 : memref<1x40x128xf32, #tpu.memory_space<hbm>> -> memref<40x128xf32, #tpu.memory_space<hbm>>
        %dma_start3A_605 = arith.constant 0 : i32
        %dma_start3A_606 = tpu.memref_slice %arg32[%multiple_of3A_601, %dma_start3A_605] : memref<10000x128xf32, #tpu.memory_space<vmem_shared>> -> memref<40x128xf32, #tpu.memory_space<vmem_shared>>
        tpu.enqueue_dma source(%dma_start3A_606 : memref<40x128xf32, #tpu.memory_space<vmem_shared>>) target(%dma_start3A_604 : memref<40x128xf32, #tpu.memory_space<hbm>>) target_semaphore(%run_scoped3A : memref<!tpu.dma_semaphore, #tpu.memory_space<semaphore_mem>>)
        %dma_wait3A_607 = arith.constant 0 : i32
        %dma_wait3A_608 = tpu.memref_slice %arg5[%arg0, %multiple_of3A_601, %dma_wait3A_607] : memref<2x10000x128xf32, #tpu.memory_space<hbm>> -> memref<1x40x128xf32, #tpu.memory_space<hbm>>
        %dma_wait3A_609 = tpu.memref_squeeze %dma_wait3A_608 : memref<1x40x128xf32, #tpu.memory_space<hbm>> -> memref<40x128xf32, #tpu.memory_space<hbm>>
        %dma_wait3A_610 = arith.constant 0 : i32
        %dma_wait3A_611 = tpu.memref_slice %arg32[%multiple_of3A_601, %dma_wait3A_610] : memref<10000x128xf32, #tpu.memory_space<vmem_shared>> -> memref<40x128xf32, #tpu.memory_space<vmem_shared>>
        tpu.wait_dma2 semaphore(%run_scoped3A : memref<!tpu.dma_semaphore, #tpu.memory_space<semaphore_mem>>) src(%dma_wait3A_611 : memref<40x128xf32, #tpu.memory_space<vmem_shared>>) dst(%dma_wait3A_609 : memref<40x128xf32, #tpu.memory_space<hbm>>)
        tpu.yield
      }) : () -> ()
    } else {
    }
    %add3A_522 = arith.constant 80 : i32
    %add3A_523 = arith.addi %arg1, %add3A_522 : i32
    %lt3A_524 = arith.constant 250 : i32
    %lt3A_525 = arith.cmpi slt, %add3A_523, %lt3A_524 : i32
    %convert_element_type3A_526 = arith.extui %lt3A_525 : i1 to i32
    %cond3A_527 = arith.constant 0 : i32
    %cond3A_528 = arith.cmpi ne, %convert_element_type3A_526, %cond3A_527 : i32
    scf.if %cond3A_528 {
      %mul3A_599 = arith.constant 40 : i32
      %mul3A_600 = arith.muli %add3A_523, %mul3A_599 : i32
      %multiple_of3A_601 = tpu.assume_multiple %mul3A_600, 8 : i32
      "tpu.region"() ({
        %run_scoped3A = tpu.sem_alloc : memref<!tpu.dma_semaphore, #tpu.memory_space<semaphore_mem>>
        %dma_start3A_602 = arith.constant 0 : i32
        %dma_start3A_603 = tpu.memref_slice %arg5[%arg0, %multiple_of3A_601, %dma_start3A_602] : memref<2x10000x128xf32, #tpu.memory_space<hbm>> -> memref<1x40x128xf32, #tpu.memory_space<hbm>>
        %dma_start3A_604 = tpu.memref_squeeze %dma_start3A_603 : memref<1x40x128xf32, #tpu.memory_space<hbm>> -> memref<40x128xf32, #tpu.memory_space<hbm>>
        %dma_start3A_605 = arith.constant 0 : i32
        %dma_start3A_606 = tpu.memref_slice %arg32[%multiple_of3A_601, %dma_start3A_605] : memref<10000x128xf32, #tpu.memory_space<vmem_shared>> -> memref<40x128xf32, #tpu.memory_space<vmem_shared>>
        tpu.enqueue_dma source(%dma_start3A_606 : memref<40x128xf32, #tpu.memory_space<vmem_shared>>) target(%dma_start3A_604 : memref<40x128xf32, #tpu.memory_space<hbm>>) target_semaphore(%run_scoped3A : memref<!tpu.dma_semaphore, #tpu.memory_space<semaphore_mem>>)
        %dma_wait3A_607 = arith.constant 0 : i32
        %dma_wait3A_608 = tpu.memref_slice %arg5[%arg0, %multiple_of3A_601, %dma_wait3A_607] : memref<2x10000x128xf32, #tpu.memory_space<hbm>> -> memref<1x40x128xf32, #tpu.memory_space<hbm>>
        %dma_wait3A_609 = tpu.memref_squeeze %dma_wait3A_608 : memref<1x40x128xf32, #tpu.memory_space<hbm>> -> memref<40x128xf32, #tpu.memory_space<hbm>>
        %dma_wait3A_610 = arith.constant 0 : i32
        %dma_wait3A_611 = tpu.memref_slice %arg32[%multiple_of3A_601, %dma_wait3A_610] : memref<10000x128xf32, #tpu.memory_space<vmem_shared>> -> memref<40x128xf32, #tpu.memory_space<vmem_shared>>
        tpu.wait_dma2 semaphore(%run_scoped3A : memref<!tpu.dma_semaphore, #tpu.memory_space<semaphore_mem>>) src(%dma_wait3A_611 : memref<40x128xf32, #tpu.memory_space<vmem_shared>>) dst(%dma_wait3A_609 : memref<40x128xf32, #tpu.memory_space<hbm>>)
        tpu.yield
      }) : () -> ()
    } else {
    }
    %add3A_529 = arith.constant 96 : i32
    %add3A_530 = arith.addi %arg1, %add3A_529 : i32
    %lt3A_531 = arith.constant 250 : i32
    %lt3A_532 = arith.cmpi slt, %add3A_530, %lt3A_531 : i32
    %convert_element_type3A_533 = arith.extui %lt3A_532 : i1 to i32
    %cond3A_534 = arith.constant 0 : i32
    %cond3A_535 = arith.cmpi ne, %convert_element_type3A_533, %cond3A_534 : i32
    scf.if %cond3A_535 {
      %mul3A_599 = arith.constant 40 : i32
      %mul3A_600 = arith.muli %add3A_530, %mul3A_599 : i32
      %multiple_of3A_601 = tpu.assume_multiple %mul3A_600, 8 : i32
      "tpu.region"() ({
        %run_scoped3A = tpu.sem_alloc : memref<!tpu.dma_semaphore, #tpu.memory_space<semaphore_mem>>
        %dma_start3A_602 = arith.constant 0 : i32
        %dma_start3A_603 = tpu.memref_slice %arg5[%arg0, %multiple_of3A_601, %dma_start3A_602] : memref<2x10000x128xf32, #tpu.memory_space<hbm>> -> memref<1x40x128xf32, #tpu.memory_space<hbm>>
        %dma_start3A_604 = tpu.memref_squeeze %dma_start3A_603 : memref<1x40x128xf32, #tpu.memory_space<hbm>> -> memref<40x128xf32, #tpu.memory_space<hbm>>
        %dma_start3A_605 = arith.constant 0 : i32
        %dma_start3A_606 = tpu.memref_slice %arg32[%multiple_of3A_601, %dma_start3A_605] : memref<10000x128xf32, #tpu.memory_space<vmem_shared>> -> memref<40x128xf32, #tpu.memory_space<vmem_shared>>
        tpu.enqueue_dma source(%dma_start3A_606 : memref<40x128xf32, #tpu.memory_space<vmem_shared>>) target(%dma_start3A_604 : memref<40x128xf32, #tpu.memory_space<hbm>>) target_semaphore(%run_scoped3A : memref<!tpu.dma_semaphore, #tpu.memory_space<semaphore_mem>>)
        %dma_wait3A_607 = arith.constant 0 : i32
        %dma_wait3A_608 = tpu.memref_slice %arg5[%arg0, %multiple_of3A_601, %dma_wait3A_607] : memref<2x10000x128xf32, #tpu.memory_space<hbm>> -> memref<1x40x128xf32, #tpu.memory_space<hbm>>
        %dma_wait3A_609 = tpu.memref_squeeze %dma_wait3A_608 : memref<1x40x128xf32, #tpu.memory_space<hbm>> -> memref<40x128xf32, #tpu.memory_space<hbm>>
        %dma_wait3A_610 = arith.constant 0 : i32
        %dma_wait3A_611 = tpu.memref_slice %arg32[%multiple_of3A_601, %dma_wait3A_610] : memref<10000x128xf32, #tpu.memory_space<vmem_shared>> -> memref<40x128xf32, #tpu.memory_space<vmem_shared>>
        tpu.wait_dma2 semaphore(%run_scoped3A : memref<!tpu.dma_semaphore, #tpu.memory_space<semaphore_mem>>) src(%dma_wait3A_611 : memref<40x128xf32, #tpu.memory_space<vmem_shared>>) dst(%dma_wait3A_609 : memref<40x128xf32, #tpu.memory_space<hbm>>)
        tpu.yield
      }) : () -> ()
    } else {
    }
    %add3A_536 = arith.constant 112 : i32
    %add3A_537 = arith.addi %arg1, %add3A_536 : i32
    %lt3A_538 = arith.constant 250 : i32
    %lt3A_539 = arith.cmpi slt, %add3A_537, %lt3A_538 : i32
    %convert_element_type3A_540 = arith.extui %lt3A_539 : i1 to i32
    %cond3A_541 = arith.constant 0 : i32
    %cond3A_542 = arith.cmpi ne, %convert_element_type3A_540, %cond3A_541 : i32
    scf.if %cond3A_542 {
      %mul3A_599 = arith.constant 40 : i32
      %mul3A_600 = arith.muli %add3A_537, %mul3A_599 : i32
      %multiple_of3A_601 = tpu.assume_multiple %mul3A_600, 8 : i32
      "tpu.region"() ({
        %run_scoped3A = tpu.sem_alloc : memref<!tpu.dma_semaphore, #tpu.memory_space<semaphore_mem>>
        %dma_start3A_602 = arith.constant 0 : i32
        %dma_start3A_603 = tpu.memref_slice %arg5[%arg0, %multiple_of3A_601, %dma_start3A_602] : memref<2x10000x128xf32, #tpu.memory_space<hbm>> -> memref<1x40x128xf32, #tpu.memory_space<hbm>>
        %dma_start3A_604 = tpu.memref_squeeze %dma_start3A_603 : memref<1x40x128xf32, #tpu.memory_space<hbm>> -> memref<40x128xf32, #tpu.memory_space<hbm>>
        %dma_start3A_605 = arith.constant 0 : i32
        %dma_start3A_606 = tpu.memref_slice %arg32[%multiple_of3A_601, %dma_start3A_605] : memref<10000x128xf32, #tpu.memory_space<vmem_shared>> -> memref<40x128xf32, #tpu.memory_space<vmem_shared>>
        tpu.enqueue_dma source(%dma_start3A_606 : memref<40x128xf32, #tpu.memory_space<vmem_shared>>) target(%dma_start3A_604 : memref<40x128xf32, #tpu.memory_space<hbm>>) target_semaphore(%run_scoped3A : memref<!tpu.dma_semaphore, #tpu.memory_space<semaphore_mem>>)
        %dma_wait3A_607 = arith.constant 0 : i32
        %dma_wait3A_608 = tpu.memref_slice %arg5[%arg0, %multiple_of3A_601, %dma_wait3A_607] : memref<2x10000x128xf32, #tpu.memory_space<hbm>> -> memref<1x40x128xf32, #tpu.memory_space<hbm>>
        %dma_wait3A_609 = tpu.memref_squeeze %dma_wait3A_608 : memref<1x40x128xf32, #tpu.memory_space<hbm>> -> memref<40x128xf32, #tpu.memory_space<hbm>>
        %dma_wait3A_610 = arith.constant 0 : i32
        %dma_wait3A_611 = tpu.memref_slice %arg32[%multiple_of3A_601, %dma_wait3A_610] : memref<10000x128xf32, #tpu.memory_space<vmem_shared>> -> memref<40x128xf32, #tpu.memory_space<vmem_shared>>
        tpu.wait_dma2 semaphore(%run_scoped3A : memref<!tpu.dma_semaphore, #tpu.memory_space<semaphore_mem>>) src(%dma_wait3A_611 : memref<40x128xf32, #tpu.memory_space<vmem_shared>>) dst(%dma_wait3A_609 : memref<40x128xf32, #tpu.memory_space<hbm>>)
        tpu.yield
      }) : () -> ()
    } else {
    }
    %add3A_543 = arith.constant 128 : i32
    %add3A_544 = arith.addi %arg1, %add3A_543 : i32
    %lt3A_545 = arith.constant 250 : i32
    %lt3A_546 = arith.cmpi slt, %add3A_544, %lt3A_545 : i32
    %convert_element_type3A_547 = arith.extui %lt3A_546 : i1 to i32
    %cond3A_548 = arith.constant 0 : i32
    %cond3A_549 = arith.cmpi ne, %convert_element_type3A_547, %cond3A_548 : i32
    scf.if %cond3A_549 {
      %mul3A_599 = arith.constant 40 : i32
      %mul3A_600 = arith.muli %add3A_544, %mul3A_599 : i32
      %multiple_of3A_601 = tpu.assume_multiple %mul3A_600, 8 : i32
      "tpu.region"() ({
        %run_scoped3A = tpu.sem_alloc : memref<!tpu.dma_semaphore, #tpu.memory_space<semaphore_mem>>
        %dma_start3A_602 = arith.constant 0 : i32
        %dma_start3A_603 = tpu.memref_slice %arg5[%arg0, %multiple_of3A_601, %dma_start3A_602] : memref<2x10000x128xf32, #tpu.memory_space<hbm>> -> memref<1x40x128xf32, #tpu.memory_space<hbm>>
        %dma_start3A_604 = tpu.memref_squeeze %dma_start3A_603 : memref<1x40x128xf32, #tpu.memory_space<hbm>> -> memref<40x128xf32, #tpu.memory_space<hbm>>
        %dma_start3A_605 = arith.constant 0 : i32
        %dma_start3A_606 = tpu.memref_slice %arg32[%multiple_of3A_601, %dma_start3A_605] : memref<10000x128xf32, #tpu.memory_space<vmem_shared>> -> memref<40x128xf32, #tpu.memory_space<vmem_shared>>
        tpu.enqueue_dma source(%dma_start3A_606 : memref<40x128xf32, #tpu.memory_space<vmem_shared>>) target(%dma_start3A_604 : memref<40x128xf32, #tpu.memory_space<hbm>>) target_semaphore(%run_scoped3A : memref<!tpu.dma_semaphore, #tpu.memory_space<semaphore_mem>>)
        %dma_wait3A_607 = arith.constant 0 : i32
        %dma_wait3A_608 = tpu.memref_slice %arg5[%arg0, %multiple_of3A_601, %dma_wait3A_607] : memref<2x10000x128xf32, #tpu.memory_space<hbm>> -> memref<1x40x128xf32, #tpu.memory_space<hbm>>
        %dma_wait3A_609 = tpu.memref_squeeze %dma_wait3A_608 : memref<1x40x128xf32, #tpu.memory_space<hbm>> -> memref<40x128xf32, #tpu.memory_space<hbm>>
        %dma_wait3A_610 = arith.constant 0 : i32
        %dma_wait3A_611 = tpu.memref_slice %arg32[%multiple_of3A_601, %dma_wait3A_610] : memref<10000x128xf32, #tpu.memory_space<vmem_shared>> -> memref<40x128xf32, #tpu.memory_space<vmem_shared>>
        tpu.wait_dma2 semaphore(%run_scoped3A : memref<!tpu.dma_semaphore, #tpu.memory_space<semaphore_mem>>) src(%dma_wait3A_611 : memref<40x128xf32, #tpu.memory_space<vmem_shared>>) dst(%dma_wait3A_609 : memref<40x128xf32, #tpu.memory_space<hbm>>)
        tpu.yield
      }) : () -> ()
    } else {
    }
    %add3A_550 = arith.constant 144 : i32
    %add3A_551 = arith.addi %arg1, %add3A_550 : i32
    %lt3A_552 = arith.constant 250 : i32
    %lt3A_553 = arith.cmpi slt, %add3A_551, %lt3A_552 : i32
    %convert_element_type3A_554 = arith.extui %lt3A_553 : i1 to i32
    %cond3A_555 = arith.constant 0 : i32
    %cond3A_556 = arith.cmpi ne, %convert_element_type3A_554, %cond3A_555 : i32
    scf.if %cond3A_556 {
      %mul3A_599 = arith.constant 40 : i32
      %mul3A_600 = arith.muli %add3A_551, %mul3A_599 : i32
      %multiple_of3A_601 = tpu.assume_multiple %mul3A_600, 8 : i32
      "tpu.region"() ({
        %run_scoped3A = tpu.sem_alloc : memref<!tpu.dma_semaphore, #tpu.memory_space<semaphore_mem>>
        %dma_start3A_602 = arith.constant 0 : i32
        %dma_start3A_603 = tpu.memref_slice %arg5[%arg0, %multiple_of3A_601, %dma_start3A_602] : memref<2x10000x128xf32, #tpu.memory_space<hbm>> -> memref<1x40x128xf32, #tpu.memory_space<hbm>>
        %dma_start3A_604 = tpu.memref_squeeze %dma_start3A_603 : memref<1x40x128xf32, #tpu.memory_space<hbm>> -> memref<40x128xf32, #tpu.memory_space<hbm>>
        %dma_start3A_605 = arith.constant 0 : i32
        %dma_start3A_606 = tpu.memref_slice %arg32[%multiple_of3A_601, %dma_start3A_605] : memref<10000x128xf32, #tpu.memory_space<vmem_shared>> -> memref<40x128xf32, #tpu.memory_space<vmem_shared>>
        tpu.enqueue_dma source(%dma_start3A_606 : memref<40x128xf32, #tpu.memory_space<vmem_shared>>) target(%dma_start3A_604 : memref<40x128xf32, #tpu.memory_space<hbm>>) target_semaphore(%run_scoped3A : memref<!tpu.dma_semaphore, #tpu.memory_space<semaphore_mem>>)
        %dma_wait3A_607 = arith.constant 0 : i32
        %dma_wait3A_608 = tpu.memref_slice %arg5[%arg0, %multiple_of3A_601, %dma_wait3A_607] : memref<2x10000x128xf32, #tpu.memory_space<hbm>> -> memref<1x40x128xf32, #tpu.memory_space<hbm>>
        %dma_wait3A_609 = tpu.memref_squeeze %dma_wait3A_608 : memref<1x40x128xf32, #tpu.memory_space<hbm>> -> memref<40x128xf32, #tpu.memory_space<hbm>>
        %dma_wait3A_610 = arith.constant 0 : i32
        %dma_wait3A_611 = tpu.memref_slice %arg32[%multiple_of3A_601, %dma_wait3A_610] : memref<10000x128xf32, #tpu.memory_space<vmem_shared>> -> memref<40x128xf32, #tpu.memory_space<vmem_shared>>
        tpu.wait_dma2 semaphore(%run_scoped3A : memref<!tpu.dma_semaphore, #tpu.memory_space<semaphore_mem>>) src(%dma_wait3A_611 : memref<40x128xf32, #tpu.memory_space<vmem_shared>>) dst(%dma_wait3A_609 : memref<40x128xf32, #tpu.memory_space<hbm>>)
        tpu.yield
      }) : () -> ()
    } else {
    }
    %add3A_557 = arith.constant 160 : i32
    %add3A_558 = arith.addi %arg1, %add3A_557 : i32
    %lt3A_559 = arith.constant 250 : i32
    %lt3A_560 = arith.cmpi slt, %add3A_558, %lt3A_559 : i32
    %convert_element_type3A_561 = arith.extui %lt3A_560 : i1 to i32
    %cond3A_562 = arith.constant 0 : i32
    %cond3A_563 = arith.cmpi ne, %convert_element_type3A_561, %cond3A_562 : i32
    scf.if %cond3A_563 {
      %mul3A_599 = arith.constant 40 : i32
      %mul3A_600 = arith.muli %add3A_558, %mul3A_599 : i32
      %multiple_of3A_601 = tpu.assume_multiple %mul3A_600, 8 : i32
      "tpu.region"() ({
        %run_scoped3A = tpu.sem_alloc : memref<!tpu.dma_semaphore, #tpu.memory_space<semaphore_mem>>
        %dma_start3A_602 = arith.constant 0 : i32
        %dma_start3A_603 = tpu.memref_slice %arg5[%arg0, %multiple_of3A_601, %dma_start3A_602] : memref<2x10000x128xf32, #tpu.memory_space<hbm>> -> memref<1x40x128xf32, #tpu.memory_space<hbm>>
        %dma_start3A_604 = tpu.memref_squeeze %dma_start3A_603 : memref<1x40x128xf32, #tpu.memory_space<hbm>> -> memref<40x128xf32, #tpu.memory_space<hbm>>
        %dma_start3A_605 = arith.constant 0 : i32
        %dma_start3A_606 = tpu.memref_slice %arg32[%multiple_of3A_601, %dma_start3A_605] : memref<10000x128xf32, #tpu.memory_space<vmem_shared>> -> memref<40x128xf32, #tpu.memory_space<vmem_shared>>
        tpu.enqueue_dma source(%dma_start3A_606 : memref<40x128xf32, #tpu.memory_space<vmem_shared>>) target(%dma_start3A_604 : memref<40x128xf32, #tpu.memory_space<hbm>>) target_semaphore(%run_scoped3A : memref<!tpu.dma_semaphore, #tpu.memory_space<semaphore_mem>>)
        %dma_wait3A_607 = arith.constant 0 : i32
        %dma_wait3A_608 = tpu.memref_slice %arg5[%arg0, %multiple_of3A_601, %dma_wait3A_607] : memref<2x10000x128xf32, #tpu.memory_space<hbm>> -> memref<1x40x128xf32, #tpu.memory_space<hbm>>
        %dma_wait3A_609 = tpu.memref_squeeze %dma_wait3A_608 : memref<1x40x128xf32, #tpu.memory_space<hbm>> -> memref<40x128xf32, #tpu.memory_space<hbm>>
        %dma_wait3A_610 = arith.constant 0 : i32
        %dma_wait3A_611 = tpu.memref_slice %arg32[%multiple_of3A_601, %dma_wait3A_610] : memref<10000x128xf32, #tpu.memory_space<vmem_shared>> -> memref<40x128xf32, #tpu.memory_space<vmem_shared>>
        tpu.wait_dma2 semaphore(%run_scoped3A : memref<!tpu.dma_semaphore, #tpu.memory_space<semaphore_mem>>) src(%dma_wait3A_611 : memref<40x128xf32, #tpu.memory_space<vmem_shared>>) dst(%dma_wait3A_609 : memref<40x128xf32, #tpu.memory_space<hbm>>)
        tpu.yield
      }) : () -> ()
    } else {
    }
    %add3A_564 = arith.constant 176 : i32
    %add3A_565 = arith.addi %arg1, %add3A_564 : i32
    %lt3A_566 = arith.constant 250 : i32
    %lt3A_567 = arith.cmpi slt, %add3A_565, %lt3A_566 : i32
    %convert_element_type3A_568 = arith.extui %lt3A_567 : i1 to i32
    %cond3A_569 = arith.constant 0 : i32
    %cond3A_570 = arith.cmpi ne, %convert_element_type3A_568, %cond3A_569 : i32
    scf.if %cond3A_570 {
      %mul3A_599 = arith.constant 40 : i32
      %mul3A_600 = arith.muli %add3A_565, %mul3A_599 : i32
      %multiple_of3A_601 = tpu.assume_multiple %mul3A_600, 8 : i32
      "tpu.region"() ({
        %run_scoped3A = tpu.sem_alloc : memref<!tpu.dma_semaphore, #tpu.memory_space<semaphore_mem>>
        %dma_start3A_602 = arith.constant 0 : i32
        %dma_start3A_603 = tpu.memref_slice %arg5[%arg0, %multiple_of3A_601, %dma_start3A_602] : memref<2x10000x128xf32, #tpu.memory_space<hbm>> -> memref<1x40x128xf32, #tpu.memory_space<hbm>>
        %dma_start3A_604 = tpu.memref_squeeze %dma_start3A_603 : memref<1x40x128xf32, #tpu.memory_space<hbm>> -> memref<40x128xf32, #tpu.memory_space<hbm>>
        %dma_start3A_605 = arith.constant 0 : i32
        %dma_start3A_606 = tpu.memref_slice %arg32[%multiple_of3A_601, %dma_start3A_605] : memref<10000x128xf32, #tpu.memory_space<vmem_shared>> -> memref<40x128xf32, #tpu.memory_space<vmem_shared>>
        tpu.enqueue_dma source(%dma_start3A_606 : memref<40x128xf32, #tpu.memory_space<vmem_shared>>) target(%dma_start3A_604 : memref<40x128xf32, #tpu.memory_space<hbm>>) target_semaphore(%run_scoped3A : memref<!tpu.dma_semaphore, #tpu.memory_space<semaphore_mem>>)
        %dma_wait3A_607 = arith.constant 0 : i32
        %dma_wait3A_608 = tpu.memref_slice %arg5[%arg0, %multiple_of3A_601, %dma_wait3A_607] : memref<2x10000x128xf32, #tpu.memory_space<hbm>> -> memref<1x40x128xf32, #tpu.memory_space<hbm>>
        %dma_wait3A_609 = tpu.memref_squeeze %dma_wait3A_608 : memref<1x40x128xf32, #tpu.memory_space<hbm>> -> memref<40x128xf32, #tpu.memory_space<hbm>>
        %dma_wait3A_610 = arith.constant 0 : i32
        %dma_wait3A_611 = tpu.memref_slice %arg32[%multiple_of3A_601, %dma_wait3A_610] : memref<10000x128xf32, #tpu.memory_space<vmem_shared>> -> memref<40x128xf32, #tpu.memory_space<vmem_shared>>
        tpu.wait_dma2 semaphore(%run_scoped3A : memref<!tpu.dma_semaphore, #tpu.memory_space<semaphore_mem>>) src(%dma_wait3A_611 : memref<40x128xf32, #tpu.memory_space<vmem_shared>>) dst(%dma_wait3A_609 : memref<40x128xf32, #tpu.memory_space<hbm>>)
        tpu.yield
      }) : () -> ()
    } else {
    }
    %add3A_571 = arith.constant 192 : i32
    %add3A_572 = arith.addi %arg1, %add3A_571 : i32
    %lt3A_573 = arith.constant 250 : i32
    %lt3A_574 = arith.cmpi slt, %add3A_572, %lt3A_573 : i32
    %convert_element_type3A_575 = arith.extui %lt3A_574 : i1 to i32
    %cond3A_576 = arith.constant 0 : i32
    %cond3A_577 = arith.cmpi ne, %convert_element_type3A_575, %cond3A_576 : i32
    scf.if %cond3A_577 {
      %mul3A_599 = arith.constant 40 : i32
      %mul3A_600 = arith.muli %add3A_572, %mul3A_599 : i32
      %multiple_of3A_601 = tpu.assume_multiple %mul3A_600, 8 : i32
      "tpu.region"() ({
        %run_scoped3A = tpu.sem_alloc : memref<!tpu.dma_semaphore, #tpu.memory_space<semaphore_mem>>
        %dma_start3A_602 = arith.constant 0 : i32
        %dma_start3A_603 = tpu.memref_slice %arg5[%arg0, %multiple_of3A_601, %dma_start3A_602] : memref<2x10000x128xf32, #tpu.memory_space<hbm>> -> memref<1x40x128xf32, #tpu.memory_space<hbm>>
        %dma_start3A_604 = tpu.memref_squeeze %dma_start3A_603 : memref<1x40x128xf32, #tpu.memory_space<hbm>> -> memref<40x128xf32, #tpu.memory_space<hbm>>
        %dma_start3A_605 = arith.constant 0 : i32
        %dma_start3A_606 = tpu.memref_slice %arg32[%multiple_of3A_601, %dma_start3A_605] : memref<10000x128xf32, #tpu.memory_space<vmem_shared>> -> memref<40x128xf32, #tpu.memory_space<vmem_shared>>
        tpu.enqueue_dma source(%dma_start3A_606 : memref<40x128xf32, #tpu.memory_space<vmem_shared>>) target(%dma_start3A_604 : memref<40x128xf32, #tpu.memory_space<hbm>>) target_semaphore(%run_scoped3A : memref<!tpu.dma_semaphore, #tpu.memory_space<semaphore_mem>>)
        %dma_wait3A_607 = arith.constant 0 : i32
        %dma_wait3A_608 = tpu.memref_slice %arg5[%arg0, %multiple_of3A_601, %dma_wait3A_607] : memref<2x10000x128xf32, #tpu.memory_space<hbm>> -> memref<1x40x128xf32, #tpu.memory_space<hbm>>
        %dma_wait3A_609 = tpu.memref_squeeze %dma_wait3A_608 : memref<1x40x128xf32, #tpu.memory_space<hbm>> -> memref<40x128xf32, #tpu.memory_space<hbm>>
        %dma_wait3A_610 = arith.constant 0 : i32
        %dma_wait3A_611 = tpu.memref_slice %arg32[%multiple_of3A_601, %dma_wait3A_610] : memref<10000x128xf32, #tpu.memory_space<vmem_shared>> -> memref<40x128xf32, #tpu.memory_space<vmem_shared>>
        tpu.wait_dma2 semaphore(%run_scoped3A : memref<!tpu.dma_semaphore, #tpu.memory_space<semaphore_mem>>) src(%dma_wait3A_611 : memref<40x128xf32, #tpu.memory_space<vmem_shared>>) dst(%dma_wait3A_609 : memref<40x128xf32, #tpu.memory_space<hbm>>)
        tpu.yield
      }) : () -> ()
    } else {
    }
    %add3A_578 = arith.constant 208 : i32
    %add3A_579 = arith.addi %arg1, %add3A_578 : i32
    %lt3A_580 = arith.constant 250 : i32
    %lt3A_581 = arith.cmpi slt, %add3A_579, %lt3A_580 : i32
    %convert_element_type3A_582 = arith.extui %lt3A_581 : i1 to i32
    %cond3A_583 = arith.constant 0 : i32
    %cond3A_584 = arith.cmpi ne, %convert_element_type3A_582, %cond3A_583 : i32
    scf.if %cond3A_584 {
      %mul3A_599 = arith.constant 40 : i32
      %mul3A_600 = arith.muli %add3A_579, %mul3A_599 : i32
      %multiple_of3A_601 = tpu.assume_multiple %mul3A_600, 8 : i32
      "tpu.region"() ({
        %run_scoped3A = tpu.sem_alloc : memref<!tpu.dma_semaphore, #tpu.memory_space<semaphore_mem>>
        %dma_start3A_602 = arith.constant 0 : i32
        %dma_start3A_603 = tpu.memref_slice %arg5[%arg0, %multiple_of3A_601, %dma_start3A_602] : memref<2x10000x128xf32, #tpu.memory_space<hbm>> -> memref<1x40x128xf32, #tpu.memory_space<hbm>>
        %dma_start3A_604 = tpu.memref_squeeze %dma_start3A_603 : memref<1x40x128xf32, #tpu.memory_space<hbm>> -> memref<40x128xf32, #tpu.memory_space<hbm>>
        %dma_start3A_605 = arith.constant 0 : i32
        %dma_start3A_606 = tpu.memref_slice %arg32[%multiple_of3A_601, %dma_start3A_605] : memref<10000x128xf32, #tpu.memory_space<vmem_shared>> -> memref<40x128xf32, #tpu.memory_space<vmem_shared>>
        tpu.enqueue_dma source(%dma_start3A_606 : memref<40x128xf32, #tpu.memory_space<vmem_shared>>) target(%dma_start3A_604 : memref<40x128xf32, #tpu.memory_space<hbm>>) target_semaphore(%run_scoped3A : memref<!tpu.dma_semaphore, #tpu.memory_space<semaphore_mem>>)
        %dma_wait3A_607 = arith.constant 0 : i32
        %dma_wait3A_608 = tpu.memref_slice %arg5[%arg0, %multiple_of3A_601, %dma_wait3A_607] : memref<2x10000x128xf32, #tpu.memory_space<hbm>> -> memref<1x40x128xf32, #tpu.memory_space<hbm>>
        %dma_wait3A_609 = tpu.memref_squeeze %dma_wait3A_608 : memref<1x40x128xf32, #tpu.memory_space<hbm>> -> memref<40x128xf32, #tpu.memory_space<hbm>>
        %dma_wait3A_610 = arith.constant 0 : i32
        %dma_wait3A_611 = tpu.memref_slice %arg32[%multiple_of3A_601, %dma_wait3A_610] : memref<10000x128xf32, #tpu.memory_space<vmem_shared>> -> memref<40x128xf32, #tpu.memory_space<vmem_shared>>
        tpu.wait_dma2 semaphore(%run_scoped3A : memref<!tpu.dma_semaphore, #tpu.memory_space<semaphore_mem>>) src(%dma_wait3A_611 : memref<40x128xf32, #tpu.memory_space<vmem_shared>>) dst(%dma_wait3A_609 : memref<40x128xf32, #tpu.memory_space<hbm>>)
        tpu.yield
      }) : () -> ()
    } else {
    }
    %add3A_585 = arith.constant 224 : i32
    %add3A_586 = arith.addi %arg1, %add3A_585 : i32
    %lt3A_587 = arith.constant 250 : i32
    %lt3A_588 = arith.cmpi slt, %add3A_586, %lt3A_587 : i32
    %convert_element_type3A_589 = arith.extui %lt3A_588 : i1 to i32
    %cond3A_590 = arith.constant 0 : i32
    %cond3A_591 = arith.cmpi ne, %convert_element_type3A_589, %cond3A_590 : i32
    scf.if %cond3A_591 {
      %mul3A_599 = arith.constant 40 : i32
      %mul3A_600 = arith.muli %add3A_586, %mul3A_599 : i32
      %multiple_of3A_601 = tpu.assume_multiple %mul3A_600, 8 : i32
      "tpu.region"() ({
        %run_scoped3A = tpu.sem_alloc : memref<!tpu.dma_semaphore, #tpu.memory_space<semaphore_mem>>
        %dma_start3A_602 = arith.constant 0 : i32
        %dma_start3A_603 = tpu.memref_slice %arg5[%arg0, %multiple_of3A_601, %dma_start3A_602] : memref<2x10000x128xf32, #tpu.memory_space<hbm>> -> memref<1x40x128xf32, #tpu.memory_space<hbm>>
        %dma_start3A_604 = tpu.memref_squeeze %dma_start3A_603 : memref<1x40x128xf32, #tpu.memory_space<hbm>> -> memref<40x128xf32, #tpu.memory_space<hbm>>
        %dma_start3A_605 = arith.constant 0 : i32
        %dma_start3A_606 = tpu.memref_slice %arg32[%multiple_of3A_601, %dma_start3A_605] : memref<10000x128xf32, #tpu.memory_space<vmem_shared>> -> memref<40x128xf32, #tpu.memory_space<vmem_shared>>
        tpu.enqueue_dma source(%dma_start3A_606 : memref<40x128xf32, #tpu.memory_space<vmem_shared>>) target(%dma_start3A_604 : memref<40x128xf32, #tpu.memory_space<hbm>>) target_semaphore(%run_scoped3A : memref<!tpu.dma_semaphore, #tpu.memory_space<semaphore_mem>>)
        %dma_wait3A_607 = arith.constant 0 : i32
        %dma_wait3A_608 = tpu.memref_slice %arg5[%arg0, %multiple_of3A_601, %dma_wait3A_607] : memref<2x10000x128xf32, #tpu.memory_space<hbm>> -> memref<1x40x128xf32, #tpu.memory_space<hbm>>
        %dma_wait3A_609 = tpu.memref_squeeze %dma_wait3A_608 : memref<1x40x128xf32, #tpu.memory_space<hbm>> -> memref<40x128xf32, #tpu.memory_space<hbm>>
        %dma_wait3A_610 = arith.constant 0 : i32
        %dma_wait3A_611 = tpu.memref_slice %arg32[%multiple_of3A_601, %dma_wait3A_610] : memref<10000x128xf32, #tpu.memory_space<vmem_shared>> -> memref<40x128xf32, #tpu.memory_space<vmem_shared>>
        tpu.wait_dma2 semaphore(%run_scoped3A : memref<!tpu.dma_semaphore, #tpu.memory_space<semaphore_mem>>) src(%dma_wait3A_611 : memref<40x128xf32, #tpu.memory_space<vmem_shared>>) dst(%dma_wait3A_609 : memref<40x128xf32, #tpu.memory_space<hbm>>)
        tpu.yield
      }) : () -> ()
    } else {
    }
    %add3A_592 = arith.constant 240 : i32
    %add3A_593 = arith.addi %arg1, %add3A_592 : i32
    %lt3A_594 = arith.constant 250 : i32
    %lt3A_595 = arith.cmpi slt, %add3A_593, %lt3A_594 : i32
    %convert_element_type3A_596 = arith.extui %lt3A_595 : i1 to i32
    %cond3A_597 = arith.constant 0 : i32
    %cond3A_598 = arith.cmpi ne, %convert_element_type3A_596, %cond3A_597 : i32
    scf.if %cond3A_598 {
      %mul3A_599 = arith.constant 40 : i32
      %mul3A_600 = arith.muli %add3A_593, %mul3A_599 : i32
      %multiple_of3A_601 = tpu.assume_multiple %mul3A_600, 8 : i32
      "tpu.region"() ({
        %run_scoped3A = tpu.sem_alloc : memref<!tpu.dma_semaphore, #tpu.memory_space<semaphore_mem>>
        %dma_start3A_602 = arith.constant 0 : i32
        %dma_start3A_603 = tpu.memref_slice %arg5[%arg0, %multiple_of3A_601, %dma_start3A_602] : memref<2x10000x128xf32, #tpu.memory_space<hbm>> -> memref<1x40x128xf32, #tpu.memory_space<hbm>>
        %dma_start3A_604 = tpu.memref_squeeze %dma_start3A_603 : memref<1x40x128xf32, #tpu.memory_space<hbm>> -> memref<40x128xf32, #tpu.memory_space<hbm>>
        %dma_start3A_605 = arith.constant 0 : i32
        %dma_start3A_606 = tpu.memref_slice %arg32[%multiple_of3A_601, %dma_start3A_605] : memref<10000x128xf32, #tpu.memory_space<vmem_shared>> -> memref<40x128xf32, #tpu.memory_space<vmem_shared>>
        tpu.enqueue_dma source(%dma_start3A_606 : memref<40x128xf32, #tpu.memory_space<vmem_shared>>) target(%dma_start3A_604 : memref<40x128xf32, #tpu.memory_space<hbm>>) target_semaphore(%run_scoped3A : memref<!tpu.dma_semaphore, #tpu.memory_space<semaphore_mem>>)
        %dma_wait3A_607 = arith.constant 0 : i32
        %dma_wait3A_608 = tpu.memref_slice %arg5[%arg0, %multiple_of3A_601, %dma_wait3A_607] : memref<2x10000x128xf32, #tpu.memory_space<hbm>> -> memref<1x40x128xf32, #tpu.memory_space<hbm>>
        %dma_wait3A_609 = tpu.memref_squeeze %dma_wait3A_608 : memref<1x40x128xf32, #tpu.memory_space<hbm>> -> memref<40x128xf32, #tpu.memory_space<hbm>>
        %dma_wait3A_610 = arith.constant 0 : i32
        %dma_wait3A_611 = tpu.memref_slice %arg32[%multiple_of3A_601, %dma_wait3A_610] : memref<10000x128xf32, #tpu.memory_space<vmem_shared>> -> memref<40x128xf32, #tpu.memory_space<vmem_shared>>
        tpu.wait_dma2 semaphore(%run_scoped3A : memref<!tpu.dma_semaphore, #tpu.memory_space<semaphore_mem>>) src(%dma_wait3A_611 : memref<40x128xf32, #tpu.memory_space<vmem_shared>>) dst(%dma_wait3A_609 : memref<40x128xf32, #tpu.memory_space<hbm>>)
        tpu.yield
      }) : () -> ()
    } else {
    }
    return
  }
}

module attributes {stable_mosaic.version = 14 : i64} {
  func.func @_dense_body(%arg0: memref<2x10000x128xf32, #tpu.memory_space<vmem>>, %arg1: memref<10000x128xf32, #tpu.memory_space<vmem>>, %arg2: memref<128x128xf32, #tpu.memory_space<vmem>>, %arg3: memref<128xf32, #tpu.memory_space<vmem>>, %arg4: memref<128x128xf32, #tpu.memory_space<vmem>>, %arg5: memref<128xf32, #tpu.memory_space<vmem>>, %arg6: memref<1xf32, #tpu.memory_space<smem>>, %arg7: memref<128xf32, #tpu.memory_space<vmem>>, %arg8: memref<128xf32, #tpu.memory_space<vmem>>, %arg9: memref<10000x128xf32, #tpu.memory_space<vmem>>) attributes {dimension_semantics = [], scalar_prefetch = 0 : i64, scratch_operands = 0 : i64, tpu.core_type = #tpu.core_type<tc>} {
    %get3A = arith.constant 0 : index
    %get3A_0 = arith.constant 0 : index
    %get3A_1 = arith.constant 0 : index
    %get3A_2 = vector.load %arg0[%get3A, %get3A_0, %get3A_1] : memref<2x10000x128xf32, #tpu.memory_space<vmem>>, vector<1x10000x128xf32>
    %get3A_3 = vector.shape_cast %get3A_2 : vector<1x10000x128xf32> to vector<10000x128xf32>
    %get3A_4 = arith.constant 1 : index
    %get3A_5 = arith.constant 0 : index
    %get3A_6 = arith.constant 0 : index
    %get3A_7 = vector.load %arg0[%get3A_4, %get3A_5, %get3A_6] : memref<2x10000x128xf32, #tpu.memory_space<vmem>>, vector<1x10000x128xf32>
    %get3A_8 = vector.shape_cast %get3A_7 : vector<1x10000x128xf32> to vector<10000x128xf32>
    %add3A = arith.addf %get3A_3, %get3A_8 : vector<10000x128xf32>
    %get3A_9 = arith.constant 0 : index
    %get3A_10 = memref.load %arg6[%get3A_9] : memref<1xf32, #tpu.memory_space<smem>>
    %add3A_11 = arith.constant 1.000000e+00 : f32
    %add3A_12 = arith.addf %add3A_11, %get3A_10 : f32
    %get3A_13 = arith.constant 0 : index
    %get3A_14 = arith.constant 0 : index
    %get3A_15 = vector.load %arg1[%get3A_13, %get3A_14] : memref<10000x128xf32, #tpu.memory_space<vmem>>, vector<10000x128xf32>
    %mul3A = vector.broadcast %add3A_12 : f32 to vector<10000x128xf32>
    %mul3A_16 = arith.mulf %mul3A, %get3A_15 : vector<10000x128xf32>
    %add3A_17 = arith.addf %add3A, %mul3A_16 : vector<10000x128xf32>
    %get3A_18 = arith.constant 0 : index
    %get3A_19 = arith.constant 0 : index
    %get3A_20 = vector.load %arg2[%get3A_18, %get3A_19] : memref<128x128xf32, #tpu.memory_space<vmem>>, vector<128x128xf32>
    %dot_general3A = arith.constant dense<0.000000e+00> : vector<10000x128xf32>
    %dot_general3A_21 = tpu.matmul %add3A_17, %get3A_20, %dot_general3A {dimension_numbers = #tpu.dot_dimension_numbers<[1], [1], [0], [0], [0, 0, 1, 0], [], []>, transpose_lhs_hint = false} : vector<10000x128xf32>, vector<128x128xf32>, vector<10000x128xf32> -> vector<10000x128xf32>
    %get3A_22 = arith.constant 0 : index
    %get3A_23 = vector.load %arg3[%get3A_22] : memref<128xf32, #tpu.memory_space<vmem>>, vector<128xf32>
    %broadcast_in_dim3A = vector.shape_cast %get3A_23 : vector<128xf32> to vector<1x128xf32>
    %add3A_24 = vector.broadcast %broadcast_in_dim3A : vector<1x128xf32> to vector<10000x128xf32>
    %add3A_25 = arith.addf %dot_general3A_21, %add3A_24 : vector<10000x128xf32>
    %max3A = arith.constant 0.000000e+00 : f32
    %max3A_26 = vector.broadcast %max3A : f32 to vector<10000x128xf32>
    %max3A_27 = arith.maximumf %add3A_25, %max3A_26 : vector<10000x128xf32>
    %get3A_28 = arith.constant 0 : index
    %get3A_29 = arith.constant 0 : index
    %get3A_30 = vector.load %arg4[%get3A_28, %get3A_29] : memref<128x128xf32, #tpu.memory_space<vmem>>, vector<128x128xf32>
    %dot_general3A_31 = arith.constant dense<0.000000e+00> : vector<10000x128xf32>
    %dot_general3A_32 = tpu.matmul %max3A_27, %get3A_30, %dot_general3A_31 {dimension_numbers = #tpu.dot_dimension_numbers<[1], [1], [0], [0], [0, 0, 1, 0], [], []>, transpose_lhs_hint = false} : vector<10000x128xf32>, vector<128x128xf32>, vector<10000x128xf32> -> vector<10000x128xf32>
    %get3A_33 = arith.constant 0 : index
    %get3A_34 = vector.load %arg5[%get3A_33] : memref<128xf32, #tpu.memory_space<vmem>>, vector<128xf32>
    %broadcast_in_dim3A_35 = vector.shape_cast %get3A_34 : vector<128xf32> to vector<1x128xf32>
    %add3A_36 = vector.broadcast %broadcast_in_dim3A_35 : vector<1x128xf32> to vector<10000x128xf32>
    %add3A_37 = arith.addf %dot_general3A_32, %add3A_36 : vector<10000x128xf32>
    %reduce_sum3A = arith.constant dense<0.000000e+00> : vector<128xf32>
    %reduce_sum3A_38 = vector.multi_reduction <add>, %add3A_37, %reduce_sum3A [0] : vector<10000x128xf32> to vector<128xf32>
    %broadcast_in_dim3A_39 = vector.shape_cast %reduce_sum3A_38 : vector<128xf32> to vector<1x128xf32>
    %mul3A_40 = arith.constant 9.99999974E-5 : f32
    %mul3A_41 = vector.broadcast %mul3A_40 : f32 to vector<1x128xf32>
    %mul3A_42 = arith.mulf %broadcast_in_dim3A_39, %mul3A_41 : vector<1x128xf32>
    %sub3A = vector.broadcast %mul3A_42 : vector<1x128xf32> to vector<10000x128xf32>
    %sub3A_43 = arith.subf %add3A_37, %sub3A : vector<10000x128xf32>
    %mul3A_44 = arith.mulf %sub3A_43, %sub3A_43 : vector<10000x128xf32>
    %reduce_sum3A_45 = arith.constant dense<0.000000e+00> : vector<128xf32>
    %reduce_sum3A_46 = vector.multi_reduction <add>, %mul3A_44, %reduce_sum3A_45 [0] : vector<10000x128xf32> to vector<128xf32>
    %broadcast_in_dim3A_47 = vector.shape_cast %reduce_sum3A_46 : vector<128xf32> to vector<1x128xf32>
    %mul3A_48 = arith.constant 9.99999974E-5 : f32
    %mul3A_49 = vector.broadcast %mul3A_48 : f32 to vector<1x128xf32>
    %mul3A_50 = arith.mulf %broadcast_in_dim3A_47, %mul3A_49 : vector<1x128xf32>
    %add3A_51 = arith.constant 9.99999974E-6 : f32
    %add3A_52 = vector.broadcast %add3A_51 : f32 to vector<1x128xf32>
    %add3A_53 = arith.addf %mul3A_50, %add3A_52 : vector<1x128xf32>
    %rsqrt3A = math.rsqrt %add3A_53 : vector<1x128xf32>
    %mul3A_54 = vector.broadcast %rsqrt3A : vector<1x128xf32> to vector<10000x128xf32>
    %mul3A_55 = arith.mulf %sub3A_43, %mul3A_54 : vector<10000x128xf32>
    %get3A_56 = arith.constant 0 : index
    %get3A_57 = vector.load %arg7[%get3A_56] : memref<128xf32, #tpu.memory_space<vmem>>, vector<128xf32>
    %broadcast_in_dim3A_58 = vector.shape_cast %get3A_57 : vector<128xf32> to vector<1x128xf32>
    %mul3A_59 = vector.broadcast %broadcast_in_dim3A_58 : vector<1x128xf32> to vector<10000x128xf32>
    %mul3A_60 = arith.mulf %mul3A_55, %mul3A_59 : vector<10000x128xf32>
    %get3A_61 = arith.constant 0 : index
    %get3A_62 = vector.load %arg8[%get3A_61] : memref<128xf32, #tpu.memory_space<vmem>>, vector<128xf32>
    %broadcast_in_dim3A_63 = vector.shape_cast %get3A_62 : vector<128xf32> to vector<1x128xf32>
    %add3A_64 = vector.broadcast %broadcast_in_dim3A_63 : vector<1x128xf32> to vector<10000x128xf32>
    %add3A_65 = arith.addf %mul3A_60, %add3A_64 : vector<10000x128xf32>
    %swap3A = arith.constant 0 : index
    %swap3A_66 = arith.constant 0 : index
    %swap3A_67 = vector.load %arg9[%swap3A, %swap3A_66] : memref<10000x128xf32, #tpu.memory_space<vmem>>, vector<10000x128xf32>
    tpu.vector_store %arg9[%swap3A, %swap3A_66], %add3A_65 {strides = array<i32>} : memref<10000x128xf32, #tpu.memory_space<vmem>>, vector<10000x128xf32>,
    return
  }
}

</mosaic_0001>

<sc_bundles>
// kernel: kernel.4.cloned.1.call-start
scs
__scs_entry_jumppad:
0x0: {  	(pc) =	sbr.rel $0x88, $3  }
0x1: {  	(tag) =	ssettag $0x0;
	lr =	simm.s32 $0x1  }
0x2: {  	[smem:$0x3F98] =	sst lr;
	_ =	strace $0xD0000000  }
0x3: {  	_ = 	snop  }
0x4: {  	_ = 	snop  }
0x5: {  	_ = 	snop  }
0x6: {  	_ = 	snop  }
0x7: {  	_ = 	snop  }
__scs_overlays_trampoline_lowered:
0x8: {  	[smem:$0x3FA7] =	sst s0  }
0x9: {  	[smem:$0x3FA8] =	sst s1  }
0xa: {  	[smem:$0x3FA9] =	sst s2  }
0xb: {  	[smem:$0x3FAA] =	sst s3  }
0xc: {  	[smem:$0x3FAB] =	sst s4  }
0xd: {  	[smem:$0x3FAC] =	sst s5  }
0xe: {  	[smem:$0x3FAD] =	sst s6  }
0xf: {  	[smem:$0x3FAE] =	sst s7  }
0x10: {  	[smem:$0x3FAF] =	sst s8  }
0x11: {  	[smem:$0x3FB0] =	sst s9;
	s0 =	simm.s32 @!p0 $0x0  }
0x12: {  	s1 =	sld [smem:$0x3F96];
	s0 =	simm.s32 @p0 $0x1  }
0x13: {  	[smem:$0x3FB1] =	sst s0;
	s0 =	simm.s32 @!p1 $0x0  }
0x14: {  	s2 =	sld [smem:$0x3F95];
	s0 =	simm.s32 @p1 $0x1  }
0x15: {  	[smem:$0x3FB2] =	sst s0;
	s0 =	simm.s32 @!p2 $0x0  }
0x16: {  	s3 =	sld [smem:$0x3FDB];
	s0 =	simm.s32 @p2 $0x1  }
0x17: {  	s4 =	simm.s32 $0x1BF5;
	[smem:$0x3FB4] =	sst s0  }
0x18: {  	s0 =	sld [smem:$0x3F97];
	_ =	swait.ge [sflag:s4], $0x0  }
0x19: {  	s7 =	sld [smem:$0x3F98]  }
0x1a: {  	s8 =	sadd.s32 $0xFFFFE003, lr  }
0x1b: {  	s9 =	sadd.s32 $0xFFFFFEF7, lr;
	s5 =	simm.s32 $0xFFFFFFFF;
	p2 =	slt.u32 s8, $0xFFFFF086  }
0x1c: {  	p1 =	slt.u32 s9, $0xF7A;
	s5 =	simm.s32 @!p2 $0x0  }
0x1d: {  	s5 =	simm.s32 @p1 $0x1;
	p0 =	seq.s32 s7, s2  }
0x1e: {  	s7 =	smul.u32 @!p0 $0xF7A, s2;
	p2 =	seq.s32 @!p0 s5, $0x0  }
0x1f: {  	s9 =	smul.u32 $0xF7A, s1;
	s8 =	simm.s32 @!p0 $0x1BF5;
	p2 =	por !p2, p0  }
0x20: {  	[sflag:s8] =	ssyncset.s32 @!p0 $0xFFFFF086;
	s6 =	sadd.s32 @!p0 s3, s7;
	s7 =	simm.s32 @!p0 $0x108  }
0x21: {  	s3 =	sadd.s32 s3, s9;
	s6 =	sadd.s32 @!p0 $0x88, s6;
	s7 =	simm.s32 @p2 $0x1082  }
0x22: {  	[simem:s7], [sflag:s8] =	dma.local @!p0 [hbm:s6], $0xF7A  }
0x23: {  	s9 =	sor.u32 $0xD0000000, s2;
	s6 =	simm.s32 $0x108;
	_ =	swait.ge @!p0 [sflag:s8], $0x0  }
0x24: {  	s3 =	sadd.s32 $0x88, s3;
	s6 =	simm.s32 @!p1 $0x1082;
	[sflag:s4] =	ssyncset.s32 $0xFFFFF086  }
0x25: {  	[simem:s6], [sflag:s4] =	dma.local [hbm:s3], $0xF7A  }
0x26: {  	[smem:$0x3F98] =	sst s1;
	(tag) =	ssettag s2;
	_ =	strace s9  }
0x27: {  	s1 =	sld [smem:$0x3FA8]  }
0x28: {  	s2 =	sld [smem:$0x3FA9]  }
0x29: {  	s4 =	sld [smem:$0x3FAB]  }
0x2a: {  	p0 =	seq.s32 s5, $0x0;
	s5 =	sld [smem:$0x3FAC]  }
0x2b: {  	s6 =	sld [smem:$0x3FAD]  }
0x2c: {  	s7 =	sld [smem:$0x3FAE]  }
0x2d: {  	s3 =	simm.s32 $0x108;
	s8 =	sld [smem:$0x3FAF]  }
0x2e: {  	s3 =	simm.s32 @!p0 $0x1082;
	s9 =	sld [smem:$0x3FB0]  }
0x2f: {  	lr =	sadd.s32 s0, s3;
	s0 =	sld [smem:$0x3FA7]  }
0x30: {  	s3 =	sld [smem:$0x3FAA]  }
0x31: {  	[smem:$0x3FB3] =	sst s10  }
0x32: {  	s10 =	sld [smem:$0x3FB1];
	_ =	sdelay $0x3  }
0x33: {  	p0 =	seq.s32 s10, $0x1;
	s10 =	sld [smem:$0x3FB3];
	_ =	sdelay $0x3  }
0x34: {  	[smem:$0x3FB3] =	sst s10  }
0x35: {  	s10 =	sld [smem:$0x3FB2];
	_ =	sdelay $0x3  }
0x36: {  	p1 =	seq.s32 s10, $0x1;
	s10 =	sld [smem:$0x3FB3];
	_ =	sdelay $0x3  }
0x37: {  	[smem:$0x3FB3] =	sst s10  }
0x38: {  	s10 =	sld [smem:$0x3FB4]  }
0x39: {  	_ = 	snop;
	(pc) =	sbr.ind lr, $3  }
0x3a: {  	_ = 	snop  }
0x3b: {  	_ = 	snop  }
0x3c: {  	p2 =	seq.s32 s10, $0x1;
	s10 =	sld [smem:$0x3FB3]  }
0x3d: {  	_ =	shalt  }
0x3e: {  	_ =	shalt  }
0x3f: {  	_ =	shalt  }
0x40: {  	_ =	shalt  }
0x41: {  	_ =	shalt  }
0x42: {  	_ =	shalt  }
0x43: {  	_ =	shalt  }
0x44: {  	_ =	shalt  }
0x45: {  	_ =	shalt  }
0x46: {  	_ =	shalt  }
0x47: {  	_ =	shalt  }
0x48: {  	_ =	shalt  }
0x49: {  	_ =	shalt  }
0x4a: {  	_ =	shalt  }
0x4b: {  	_ =	shalt  }
0x4c: {  	_ =	shalt  }
0x4d: {  	_ =	shalt  }
0x4e: {  	_ =	shalt  }
0x4f: {  	_ =	shalt  }
0x50: {  	_ =	shalt  }
0x51: {  	_ =	shalt  }
0x52: {  	_ =	shalt  }
0x53: {  	_ =	shalt  }
0x54: {  	_ =	shalt  }
0x55: {  	_ =	shalt  }
0x56: {  	_ =	shalt  }
0x57: {  	_ =	shalt  }
0x58: {  	_ =	shalt  }
0x59: {  	_ =	shalt  }
0x5a: {  	_ =	shalt  }
0x5b: {  	_ =	shalt  }
0x5c: {  	_ =	shalt  }
0x5d: {  	_ =	shalt  }
0x5e: {  	_ =	shalt  }
0x5f: {  	_ =	shalt  }
0x60: {  	_ =	shalt  }
0x61: {  	_ =	shalt  }
0x62: {  	_ =	shalt  }
0x63: {  	_ =	shalt  }
0x64: {  	_ =	shalt  }
0x65: {  	_ =	shalt  }
0x66: {  	_ =	shalt  }
0x67: {  	_ =	shalt  }
0x68: {  	_ =	shalt  }
0x69: {  	_ =	shalt  }
0x6a: {  	_ =	shalt  }
0x6b: {  	_ =	shalt  }
0x6c: {  	_ =	shalt  }
0x6d: {  	_ =	shalt  }
0x6e: {  	_ =	shalt  }
0x6f: {  	_ =	shalt  }
0x70: {  	_ =	shalt  }
0x71: {  	_ =	shalt  }
0x72: {  	_ =	shalt  }
0x73: {  	_ =	shalt  }
0x74: {  	_ =	shalt  }
0x75: {  	_ =	shalt  }
0x76: {  	_ =	shalt  }
0x77: {  	_ =	shalt  }
0x78: {  	_ =	shalt  }
0x79: {  	_ =	shalt  }
0x7a: {  	_ =	shalt  }
0x7b: {  	_ =	shalt  }
0x7c: {  	_ =	shalt  }
0x7d: {  	_ =	shalt  }
0x7e: {  	_ =	shalt  }
0x7f: {  	_ =	shalt  }
0x80: {  	_ =	shalt  }
0x81: {  	_ =	shalt  }
0x82: {  	_ =	shalt  }
0x83: {  	_ =	shalt  }
0x84: {  	_ =	shalt  }
0x85: {  	_ =	shalt  }
0x86: {  	_ =	shalt  }
0x87: {  	_ =	shalt  }
.Lfunc_end0:
.L_simem_size_0:
called_computation_lowered:
.L_overlay_start_0:
0x88: {  	s2 =	sld [smem:$0x3FD9]  }
0x89: {  	s3 =	sld [smem:$0x3FFE];
	_ =	sdelay $0x1  }
0x8a: {  	s1 =	srdreg.scid  }
0x8b: {  	s0 =	sand.u32 $0x1, s1  }
0x8c: {  	s17 =	sshll.u32 s0, $0xA;
	s2 =	sadd.s32 s3, s2  }
0x8d: {  	s2 =	sadd.s32 s2, s17  }
0x8e: {  	[smem:$0x3FBF] =	sst s2  }
0x8f: {  	_ = 	snop  }
0x90: {  	s2 =	sld [smem:$0x3FC9]  }
0x91: {  	s18 =	sld [smem:$0x3FD0];
	(tm) =	ssettm $0x1  }
0x92: {  	s4 =	sld [smem:$0x3FFB];
	_ =	sdelay $0x3  }
0x93: {  	_ =	strace s4  }
0x94: {  	s4 =	sld [smem:$0x3FFC];
	_ =	sdelay $0x3  }
0x95: {  	_ =	strace s4  }
0x96: {  	s4 =	sld [smem:$0x3FFD];
	_ =	sdelay $0x3  }
0x97: {  	_ =	strace s4  }
0x98: {  	_ =	strace $0x8FFFFFFF  }
0x99: {  	s19 =	sld [smem:$0x3FDB];
	_ =	sdelay $0x1  }
0x9a: {  	s5 =	simm.s32 $_scs_section_size  }
0x9b: {  	s6 =	simm.s32 $_size__tile_overlayer_lowered;
	s7 =	simm.s32 $_tile_overlayer_lowered  }
0x9c: {  	s22 =	simm.s32 $0x1BFF;
	s21 =	sshll.u32 s7, $0x1;
	s4 =	sadd.s32 s5, s19  }
0x9d: {  	s8 =	simm.s32 $0x0;
	s20 =	sshll.u32 s6, $0x1;
	s6 =	sadd.s32 s21, s4  }
0x9e: {  	[timem:s8], [sflag:s22] =	dma.local [hbm:s6], s20  }
0x9f: {  	_ =	swait.ge [sflag:s22], s20  }
0xa0: {  	s5 =	ssub.s32 $0x0, s20;
	[sflag:s22] =	ssyncset.done $0x0  }
0xa1: {  	[sflag:s22] =	ssyncadd.s32 s5;
	_ =	sdelay $0x1  }
0xa2: {  	s23 =	simm.s32 $0x1B8B  }
0xa3: {  	_ =	swait.ge [sflag:s23], $0x1  }
0xa4: {  	[sflag:s23] =	ssyncset.done $0x0  }
0xa5: {  	s25 =	simm.s32 $0x1B8E;
	s24 =	sld [smem:$0x3FFE];
	[sflag:s23] =	ssyncadd.s32 $0xFFFFFFFF  }
0xa6: {  	s26 =	simm.s32 $execute0_lowered;
	[smem:$0x3FD2] =	sst s25  }
0xa7: {  	s6 =	sshll.u32 s26, $0x1;
	_ =	strace $0x80000046;
	[dreg:$0x1] =	wrdreg $0xFFFFFFFF  }
0xa8: {  	s28 =	simm.s32 $_size_execute0_lowered;
	s4 =	sadd.s32 s4, s6;
	[dreg:$0x0] =	wrdreg $0x0  }
0xa9: {  	s6 =	sshll.u32 s28, $0x1;
	[dreg:$0x2] =	wrdreg s4  }
0xaa: {  	[dreg:$0x3] =	wrdreg s6  }
0xab: {  	[dreg:$0x4] =	wrdreg $0xC0  }
0xac: {  	_ =	task [dreg:s8], $0x5FFFF  }
0xad: {  	[dreg:$0x1] =	wrdreg $0xFFFFFFFF  }
0xae: {  	[dreg:$0x0] =	wrdreg $0x60  }
0xaf: {  	[dreg:$0x2] =	wrdreg s24  }
0xb0: {  	[dreg:$0x3] =	wrdreg s18  }
0xb1: {  	[dreg:$0x4] =	wrdreg s2  }
0xb2: {  	[dreg:$0x5] =	wrdreg $0xAA000  }
0xb3: {  	[dreg:$0x6] =	wrdreg $0x9  }
0xb4: {  	_ =	task.clear_ibuf [dreg:s8], $0x7FFFF;
	_ =	strace $0x90000046  }
0xb5: {  	s29 =	simm.s32 $0x9;
	_ =	strace $0x80000048  }
0xb6: {  	_ =	swait.ge [sflag:s29], $0x1  }
0xb7: {  	[sflag:s29] =	ssyncadd.s32 $0xFFFFFFFF  }
0xb8: {  	_ =	strace $0x90000048  }
0xb9: {  	_ =	sfence  }
0xba: {  	s30 =	sld [smem:$0x0];
	_ =	sdelay $0x2  }
0xbb: {  	s31 =	sshll.u32 s1, $0xD;
	s1 =	sshrl.u32 s1, $0x2  }
0xbc: {  	s3 =	sand.u32 $0x4000, s31;
	s1 =	sadd.s32 s1, s30  }
0xbd: {  	s0 =	sor.u32 s3, s0;
	s1 =	sshll.u32 s1, $0x11  }
0xbe: {  	s0 =	sor.u32 s1, s0  }
0xbf: {  	s0 =	sadd.s32 $0x8F2B, s0  }
0xc0: {  	[sflag:s0] =	ssyncadd.remote.s32 $0x1  }
0xc1: {  	_ =	sfence.sel $0xFFFF  }
0xc2: {  	[dreg:$0x0] =	wrdreg $0xFFFFFFFF;
	(pc) =	sbr.abs _section_cstart, $3  }
0xc3: {  	[dreg:$0x1] =	wrdreg $0xFFFFFFFF  }
0xc4: {  	_ =	task.clear_ibuf [dreg:s8], $0x2FFFF;
	_ =	strace $0x9FFFFFFF  }
0xc5: {  	(tm) =	ssettm $0x7FFFFFFF  }
tec
execute0_lowered:
.L_overlay_start_1:
0x0: {  	(tag) =	ssettag $0x1  }
0x1: {  	s1 =	rddreg [dreg:$0x0]  }
0x2: {  	s7 =	rddreg [dreg:$0x1]  }
0x3: {  	s3 =	rddreg [dreg:$0x2]  }
0x4: {  	s2 =	rddreg [dreg:$0x3];
	s10 =	simm.s32 $0x0;
	s0 =	srdreg.scid  }
0x5: {  	s9 =	stileid.u32;
	[smem:$0x7FF] =	sst s10  }
0x6: {  	s13 =	sand.u32 $0x1, s0;
	s4 =	sadd.s32 $0x1200, s1;
	s16 =	sor.u32 $0x10, s9  }
0x7: {  	s12 =	sor.u32 $0x20, s9;
	_ =	strace $0x80000047;
	[smem:$0x7D3] =	sst s16  }
0x8: {  	s23 =	smul.u32 $0x2710, s9;
	s11 =	sor.u32 $0x30, s9;
	[smem:$0x7D6] =	sst s12  }
0x9: {  	s8 =	sor.u32 $0x40, s9;
	s14 =	smul.u32 $0x1400, s9;
	[smem:$0x7D7] =	sst s11  }
0xa: {  	s5 =	sor.u32 $0x60, s9;
	s6 =	smul.u32 $0x27100, s13;
	[smem:$0x7D8] =	sst s8  }
0xb: {  	s0 =	ssub.s32 $0x2, s13;
	[smem:$0x7DC] =	sst s5;
	s16 =	smul.u32 $0x1400, s16  }
0xc: {  	s17 =	smul.u32 $0x1400, s12;
	[dreg:$0x17] =	wrdreg s4;
	s22 =	sshrl.u32 s0, $0x1  }
0xd: {  	s0 =	ssub.s32 s0, s22;
	s22 =	smul.u32 $0x138800, s13;
	s1 =	sadd.s32 s23, s6  }
0xe: {  	s6 =	sor.u32 $0x70, s9;
	s13 =	sshll.u32 s13, $0x4;
	[smem:$0x7F6] =	sst s0  }
0xf: {  	s0 =	sor.u32 $0x50, s9;
	s15 =	sadd.s32 $0x2F8, s1;
	[smem:$0x7DD] =	sst s6  }
0x10: {  	s18 =	sadd.s32 $0x2D0, s1;
	s25 =	sadd.s32 $0x2A8, s1;
	s19 =	sadd.s32 $0x1E0, s1  }
0x11: {  	s12 =	sadd.s32 $0x258, s1;
	s23 =	sadd.s32 $0x230, s1;
	[smem:$0x7D9] =	sst s0  }
0x12: {  	s15 =	sshrl.u32 s15, $0x3;
	s24 =	sshrl.u32 s18, $0x3;
	s18 =	sshrl.u32 s25, $0x3  }
0x13: {  	s20 =	sshrl.u32 s12, $0x3;
	s12 =	smul.u32 $0x1400, s11;
	s11 =	sor.u32 $0xA0, s9  }
0x14: {  	s28 =	sshrl.u32 s19, $0x3;
	s15 =	sadd.s32 s15, s7;
	[smem:$0x7E4] =	sst s11  }
0x15: {  	s25 =	sadd.s32 $0x208, s1;
	s26 =	sadd.s32 s18, s7;
	[dreg:$0x5] =	wrdreg s15  }
0x16: {  	s29 =	sadd.s32 s28, s7;
	s18 =	sadd.s32 s28, s4;
	[dreg:$0x7] =	wrdreg s26  }
0x17: {  	s21 =	sadd.s32 s20, s7;
	s20 =	smul.u32 $0x1400, s8;
	[dreg:$0x8] =	wrdreg s29  }
0x18: {  	s8 =	sor.u32 $0x90, s9;
	s15 =	sadd.s32 s24, s7;
	[dreg:$0x9] =	wrdreg s18  }
0x19: {  	[dreg:$0xa] =	wrdreg s21;
	s24 =	sshrl.u32 s23, $0x3;
	s18 =	sshrl.u32 s25, $0x3  }
0x1a: {  	s26 =	sadd.s32 $0x140, s1;
	s21 =	smul.u32 $0x1400, s0;
	s23 =	sadd.s32 s14, s22  }
0x1b: {  	[smem:$0x7E1] =	sst s8;
	s30 =	sadd.s32 s22, s12;
	s31 =	smul.u32 $0x1400, s8  }
0x1c: {  	s12 =	sor.u32 $0xB0, s9;
	s14 =	smul.u32 $0x1400, s11;
	[dreg:$0x6] =	wrdreg s15  }
0x1d: {  	s15 =	sadd.s32 s24, s7;
	s28 =	sadd.s32 s18, s7;
	[smem:$0x7E5] =	sst s12  }
0x1e: {  	s29 =	sshrl.u32 s26, $0x3;
	s26 =	sadd.s32 $0x1B8, s1;
	[dreg:$0xb] =	wrdreg s15  }
0x1f: {  	s8 =	sadd.s32 s22, s20;
	[dreg:$0xc] =	wrdreg s28;
	s24 =	sadd.s32 s29, s7  }
0x20: {  	s25 =	sadd.s32 s29, s4;
	s28 =	sshrl.u32 s26, $0x3;
	s29 =	sadd.s32 $0x190, s1  }
0x21: {  	s26 =	smul.u32 $0x1400, s6;
	s19 =	sadd.s32 s22, s21;
	s31 =	sadd.s32 s22, s31  }
0x22: {  	s20 =	sadd.s32 s22, s14;
	s8 =	sshrl.u32 s8, $0x3;
	[dreg:$0xd] =	wrdreg s24  }
0x23: {  	[dreg:$0xe] =	wrdreg s25;
	s15 =	sadd.s32 s28, s7;
	s18 =	sshrl.u32 s29, $0x3  }
0x24: {  	s24 =	smul.u32 $0x1400, s5;
	s25 =	sadd.s32 s22, s16;
	s5 =	sor.u32 $0x80, s9  }
0x25: {  	s28 =	sadd.s32 s22, s17;
	s19 =	sshrl.u32 s19, $0x3;
	[dreg:$0xf] =	wrdreg s15  }
0x26: {  	s0 =	sadd.s32 s18, s7;
	[smem:$0x7E0] =	sst s5;
	s29 =	smul.u32 $0x1400, s5  }
0x27: {  	s18 =	sor.u32 $0xC0, s9;
	s15 =	smul.u32 $0x1400, s12;
	s26 =	sadd.s32 s22, s26  }
0x28: {  	s11 =	sadd.s32 s22, s24;
	s24 =	sor.u32 $0xD0, s9;
	s16 =	smul.u32 $0x1400, s18  }
0x29: {  	s5 =	sadd.s32 $0x168, s1;
	[dreg:$0x10] =	wrdreg s0;
	s17 =	smul.u32 $0x1400, s24  }
0x2a: {  	s21 =	sadd.s32 s22, s15;
	s15 =	sadd.s32 s22, s16;
	s16 =	sor.u32 $0xE0, s9  }
0x2b: {  	s14 =	sadd.s32 s22, s17;
	s17 =	sor.u32 $0xF0, s9;
	s6 =	smul.u32 $0x1400, s16  }
0x2c: {  	s12 =	sshrl.u32 s5, $0x3;
	s0 =	sadd.s32 $0xA0, s1;
	s5 =	smul.u32 $0x1400, s17  }
0x2d: {  	s29 =	sadd.s32 s22, s29;
	s12 =	sadd.s32 s12, s7;
	s0 =	sshrl.u32 s0, $0x3  }
0x2e: {  	[dreg:$0x11] =	wrdreg s12;
	s6 =	sadd.s32 s22, s6;
	s5 =	sadd.s32 s22, s5  }
0x2f: {  	s22 =	sadd.s32 s0, s7;
	s0 =	sadd.s32 s0, s4;
	s4 =	sadd.s32 $0x118, s1  }
0x30: {  	s6 =	sshrl.u32 s6, $0x3;
	[dreg:$0x12] =	wrdreg s22;
	s22 =	sshrl.u32 s4, $0x3  }
0x31: {  	[dreg:$0x13] =	wrdreg s0;
	s4 =	sadd.s32 $0xF0, s1;
	s0 =	sadd.s32 s22, s7  }
0x32: {  	s12 =	sshrl.u32 s4, $0x3;
	s22 =	sor.u32 s9, s13;
	s13 =	rddreg [dreg:$0x0]  }
0x33: {  	[dreg:$0x14] =	wrdreg s0;
	s12 =	sadd.s32 s12, s7;
	s13 =	sadd.s32 $0xB000, s13  }
0x34: {  	s5 =	sshrl.u32 s5, $0x3;
	[dreg:$0x15] =	wrdreg s12;
	s8 =	sadd.s32 s13, s8  }
0x35: {  	s12 =	smul.u32 $0x2710, s22;
	s6 =	sadd.s32 s13, s6;
	[dreg:$0x1d] =	wrdreg s8  }
0x36: {  	s22 =	sshrl.u32 s23, $0x3;
	s5 =	sadd.s32 s13, s5;
	[smem:$0x7D1] =	sst s6  }
0x37: {  	s23 =	sshrl.u32 s25, $0x3;
	s0 =	sadd.s32 s13, s22;
	[smem:$0x7D2] =	sst s5  }
0x38: {  	s25 =	sshrl.u32 s28, $0x3;
	s28 =	sadd.s32 s13, s23;
	[dreg:$0x19] =	wrdreg s0  }
0x39: {  	s4 =	sadd.s32 s13, s25;
	s22 =	smov.u32 s7;
	[dreg:$0x1a] =	wrdreg s28  }
0x3a: {  	s7 =	sshrl.u32 s30, $0x3;
	s23 =	sadd.s32 s13, s19;
	[dreg:$0x1b] =	wrdreg s4  }
0x3b: {  	s20 =	sshrl.u32 s20, $0x3;
	s0 =	sadd.s32 s13, s7;
	[dreg:$0x1e] =	wrdreg s23  }
0x3c: {  	s25 =	sshrl.u32 s11, $0x3;
	s28 =	sshrl.u32 s26, $0x3;
	[dreg:$0x1c] =	wrdreg s0  }
0x3d: {  	s0 =	sadd.s32 s13, s25;
	s25 =	sadd.s32 s13, s20;
	s20 =	sld [smem:$0x7D6]  }
0x3e: {  	s4 =	sshrl.u32 s29, $0x3;
	s7 =	sadd.s32 s13, s28;
	[dreg:$0x1f] =	wrdreg s0  }
0x3f: {  	s11 =	sadd.s32 s13, s4;
	[smem:$0x7CA] =	sst s7  }
0x40: {  	s23 =	sshrl.u32 s21, $0x3;
	[smem:$0x7CB] =	sst s11  }
0x41: {  	s26 =	sadd.s32 s13, s23;
	[smem:$0x7CD] =	sst s25  }
0x42: {  	[smem:$0x7CE] =	sst s26  }
0x43: {  	s29 =	sshrl.u32 s14, $0x3;
	s14 =	sadd.s32 $0x78, s12;
	s11 =	sld [smem:$0x7D3]  }
0x44: {  	s19 =	sshrl.u32 s31, $0x3;
	s6 =	sshrl.u32 s14, $0x3;
	s25 =	sld [smem:$0x7D7]  }
0x45: {  	s0 =	sadd.s32 s13, s19;
	s19 =	sadd.s32 s22, s6;
	s6 =	sld [smem:$0x7E4]  }
0x46: {  	s7 =	sadd.s32 s13, s29;
	[smem:$0x7CC] =	sst s0  }
0x47: {  	[smem:$0x7D0] =	sst s7  }
0x48: {  	s28 =	sshrl.u32 s15, $0x3;
	[smem:$0x7D5] =	sst s19  }
0x49: {  	s0 =	sadd.s32 s13, s28;
	s28 =	sld [smem:$0x7D8]  }
0x4a: {  	s7 =	sld [smem:$0x7D9]  }
0x4b: {  	s4 =	sadd.s32 $0xC8, s1;
	s15 =	smul.u32 $0x5000, s9;
	s19 =	sld [smem:$0x7DD]  }
0x4c: {  	s8 =	sshrl.u32 s4, $0x3;
	s13 =	sadd.s32 $0x28, s12;
	[smem:$0x7CF] =	sst s0  }
0x4d: {  	s0 =	sadd.s32 s8, s22;
	s5 =	sshrl.u32 s13, $0x3;
	s13 =	sld [smem:$0x7DC]  }
0x4e: {  	s23 =	sshrl.u32 s15, $0x2;
	s21 =	smul.u32 $0x5000, s20;
	[dreg:$0x16] =	wrdreg s0  }
0x4f: {  	s20 =	sadd.s32 s23, s2;
	s26 =	smul.u32 $0x5000, s25;
	s25 =	sld [smem:$0x7E0]  }
0x50: {  	s0 =	smul.u32 $0x5000, s11;
	s5 =	sadd.s32 s22, s5;
	[smem:$0x7FC] =	sst s20  }
0x51: {  	[smem:$0x7D4] =	sst s5;
	s8 =	smul.u32 $0x5000, s7  }
0x52: {  	s5 =	sshrl.u32 s21, $0x2;
	s21 =	smul.u32 $0x5000, s19;
	s0 =	sshrl.u32 s0, $0x2  }
0x53: {  	s5 =	sadd.s32 s5, s2;
	s14 =	smul.u32 $0x5000, s13;
	s13 =	sld [smem:$0x7E5]  }
0x54: {  	s29 =	sshrl.u32 s26, $0x2;
	s31 =	sadd.s32 s0, s2;
	[smem:$0x7DA] =	sst s5  }
0x55: {  	s0 =	smul.u32 $0x5000, s28;
	s11 =	sadd.s32 s29, s2;
	s28 =	sld [smem:$0x7E1]  }
0x56: {  	s15 =	sshrl.u32 s8, $0x2;
	s26 =	sshrl.u32 s21, $0x2;
	[smem:$0x7DB] =	sst s11  }
0x57: {  	s8 =	smul.u32 $0x5000, s6;
	s23 =	sadd.s32 s15, s2;
	[smem:$0x7FD] =	sst s31  }
0x58: {  	s5 =	sshrl.u32 s14, $0x2;
	s4 =	sadd.s32 s26, s2;
	[smem:$0x7DF] =	sst s23  }
0x59: {  	s0 =	sshrl.u32 s0, $0x2;
	[smem:$0x7E3] =	sst s4;
	s14 =	smul.u32 $0x5000, s13  }
0x5a: {  	s5 =	sadd.s32 s5, s2;
	s23 =	smul.u32 $0x5000, s24;
	s4 =	rddreg [dreg:$0x17]  }
0x5b: {  	s0 =	sadd.s32 s0, s2;
	s29 =	smul.u32 $0x5000, s28;
	[smem:$0x7E2] =	sst s5  }
0x5c: {  	s5 =	sshrl.u32 s8, $0x2;
	[smem:$0x7DE] =	sst s0;
	s0 =	smul.u32 $0x5000, s25  }
0x5d: {  	s21 =	sshrl.u32 s14, $0x2;
	s5 =	sadd.s32 s5, s2;
	s25 =	smul.u32 $0x5000, s16  }
0x5e: {  	s26 =	sshrl.u32 s23, $0x2;
	[smem:$0x7E8] =	sst s5;
	s24 =	sadd.s32 s21, s2  }
0x5f: {  	s11 =	sshrl.u32 s29, $0x2;
	s29 =	sadd.s32 s26, s2;
	[smem:$0x7E9] =	sst s24  }
0x60: {  	p0 =	sgt.u32 s9, $0x9;
	s30 =	simm.s32 $0x28;
	[smem:$0x7EB] =	sst s29  }
0x61: {  	s26 =	sadd.s32 $0x280, s1;
	s6 =	sshrl.u32 s25, $0x2;
	s25 =	sld [smem:$0x7F6]  }
0x62: {  	s0 =	sshrl.u32 s0, $0x2;
	s15 =	sadd.s32 s11, s2;
	[smem:$0x7F8] =	sst s26  }
0x63: {  	s11 =	sshrl.u32 s12, $0x3;
	s0 =	sadd.s32 s0, s2;
	[smem:$0x7E7] =	sst s15  }
0x64: {  	s19 =	smul.u32 $0x5000, s18;
	s21 =	sadd.s32 s4, s11;
	[smem:$0x7E6] =	sst s0  }
0x65: {  	s13 =	sadd.s32 $0x4C4, s11;
	s23 =	sadd.s32 s22, s11;
	[smem:$0x7F2] =	sst s21  }
0x66: {  	s5 =	sadd.s32 $0x4D8, s11;
	s15 =	sadd.s32 s4, s13;
	[smem:$0x7FA] =	sst s23  }
0x67: {  	s28 =	smul.u32 $0x5000, s17;
	s24 =	sadd.s32 s4, s5;
	[smem:$0x7EE] =	sst s15  }
0x68: {  	s14 =	sadd.s32 $0x2648, s12;
	s5 =	sadd.s32 s22, s5;
	[smem:$0x7F3] =	sst s24  }
0x69: {  	s8 =	sshrl.u32 s28, $0x2;
	s28 =	sadd.s32 $0xA, s23;
	[smem:$0x7F4] =	sst s5  }
0x6a: {  	s0 =	sshrl.u32 s19, $0x2;
	s29 =	sadd.s32 $0x4CE, s23;
	[smem:$0x7F9] =	sst s28  }
0x6b: {  	s16 =	sadd.s32 $0x2698, s12;
	s0 =	sadd.s32 s0, s2;
	[smem:$0x7FB] =	sst s29  }
0x6c: {  	s18 =	sshrl.u32 s16, $0x3;
	[smem:$0x7EA] =	sst s0;
	s0 =	sadd.s32 s6, s2  }
0x6d: {  	s16 =	simm.s32 $0x280;
	[smem:$0x7EC] =	sst s0;
	s0 =	sadd.s32 s8, s2  }
0x6e: {  	s19 =	sadd.s32 $0x26E8, s12;
	[smem:$0x7ED] =	sst s0;
	s0 =	sadd.s32 s22, s13  }
0x6f: {  	s6 =	sshrl.u32 s14, $0x3;
	[smem:$0x7EF] =	sst s0;
	s0 =	sadd.s32 s22, s18  }
0x70: {  	s17 =	sadd.s32 s22, s6;
	[smem:$0x7F1] =	sst s0;
	s0 =	sshrl.u32 s19, $0x3  }
0x71: {  	s1 =	simm.s32 $0x0;
	[smem:$0x7F0] =	sst s17;
	s0 =	sadd.s32 s22, s0  }
0x72: {  	s15 =	simm.s32 $0x200;
	[smem:$0x7F5] =	sst s0;
	s0 =	smax.u32 s25, $0x1  }
0x73: {  	v0 =	vimm.f32 $0.0e+00;
	s2 =	simm.s32 $0x380;
	[smem:$0x7F7] =	sst s0;
	s0 =	simm.s32 $0x3  }
.LBB2_1:
0x74: {  	s14 =	sld [smem:$0x7F2];
	_ =	sdelay $0x1  }
0x75: {  	s24 =	sld [smem:$0x7FA]  }
0x76: {  	[tilespmem:s10], [sflag:$0x1] =	stream.linear.gather [hbm4b:s14+s10], $0xA0, $0x38;
	[tilespmem:$0x1E280] =	vst v63  }
0x77: {  	s25 =	sld [smem:$0x7D4]  }
0x78: {  	[tilespmem:s15], [sflag:$0x3] =	stream.linear.gather [hbm4b:s24+s10], $0x28, $0x38;
	[tilespmem:$0x1E280] =	vst v63  }
0x79: {  	s26 =	sld [smem:$0x7F9]  }
0x7a: {  	[tilespmem:s16], [sflag:$0x3] =	stream.linear.gather [hbm4b:s25+s10], $0x28, $0x38;
	[tilespmem:$0x1E280] =	vst v63  }
0x7b: {  	s28 =	simm.s32 $0x300;
	s29 =	sld [smem:$0x7D5]  }
0x7c: {  	[tilespmem:s28], [sflag:$0x3] =	stream.linear.gather [hbm4b:s26+s10], $0x28, $0x38;
	[tilespmem:$0x1E280] =	vst v63  }
0x7d: {  	[smem:$0x7C9] =	sst s1;
	s14 =	simm.s32 $0x0;
	s15 =	simm.s32 $0x200  }
0x7e: {  	[tilespmem:s2], [sflag:$0x3] =	stream.linear.gather [hbm4b:s29+s10], $0x28, $0x38;
	[tilespmem:$0x1E280] =	vst v63  }
.LBB2_2:
0x7f: {  	p1 =	sne.s32 s15, $0x4E00;
	[tilespmem:s14+$0xA70] =	vst v0  }
0x80: {  	[tilespmem:s14+$0xA00] =	vst v0  }
0x81: {  	[tilespmem:s14+$0xA10] =	vst v0  }
.Ltmp0:
0x82: {  	[tilespmem:s14+$0xA20] =	vst v0;
	(pc) =	sbr.rel @p1 .LBB2_2-.Ltmp0, $4  }
0x83: {  	[tilespmem:s14+$0xA30] =	vst v0  }
0x84: {  	[tilespmem:s14+$0xA40] =	vst v0  }
0x85: {  	[tilespmem:s14+$0xA50] =	vst v0  }
0x86: {  	[tilespmem:s14+$0xA60] =	vst v0;
	s14 =	sshra.s32 s15, $0x2;
	s15 =	sadd.s32 $0x200, s15  }
0x87: {  	[tilespmem:s14+$0xA70] =	vst v0  }
0x88: {  	[tilespmem:s14+$0xA00] =	vst v0  }
0x89: {  	[tilespmem:s14+$0xA10] =	vst v0  }
0x8a: {  	[tilespmem:s14+$0xA20] =	vst v0  }
0x8b: {  	[tilespmem:s14+$0xA30] =	vst v0  }
0x8c: {  	[tilespmem:s14+$0xA40] =	vst v0  }
0x8d: {  	[tilespmem:s14+$0xA50] =	vst v0  }
0x8e: {  	[tilespmem:s14+$0xA60] =	vst v0;
	s21 =	simm.s32 $0xA00;
	s1 =	simm.s32 $0x17  }
0x8f: {  	[spmem:s20] =	stream.linear.scatter [tilespmem:s21], [sflag:$0x17], $0x1400, $0x38;
	[tilespmem:$0x1E280] =	vst v63  }
0x90: {  	_ =	swait.ge [sflag:s1], $0x1400  }
0x91: {  	[sflag:s1] =	ssyncset.done $0x0  }
0x92: {  	[sflag:s1] =	ssyncadd.s32 $0xFFFFEC00  }
0x93: {  	[spmem:s31] =	stream.linear.scatter [tilespmem:s21], [sflag:$0x17], $0x1400, $0x38;
	[tilespmem:$0x1E280] =	vst v63  }
0x94: {  	_ =	swait.ge [sflag:s1], $0x1400  }
0x95: {  	s18 =	sld [smem:$0x7DA]  }
0x96: {  	[sflag:s1] =	ssyncset.done $0x0  }
0x97: {  	[sflag:s1] =	ssyncadd.s32 $0xFFFFEC00  }
0x98: {  	[spmem:s18] =	stream.linear.scatter [tilespmem:s21], [sflag:$0x17], $0x1400, $0x38;
	[tilespmem:$0x1E280] =	vst v63  }
0x99: {  	_ =	swait.ge [sflag:s1], $0x1400  }
0x9a: {  	s19 =	sld [smem:$0x7DB]  }
0x9b: {  	[sflag:s1] =	ssyncset.done $0x0  }
0x9c: {  	[sflag:s1] =	ssyncadd.s32 $0xFFFFEC00  }
0x9d: {  	[spmem:s19] =	stream.linear.scatter [tilespmem:s21], [sflag:$0x17], $0x1400, $0x38;
	[tilespmem:$0x1E280] =	vst v63  }
0x9e: {  	_ =	swait.ge [sflag:s1], $0x1400  }
0x9f: {  	s20 =	sld [smem:$0x7DE]  }
0xa0: {  	[sflag:s1] =	ssyncset.done $0x0  }
0xa1: {  	[sflag:s1] =	ssyncadd.s32 $0xFFFFEC00  }
0xa2: {  	[spmem:s20] =	stream.linear.scatter [tilespmem:s21], [sflag:$0x17], $0x1400, $0x38;
	[tilespmem:$0x1E280] =	vst v63  }
0xa3: {  	_ =	swait.ge [sflag:s1], $0x1400  }
0xa4: {  	s22 =	sld [smem:$0x7DF]  }
0xa5: {  	[sflag:s1] =	ssyncset.done $0x0  }
0xa6: {  	[sflag:s1] =	ssyncadd.s32 $0xFFFFEC00  }
0xa7: {  	[spmem:s22] =	stream.linear.scatter [tilespmem:s21], [sflag:$0x17], $0x1400, $0x38;
	[tilespmem:$0x1E280] =	vst v63  }
0xa8: {  	_ =	swait.ge [sflag:s1], $0x1400  }
0xa9: {  	s23 =	sld [smem:$0x7E2]  }
0xaa: {  	[sflag:s1] =	ssyncset.done $0x0  }
0xab: {  	[sflag:s1] =	ssyncadd.s32 $0xFFFFEC00  }
0xac: {  	[spmem:s23] =	stream.linear.scatter [tilespmem:s21], [sflag:$0x17], $0x1400, $0x38;
	[tilespmem:$0x1E280] =	vst v63  }
0xad: {  	_ =	swait.ge [sflag:s1], $0x1400  }
0xae: {  	s24 =	sld [smem:$0x7E3]  }
0xaf: {  	[sflag:s1] =	ssyncset.done $0x0  }
0xb0: {  	[sflag:s1] =	ssyncadd.s32 $0xFFFFEC00  }
0xb1: {  	[spmem:s24] =	stream.linear.scatter [tilespmem:s21], [sflag:$0x17], $0x1400, $0x38;
	[tilespmem:$0x1E280] =	vst v63  }
0xb2: {  	_ =	swait.ge [sflag:s1], $0x1400  }
0xb3: {  	s25 =	sld [smem:$0x7E6]  }
0xb4: {  	[sflag:s1] =	ssyncset.done $0x0  }
0xb5: {  	[sflag:s1] =	ssyncadd.s32 $0xFFFFEC00  }
0xb6: {  	[spmem:s25] =	stream.linear.scatter [tilespmem:s21], [sflag:$0x17], $0x1400, $0x38;
	[tilespmem:$0x1E280] =	vst v63  }
0xb7: {  	_ =	swait.ge [sflag:s1], $0x1400  }
0xb8: {  	s26 =	sld [smem:$0x7E7]  }
0xb9: {  	[sflag:s1] =	ssyncset.done $0x0  }
0xba: {  	[sflag:s1] =	ssyncadd.s32 $0xFFFFEC00  }
0xbb: {  	[spmem:s26] =	stream.linear.scatter [tilespmem:s21], [sflag:$0x17], $0x1400, $0x38;
	[tilespmem:$0x1E280] =	vst v63  }
0xbc: {  	_ =	swait.ge [sflag:s1], $0x1400  }
0xbd: {  	s28 =	sld [smem:$0x7E8]  }
0xbe: {  	[sflag:s1] =	ssyncset.done $0x0  }
0xbf: {  	[sflag:s1] =	ssyncadd.s32 $0xFFFFEC00  }
0xc0: {  	[spmem:s28] =	stream.linear.scatter [tilespmem:s21], [sflag:$0x17], $0x1400, $0x38;
	[tilespmem:$0x1E280] =	vst v63  }
0xc1: {  	_ =	swait.ge [sflag:s1], $0x1400  }
0xc2: {  	s29 =	sld [smem:$0x7E9]  }
0xc3: {  	[sflag:s1] =	ssyncset.done $0x0  }
0xc4: {  	[sflag:s1] =	ssyncadd.s32 $0xFFFFEC00  }
0xc5: {  	[spmem:s29] =	stream.linear.scatter [tilespmem:s21], [sflag:$0x17], $0x1400, $0x38;
	[tilespmem:$0x1E280] =	vst v63  }
0xc6: {  	_ =	swait.ge [sflag:s1], $0x1400  }
0xc7: {  	s31 =	sld [smem:$0x7EA]  }
0xc8: {  	[sflag:s1] =	ssyncset.done $0x0  }
0xc9: {  	[sflag:s1] =	ssyncadd.s32 $0xFFFFEC00  }
0xca: {  	[spmem:s31] =	stream.linear.scatter [tilespmem:s21], [sflag:$0x17], $0x1400, $0x38;
	[tilespmem:$0x1E280] =	vst v63  }
0xcb: {  	_ =	swait.ge [sflag:s1], $0x1400  }
0xcc: {  	s2 =	sld [smem:$0x7EB]  }
0xcd: {  	[sflag:s1] =	ssyncset.done $0x0  }
0xce: {  	[sflag:s1] =	ssyncadd.s32 $0xFFFFEC00  }
0xcf: {  	[spmem:s2] =	stream.linear.scatter [tilespmem:s21], [sflag:$0x17], $0x1400, $0x38;
	[tilespmem:$0x1E280] =	vst v63  }
0xd0: {  	_ =	swait.ge [sflag:s1], $0x1400  }
0xd1: {  	s4 =	sld [smem:$0x7EC]  }
0xd2: {  	[sflag:s1] =	ssyncset.done $0x0  }
0xd3: {  	[sflag:s1] =	ssyncadd.s32 $0xFFFFEC00  }
0xd4: {  	[spmem:s4] =	stream.linear.scatter [tilespmem:s21], [sflag:$0x17], $0x1400, $0x38;
	[tilespmem:$0x1E280] =	vst v63  }
0xd5: {  	_ =	swait.ge [sflag:s1], $0x1400  }
0xd6: {  	s15 =	sld [smem:$0x7ED]  }
0xd7: {  	[sflag:s1] =	ssyncset.done $0x0  }
0xd8: {  	s14 =	simm.s32 @!p0 $0xA00;
	[sflag:s1] =	ssyncadd.s32 $0xFFFFEC00  }
0xd9: {  	[spmem:s15] =	stream.linear.scatter @!p0 [tilespmem:s14], [sflag:$0x17], $0x1400, $0x38;
	[tilespmem:$0x1E280] =	vst v63  }
0xda: {  	s14 =	simm.s32 @!p0 $0x17  }
0xdb: {  	_ =	swait.ge @!p0 [sflag:s14], $0x1400  }
0xdc: {  	[sflag:s14] =	ssyncset.done @!p0 $0x0  }
0xdd: {  	[sflag:s14] =	ssyncadd.s32 @!p0 $0xFFFFEC00  }
0xde: {  	[bflag:$0x0] =	sbarrier.arrive $0xFFFF  }
0xdf: {  	s5 =	rddreg [dreg:$0x13]  }
0xe0: {  	s7 =	simm.s32 $0x100;
	s6 =	rddreg [dreg:$0x12];
	s14 =	sadd.s32 $0x0, s5  }
0xe1: {  	[tilespmem:s7], [sflag:$0x2] =	stream.linear.gather [hbm4b:s14+s10], $0xA0, $0x38;
	[tilespmem:$0x1E280] =	vst v63  }
0xe2: {  	s9 =	simm.s32 $0x400;
	s16 =	rddreg [dreg:$0x16];
	s8 =	sadd.s32 $0x0, s6  }
0xe3: {  	[tilespmem:s9], [sflag:$0x4] =	stream.linear.gather [hbm4b:s8+s10], $0x28, $0x38;
	[tilespmem:$0x1E280] =	vst v63  }
0xe4: {  	s24 =	simm.s32 $0x480;
	s11 =	rddreg [dreg:$0x15];
	s12 =	sadd.s32 $0x0, s16  }
0xe5: {  	[tilespmem:s24], [sflag:$0x4] =	stream.linear.gather [hbm4b:s12+s10], $0x28, $0x38;
	[tilespmem:$0x1E280] =	vst v63  }
0xe6: {  	s28 =	simm.s32 $0x500;
	s13 =	rddreg [dreg:$0x14];
	s17 =	sadd.s32 $0x0, s11  }
0xe7: {  	[tilespmem:s28], [sflag:$0x4] =	stream.linear.gather [hbm4b:s17+s10], $0x28, $0x38;
	[tilespmem:$0x1E280] =	vst v63  }
0xe8: {  	s18 =	sadd.s32 $0x0, s13;
	s6 =	simm.s32 $0x580;
	s5 =	simm.s32 $0x1  }
0xe9: {  	[tilespmem:s6], [sflag:$0x4] =	stream.linear.gather [hbm4b:s18+s10], $0x28, $0x38;
	[tilespmem:$0x1E280] =	vst v63  }
0xea: {  	_ =	swait.ge [sflag:s5], $0xA0  }
0xeb: {  	[sflag:s5] =	ssyncset.done $0x0  }
0xec: {  	[sflag:s5] =	ssyncadd.s32 $0xFFFFFF60  }
0xed: {  	_ =	swait.ge [sflag:s0], $0x28  }
0xee: {  	[sflag:s0] =	ssyncset.done $0x0  }
0xef: {  	[sflag:s0] =	ssyncadd.s32 $0xFFFFFFD8  }
0xf0: {  	_ =	swait.ge [sflag:s0], $0x28  }
0xf1: {  	[sflag:s0] =	ssyncset.done $0x0  }
0xf2: {  	[sflag:s0] =	ssyncadd.s32 $0xFFFFFFD8  }
0xf3: {  	_ =	swait.ge [sflag:s0], $0x28  }
0xf4: {  	[sflag:s0] =	ssyncset.done $0x0  }
0xf5: {  	[sflag:s0] =	ssyncadd.s32 $0xFFFFFFD8  }
0xf6: {  	_ =	swait.ge [sflag:s0], $0x28  }
0xf7: {  	p1 =	por $0x1, $0x1;
	[sflag:s0] =	ssyncset.done $0x0  }
0xf8: {  	s14 =	simm.s32 @!p1 $0xF;
	[sflag:s0] =	ssyncadd.s32 $0xFFFFFFD8  }
0xf9: {  	_ =	swait.ge @!p1 [sflag:s14], $0x1400  }
0xfa: {  	[sflag:s14] =	ssyncset.done @!p1 $0x0  }
0xfb: {  	[sflag:s14] =	ssyncadd.s32 @!p1 $0xFFFFEC00;
	s14 =	simm.s32 @!p1 $0x10  }
0xfc: {  	_ =	swait.ge @!p1 [sflag:s14], $0x1400  }
0xfd: {  	[sflag:s14] =	ssyncset.done @!p1 $0x0  }
0xfe: {  	[sflag:s14] =	ssyncadd.s32 @!p1 $0xFFFFEC00;
	s14 =	simm.s32 @!p1 $0x11  }
0xff: {  	_ =	swait.ge @!p1 [sflag:s14], $0x1400  }
0x100: {  	[sflag:s14] =	ssyncset.done @!p1 $0x0  }
0x101: {  	[sflag:s14] =	ssyncadd.s32 @!p1 $0xFFFFEC00;
	s14 =	simm.s32 @!p1 $0x12  }
0x102: {  	_ =	swait.ge @!p1 [sflag:s14], $0x1400  }
0x103: {  	[sflag:s14] =	ssyncset.done @!p1 $0x0  }
0x104: {  	[sflag:s14] =	ssyncadd.s32 @!p1 $0xFFFFEC00  }
0x105: {  	[tilespmem:s21], [sflag:$0x7] =	stream.indirect.gather [hbm4b:s3+s30], $0x80, s10, s30, $0xb8;
	[tilespmem:$0x1E280] =	vst v63  }
0x106: {  	s11 =	simm.s32 $0x1E00  }
0x107: {  	[tilespmem:s11], [sflag:$0x8] =	stream.indirect.gather [hbm4b:s3+s30], $0x80, s30, s30, $0xb8;
	[tilespmem:$0x1E280] =	vst v63  }
0x108: {  	s19 =	simm.s32 $0x50;
	s7 =	simm.s32 $0x3200  }
0x109: {  	[tilespmem:s7], [sflag:$0x9] =	stream.indirect.gather [hbm4b:s3+s30], $0x80, s19, s30, $0xb8;
	[tilespmem:$0x1E280] =	vst v63  }
0x10a: {  	s20 =	simm.s32 $0x78;
	s1 =	simm.s32 $0x7;
	s13 =	simm.s32 $0x4600  }
0x10b: {  	[tilespmem:s13], [sflag:$0xA] =	stream.indirect.gather [hbm4b:s3+s30], $0x80, s20, s30, $0xb8;
	[tilespmem:$0x1E280] =	vst v63  }
0x10c: {  	_ =	swait.ge [sflag:s1], $0x1400  }
0x10d: {  	[sflag:s1] =	ssyncset.done $0x0  }
0x10e: {  	[sflag:s1] =	ssyncadd.s32 $0xFFFFEC00  }
0x10f: {  	s22 =	simm.s32 $0x200;
	s26 =	simm.s32 $0x8;
	s2 =	rddreg [dreg:$0x3]  }
0x110: {  	[spmem:s2] =	stream.indirect.scatter.add.f32 [tilespmem:s21], [sflag:$0xF], $0x80, s22, s30, $0xb8;
	[tilespmem:$0x1E280] =	vst v63  }
0x111: {  	_ =	swait.ge [sflag:s26], $0x1400  }
0x112: {  	[sflag:s26] =	ssyncset.done $0x0  }
0x113: {  	s23 =	simm.s32 $0x280;
	s25 =	simm.s32 $0x9;
	[sflag:s26] =	ssyncadd.s32 $0xFFFFEC00  }
0x114: {  	[spmem:s2] =	stream.indirect.scatter.add.f32 [tilespmem:s11], [sflag:$0x10], $0x80, s23, s30, $0xb8;
	[tilespmem:$0x1E280] =	vst v63  }
0x115: {  	_ =	swait.ge [sflag:s25], $0x1400  }
0x116: {  	[sflag:s25] =	ssyncset.done $0x0  }
0x117: {  	s29 =	simm.s32 $0x300;
	[sflag:s25] =	ssyncadd.s32 $0xFFFFEC00  }
0x118: {  	[spmem:s2] =	stream.indirect.scatter.add.f32 [tilespmem:s7], [sflag:$0x11], $0x80, s29, s30, $0xb8;
	[tilespmem:$0x1E280] =	vst v63  }
0x119: {  	s29 =	simm.s32 $0xA  }
0x11a: {  	_ =	swait.ge [sflag:s29], $0x1400  }
0x11b: {  	[sflag:s29] =	ssyncset.done $0x0  }
0x11c: {  	s8 =	simm.s32 $0x380;
	s31 =	rddreg [dreg:$0xe];
	[sflag:s29] =	ssyncadd.s32 $0xFFFFEC00  }
0x11d: {  	[spmem:s2] =	stream.indirect.scatter.add.f32 [tilespmem:s13], [sflag:$0x12], $0x80, s8, s30, $0xb8;
	[tilespmem:$0x1E280] =	vst v63  }
0x11e: {  	s4 =	rddreg [dreg:$0xd];
	s14 =	sadd.s32 $0x0, s31  }
0x11f: {  	[tilespmem:s10], [sflag:$0x1] =	stream.linear.gather [hbm4b:s14+s10], $0xA0, $0x38;
	[tilespmem:$0x1E280] =	vst v63  }
0x120: {  	s12 =	rddreg [dreg:$0x11];
	s17 =	sadd.s32 $0x0, s4;
	s4 =	simm.s32 $0x600  }
0x121: {  	[tilespmem:s4], [sflag:$0x5] =	stream.linear.gather [hbm4b:s17+s10], $0x28, $0x38;
	[tilespmem:$0x1E280] =	vst v63  }
0x122: {  	s0 =	simm.s32 $0x680;
	s18 =	rddreg [dreg:$0x10];
	s19 =	sadd.s32 $0x0, s12  }
0x123: {  	[tilespmem:s0], [sflag:$0x5] =	stream.linear.gather [hbm4b:s19+s10], $0x28, $0x38;
	[tilespmem:$0x1E280] =	vst v63  }
0x124: {  	s20 =	rddreg [dreg:$0xf];
	s22 =	sadd.s32 $0x0, s18;
	s31 =	simm.s32 $0x700  }
0x125: {  	[tilespmem:s31], [sflag:$0x5] =	stream.linear.gather [hbm4b:s22+s10], $0x28, $0x38;
	[tilespmem:$0x1E280] =	vst v63  }
0x126: {  	s23 =	sadd.s32 $0x0, s20;
	s18 =	simm.s32 $0x780;
	s12 =	simm.s32 $0x2  }
0x127: {  	[tilespmem:s18], [sflag:$0x5] =	stream.linear.gather [hbm4b:s23+s10], $0x28, $0x38;
	[tilespmem:$0x1E280] =	vst v63  }
0x128: {  	_ =	swait.ge [sflag:s12], $0xA0  }
0x129: {  	[sflag:s12] =	ssyncset.done $0x0  }
0x12a: {  	s8 =	simm.s32 $0x4;
	[sflag:s12] =	ssyncadd.s32 $0xFFFFFF60  }
0x12b: {  	_ =	swait.ge [sflag:s8], $0x28  }
0x12c: {  	[sflag:s8] =	ssyncset.done $0x0  }
0x12d: {  	[sflag:s8] =	ssyncadd.s32 $0xFFFFFFD8  }
0x12e: {  	_ =	swait.ge [sflag:s8], $0x28  }
0x12f: {  	[sflag:s8] =	ssyncset.done $0x0  }
0x130: {  	[sflag:s8] =	ssyncadd.s32 $0xFFFFFFD8  }
0x131: {  	_ =	swait.ge [sflag:s8], $0x28  }
0x132: {  	[sflag:s8] =	ssyncset.done $0x0  }
0x133: {  	[sflag:s8] =	ssyncadd.s32 $0xFFFFFFD8  }
0x134: {  	_ =	swait.ge [sflag:s8], $0x28  }
0x135: {  	[sflag:s8] =	ssyncset.done $0x0  }
0x136: {  	s14 =	simm.s32 @!p1 $0x13;
	[sflag:s8] =	ssyncadd.s32 $0xFFFFFFD8  }
0x137: {  	_ =	swait.ge @!p1 [sflag:s14], $0x1400  }
0x138: {  	[sflag:s14] =	ssyncset.done @!p1 $0x0  }
0x139: {  	[sflag:s14] =	ssyncadd.s32 @!p1 $0xFFFFEC00;
	s14 =	simm.s32 @!p1 $0x14  }
0x13a: {  	_ =	swait.ge @!p1 [sflag:s14], $0x1400  }
0x13b: {  	[sflag:s14] =	ssyncset.done @!p1 $0x0  }
0x13c: {  	[sflag:s14] =	ssyncadd.s32 @!p1 $0xFFFFEC00;
	s14 =	simm.s32 @!p1 $0x15  }
0x13d: {  	_ =	swait.ge @!p1 [sflag:s14], $0x1400  }
0x13e: {  	[sflag:s14] =	ssyncset.done @!p1 $0x0  }
0x13f: {  	[sflag:s14] =	ssyncadd.s32 @!p1 $0xFFFFEC00;
	s14 =	simm.s32 @!p1 $0x16  }
0x140: {  	_ =	swait.ge @!p1 [sflag:s14], $0x1400  }
0x141: {  	[sflag:s14] =	ssyncset.done @!p1 $0x0  }
0x142: {  	s20 =	simm.s32 $0x100;
	s17 =	simm.s32 $0x5A00;
	[sflag:s14] =	ssyncadd.s32 @!p1 $0xFFFFEC00  }
0x143: {  	[tilespmem:s17], [sflag:$0xB] =	stream.indirect.gather [hbm4b:s3+s30], $0x80, s20, s30, $0xb8;
	[tilespmem:$0x1E280] =	vst v63  }
0x144: {  	s25 =	simm.s32 $0x128;
	s22 =	simm.s32 $0x6E00  }
0x145: {  	[tilespmem:s22], [sflag:$0xC] =	stream.indirect.gather [hbm4b:s3+s30], $0x80, s25, s30, $0xb8;
	[tilespmem:$0x1E280] =	vst v63  }
0x146: {  	s14 =	simm.s32 $0x150;
	s25 =	simm.s32 $0x8200  }
0x147: {  	[tilespmem:s25], [sflag:$0xD] =	stream.indirect.gather [hbm4b:s3+s30], $0x80, s14, s30, $0xb8;
	[tilespmem:$0x1E280] =	vst v63  }
0x148: {  	s15 =	simm.s32 $0x178;
	s19 =	simm.s32 $0xB;
	s23 =	simm.s32 $0x9600  }
0x149: {  	[tilespmem:s23], [sflag:$0xE] =	stream.indirect.gather [hbm4b:s3+s30], $0x80, s15, s30, $0xb8;
	[tilespmem:$0x1E280] =	vst v63  }
0x14a: {  	_ =	swait.ge [sflag:s19], $0x1400  }
0x14b: {  	[sflag:s19] =	ssyncset.done $0x0  }
0x14c: {  	s8 =	simm.s32 $0xC;
	[sflag:s19] =	ssyncadd.s32 $0xFFFFEC00  }
0x14d: {  	[spmem:s2] =	stream.indirect.scatter.add.f32 [tilespmem:s17], [sflag:$0x13], $0x80, s9, s30, $0xb8;
	[tilespmem:$0x1E280] =	vst v63  }
0x14e: {  	_ =	swait.ge [sflag:s8], $0x1400  }
0x14f: {  	[sflag:s8] =	ssyncset.done $0x0  }
0x150: {  	[sflag:s8] =	ssyncadd.s32 $0xFFFFEC00  }
0x151: {  	[spmem:s2] =	stream.indirect.scatter.add.f32 [tilespmem:s22], [sflag:$0x14], $0x80, s24, s30, $0xb8;
	[tilespmem:$0x1E280] =	vst v63  }
0x152: {  	s24 =	simm.s32 $0xD  }
0x153: {  	_ =	swait.ge [sflag:s24], $0x1400  }
0x154: {  	[sflag:s24] =	ssyncset.done $0x0  }
0x155: {  	[sflag:s24] =	ssyncadd.s32 $0xFFFFEC00  }
0x156: {  	[spmem:s2] =	stream.indirect.scatter.add.f32 [tilespmem:s25], [sflag:$0x15], $0x80, s28, s30, $0xb8;
	[tilespmem:$0x1E280] =	vst v63  }
0x157: {  	s28 =	simm.s32 $0xE  }
0x158: {  	_ =	swait.ge [sflag:s28], $0x1400  }
0x159: {  	[sflag:s28] =	ssyncset.done $0x0  }
0x15a: {  	s16 =	rddreg [dreg:$0x9];
	[sflag:s28] =	ssyncadd.s32 $0xFFFFEC00  }
0x15b: {  	[spmem:s2] =	stream.indirect.scatter.add.f32 [tilespmem:s23], [sflag:$0x16], $0x80, s6, s30, $0xb8;
	[tilespmem:$0x1E280] =	vst v63  }
0x15c: {  	s15 =	rddreg [dreg:$0x8];
	s14 =	sadd.s32 $0x0, s16  }
0x15d: {  	[tilespmem:s20], [sflag:$0x2] =	stream.linear.gather [hbm4b:s14+s10], $0xA0, $0x38;
	[tilespmem:$0x1E280] =	vst v63  }
0x15e: {  	s16 =	rddreg [dreg:$0xc];
	s6 =	simm.s32 $0x800;
	s20 =	sadd.s32 $0x0, s15  }
0x15f: {  	[tilespmem:s6], [sflag:$0x6] =	stream.linear.gather [hbm4b:s20+s10], $0x28, $0x38;
	[tilespmem:$0x1E280] =	vst v63  }
0x160: {  	s15 =	rddreg [dreg:$0xb];
	s20 =	sadd.s32 $0x0, s16;
	s6 =	simm.s32 $0x880  }
0x161: {  	[tilespmem:s6], [sflag:$0x6] =	stream.linear.gather [hbm4b:s20+s10], $0x28, $0x38;
	[tilespmem:$0x1E280] =	vst v63  }
0x162: {  	s15 =	sadd.s32 $0x0, s15;
	s16 =	rddreg [dreg:$0xa];
	s20 =	simm.s32 $0x900  }
0x163: {  	[tilespmem:s20], [sflag:$0x6] =	stream.linear.gather [hbm4b:s15+s10], $0x28, $0x38;
	[tilespmem:$0x1E280] =	vst v63  }
0x164: {  	s15 =	sadd.s32 $0x0, s16;
	s16 =	simm.s32 $0x980  }
0x165: {  	[tilespmem:s16], [sflag:$0x6] =	stream.linear.gather [hbm4b:s15+s10], $0x28, $0x38;
	[tilespmem:$0x1E280] =	vst v63  }
0x166: {  	_ =	swait.ge [sflag:s5], $0xA0  }
0x167: {  	[sflag:s5] =	ssyncset.done $0x0  }
0x168: {  	s16 =	simm.s32 $0x5;
	[sflag:s5] =	ssyncadd.s32 $0xFFFFFF60  }
0x169: {  	_ =	swait.ge [sflag:s16], $0x28  }
0x16a: {  	[sflag:s16] =	ssyncset.done $0x0  }
0x16b: {  	[sflag:s16] =	ssyncadd.s32 $0xFFFFFFD8  }
0x16c: {  	_ =	swait.ge [sflag:s16], $0x28  }
0x16d: {  	[sflag:s16] =	ssyncset.done $0x0  }
0x16e: {  	[sflag:s16] =	ssyncadd.s32 $0xFFFFFFD8  }
0x16f: {  	_ =	swait.ge [sflag:s16], $0x28  }
0x170: {  	[sflag:s16] =	ssyncset.done $0x0  }
0x171: {  	[sflag:s16] =	ssyncadd.s32 $0xFFFFFFD8  }
0x172: {  	_ =	swait.ge [sflag:s16], $0x28  }
0x173: {  	[sflag:s16] =	ssyncset.done $0x0  }
0x174: {  	s14 =	simm.s32 $0xF;
	[sflag:s16] =	ssyncadd.s32 $0xFFFFFFD8  }
0x175: {  	_ =	swait.ge [sflag:s14], $0x1400  }
0x176: {  	[sflag:s14] =	ssyncset.done $0x0  }
0x177: {  	s15 =	simm.s32 $0x10;
	[sflag:s14] =	ssyncadd.s32 $0xFFFFEC00  }
0x178: {  	_ =	swait.ge [sflag:s15], $0x1400  }
0x179: {  	[sflag:s15] =	ssyncset.done $0x0  }
0x17a: {  	s16 =	simm.s32 $0x11;
	[sflag:s15] =	ssyncadd.s32 $0xFFFFEC00  }
0x17b: {  	_ =	swait.ge [sflag:s16], $0x1400  }
0x17c: {  	[sflag:s16] =	ssyncset.done $0x0  }
0x17d: {  	s14 =	simm.s32 $0x12;
	[sflag:s16] =	ssyncadd.s32 $0xFFFFEC00  }
0x17e: {  	_ =	swait.ge [sflag:s14], $0x1400  }
0x17f: {  	[sflag:s14] =	ssyncset.done $0x0  }
0x180: {  	[sflag:s14] =	ssyncadd.s32 $0xFFFFEC00  }
0x181: {  	[tilespmem:s21], [sflag:$0x7] =	stream.indirect.gather [hbm4b:s3+s30], $0x80, s10, s30, $0xb8;
	[tilespmem:$0x1E280] =	vst v63  }
0x182: {  	_ = 	snop  }
0x183: {  	[tilespmem:s11], [sflag:$0x8] =	stream.indirect.gather [hbm4b:s3+s30], $0x80, s30, s30, $0xb8;
	[tilespmem:$0x1E280] =	vst v63  }
0x184: {  	s15 =	simm.s32 $0x50  }
0x185: {  	[tilespmem:s7], [sflag:$0x9] =	stream.indirect.gather [hbm4b:s3+s30], $0x80, s15, s30, $0xb8;
	[tilespmem:$0x1E280] =	vst v63  }
0x186: {  	s16 =	simm.s32 $0x78  }
0x187: {  	[tilespmem:s13], [sflag:$0xA] =	stream.indirect.gather [hbm4b:s3+s30], $0x80, s16, s30, $0xb8;
	[tilespmem:$0x1E280] =	vst v63  }
0x188: {  	_ =	swait.ge [sflag:s1], $0x1400  }
0x189: {  	[sflag:s1] =	ssyncset.done $0x0  }
0x18a: {  	[sflag:s1] =	ssyncadd.s32 $0xFFFFEC00  }
0x18b: {  	[spmem:s2] =	stream.indirect.scatter.add.f32 [tilespmem:s21], [sflag:$0xF], $0x80, s4, s30, $0xb8;
	[tilespmem:$0x1E280] =	vst v63  }
0x18c: {  	_ =	swait.ge [sflag:s26], $0x1400  }
0x18d: {  	[sflag:s26] =	ssyncset.done $0x0  }
0x18e: {  	s9 =	simm.s32 $0x9;
	[sflag:s26] =	ssyncadd.s32 $0xFFFFEC00  }
0x18f: {  	[spmem:s2] =	stream.indirect.scatter.add.f32 [tilespmem:s11], [sflag:$0x10], $0x80, s0, s30, $0xb8;
	[tilespmem:$0x1E280] =	vst v63  }
0x190: {  	_ =	swait.ge [sflag:s9], $0x1400  }
0x191: {  	[sflag:s9] =	ssyncset.done $0x0  }
0x192: {  	[sflag:s9] =	ssyncadd.s32 $0xFFFFEC00  }
0x193: {  	[spmem:s2] =	stream.indirect.scatter.add.f32 [tilespmem:s7], [sflag:$0x11], $0x80, s31, s30, $0xb8;
	[tilespmem:$0x1E280] =	vst v63  }
0x194: {  	_ =	swait.ge [sflag:s29], $0x1400  }
0x195: {  	[sflag:s29] =	ssyncset.done $0x0;
	s31 =	sld [smem:$0x7F8]  }
0x196: {  	[sflag:s29] =	ssyncadd.s32 $0xFFFFEC00  }
0x197: {  	[spmem:s2] =	stream.indirect.scatter.add.f32 [tilespmem:s13], [sflag:$0x12], $0x80, s18, s30, $0xb8;
	[tilespmem:$0x1E280] =	vst v63  }
0x198: {  	s5 =	rddreg [dreg:$0x17];
	s1 =	sshrl.u32 s31, $0x3  }
0x199: {  	s11 =	rddreg [dreg:$0x1];
	s7 =	sadd.s32 s5, s1  }
0x19a: {  	[tilespmem:s10], [sflag:$0x1] =	stream.linear.gather [hbm4b:s7+s10], $0xA0, $0x38;
	[tilespmem:$0x1E280] =	vst v63  }
0x19b: {  	s9 =	rddreg [dreg:$0x7];
	s18 =	simm.s32 $0x200;
	s14 =	sadd.s32 s11, s1  }
0x19c: {  	[tilespmem:s18], [sflag:$0x3] =	stream.linear.gather [hbm4b:s14+s10], $0x28, $0x38;
	[tilespmem:$0x1E280] =	vst v63  }
0x19d: {  	s21 =	sadd.s32 $0x0, s9;
	s29 =	simm.s32 $0x280;
	s13 =	rddreg [dreg:$0x6]  }
0x19e: {  	[tilespmem:s29], [sflag:$0x3] =	stream.linear.gather [hbm4b:s21+s10], $0x28, $0x38;
	[tilespmem:$0x1E280] =	vst v63  }
0x19f: {  	s26 =	rddreg [dreg:$0x5];
	s4 =	sadd.s32 $0x0, s13;
	s5 =	simm.s32 $0x300  }
0x1a0: {  	[tilespmem:s5], [sflag:$0x3] =	stream.linear.gather [hbm4b:s4+s10], $0x28, $0x38;
	[tilespmem:$0x1E280] =	vst v63  }
0x1a1: {  	s9 =	simm.s32 $0x380;
	s7 =	sadd.s32 $0x0, s26  }
0x1a2: {  	[tilespmem:s9], [sflag:$0x3] =	stream.linear.gather [hbm4b:s7+s10], $0x28, $0x38;
	[tilespmem:$0x1E280] =	vst v63  }
0x1a3: {  	_ =	swait.ge [sflag:s12], $0xA0  }
0x1a4: {  	[sflag:s12] =	ssyncset.done $0x0  }
0x1a5: {  	s11 =	simm.s32 $0x6;
	[sflag:s12] =	ssyncadd.s32 $0xFFFFFF60  }
0x1a6: {  	_ =	swait.ge [sflag:s11], $0x28  }
0x1a7: {  	[sflag:s11] =	ssyncset.done $0x0  }
0x1a8: {  	[sflag:s11] =	ssyncadd.s32 $0xFFFFFFD8  }
0x1a9: {  	_ =	swait.ge [sflag:s11], $0x28  }
0x1aa: {  	[sflag:s11] =	ssyncset.done $0x0  }
0x1ab: {  	[sflag:s11] =	ssyncadd.s32 $0xFFFFFFD8  }
0x1ac: {  	_ =	swait.ge [sflag:s11], $0x28  }
0x1ad: {  	[sflag:s11] =	ssyncset.done $0x0  }
0x1ae: {  	[sflag:s11] =	ssyncadd.s32 $0xFFFFFFD8  }
0x1af: {  	_ =	swait.ge [sflag:s11], $0x28  }
0x1b0: {  	[sflag:s11] =	ssyncset.done $0x0  }
0x1b1: {  	s12 =	simm.s32 $0x13;
	[sflag:s11] =	ssyncadd.s32 $0xFFFFFFD8  }
0x1b2: {  	_ =	swait.ge [sflag:s12], $0x1400  }
0x1b3: {  	[sflag:s12] =	ssyncset.done $0x0  }
0x1b4: {  	s13 =	simm.s32 $0x14;
	[sflag:s12] =	ssyncadd.s32 $0xFFFFEC00  }
0x1b5: {  	_ =	swait.ge [sflag:s13], $0x1400  }
0x1b6: {  	[sflag:s13] =	ssyncset.done $0x0  }
0x1b7: {  	s14 =	simm.s32 $0x15;
	[sflag:s13] =	ssyncadd.s32 $0xFFFFEC00  }
0x1b8: {  	_ =	swait.ge [sflag:s14], $0x1400  }
0x1b9: {  	[sflag:s14] =	ssyncset.done $0x0  }
0x1ba: {  	s15 =	simm.s32 $0x16;
	[sflag:s14] =	ssyncadd.s32 $0xFFFFEC00  }
0x1bb: {  	_ =	swait.ge [sflag:s15], $0x1400  }
0x1bc: {  	[sflag:s15] =	ssyncset.done $0x0  }
0x1bd: {  	s16 =	simm.s32 $0x100;
	[sflag:s15] =	ssyncadd.s32 $0xFFFFEC00  }
0x1be: {  	[tilespmem:s17], [sflag:$0xB] =	stream.indirect.gather [hbm4b:s3+s30], $0x80, s16, s30, $0xb8;
	[tilespmem:$0x1E280] =	vst v63  }
0x1bf: {  	s18 =	simm.s32 $0x128  }
0x1c0: {  	[tilespmem:s22], [sflag:$0xC] =	stream.indirect.gather [hbm4b:s3+s30], $0x80, s18, s30, $0xb8;
	[tilespmem:$0x1E280] =	vst v63  }
0x1c1: {  	s21 =	simm.s32 $0x150  }
0x1c2: {  	[tilespmem:s25], [sflag:$0xD] =	stream.indirect.gather [hbm4b:s3+s30], $0x80, s21, s30, $0xb8;
	[tilespmem:$0x1E280] =	vst v63  }
0x1c3: {  	s26 =	simm.s32 $0x178  }
0x1c4: {  	[tilespmem:s23], [sflag:$0xE] =	stream.indirect.gather [hbm4b:s3+s30], $0x80, s26, s30, $0xb8;
	[tilespmem:$0x1E280] =	vst v63  }
0x1c5: {  	_ =	swait.ge [sflag:s19], $0x1400  }
0x1c6: {  	[sflag:s19] =	ssyncset.done $0x0  }
0x1c7: {  	s0 =	smov.u32 s2;
	s29 =	simm.s32 $0x800;
	[sflag:s19] =	ssyncadd.s32 $0xFFFFEC00  }
0x1c8: {  	[spmem:s0] =	stream.indirect.scatter.add.f32 [tilespmem:s17], [sflag:$0x13], $0x80, s29, s30, $0xb8;
	[tilespmem:$0x1E280] =	vst v63  }
0x1c9: {  	_ =	swait.ge [sflag:s8], $0x1400  }
0x1ca: {  	[sflag:s8] =	ssyncset.done $0x0  }
0x1cb: {  	[sflag:s8] =	ssyncadd.s32 $0xFFFFEC00  }
0x1cc: {  	[spmem:s0] =	stream.indirect.scatter.add.f32 [tilespmem:s22], [sflag:$0x14], $0x80, s6, s30, $0xb8;
	[tilespmem:$0x1E280] =	vst v63  }
0x1cd: {  	_ =	swait.ge [sflag:s24], $0x1400  }
0x1ce: {  	[sflag:s24] =	ssyncset.done $0x0  }
0x1cf: {  	s1 =	smov.u32 s3;
	[sflag:s24] =	ssyncadd.s32 $0xFFFFEC00  }
0x1d0: {  	[spmem:s0] =	stream.indirect.scatter.add.f32 [tilespmem:s25], [sflag:$0x15], $0x80, s20, s30, $0xb8;
	[tilespmem:$0x1E280] =	vst v63  }
0x1d1: {  	s14 =	sadd.s32 $0x280, s31;
	s15 =	simm.s32 $0xA0;
	_ =	swait.ge [sflag:s28], $0x1400  }
0x1d2: {  	s24 =	simm.s32 $0x9600;
	s23 =	rddreg [dreg:$0x13];
	[sflag:s28] =	ssyncset.done $0x0  }
0x1d3: {  	s20 =	simm.s32 $0x50;
	s16 =	rddreg [dreg:$0x12];
	[sflag:s28] =	ssyncadd.s32 $0xFFFFEC00  }
.LBB2_4:
0x1d4: {  	s2 =	simm.s32 $0x980;
	s17 =	smov.u32 s15  }
0x1d5: {  	[spmem:s0] =	stream.indirect.scatter.add.f32 [tilespmem:s24], [sflag:$0x16], $0x80, s2, s30, $0xb8;
	[tilespmem:$0x1E280] =	vst v63  }
0x1d6: {  	s23 =	sadd.s32 s20, s23;
	s31 =	rddreg [dreg:$0x16];
	s18 =	simm.s32 $0x100  }
0x1d7: {  	[tilespmem:s18], [sflag:$0x2] =	stream.linear.gather [hbm4b:s23+s10], $0xA0, $0x38;
	[tilespmem:$0x1E280] =	vst v63  }
0x1d8: {  	s16 =	sadd.s32 s20, s16;
	s19 =	rddreg [dreg:$0x15];
	s9 =	simm.s32 $0x400  }
0x1d9: {  	[tilespmem:s9], [sflag:$0x4] =	stream.linear.gather [hbm4b:s16+s10], $0x28, $0x38;
	[tilespmem:$0x1E280] =	vst v63  }
0x1da: {  	s22 =	rddreg [dreg:$0x14];
	s28 =	simm.s32 $0x480;
	s21 =	sadd.s32 s20, s31  }
0x1db: {  	[tilespmem:s28], [sflag:$0x4] =	stream.linear.gather [hbm4b:s21+s10], $0x28, $0x38;
	[tilespmem:$0x1E280] =	vst v63  }
0x1dc: {  	s5 =	simm.s32 $0x1;
	s8 =	simm.s32 $0x500;
	s24 =	sadd.s32 s20, s19  }
0x1dd: {  	[tilespmem:s8], [sflag:$0x4] =	stream.linear.gather [hbm4b:s24+s10], $0x28, $0x38;
	[tilespmem:$0x1E280] =	vst v63  }
0x1de: {  	s6 =	simm.s32 $0x580;
	[dreg:$0x18] =	wrdreg s17;
	s26 =	sadd.s32 s20, s22  }
0x1df: {  	[tilespmem:s6], [sflag:$0x4] =	stream.linear.gather [hbm4b:s26+s10], $0x28, $0x38;
	[tilespmem:$0x1E280] =	vst v63  }
0x1e0: {  	_ =	swait.ge [sflag:s5], $0xA0  }
0x1e1: {  	[sflag:s5] =	ssyncset.done $0x0  }
0x1e2: {  	s31 =	simm.s32 $0x3;
	[sflag:s5] =	ssyncadd.s32 $0xFFFFFF60  }
0x1e3: {  	_ =	swait.ge [sflag:s31], $0x28  }
0x1e4: {  	[sflag:s31] =	ssyncset.done $0x0  }
0x1e5: {  	[sflag:s31] =	ssyncadd.s32 $0xFFFFFFD8  }
0x1e6: {  	_ =	swait.ge [sflag:s31], $0x28  }
0x1e7: {  	[sflag:s31] =	ssyncset.done $0x0  }
0x1e8: {  	[sflag:s31] =	ssyncadd.s32 $0xFFFFFFD8  }
0x1e9: {  	_ =	swait.ge [sflag:s31], $0x28  }
0x1ea: {  	[sflag:s31] =	ssyncset.done $0x0  }
0x1eb: {  	[sflag:s31] =	ssyncadd.s32 $0xFFFFFFD8  }
0x1ec: {  	_ =	swait.ge [sflag:s31], $0x28  }
0x1ed: {  	p2 =	seq.s32 s20, $0x0;
	[sflag:s31] =	ssyncset.done $0x0  }
0x1ee: {  	s16 =	simm.s32 @!p2 $0xF;
	[sflag:s31] =	ssyncadd.s32 $0xFFFFFFD8  }
0x1ef: {  	_ =	swait.ge @!p2 [sflag:s16], $0x1400  }
0x1f0: {  	[sflag:s16] =	ssyncset.done @!p2 $0x0  }
0x1f1: {  	[sflag:s16] =	ssyncadd.s32 @!p2 $0xFFFFEC00;
	s16 =	simm.s32 @!p2 $0x10  }
0x1f2: {  	_ =	swait.ge @!p2 [sflag:s16], $0x1400  }
0x1f3: {  	[sflag:s16] =	ssyncset.done @!p2 $0x0  }
0x1f4: {  	[sflag:s16] =	ssyncadd.s32 @!p2 $0xFFFFEC00;
	s16 =	simm.s32 @!p2 $0x11  }
0x1f5: {  	_ =	swait.ge @!p2 [sflag:s16], $0x1400  }
0x1f6: {  	[sflag:s16] =	ssyncset.done @!p2 $0x0  }
0x1f7: {  	[sflag:s16] =	ssyncadd.s32 @!p2 $0xFFFFEC00;
	s16 =	simm.s32 @!p2 $0x12  }
0x1f8: {  	_ =	swait.ge @!p2 [sflag:s16], $0x1400  }
0x1f9: {  	[sflag:s16] =	ssyncset.done @!p2 $0x0  }
0x1fa: {  	s21 =	simm.s32 $0xA00;
	[sflag:s16] =	ssyncadd.s32 @!p2 $0xFFFFEC00  }
0x1fb: {  	[tilespmem:s21], [sflag:$0x7] =	stream.indirect.gather [hbm4b:s1+s30], $0x80, s10, s30, $0xb8;
	[tilespmem:$0x1E280] =	vst v63  }
0x1fc: {  	s11 =	simm.s32 $0x1E00  }
0x1fd: {  	[tilespmem:s11], [sflag:$0x8] =	stream.indirect.gather [hbm4b:s1+s30], $0x80, s30, s30, $0xb8;
	[tilespmem:$0x1E280] =	vst v63  }
0x1fe: {  	s7 =	simm.s32 $0x3200;
	s4 =	simm.s32 $0x50  }
0x1ff: {  	[tilespmem:s7], [sflag:$0x9] =	stream.indirect.gather [hbm4b:s1+s30], $0x80, s4, s30, $0xb8;
	[tilespmem:$0x1E280] =	vst v63  }
0x200: {  	s13 =	simm.s32 $0x4600;
	s5 =	simm.s32 $0x78  }
0x201: {  	[tilespmem:s13], [sflag:$0xA] =	stream.indirect.gather [hbm4b:s1+s30], $0x80, s5, s30, $0xb8;
	[tilespmem:$0x1E280] =	vst v63  }
0x202: {  	s1 =	simm.s32 $0x7  }
0x203: {  	_ =	swait.ge [sflag:s1], $0x1400  }
0x204: {  	[sflag:s1] =	ssyncset.done $0x0  }
0x205: {  	s12 =	simm.s32 $0x200;
	s26 =	simm.s32 $0x8;
	[sflag:s1] =	ssyncadd.s32 $0xFFFFEC00  }
0x206: {  	[spmem:s0] =	stream.indirect.scatter.add.f32 [tilespmem:s21], [sflag:$0xF], $0x80, s12, s30, $0xb8;
	[tilespmem:$0x1E280] =	vst v63  }
0x207: {  	_ =	swait.ge [sflag:s26], $0x1400  }
0x208: {  	[sflag:s26] =	ssyncset.done $0x0  }
0x209: {  	s25 =	simm.s32 $0x9;
	s16 =	simm.s32 $0x280;
	[sflag:s26] =	ssyncadd.s32 $0xFFFFEC00  }
0x20a: {  	[spmem:s0] =	stream.indirect.scatter.add.f32 [tilespmem:s11], [sflag:$0x10], $0x80, s16, s30, $0xb8;
	[tilespmem:$0x1E280] =	vst v63  }
0x20b: {  	_ =	swait.ge [sflag:s25], $0x1400  }
0x20c: {  	[sflag:s25] =	ssyncset.done $0x0  }
0x20d: {  	s29 =	simm.s32 $0xA;
	s17 =	simm.s32 $0x300;
	[sflag:s25] =	ssyncadd.s32 $0xFFFFEC00  }
0x20e: {  	[spmem:s0] =	stream.indirect.scatter.add.f32 [tilespmem:s7], [sflag:$0x11], $0x80, s17, s30, $0xb8;
	[tilespmem:$0x1E280] =	vst v63  }
0x20f: {  	_ =	swait.ge [sflag:s29], $0x1400  }
0x210: {  	[sflag:s29] =	ssyncset.done $0x0  }
0x211: {  	s22 =	simm.s32 $0x380;
	s18 =	rddreg [dreg:$0xe];
	[sflag:s29] =	ssyncadd.s32 $0xFFFFEC00  }
0x212: {  	[spmem:s0] =	stream.indirect.scatter.add.f32 [tilespmem:s13], [sflag:$0x12], $0x80, s22, s30, $0xb8;
	[tilespmem:$0x1E280] =	vst v63  }
0x213: {  	s19 =	rddreg [dreg:$0xd];
	s16 =	sadd.s32 s20, s18  }
0x214: {  	[tilespmem:s10], [sflag:$0x1] =	stream.linear.gather [hbm4b:s16+s10], $0xA0, $0x38;
	[tilespmem:$0x1E280] =	vst v63  }
0x215: {  	s24 =	rddreg [dreg:$0x11];
	s25 =	sadd.s32 s20, s19;
	s0 =	simm.s32 $0x600  }
0x216: {  	[tilespmem:s0], [sflag:$0x5] =	stream.linear.gather [hbm4b:s25+s10], $0x28, $0x38;
	[tilespmem:$0x1E280] =	vst v63  }
0x217: {  	s2 =	rddreg [dreg:$0x10];
	s4 =	sadd.s32 s20, s24;
	s24 =	simm.s32 $0x680  }
0x218: {  	[tilespmem:s24], [sflag:$0x5] =	stream.linear.gather [hbm4b:s4+s10], $0x28, $0x38;
	[tilespmem:$0x1E280] =	vst v63  }
0x219: {  	s17 =	simm.s32 $0x700;
	s5 =	rddreg [dreg:$0xf];
	s12 =	sadd.s32 s20, s2  }
0x21a: {  	[tilespmem:s17], [sflag:$0x5] =	stream.linear.gather [hbm4b:s12+s10], $0x28, $0x38;
	[tilespmem:$0x1E280] =	vst v63  }
0x21b: {  	s18 =	sadd.s32 s20, s5;
	s19 =	simm.s32 $0x780;
	s12 =	simm.s32 $0x2  }
0x21c: {  	[tilespmem:s19], [sflag:$0x5] =	stream.linear.gather [hbm4b:s18+s10], $0x28, $0x38;
	[tilespmem:$0x1E280] =	vst v63  }
0x21d: {  	_ =	swait.ge [sflag:s12], $0xA0  }
0x21e: {  	[sflag:s12] =	ssyncset.done $0x0  }
0x21f: {  	s22 =	simm.s32 $0x4;
	[sflag:s12] =	ssyncadd.s32 $0xFFFFFF60  }
0x220: {  	_ =	swait.ge [sflag:s22], $0x28  }
0x221: {  	[sflag:s22] =	ssyncset.done $0x0  }
0x222: {  	[sflag:s22] =	ssyncadd.s32 $0xFFFFFFD8  }
0x223: {  	_ =	swait.ge [sflag:s22], $0x28  }
0x224: {  	[sflag:s22] =	ssyncset.done $0x0  }
0x225: {  	[sflag:s22] =	ssyncadd.s32 $0xFFFFFFD8  }
0x226: {  	_ =	swait.ge [sflag:s22], $0x28  }
0x227: {  	[sflag:s22] =	ssyncset.done $0x0  }
0x228: {  	[sflag:s22] =	ssyncadd.s32 $0xFFFFFFD8  }
0x229: {  	_ =	swait.ge [sflag:s22], $0x28  }
0x22a: {  	[sflag:s22] =	ssyncset.done $0x0  }
0x22b: {  	s16 =	simm.s32 @!p2 $0x13;
	[sflag:s22] =	ssyncadd.s32 $0xFFFFFFD8  }
0x22c: {  	_ =	swait.ge @!p2 [sflag:s16], $0x1400  }
0x22d: {  	[sflag:s16] =	ssyncset.done @!p2 $0x0  }
0x22e: {  	[sflag:s16] =	ssyncadd.s32 @!p2 $0xFFFFEC00;
	s16 =	simm.s32 @!p2 $0x14  }
0x22f: {  	_ =	swait.ge @!p2 [sflag:s16], $0x1400  }
0x230: {  	[sflag:s16] =	ssyncset.done @!p2 $0x0  }
0x231: {  	[sflag:s16] =	ssyncadd.s32 @!p2 $0xFFFFEC00;
	s16 =	simm.s32 @!p2 $0x15  }
0x232: {  	_ =	swait.ge @!p2 [sflag:s16], $0x1400  }
0x233: {  	[sflag:s16] =	ssyncset.done @!p2 $0x0  }
0x234: {  	[sflag:s16] =	ssyncadd.s32 @!p2 $0xFFFFEC00;
	s16 =	simm.s32 @!p2 $0x16  }
0x235: {  	_ =	swait.ge @!p2 [sflag:s16], $0x1400  }
0x236: {  	[sflag:s16] =	ssyncset.done @!p2 $0x0  }
0x237: {  	s5 =	simm.s32 $0x100;
	s17 =	simm.s32 $0x5A00;
	[sflag:s16] =	ssyncadd.s32 @!p2 $0xFFFFEC00  }
0x238: {  	[tilespmem:s17], [sflag:$0xB] =	stream.indirect.gather [hbm4b:s3+s30], $0x80, s5, s30, $0xb8;
	[tilespmem:$0x1E280] =	vst v63  }
0x239: {  	s23 =	simm.s32 $0x128;
	s22 =	simm.s32 $0x6E00  }
0x23a: {  	[tilespmem:s22], [sflag:$0xC] =	stream.indirect.gather [hbm4b:s3+s30], $0x80, s23, s30, $0xb8;
	[tilespmem:$0x1E280] =	vst v63  }
0x23b: {  	s2 =	simm.s32 $0x8200;
	s4 =	simm.s32 $0x150  }
0x23c: {  	[tilespmem:s2], [sflag:$0xD] =	stream.indirect.gather [hbm4b:s3+s30], $0x80, s4, s30, $0xb8;
	[tilespmem:$0x1E280] =	vst v63  }
0x23d: {  	s31 =	simm.s32 $0x178;
	s25 =	simm.s32 $0x9600;
	s19 =	simm.s32 $0xB  }
0x23e: {  	[tilespmem:s25], [sflag:$0xE] =	stream.indirect.gather [hbm4b:s3+s30], $0x80, s31, s30, $0xb8;
	[tilespmem:$0x1E280] =	vst v63  }
0x23f: {  	_ =	swait.ge [sflag:s19], $0x1400  }
0x240: {  	[sflag:s19] =	ssyncset.done $0x0  }
0x241: {  	[sflag:s19] =	ssyncadd.s32 $0xFFFFEC00  }
0x242: {  	s25 =	simm.s32 $0xC;
	s18 =	rddreg [dreg:$0x3]  }
0x243: {  	[spmem:s18] =	stream.indirect.scatter.add.f32 [tilespmem:s17], [sflag:$0x13], $0x80, s9, s30, $0xb8;
	[tilespmem:$0x1E280] =	vst v63  }
0x244: {  	_ =	swait.ge [sflag:s25], $0x1400  }
0x245: {  	[sflag:s25] =	ssyncset.done $0x0  }
0x246: {  	[sflag:s25] =	ssyncadd.s32 $0xFFFFEC00  }
0x247: {  	s9 =	simm.s32 $0xD;
	s23 =	rddreg [dreg:$0x3]  }
0x248: {  	[spmem:s23] =	stream.indirect.scatter.add.f32 [tilespmem:s22], [sflag:$0x14], $0x80, s28, s30, $0xb8;
	[tilespmem:$0x1E280] =	vst v63  }
0x249: {  	_ =	swait.ge [sflag:s9], $0x1400  }
0x24a: {  	[sflag:s9] =	ssyncset.done $0x0  }
0x24b: {  	[sflag:s9] =	ssyncadd.s32 $0xFFFFEC00  }
0x24c: {  	s28 =	simm.s32 $0xE;
	s31 =	rddreg [dreg:$0x3]  }
0x24d: {  	[spmem:s31] =	stream.indirect.scatter.add.f32 [tilespmem:s2], [sflag:$0x15], $0x80, s8, s30, $0xb8;
	[tilespmem:$0x1E280] =	vst v63  }
0x24e: {  	_ =	swait.ge [sflag:s28], $0x1400  }
0x24f: {  	[sflag:s28] =	ssyncset.done $0x0  }
0x250: {  	s16 =	rddreg [dreg:$0x9];
	[sflag:s28] =	ssyncadd.s32 $0xFFFFEC00  }
0x251: {  	s31 =	simm.s32 $0x9600;
	s8 =	rddreg [dreg:$0x3]  }
0x252: {  	[spmem:s8] =	stream.indirect.scatter.add.f32 [tilespmem:s31], [sflag:$0x16], $0x80, s6, s30, $0xb8;
	[tilespmem:$0x1E280] =	vst v63  }
0x253: {  	s23 =	rddreg [dreg:$0x8];
	s16 =	sadd.s32 s20, s16  }
0x254: {  	[tilespmem:s5], [sflag:$0x2] =	stream.linear.gather [hbm4b:s16+s10], $0xA0, $0x38;
	[tilespmem:$0x1E280] =	vst v63  }
0x255: {  	s6 =	simm.s32 $0x800;
	s8 =	rddreg [dreg:$0xc];
	s5 =	sadd.s32 s20, s23  }
0x256: {  	[tilespmem:s6], [sflag:$0x6] =	stream.linear.gather [hbm4b:s5+s10], $0x28, $0x38;
	[tilespmem:$0x1E280] =	vst v63  }
0x257: {  	s23 =	rddreg [dreg:$0xb];
	s6 =	sadd.s32 s20, s8;
	s5 =	simm.s32 $0x880  }
0x258: {  	[tilespmem:s5], [sflag:$0x6] =	stream.linear.gather [hbm4b:s6+s10], $0x28, $0x38;
	[tilespmem:$0x1E280] =	vst v63  }
0x259: {  	s23 =	sadd.s32 s20, s23;
	s8 =	rddreg [dreg:$0xa];
	s6 =	simm.s32 $0x900  }
0x25a: {  	[tilespmem:s6], [sflag:$0x6] =	stream.linear.gather [hbm4b:s23+s10], $0x28, $0x38;
	[tilespmem:$0x1E280] =	vst v63  }
0x25b: {  	s18 =	simm.s32 $0x1;
	s8 =	sadd.s32 s20, s8;
	s23 =	simm.s32 $0x980  }
0x25c: {  	[tilespmem:s23], [sflag:$0x6] =	stream.linear.gather [hbm4b:s8+s10], $0x28, $0x38;
	[tilespmem:$0x1E280] =	vst v63  }
0x25d: {  	_ =	swait.ge [sflag:s18], $0xA0  }
0x25e: {  	[sflag:s18] =	ssyncset.done $0x0  }
0x25f: {  	s31 =	simm.s32 $0x5;
	[sflag:s18] =	ssyncadd.s32 $0xFFFFFF60  }
0x260: {  	_ =	swait.ge [sflag:s31], $0x28  }
0x261: {  	[sflag:s31] =	ssyncset.done $0x0  }
0x262: {  	[sflag:s31] =	ssyncadd.s32 $0xFFFFFFD8  }
0x263: {  	_ =	swait.ge [sflag:s31], $0x28  }
0x264: {  	[sflag:s31] =	ssyncset.done $0x0  }
0x265: {  	[sflag:s31] =	ssyncadd.s32 $0xFFFFFFD8  }
0x266: {  	_ =	swait.ge [sflag:s31], $0x28  }
0x267: {  	[sflag:s31] =	ssyncset.done $0x0  }
0x268: {  	[sflag:s31] =	ssyncadd.s32 $0xFFFFFFD8  }
0x269: {  	_ =	swait.ge [sflag:s31], $0x28  }
0x26a: {  	[sflag:s31] =	ssyncset.done $0x0  }
0x26b: {  	s16 =	simm.s32 $0xF;
	[sflag:s31] =	ssyncadd.s32 $0xFFFFFFD8  }
0x26c: {  	_ =	swait.ge [sflag:s16], $0x1400  }
0x26d: {  	[sflag:s16] =	ssyncset.done $0x0  }
0x26e: {  	s18 =	simm.s32 $0x10;
	[sflag:s16] =	ssyncadd.s32 $0xFFFFEC00  }
0x26f: {  	_ =	swait.ge [sflag:s18], $0x1400  }
0x270: {  	[sflag:s18] =	ssyncset.done $0x0  }
0x271: {  	s23 =	simm.s32 $0x11;
	[sflag:s18] =	ssyncadd.s32 $0xFFFFEC00  }
0x272: {  	_ =	swait.ge [sflag:s23], $0x1400  }
0x273: {  	[sflag:s23] =	ssyncset.done $0x0  }
0x274: {  	s31 =	simm.s32 $0x12;
	[sflag:s23] =	ssyncadd.s32 $0xFFFFEC00  }
0x275: {  	_ =	swait.ge [sflag:s31], $0x1400  }
0x276: {  	[sflag:s31] =	ssyncset.done $0x0  }
0x277: {  	[sflag:s31] =	ssyncadd.s32 $0xFFFFEC00  }
0x278: {  	[tilespmem:s21], [sflag:$0x7] =	stream.indirect.gather [hbm4b:s3+s30], $0x80, s10, s30, $0xb8;
	[tilespmem:$0x1E280] =	vst v63  }
0x279: {  	_ = 	snop  }
0x27a: {  	[tilespmem:s11], [sflag:$0x8] =	stream.indirect.gather [hbm4b:s3+s30], $0x80, s30, s30, $0xb8;
	[tilespmem:$0x1E280] =	vst v63  }
0x27b: {  	s16 =	simm.s32 $0x50  }
0x27c: {  	[tilespmem:s7], [sflag:$0x9] =	stream.indirect.gather [hbm4b:s3+s30], $0x80, s16, s30, $0xb8;
	[tilespmem:$0x1E280] =	vst v63  }
0x27d: {  	s18 =	simm.s32 $0x78  }
0x27e: {  	[tilespmem:s13], [sflag:$0xA] =	stream.indirect.gather [hbm4b:s3+s30], $0x80, s18, s30, $0xb8;
	[tilespmem:$0x1E280] =	vst v63  }
0x27f: {  	_ =	swait.ge [sflag:s1], $0x1400  }
0x280: {  	[sflag:s1] =	ssyncset.done $0x0  }
0x281: {  	[sflag:s1] =	ssyncadd.s32 $0xFFFFEC00  }
0x282: {  	s1 =	rddreg [dreg:$0x3]  }
0x283: {  	[spmem:s1] =	stream.indirect.scatter.add.f32 [tilespmem:s21], [sflag:$0xF], $0x80, s0, s30, $0xb8;
	[tilespmem:$0x1E280] =	vst v63  }
0x284: {  	_ =	swait.ge [sflag:s26], $0x1400  }
0x285: {  	[sflag:s26] =	ssyncset.done $0x0  }
0x286: {  	[sflag:s26] =	ssyncadd.s32 $0xFFFFEC00  }
0x287: {  	s4 =	simm.s32 $0x9;
	s21 =	rddreg [dreg:$0x3]  }
0x288: {  	[spmem:s21] =	stream.indirect.scatter.add.f32 [tilespmem:s11], [sflag:$0x10], $0x80, s24, s30, $0xb8;
	[tilespmem:$0x1E280] =	vst v63  }
0x289: {  	s0 =	rddreg [dreg:$0x3];
	_ =	swait.ge [sflag:s4], $0x1400  }
0x28a: {  	[sflag:s4] =	ssyncset.done $0x0  }
0x28b: {  	s23 =	simm.s32 $0x700;
	[sflag:s4] =	ssyncadd.s32 $0xFFFFEC00  }
0x28c: {  	[spmem:s0] =	stream.indirect.scatter.add.f32 [tilespmem:s7], [sflag:$0x11], $0x80, s23, s30, $0xb8;
	[tilespmem:$0x1E280] =	vst v63  }
0x28d: {  	_ =	swait.ge [sflag:s29], $0x1400  }
0x28e: {  	s26 =	simm.s32 $0x780;
	[sflag:s29] =	ssyncset.done $0x0  }
0x28f: {  	s24 =	sshrl.u32 s14, $0x3;
	s31 =	rddreg [dreg:$0x17];
	[sflag:s29] =	ssyncadd.s32 $0xFFFFEC00  }
0x290: {  	[spmem:s0] =	stream.indirect.scatter.add.f32 [tilespmem:s13], [sflag:$0x12], $0x80, s26, s30, $0xb8;
	[tilespmem:$0x1E280] =	vst v63  }
0x291: {  	s1 =	sadd.s32 s31, s24;
	s7 =	rddreg [dreg:$0x1]  }
0x292: {  	[tilespmem:s10], [sflag:$0x1] =	stream.linear.gather [hbm4b:s1+s10], $0xA0, $0x38;
	[tilespmem:$0x1E280] =	vst v63  }
0x293: {  	s11 =	simm.s32 $0x200;
	s4 =	rddreg [dreg:$0x7];
	s16 =	sadd.s32 s7, s24  }
0x294: {  	[tilespmem:s11], [sflag:$0x3] =	stream.linear.gather [hbm4b:s16+s10], $0x28, $0x38;
	[tilespmem:$0x1E280] =	vst v63  }
0x295: {  	s21 =	simm.s32 $0x280;
	s8 =	rddreg [dreg:$0x6];
	s13 =	sadd.s32 s20, s4  }
0x296: {  	[tilespmem:s21], [sflag:$0x3] =	stream.linear.gather [hbm4b:s13+s10], $0x28, $0x38;
	[tilespmem:$0x1E280] =	vst v63  }
0x297: {  	s18 =	rddreg [dreg:$0x5];
	s26 =	simm.s32 $0x300;
	s24 =	sadd.s32 s20, s8  }
0x298: {  	[tilespmem:s26], [sflag:$0x3] =	stream.linear.gather [hbm4b:s24+s10], $0x28, $0x38;
	[tilespmem:$0x1E280] =	vst v63  }
0x299: {  	s31 =	sadd.s32 s20, s18;
	s8 =	simm.s32 $0x380  }
0x29a: {  	[tilespmem:s8], [sflag:$0x3] =	stream.linear.gather [hbm4b:s31+s10], $0x28, $0x38;
	[tilespmem:$0x1E280] =	vst v63  }
0x29b: {  	s7 =	rddreg [dreg:$0x18];
	_ =	swait.ge [sflag:s12], $0xA0  }
0x29c: {  	[sflag:s12] =	ssyncset.done $0x0  }
0x29d: {  	s29 =	simm.s32 $0x6;
	[sflag:s12] =	ssyncadd.s32 $0xFFFFFF60  }
0x29e: {  	_ =	swait.ge [sflag:s29], $0x28  }
0x29f: {  	[sflag:s29] =	ssyncset.done $0x0  }
0x2a0: {  	[sflag:s29] =	ssyncadd.s32 $0xFFFFFFD8  }
0x2a1: {  	_ =	swait.ge [sflag:s29], $0x28  }
0x2a2: {  	[sflag:s29] =	ssyncset.done $0x0  }
0x2a3: {  	[sflag:s29] =	ssyncadd.s32 $0xFFFFFFD8  }
0x2a4: {  	_ =	swait.ge [sflag:s29], $0x28  }
0x2a5: {  	[sflag:s29] =	ssyncset.done $0x0  }
0x2a6: {  	[sflag:s29] =	ssyncadd.s32 $0xFFFFFFD8  }
0x2a7: {  	_ =	swait.ge [sflag:s29], $0x28  }
0x2a8: {  	[sflag:s29] =	ssyncset.done $0x0  }
0x2a9: {  	s11 =	simm.s32 $0x13;
	[sflag:s29] =	ssyncadd.s32 $0xFFFFFFD8  }
0x2aa: {  	_ =	swait.ge [sflag:s11], $0x1400  }
0x2ab: {  	[sflag:s11] =	ssyncset.done $0x0  }
0x2ac: {  	s12 =	simm.s32 $0x14;
	[sflag:s11] =	ssyncadd.s32 $0xFFFFEC00  }
0x2ad: {  	_ =	swait.ge [sflag:s12], $0x1400  }
0x2ae: {  	[sflag:s12] =	ssyncset.done $0x0  }
0x2af: {  	s13 =	simm.s32 $0x15;
	[sflag:s12] =	ssyncadd.s32 $0xFFFFEC00  }
0x2b0: {  	_ =	swait.ge [sflag:s13], $0x1400  }
0x2b1: {  	[sflag:s13] =	ssyncset.done $0x0  }
0x2b2: {  	s16 =	simm.s32 $0x16;
	[sflag:s13] =	ssyncadd.s32 $0xFFFFEC00  }
0x2b3: {  	_ =	swait.ge [sflag:s16], $0x1400  }
0x2b4: {  	[sflag:s16] =	ssyncset.done $0x0  }
0x2b5: {  	s18 =	simm.s32 $0x100;
	[sflag:s16] =	ssyncadd.s32 $0xFFFFEC00  }
0x2b6: {  	[tilespmem:s17], [sflag:$0xB] =	stream.indirect.gather [hbm4b:s3+s30], $0x80, s18, s30, $0xb8;
	[tilespmem:$0x1E280] =	vst v63  }
0x2b7: {  	s21 =	simm.s32 $0x128  }
0x2b8: {  	[tilespmem:s22], [sflag:$0xC] =	stream.indirect.gather [hbm4b:s3+s30], $0x80, s21, s30, $0xb8;
	[tilespmem:$0x1E280] =	vst v63  }
0x2b9: {  	s23 =	simm.s32 $0x150  }
0x2ba: {  	[tilespmem:s2], [sflag:$0xD] =	stream.indirect.gather [hbm4b:s3+s30], $0x80, s23, s30, $0xb8;
	[tilespmem:$0x1E280] =	vst v63  }
0x2bb: {  	s24 =	simm.s32 $0x9600;
	s26 =	simm.s32 $0x178  }
0x2bc: {  	[tilespmem:s24], [sflag:$0xE] =	stream.indirect.gather [hbm4b:s3+s30], $0x80, s26, s30, $0xb8;
	[tilespmem:$0x1E280] =	vst v63  }
0x2bd: {  	_ =	swait.ge [sflag:s19], $0x1400  }
0x2be: {  	[sflag:s19] =	ssyncset.done $0x0  }
0x2bf: {  	s31 =	simm.s32 $0x800;
	[sflag:s19] =	ssyncadd.s32 $0xFFFFEC00  }
0x2c0: {  	[spmem:s0] =	stream.indirect.scatter.add.f32 [tilespmem:s17], [sflag:$0x13], $0x80, s31, s30, $0xb8;
	[tilespmem:$0x1E280] =	vst v63  }
0x2c1: {  	_ =	swait.ge [sflag:s25], $0x1400  }
0x2c2: {  	[sflag:s25] =	ssyncset.done $0x0  }
0x2c3: {  	[sflag:s25] =	ssyncadd.s32 $0xFFFFEC00  }
0x2c4: {  	[spmem:s0] =	stream.indirect.scatter.add.f32 [tilespmem:s22], [sflag:$0x14], $0x80, s5, s30, $0xb8;
	[tilespmem:$0x1E280] =	vst v63  }
0x2c5: {  	s15 =	sadd.s32 $0x50, s15;
	_ =	swait.ge [sflag:s9], $0x1400  }
0x2c6: {  	p1 =	sne.s32 s15, $0x4B0;
	[sflag:s9] =	ssyncset.done $0x0  }
.Ltmp1:
0x2c7: {  	[sflag:s9] =	ssyncadd.s32 $0xFFFFEC00;
	(pc) =	sbr.rel @p1 .LBB2_4-.Ltmp1, $4  }
0x2c8: {  	[spmem:s0] =	stream.indirect.scatter.add.f32 [tilespmem:s2], [sflag:$0x15], $0x80, s6, s30, $0xb8;
	[tilespmem:$0x1E280] =	vst v63  }
0x2c9: {  	s14 =	sadd.s32 $0x280, s14;
	_ =	swait.ge [sflag:s28], $0x1400  }
0x2ca: {  	s1 =	smov.u32 s3;
	s23 =	rddreg [dreg:$0x13];
	[sflag:s28] =	ssyncset.done $0x0  }
0x2cb: {  	s20 =	smov.u32 s7;
	s16 =	rddreg [dreg:$0x12];
	[sflag:s28] =	ssyncadd.s32 $0xFFFFEC00  }
0x2cc: {  	s2 =	simm.s32 $0x980  }
0x2cd: {  	[spmem:s0] =	stream.indirect.scatter.add.f32 [tilespmem:s24], [sflag:$0x16], $0x80, s2, s30, $0xb8;
	[tilespmem:$0x1E280] =	vst v63  }
0x2ce: {  	s15 =	sadd.s32 s20, s23;
	s11 =	simm.s32 $0x100  }
0x2cf: {  	[tilespmem:s11], [sflag:$0x2] =	stream.linear.gather [hbm4b:s15+s10], $0xA0, $0x38;
	[tilespmem:$0x1E280] =	vst v63  }
0x2d0: {  	s12 =	rddreg [dreg:$0x16];
	s16 =	sadd.s32 s20, s16;
	s13 =	simm.s32 $0x400  }
0x2d1: {  	[tilespmem:s13], [sflag:$0x4] =	stream.linear.gather [hbm4b:s16+s10], $0x28, $0x38;
	[tilespmem:$0x1E280] =	vst v63  }
0x2d2: {  	s17 =	rddreg [dreg:$0x15];
	s18 =	simm.s32 $0x480;
	s15 =	sadd.s32 s20, s12  }
0x2d3: {  	[tilespmem:s18], [sflag:$0x4] =	stream.linear.gather [hbm4b:s15+s10], $0x28, $0x38;
	[tilespmem:$0x1E280] =	vst v63  }
0x2d4: {  	s19 =	rddreg [dreg:$0x14];
	s21 =	simm.s32 $0x500;
	s16 =	sadd.s32 s20, s17  }
0x2d5: {  	[tilespmem:s21], [sflag:$0x4] =	stream.linear.gather [hbm4b:s16+s10], $0x28, $0x38;
	[tilespmem:$0x1E280] =	vst v63  }
0x2d6: {  	s22 =	simm.s32 $0x580;
	s31 =	simm.s32 $0x1;
	s15 =	sadd.s32 s20, s19  }
0x2d7: {  	[tilespmem:s22], [sflag:$0x4] =	stream.linear.gather [hbm4b:s15+s10], $0x28, $0x38;
	[tilespmem:$0x1E280] =	vst v63  }
0x2d8: {  	_ =	swait.ge [sflag:s31], $0xA0  }
0x2d9: {  	[sflag:s31] =	ssyncset.done $0x0  }
0x2da: {  	s6 =	simm.s32 $0x3;
	[sflag:s31] =	ssyncadd.s32 $0xFFFFFF60  }
0x2db: {  	_ =	swait.ge [sflag:s6], $0x28  }
0x2dc: {  	[sflag:s6] =	ssyncset.done $0x0  }
0x2dd: {  	[sflag:s6] =	ssyncadd.s32 $0xFFFFFFD8  }
0x2de: {  	_ =	swait.ge [sflag:s6], $0x28  }
0x2df: {  	[sflag:s6] =	ssyncset.done $0x0  }
0x2e0: {  	[sflag:s6] =	ssyncadd.s32 $0xFFFFFFD8  }
0x2e1: {  	_ =	swait.ge [sflag:s6], $0x28  }
0x2e2: {  	[sflag:s6] =	ssyncset.done $0x0  }
0x2e3: {  	[sflag:s6] =	ssyncadd.s32 $0xFFFFFFD8  }
0x2e4: {  	_ =	swait.ge [sflag:s6], $0x28  }
0x2e5: {  	p1 =	seq.s32 s20, $0x0;
	[sflag:s6] =	ssyncset.done $0x0  }
0x2e6: {  	s15 =	simm.s32 @!p1 $0xF;
	[sflag:s6] =	ssyncadd.s32 $0xFFFFFFD8  }
0x2e7: {  	_ =	swait.ge @!p1 [sflag:s15], $0x1400  }
0x2e8: {  	[sflag:s15] =	ssyncset.done @!p1 $0x0  }
0x2e9: {  	[sflag:s15] =	ssyncadd.s32 @!p1 $0xFFFFEC00;
	s15 =	simm.s32 @!p1 $0x10  }
0x2ea: {  	_ =	swait.ge @!p1 [sflag:s15], $0x1400  }
0x2eb: {  	[sflag:s15] =	ssyncset.done @!p1 $0x0  }
0x2ec: {  	[sflag:s15] =	ssyncadd.s32 @!p1 $0xFFFFEC00;
	s15 =	simm.s32 @!p1 $0x11  }
0x2ed: {  	_ =	swait.ge @!p1 [sflag:s15], $0x1400  }
0x2ee: {  	[sflag:s15] =	ssyncset.done @!p1 $0x0  }
0x2ef: {  	[sflag:s15] =	ssyncadd.s32 @!p1 $0xFFFFEC00;
	s15 =	simm.s32 @!p1 $0x12  }
0x2f0: {  	_ =	swait.ge @!p1 [sflag:s15], $0x1400  }
0x2f1: {  	[sflag:s15] =	ssyncset.done @!p1 $0x0  }
0x2f2: {  	s7 =	simm.s32 $0xA00;
	[sflag:s15] =	ssyncadd.s32 @!p1 $0xFFFFEC00  }
0x2f3: {  	[tilespmem:s7], [sflag:$0x7] =	stream.indirect.gather [hbm4b:s1+s30], $0x80, s10, s30, $0xb8;
	[tilespmem:$0x1E280] =	vst v63  }
0x2f4: {  	s23 =	simm.s32 $0x1E00  }
0x2f5: {  	[tilespmem:s23], [sflag:$0x8] =	stream.indirect.gather [hbm4b:s1+s30], $0x80, s30, s30, $0xb8;
	[tilespmem:$0x1E280] =	vst v63  }
0x2f6: {  	s8 =	simm.s32 $0x3200;
	s12 =	simm.s32 $0x50  }
0x2f7: {  	[tilespmem:s8], [sflag:$0x9] =	stream.indirect.gather [hbm4b:s1+s30], $0x80, s12, s30, $0xb8;
	[tilespmem:$0x1E280] =	vst v63  }
0x2f8: {  	s26 =	simm.s32 $0x7;
	s13 =	simm.s32 $0x78;
	s15 =	simm.s32 $0x4600  }
0x2f9: {  	[tilespmem:s15], [sflag:$0xA] =	stream.indirect.gather [hbm4b:s1+s30], $0x80, s13, s30, $0xb8;
	[tilespmem:$0x1E280] =	vst v63  }
0x2fa: {  	_ =	swait.ge [sflag:s26], $0x1400  }
0x2fb: {  	[sflag:s26] =	ssyncset.done $0x0  }
0x2fc: {  	s28 =	simm.s32 $0x8;
	s17 =	simm.s32 $0x200;
	[sflag:s26] =	ssyncadd.s32 $0xFFFFEC00  }
0x2fd: {  	[spmem:s0] =	stream.indirect.scatter.add.f32 [tilespmem:s7], [sflag:$0xF], $0x80, s17, s30, $0xb8;
	[tilespmem:$0x1E280] =	vst v63  }
0x2fe: {  	_ =	swait.ge [sflag:s28], $0x1400  }
0x2ff: {  	s25 =	simm.s32 $0x1E00;
	[sflag:s28] =	ssyncset.done $0x0  }
0x300: {  	s18 =	simm.s32 $0x280;
	s23 =	simm.s32 $0x9;
	[sflag:s28] =	ssyncadd.s32 $0xFFFFEC00  }
0x301: {  	[spmem:s0] =	stream.indirect.scatter.add.f32 [tilespmem:s25], [sflag:$0x10], $0x80, s18, s30, $0xb8;
	[tilespmem:$0x1E280] =	vst v63  }
0x302: {  	_ =	swait.ge [sflag:s23], $0x1400  }
0x303: {  	s9 =	simm.s32 $0x3200;
	[sflag:s23] =	ssyncset.done $0x0  }
0x304: {  	s19 =	simm.s32 $0x300;
	s25 =	simm.s32 $0xA;
	[sflag:s23] =	ssyncadd.s32 $0xFFFFEC00  }
0x305: {  	[spmem:s0] =	stream.indirect.scatter.add.f32 [tilespmem:s9], [sflag:$0x11], $0x80, s19, s30, $0xb8;
	[tilespmem:$0x1E280] =	vst v63  }
0x306: {  	_ =	swait.ge [sflag:s25], $0x1400  }
0x307: {  	s16 =	simm.s32 $0x4600;
	[sflag:s25] =	ssyncset.done $0x0  }
0x308: {  	s22 =	simm.s32 $0x380;
	s21 =	rddreg [dreg:$0xe];
	[sflag:s25] =	ssyncadd.s32 $0xFFFFEC00  }
0x309: {  	[spmem:s0] =	stream.indirect.scatter.add.f32 [tilespmem:s16], [sflag:$0x12], $0x80, s22, s30, $0xb8;
	[tilespmem:$0x1E280] =	vst v63  }
0x30a: {  	s2 =	rddreg [dreg:$0xd];
	s15 =	sadd.s32 s20, s21  }
0x30b: {  	[tilespmem:s10], [sflag:$0x1] =	stream.linear.gather [hbm4b:s15+s10], $0xA0, $0x38;
	[tilespmem:$0x1E280] =	vst v63  }
0x30c: {  	s8 =	simm.s32 $0x600;
	s7 =	rddreg [dreg:$0x11];
	s16 =	sadd.s32 s20, s2  }
0x30d: {  	[tilespmem:s8], [sflag:$0x5] =	stream.linear.gather [hbm4b:s16+s10], $0x28, $0x38;
	[tilespmem:$0x1E280] =	vst v63  }
0x30e: {  	s13 =	simm.s32 $0x680;
	s12 =	rddreg [dreg:$0x10];
	s15 =	sadd.s32 s20, s7  }
0x30f: {  	[tilespmem:s13], [sflag:$0x5] =	stream.linear.gather [hbm4b:s15+s10], $0x28, $0x38;
	[tilespmem:$0x1E280] =	vst v63  }
0x310: {  	s18 =	simm.s32 $0x700;
	s17 =	rddreg [dreg:$0xf];
	s16 =	sadd.s32 s20, s12  }
0x311: {  	[tilespmem:s18], [sflag:$0x5] =	stream.linear.gather [hbm4b:s16+s10], $0x28, $0x38;
	[tilespmem:$0x1E280] =	vst v63  }
0x312: {  	s19 =	simm.s32 $0x780;
	s22 =	simm.s32 $0x2;
	s15 =	sadd.s32 s20, s17  }
0x313: {  	[tilespmem:s19], [sflag:$0x5] =	stream.linear.gather [hbm4b:s15+s10], $0x28, $0x38;
	[tilespmem:$0x1E280] =	vst v63  }
0x314: {  	_ =	swait.ge [sflag:s22], $0xA0  }
0x315: {  	[sflag:s22] =	ssyncset.done $0x0  }
0x316: {  	s9 =	smov.u32 s0;
	s0 =	simm.s32 $0x4;
	[sflag:s22] =	ssyncadd.s32 $0xFFFFFF60  }
0x317: {  	_ =	swait.ge [sflag:s0], $0x28  }
0x318: {  	[sflag:s0] =	ssyncset.done $0x0  }
0x319: {  	[sflag:s0] =	ssyncadd.s32 $0xFFFFFFD8  }
0x31a: {  	_ =	swait.ge [sflag:s0], $0x28  }
0x31b: {  	[sflag:s0] =	ssyncset.done $0x0  }
0x31c: {  	[sflag:s0] =	ssyncadd.s32 $0xFFFFFFD8  }
0x31d: {  	_ =	swait.ge [sflag:s0], $0x28  }
0x31e: {  	[sflag:s0] =	ssyncset.done $0x0  }
0x31f: {  	[sflag:s0] =	ssyncadd.s32 $0xFFFFFFD8  }
0x320: {  	_ =	swait.ge [sflag:s0], $0x28  }
0x321: {  	[sflag:s0] =	ssyncset.done $0x0  }
0x322: {  	s15 =	simm.s32 @!p1 $0x13;
	[sflag:s0] =	ssyncadd.s32 $0xFFFFFFD8  }
0x323: {  	_ =	swait.ge @!p1 [sflag:s15], $0x1400  }
0x324: {  	[sflag:s15] =	ssyncset.done @!p1 $0x0  }
0x325: {  	[sflag:s15] =	ssyncadd.s32 @!p1 $0xFFFFEC00;
	s15 =	simm.s32 @!p1 $0x14  }
0x326: {  	_ =	swait.ge @!p1 [sflag:s15], $0x1400  }
0x327: {  	[sflag:s15] =	ssyncset.done @!p1 $0x0  }
0x328: {  	[sflag:s15] =	ssyncadd.s32 @!p1 $0xFFFFEC00;
	s15 =	simm.s32 @!p1 $0x15  }
0x329: {  	_ =	swait.ge @!p1 [sflag:s15], $0x1400  }
0x32a: {  	[sflag:s15] =	ssyncset.done @!p1 $0x0  }
0x32b: {  	[sflag:s15] =	ssyncadd.s32 @!p1 $0xFFFFEC00;
	s15 =	simm.s32 @!p1 $0x16  }
0x32c: {  	_ =	swait.ge @!p1 [sflag:s15], $0x1400  }
0x32d: {  	[sflag:s15] =	ssyncset.done @!p1 $0x0  }
0x32e: {  	s4 =	simm.s32 $0x100;
	s21 =	simm.s32 $0x5A00;
	[sflag:s15] =	ssyncadd.s32 @!p1 $0xFFFFEC00  }
0x32f: {  	[tilespmem:s21], [sflag:$0xB] =	stream.indirect.gather [hbm4b:s3+s30], $0x80, s4, s30, $0xb8;
	[tilespmem:$0x1E280] =	vst v63  }
0x330: {  	s1 =	simm.s32 $0x6E00;
	s7 =	simm.s32 $0x128  }
0x331: {  	[tilespmem:s1], [sflag:$0xC] =	stream.indirect.gather [hbm4b:s3+s30], $0x80, s7, s30, $0xb8;
	[tilespmem:$0x1E280] =	vst v63  }
0x332: {  	s13 =	simm.s32 $0x8200;
	s15 =	simm.s32 $0x150  }
0x333: {  	[tilespmem:s13], [sflag:$0xD] =	stream.indirect.gather [hbm4b:s3+s30], $0x80, s15, s30, $0xb8;
	[tilespmem:$0x1E280] =	vst v63  }
0x334: {  	s19 =	simm.s32 $0x178  }
0x335: {  	[tilespmem:s24], [sflag:$0xE] =	stream.indirect.gather [hbm4b:s3+s30], $0x80, s19, s30, $0xb8;
	[tilespmem:$0x1E280] =	vst v63  }
0x336: {  	s19 =	simm.s32 $0xB  }
0x337: {  	_ =	swait.ge [sflag:s19], $0x1400  }
0x338: {  	[sflag:s19] =	ssyncset.done $0x0  }
0x339: {  	s11 =	simm.s32 $0x400;
	s17 =	simm.s32 $0xC;
	[sflag:s19] =	ssyncadd.s32 $0xFFFFEC00  }
0x33a: {  	[spmem:s9] =	stream.indirect.scatter.add.f32 [tilespmem:s21], [sflag:$0x13], $0x80, s11, s30, $0xb8;
	[tilespmem:$0x1E280] =	vst v63  }
0x33b: {  	_ =	swait.ge [sflag:s17], $0x1400  }
0x33c: {  	s5 =	simm.s32 $0x480;
	[sflag:s17] =	ssyncset.done $0x0  }
0x33d: {  	s12 =	simm.s32 $0x6E00;
	s18 =	simm.s32 $0xD;
	[sflag:s17] =	ssyncadd.s32 $0xFFFFEC00  }
0x33e: {  	[spmem:s9] =	stream.indirect.scatter.add.f32 [tilespmem:s12], [sflag:$0x14], $0x80, s5, s30, $0xb8;
	[tilespmem:$0x1E280] =	vst v63  }
0x33f: {  	_ =	swait.ge [sflag:s18], $0x1400  }
0x340: {  	[sflag:s18] =	ssyncset.done $0x0  }
0x341: {  	s16 =	simm.s32 $0x8200;
	s21 =	simm.s32 $0x500;
	[sflag:s18] =	ssyncadd.s32 $0xFFFFEC00  }
0x342: {  	[spmem:s9] =	stream.indirect.scatter.add.f32 [tilespmem:s16], [sflag:$0x15], $0x80, s21, s30, $0xb8;
	[tilespmem:$0x1E280] =	vst v63  }
0x343: {  	s21 =	simm.s32 $0xE  }
0x344: {  	_ =	swait.ge [sflag:s21], $0x1400  }
0x345: {  	[sflag:s21] =	ssyncset.done $0x0  }
0x346: {  	s7 =	simm.s32 $0x580;
	s5 =	rddreg [dreg:$0x9];
	[sflag:s21] =	ssyncadd.s32 $0xFFFFEC00  }
0x347: {  	[spmem:s9] =	stream.indirect.scatter.add.f32 [tilespmem:s24], [sflag:$0x16], $0x80, s7, s30, $0xb8;
	[tilespmem:$0x1E280] =	vst v63  }
0x348: {  	s8 =	rddreg [dreg:$0x8];
	s15 =	sadd.s32 s20, s5  }
0x349: {  	[tilespmem:s4], [sflag:$0x2] =	stream.linear.gather [hbm4b:s15+s10], $0xA0, $0x38;
	[tilespmem:$0x1E280] =	vst v63  }
0x34a: {  	s12 =	simm.s32 $0x800;
	s11 =	rddreg [dreg:$0xc];
	s16 =	sadd.s32 s20, s8  }
0x34b: {  	[tilespmem:s12], [sflag:$0x6] =	stream.linear.gather [hbm4b:s16+s10], $0x28, $0x38;
	[tilespmem:$0x1E280] =	vst v63  }
0x34c: {  	s2 =	simm.s32 $0x880;
	s13 =	rddreg [dreg:$0xb];
	s15 =	sadd.s32 s20, s11  }
0x34d: {  	[tilespmem:s2], [sflag:$0x6] =	stream.linear.gather [hbm4b:s15+s10], $0x28, $0x38;
	[tilespmem:$0x1E280] =	vst v63  }
0x34e: {  	s5 =	simm.s32 $0x900;
	s4 =	rddreg [dreg:$0xa];
	s16 =	sadd.s32 s20, s13  }
0x34f: {  	[tilespmem:s5], [sflag:$0x6] =	stream.linear.gather [hbm4b:s16+s10], $0x28, $0x38;
	[tilespmem:$0x1E280] =	vst v63  }
0x350: {  	s7 =	simm.s32 $0x980;
	s15 =	sadd.s32 s20, s4  }
0x351: {  	[tilespmem:s7], [sflag:$0x6] =	stream.linear.gather [hbm4b:s15+s10], $0x28, $0x38;
	[tilespmem:$0x1E280] =	vst v63  }
0x352: {  	_ =	swait.ge [sflag:s31], $0xA0  }
0x353: {  	[sflag:s31] =	ssyncset.done $0x0  }
0x354: {  	s5 =	simm.s32 $0x5;
	[sflag:s31] =	ssyncadd.s32 $0xFFFFFF60  }
0x355: {  	_ =	swait.ge [sflag:s5], $0x28  }
0x356: {  	[sflag:s5] =	ssyncset.done $0x0  }
0x357: {  	[sflag:s5] =	ssyncadd.s32 $0xFFFFFFD8  }
0x358: {  	_ =	swait.ge [sflag:s5], $0x28  }
0x359: {  	[sflag:s5] =	ssyncset.done $0x0  }
0x35a: {  	[sflag:s5] =	ssyncadd.s32 $0xFFFFFFD8  }
0x35b: {  	_ =	swait.ge [sflag:s5], $0x28  }
0x35c: {  	[sflag:s5] =	ssyncset.done $0x0  }
0x35d: {  	[sflag:s5] =	ssyncadd.s32 $0xFFFFFFD8  }
0x35e: {  	_ =	swait.ge [sflag:s5], $0x28  }
0x35f: {  	[sflag:s5] =	ssyncset.done $0x0  }
0x360: {  	s16 =	simm.s32 $0xF;
	[sflag:s5] =	ssyncadd.s32 $0xFFFFFFD8  }
0x361: {  	_ =	swait.ge [sflag:s16], $0x1400  }
0x362: {  	[sflag:s16] =	ssyncset.done $0x0  }
0x363: {  	s11 =	simm.s32 $0x10;
	[sflag:s16] =	ssyncadd.s32 $0xFFFFEC00  }
0x364: {  	_ =	swait.ge [sflag:s11], $0x1400  }
0x365: {  	[sflag:s11] =	ssyncset.done $0x0  }
0x366: {  	s12 =	simm.s32 $0x11;
	[sflag:s11] =	ssyncadd.s32 $0xFFFFEC00  }
0x367: {  	_ =	swait.ge [sflag:s12], $0x1400  }
0x368: {  	[sflag:s12] =	ssyncset.done $0x0  }
0x369: {  	s13 =	simm.s32 $0x12;
	[sflag:s12] =	ssyncadd.s32 $0xFFFFEC00  }
0x36a: {  	_ =	swait.ge [sflag:s13], $0x1400  }
0x36b: {  	[sflag:s13] =	ssyncset.done $0x0  }
0x36c: {  	s1 =	simm.s32 $0xA00;
	[sflag:s13] =	ssyncadd.s32 $0xFFFFEC00  }
0x36d: {  	[tilespmem:s1], [sflag:$0x7] =	stream.indirect.gather [hbm4b:s3+s30], $0x80, s10, s30, $0xb8;
	[tilespmem:$0x1E280] =	vst v63  }
0x36e: {  	s15 =	simm.s32 $0x1E00  }
0x36f: {  	[tilespmem:s15], [sflag:$0x8] =	stream.indirect.gather [hbm4b:s3+s30], $0x80, s30, s30, $0xb8;
	[tilespmem:$0x1E280] =	vst v63  }
0x370: {  	s8 =	simm.s32 $0x50;
	s4 =	simm.s32 $0x3200  }
0x371: {  	[tilespmem:s4], [sflag:$0x9] =	stream.indirect.gather [hbm4b:s3+s30], $0x80, s8, s30, $0xb8;
	[tilespmem:$0x1E280] =	vst v63  }
0x372: {  	s2 =	simm.s32 $0x78;
	s7 =	simm.s32 $0x4600  }
0x373: {  	[tilespmem:s7], [sflag:$0xA] =	stream.indirect.gather [hbm4b:s3+s30], $0x80, s2, s30, $0xb8;
	[tilespmem:$0x1E280] =	vst v63  }
0x374: {  	_ =	swait.ge [sflag:s26], $0x1400  }
0x375: {  	[sflag:s26] =	ssyncset.done $0x0  }
0x376: {  	s8 =	simm.s32 $0x600;
	[sflag:s26] =	ssyncadd.s32 $0xFFFFEC00  }
0x377: {  	[spmem:s9] =	stream.indirect.scatter.add.f32 [tilespmem:s1], [sflag:$0xF], $0x80, s8, s30, $0xb8;
	[tilespmem:$0x1E280] =	vst v63  }
0x378: {  	_ =	swait.ge [sflag:s28], $0x1400  }
0x379: {  	[sflag:s28] =	ssyncset.done $0x0  }
0x37a: {  	s8 =	simm.s32 $0x680;
	[sflag:s28] =	ssyncadd.s32 $0xFFFFEC00  }
0x37b: {  	[spmem:s9] =	stream.indirect.scatter.add.f32 [tilespmem:s15], [sflag:$0x10], $0x80, s8, s30, $0xb8;
	[tilespmem:$0x1E280] =	vst v63  }
0x37c: {  	_ =	swait.ge [sflag:s23], $0x1400  }
0x37d: {  	[sflag:s23] =	ssyncset.done $0x0  }
0x37e: {  	s2 =	simm.s32 $0x700;
	[sflag:s23] =	ssyncadd.s32 $0xFFFFEC00  }
0x37f: {  	[spmem:s9] =	stream.indirect.scatter.add.f32 [tilespmem:s4], [sflag:$0x11], $0x80, s2, s30, $0xb8;
	[tilespmem:$0x1E280] =	vst v63  }
0x380: {  	_ =	swait.ge [sflag:s25], $0x1400  }
0x381: {  	s14 =	sshrl.u32 s14, $0x3;
	[sflag:s25] =	ssyncset.done $0x0  }
0x382: {  	s8 =	simm.s32 $0x780;
	s15 =	rddreg [dreg:$0x17];
	[sflag:s25] =	ssyncadd.s32 $0xFFFFEC00  }
0x383: {  	[spmem:s9] =	stream.indirect.scatter.add.f32 [tilespmem:s7], [sflag:$0x12], $0x80, s8, s30, $0xb8;
	[tilespmem:$0x1E280] =	vst v63  }
0x384: {  	s1 =	sadd.s32 s15, s14;
	s4 =	rddreg [dreg:$0x1]  }
0x385: {  	[tilespmem:s10], [sflag:$0x1] =	stream.linear.gather [hbm4b:s1+s10], $0xA0, $0x38;
	[tilespmem:$0x1E280] =	vst v63  }
0x386: {  	s2 =	rddreg [dreg:$0x7];
	s8 =	simm.s32 $0x200;
	s14 =	sadd.s32 s4, s14  }
0x387: {  	[tilespmem:s8], [sflag:$0x3] =	stream.linear.gather [hbm4b:s14+s10], $0x28, $0x38;
	[tilespmem:$0x1E280] =	vst v63  }
0x388: {  	s15 =	sadd.s32 s20, s2;
	s2 =	simm.s32 $0x280;
	s1 =	rddreg [dreg:$0x6]  }
0x389: {  	[tilespmem:s2], [sflag:$0x3] =	stream.linear.gather [hbm4b:s15+s10], $0x28, $0x38;
	[tilespmem:$0x1E280] =	vst v63  }
0x38a: {  	s4 =	rddreg [dreg:$0x5];
	s14 =	sadd.s32 s20, s1;
	s8 =	simm.s32 $0x300  }
0x38b: {  	[tilespmem:s8], [sflag:$0x3] =	stream.linear.gather [hbm4b:s14+s10], $0x28, $0x38;
	[tilespmem:$0x1E280] =	vst v63  }
0x38c: {  	s15 =	sadd.s32 s20, s4;
	s20 =	simm.s32 $0x380  }
0x38d: {  	[tilespmem:s20], [sflag:$0x3] =	stream.linear.gather [hbm4b:s15+s10], $0x28, $0x38;
	[tilespmem:$0x1E280] =	vst v63  }
0x38e: {  	_ =	swait.ge [sflag:s22], $0xA0  }
0x38f: {  	[sflag:s22] =	ssyncset.done $0x0  }
0x390: {  	[sflag:s22] =	ssyncadd.s32 $0xFFFFFF60  }
0x391: {  	_ =	swait.ge [sflag:s29], $0x28  }
0x392: {  	[sflag:s29] =	ssyncset.done $0x0  }
0x393: {  	[sflag:s29] =	ssyncadd.s32 $0xFFFFFFD8  }
0x394: {  	_ =	swait.ge [sflag:s29], $0x28  }
0x395: {  	[sflag:s29] =	ssyncset.done $0x0  }
0x396: {  	[sflag:s29] =	ssyncadd.s32 $0xFFFFFFD8  }
0x397: {  	_ =	swait.ge [sflag:s29], $0x28  }
0x398: {  	[sflag:s29] =	ssyncset.done $0x0  }
0x399: {  	[sflag:s29] =	ssyncadd.s32 $0xFFFFFFD8  }
0x39a: {  	_ =	swait.ge [sflag:s29], $0x28  }
0x39b: {  	[sflag:s29] =	ssyncset.done $0x0  }
0x39c: {  	s15 =	simm.s32 $0x13;
	[sflag:s29] =	ssyncadd.s32 $0xFFFFFFD8  }
0x39d: {  	_ =	swait.ge [sflag:s15], $0x1400  }
0x39e: {  	[sflag:s15] =	ssyncset.done $0x0  }
0x39f: {  	s20 =	simm.s32 $0x14;
	[sflag:s15] =	ssyncadd.s32 $0xFFFFEC00  }
0x3a0: {  	_ =	swait.ge [sflag:s20], $0x1400  }
0x3a1: {  	[sflag:s20] =	ssyncset.done $0x0  }
0x3a2: {  	s29 =	simm.s32 $0x15;
	[sflag:s20] =	ssyncadd.s32 $0xFFFFEC00  }
0x3a3: {  	_ =	swait.ge [sflag:s29], $0x1400  }
0x3a4: {  	[sflag:s29] =	ssyncset.done $0x0  }
0x3a5: {  	s7 =	simm.s32 $0x16;
	[sflag:s29] =	ssyncadd.s32 $0xFFFFEC00  }
0x3a6: {  	_ =	swait.ge [sflag:s7], $0x1400  }
0x3a7: {  	[sflag:s7] =	ssyncset.done $0x0  }
0x3a8: {  	s2 =	simm.s32 $0x5A00;
	s8 =	simm.s32 $0x100;
	[sflag:s7] =	ssyncadd.s32 $0xFFFFEC00  }
0x3a9: {  	[tilespmem:s2], [sflag:$0xB] =	stream.indirect.gather [hbm4b:s3+s30], $0x80, s8, s30, $0xb8;
	[tilespmem:$0x1E280] =	vst v63  }
0x3aa: {  	s1 =	simm.s32 $0x128;
	s4 =	simm.s32 $0x6E00  }
0x3ab: {  	[tilespmem:s4], [sflag:$0xC] =	stream.indirect.gather [hbm4b:s3+s30], $0x80, s1, s30, $0xb8;
	[tilespmem:$0x1E280] =	vst v63  }
0x3ac: {  	s14 =	simm.s32 $0x150;
	s1 =	simm.s32 $0x8200  }
0x3ad: {  	[tilespmem:s1], [sflag:$0xD] =	stream.indirect.gather [hbm4b:s3+s30], $0x80, s14, s30, $0xb8;
	[tilespmem:$0x1E280] =	vst v63  }
0x3ae: {  	s14 =	simm.s32 $0x178  }
0x3af: {  	[tilespmem:s24], [sflag:$0xE] =	stream.indirect.gather [hbm4b:s3+s30], $0x80, s14, s30, $0xb8;
	[tilespmem:$0x1E280] =	vst v63  }
0x3b0: {  	_ =	swait.ge [sflag:s19], $0x1400  }
0x3b1: {  	[sflag:s19] =	ssyncset.done $0x0  }
0x3b2: {  	s14 =	simm.s32 $0x800;
	[sflag:s19] =	ssyncadd.s32 $0xFFFFEC00  }
0x3b3: {  	[spmem:s9] =	stream.indirect.scatter.add.f32 [tilespmem:s2], [sflag:$0x13], $0x80, s14, s30, $0xb8;
	[tilespmem:$0x1E280] =	vst v63  }
0x3b4: {  	_ =	swait.ge [sflag:s17], $0x1400  }
0x3b5: {  	[sflag:s17] =	ssyncset.done $0x0  }
0x3b6: {  	s14 =	simm.s32 $0x880;
	[sflag:s17] =	ssyncadd.s32 $0xFFFFEC00  }
0x3b7: {  	[spmem:s9] =	stream.indirect.scatter.add.f32 [tilespmem:s4], [sflag:$0x14], $0x80, s14, s30, $0xb8;
	[tilespmem:$0x1E280] =	vst v63  }
0x3b8: {  	_ =	swait.ge [sflag:s18], $0x1400  }
0x3b9: {  	[sflag:s18] =	ssyncset.done $0x0  }
0x3ba: {  	s14 =	simm.s32 $0x900;
	[sflag:s18] =	ssyncadd.s32 $0xFFFFEC00  }
0x3bb: {  	[spmem:s9] =	stream.indirect.scatter.add.f32 [tilespmem:s1], [sflag:$0x15], $0x80, s14, s30, $0xb8;
	[tilespmem:$0x1E280] =	vst v63  }
0x3bc: {  	_ =	swait.ge [sflag:s21], $0x1400  }
0x3bd: {  	[sflag:s21] =	ssyncset.done $0x0  }
0x3be: {  	s14 =	simm.s32 $0x980;
	s2 =	sld [smem:$0x7EE];
	[sflag:s21] =	ssyncadd.s32 $0xFFFFEC00  }
0x3bf: {  	[spmem:s9] =	stream.indirect.scatter.add.f32 [tilespmem:s24], [sflag:$0x16], $0x80, s14, s30, $0xb8;
	[tilespmem:$0x1E280] =	vst v63  }
0x3c0: {  	s1 =	sld [smem:$0x7EF]  }
0x3c1: {  	[tilespmem:s8], [sflag:$0x2] =	stream.linear.gather [hbm4b:s2+s10], $0xA0, $0x38;
	[tilespmem:$0x1E280] =	vst v63  }
0x3c2: {  	s2 =	simm.s32 $0x400  }
0x3c3: {  	[tilespmem:s2], [sflag:$0x4] =	stream.linear.gather [hbm4b:s1+s10], $0x28, $0x38;
	[tilespmem:$0x1E280] =	vst v63  }
0x3c4: {  	s1 =	sld [smem:$0x7F0];
	_ =	sdelay $0x1  }
0x3c5: {  	s8 =	sld [smem:$0x7FB];
	s2 =	simm.s32 $0x480  }
0x3c6: {  	[tilespmem:s2], [sflag:$0x4] =	stream.linear.gather [hbm4b:s1+s10], $0x28, $0x38;
	[tilespmem:$0x1E280] =	vst v63  }
0x3c7: {  	s1 =	simm.s32 $0x500;
	s2 =	sld [smem:$0x7F1]  }
0x3c8: {  	[tilespmem:s1], [sflag:$0x4] =	stream.linear.gather [hbm4b:s8+s10], $0x28, $0x38;
	[tilespmem:$0x1E280] =	vst v63  }
0x3c9: {  	s8 =	simm.s32 $0x580  }
0x3ca: {  	[tilespmem:s8], [sflag:$0x4] =	stream.linear.gather [hbm4b:s2+s10], $0x28, $0x38;
	[tilespmem:$0x1E280] =	vst v63  }
0x3cb: {  	_ =	swait.ge [sflag:s31], $0xA0  }
0x3cc: {  	[sflag:s31] =	ssyncset.done $0x0  }
0x3cd: {  	[sflag:s31] =	ssyncadd.s32 $0xFFFFFF60  }
0x3ce: {  	_ =	swait.ge [sflag:s6], $0x28  }
0x3cf: {  	[sflag:s6] =	ssyncset.done $0x0  }
0x3d0: {  	[sflag:s6] =	ssyncadd.s32 $0xFFFFFFD8  }
0x3d1: {  	_ =	swait.ge [sflag:s6], $0x28  }
0x3d2: {  	[sflag:s6] =	ssyncset.done $0x0  }
0x3d3: {  	[sflag:s6] =	ssyncadd.s32 $0xFFFFFFD8  }
0x3d4: {  	_ =	swait.ge [sflag:s6], $0x28  }
0x3d5: {  	[sflag:s6] =	ssyncset.done $0x0  }
0x3d6: {  	[sflag:s6] =	ssyncadd.s32 $0xFFFFFFD8  }
0x3d7: {  	_ =	swait.ge [sflag:s6], $0x28  }
0x3d8: {  	[sflag:s6] =	ssyncset.done $0x0  }
0x3d9: {  	[sflag:s6] =	ssyncadd.s32 $0xFFFFFFD8  }
0x3da: {  	_ =	swait.ge [sflag:s16], $0x1400  }
0x3db: {  	[sflag:s16] =	ssyncset.done $0x0  }
0x3dc: {  	[sflag:s16] =	ssyncadd.s32 $0xFFFFEC00  }
0x3dd: {  	_ =	swait.ge [sflag:s11], $0x1400  }
0x3de: {  	[sflag:s11] =	ssyncset.done $0x0  }
0x3df: {  	[sflag:s11] =	ssyncadd.s32 $0xFFFFEC00  }
0x3e0: {  	_ =	swait.ge [sflag:s12], $0x1400  }
0x3e1: {  	[sflag:s12] =	ssyncset.done $0x0  }
0x3e2: {  	[sflag:s12] =	ssyncadd.s32 $0xFFFFEC00  }
0x3e3: {  	_ =	swait.ge [sflag:s13], $0x1400  }
0x3e4: {  	[sflag:s13] =	ssyncset.done $0x0  }
0x3e5: {  	s6 =	simm.s32 $0xA00;
	[sflag:s13] =	ssyncadd.s32 $0xFFFFEC00  }
0x3e6: {  	[tilespmem:s6], [sflag:$0x7] =	stream.indirect.gather [hbm4b:s3+s30], $0x80, s10, s30, $0xb8;
	[tilespmem:$0x1E280] =	vst v63  }
0x3e7: {  	s2 =	simm.s32 $0x1E00  }
0x3e8: {  	[tilespmem:s2], [sflag:$0x8] =	stream.indirect.gather [hbm4b:s3+s30], $0x80, s30, s30, $0xb8;
	[tilespmem:$0x1E280] =	vst v63  }
0x3e9: {  	s14 =	simm.s32 $0x50;
	s8 =	simm.s32 $0x3200  }
0x3ea: {  	[tilespmem:s8], [sflag:$0x9] =	stream.indirect.gather [hbm4b:s3+s30], $0x80, s14, s30, $0xb8;
	[tilespmem:$0x1E280] =	vst v63  }
0x3eb: {  	s1 =	simm.s32 $0x4600;
	s14 =	simm.s32 $0x78  }
0x3ec: {  	[tilespmem:s1], [sflag:$0xA] =	stream.indirect.gather [hbm4b:s3+s30], $0x80, s14, s30, $0xb8;
	[tilespmem:$0x1E280] =	vst v63  }
0x3ed: {  	_ =	swait.ge [sflag:s26], $0x1400  }
0x3ee: {  	[sflag:s26] =	ssyncset.done $0x0  }
0x3ef: {  	s14 =	simm.s32 $0x200;
	[sflag:s26] =	ssyncadd.s32 $0xFFFFEC00  }
0x3f0: {  	[spmem:s9] =	stream.indirect.scatter.add.f32 [tilespmem:s6], [sflag:$0xF], $0x80, s14, s30, $0xb8;
	[tilespmem:$0x1E280] =	vst v63  }
0x3f1: {  	_ =	swait.ge [sflag:s28], $0x1400  }
0x3f2: {  	[sflag:s28] =	ssyncset.done $0x0  }
0x3f3: {  	s14 =	simm.s32 $0x280;
	[sflag:s28] =	ssyncadd.s32 $0xFFFFEC00  }
0x3f4: {  	[spmem:s9] =	stream.indirect.scatter.add.f32 [tilespmem:s2], [sflag:$0x10], $0x80, s14, s30, $0xb8;
	[tilespmem:$0x1E280] =	vst v63  }
0x3f5: {  	_ =	swait.ge [sflag:s23], $0x1400  }
0x3f6: {  	[sflag:s23] =	ssyncset.done $0x0  }
0x3f7: {  	s2 =	simm.s32 $0x300;
	[sflag:s23] =	ssyncadd.s32 $0xFFFFEC00  }
0x3f8: {  	[spmem:s9] =	stream.indirect.scatter.add.f32 [tilespmem:s8], [sflag:$0x11], $0x80, s2, s30, $0xb8;
	[tilespmem:$0x1E280] =	vst v63  }
0x3f9: {  	_ =	swait.ge [sflag:s25], $0x1400  }
0x3fa: {  	[sflag:s25] =	ssyncset.done $0x0  }
0x3fb: {  	s23 =	simm.s32 $0x380;
	[sflag:s25] =	ssyncadd.s32 $0xFFFFEC00;
	s25 =	sld [smem:$0x7F3]  }
0x3fc: {  	[spmem:s9] =	stream.indirect.scatter.add.f32 [tilespmem:s1], [sflag:$0x12], $0x80, s23, s30, $0xb8;
	[tilespmem:$0x1E280] =	vst v63  }
0x3fd: {  	s1 =	sld [smem:$0x7F4]  }
0x3fe: {  	[tilespmem:s10], [sflag:$0x1] =	stream.linear.gather [hbm4b:s25+s10], $0x50, $0x38;
	[tilespmem:$0x1E280] =	vst v63  }
0x3ff: {  	s8 =	simm.s32 $0x600;
	s23 =	sld [smem:$0x7F5]  }
0x400: {  	[tilespmem:s8], [sflag:$0x5] =	stream.linear.gather [hbm4b:s1+s10], $0x28, $0x38;
	[tilespmem:$0x1E280] =	vst v63  }
0x401: {  	s1 =	simm.s32 $0x680  }
0x402: {  	[tilespmem:s1], [sflag:$0x5] =	stream.linear.gather [hbm4b:s23+s10], $0x28, $0x38;
	[tilespmem:$0x1E280] =	vst v63  }
0x403: {  	_ =	swait.ge [sflag:s22], $0xA0  }
0x404: {  	[sflag:s22] =	ssyncset.done $0x0  }
0x405: {  	[sflag:s22] =	ssyncadd.s32 $0xFFFFFF60  }
0x406: {  	_ =	swait.ge [sflag:s0], $0x28  }
0x407: {  	[sflag:s0] =	ssyncset.done $0x0  }
0x408: {  	[sflag:s0] =	ssyncadd.s32 $0xFFFFFFD8  }
0x409: {  	_ =	swait.ge [sflag:s0], $0x28  }
0x40a: {  	[sflag:s0] =	ssyncset.done $0x0  }
0x40b: {  	[sflag:s0] =	ssyncadd.s32 $0xFFFFFFD8  }
0x40c: {  	_ =	swait.ge [sflag:s0], $0x28  }
0x40d: {  	[sflag:s0] =	ssyncset.done $0x0  }
0x40e: {  	[sflag:s0] =	ssyncadd.s32 $0xFFFFFFD8  }
0x40f: {  	_ =	swait.ge [sflag:s0], $0x28  }
0x410: {  	[sflag:s0] =	ssyncset.done $0x0  }
0x411: {  	[sflag:s0] =	ssyncadd.s32 $0xFFFFFFD8  }
0x412: {  	_ =	swait.ge [sflag:s15], $0x1400  }
0x413: {  	[sflag:s15] =	ssyncset.done $0x0  }
0x414: {  	[sflag:s15] =	ssyncadd.s32 $0xFFFFEC00  }
0x415: {  	_ =	swait.ge [sflag:s20], $0x1400  }
0x416: {  	[sflag:s20] =	ssyncset.done $0x0  }
0x417: {  	[sflag:s20] =	ssyncadd.s32 $0xFFFFEC00  }
0x418: {  	_ =	swait.ge [sflag:s29], $0x1400  }
0x419: {  	[sflag:s29] =	ssyncset.done $0x0  }
0x41a: {  	[sflag:s29] =	ssyncadd.s32 $0xFFFFEC00  }
0x41b: {  	_ =	swait.ge [sflag:s7], $0x1400  }
0x41c: {  	[sflag:s7] =	ssyncset.done $0x0  }
0x41d: {  	s25 =	simm.s32 $0x100;
	s22 =	simm.s32 $0x5A00;
	[sflag:s7] =	ssyncadd.s32 $0xFFFFEC00  }
0x41e: {  	[tilespmem:s22], [sflag:$0xB] =	stream.indirect.gather [hbm4b:s3+s30], $0x80, s25, s30, $0xb8;
	[tilespmem:$0x1E280] =	vst v63  }
0x41f: {  	s4 =	simm.s32 $0x6E00;
	s14 =	simm.s32 $0x128  }
0x420: {  	[tilespmem:s4], [sflag:$0xC] =	stream.indirect.gather [hbm4b:s3+s30], $0x80, s14, s30, $0xb8;
	[tilespmem:$0x1E280] =	vst v63  }
0x421: {  	s23 =	simm.s32 $0x150;
	s14 =	simm.s32 $0x8200  }
0x422: {  	[tilespmem:s14], [sflag:$0xD] =	stream.indirect.gather [hbm4b:s3+s30], $0x80, s23, s30, $0xb8;
	[tilespmem:$0x1E280] =	vst v63  }
0x423: {  	s25 =	simm.s32 $0x178  }
0x424: {  	[tilespmem:s24], [sflag:$0xE] =	stream.indirect.gather [hbm4b:s3+s30], $0x80, s25, s30, $0xb8;
	[tilespmem:$0x1E280] =	vst v63  }
0x425: {  	_ =	swait.ge [sflag:s19], $0x1400  }
0x426: {  	[sflag:s19] =	ssyncset.done $0x0  }
0x427: {  	[sflag:s19] =	ssyncadd.s32 $0xFFFFEC00;
	s19 =	simm.s32 $0x400  }
0x428: {  	[spmem:s9] =	stream.indirect.scatter.add.f32 [tilespmem:s22], [sflag:$0x13], $0x80, s19, s30, $0xb8;
	[tilespmem:$0x1E280] =	vst v63  }
0x429: {  	_ =	swait.ge [sflag:s17], $0x1400  }
0x42a: {  	[sflag:s17] =	ssyncset.done $0x0  }
0x42b: {  	s23 =	simm.s32 $0x480;
	[sflag:s17] =	ssyncadd.s32 $0xFFFFEC00  }
0x42c: {  	[spmem:s9] =	stream.indirect.scatter.add.f32 [tilespmem:s4], [sflag:$0x14], $0x80, s23, s30, $0xb8;
	[tilespmem:$0x1E280] =	vst v63  }
0x42d: {  	_ =	swait.ge [sflag:s18], $0x1400  }
0x42e: {  	[sflag:s18] =	ssyncset.done $0x0  }
0x42f: {  	s25 =	simm.s32 $0x500;
	[sflag:s18] =	ssyncadd.s32 $0xFFFFEC00  }
0x430: {  	[spmem:s9] =	stream.indirect.scatter.add.f32 [tilespmem:s14], [sflag:$0x15], $0x80, s25, s30, $0xb8;
	[tilespmem:$0x1E280] =	vst v63  }
0x431: {  	_ =	swait.ge [sflag:s21], $0x1400  }
0x432: {  	[sflag:s21] =	ssyncset.done $0x0  }
0x433: {  	s4 =	simm.s32 $0x580;
	[sflag:s21] =	ssyncadd.s32 $0xFFFFEC00  }
0x434: {  	[spmem:s9] =	stream.indirect.scatter.add.f32 [tilespmem:s24], [sflag:$0x16], $0x80, s4, s30, $0xb8;
	[tilespmem:$0x1E280] =	vst v63  }
0x435: {  	_ =	swait.ge [sflag:s31], $0x50  }
0x436: {  	[sflag:s31] =	ssyncset.done $0x0  }
0x437: {  	[sflag:s31] =	ssyncadd.s32 $0xFFFFFFB0  }
0x438: {  	_ =	swait.ge [sflag:s5], $0x28  }
0x439: {  	[sflag:s5] =	ssyncset.done $0x0  }
0x43a: {  	[sflag:s5] =	ssyncadd.s32 $0xFFFFFFD8  }
0x43b: {  	_ =	swait.ge [sflag:s5], $0x28  }
0x43c: {  	[sflag:s5] =	ssyncset.done $0x0  }
0x43d: {  	[sflag:s5] =	ssyncadd.s32 $0xFFFFFFD8  }
0x43e: {  	_ =	swait.ge [sflag:s16], $0x1400  }
0x43f: {  	[sflag:s16] =	ssyncset.done $0x0  }
0x440: {  	[sflag:s16] =	ssyncadd.s32 $0xFFFFEC00  }
0x441: {  	_ =	swait.ge [sflag:s11], $0x1400  }
0x442: {  	[sflag:s11] =	ssyncset.done $0x0  }
0x443: {  	s6 =	simm.s32 $0xA00;
	[sflag:s11] =	ssyncadd.s32 $0xFFFFEC00  }
0x444: {  	[tilespmem:s6], [sflag:$0x7] =	stream.indirect.gather [hbm4b:s3+s30], $0x80, s10, s30, $0xb8;
	[tilespmem:$0x1E280] =	vst v63  }
0x445: {  	s14 =	simm.s32 $0x1E00  }
0x446: {  	[tilespmem:s14], [sflag:$0x8] =	stream.indirect.gather [hbm4b:s3+s30], $0x80, s30, s30, $0xb8;
	[tilespmem:$0x1E280] =	vst v63  }
0x447: {  	_ =	swait.ge [sflag:s26], $0x1400  }
0x448: {  	[sflag:s26] =	ssyncset.done $0x0  }
0x449: {  	[sflag:s26] =	ssyncadd.s32 $0xFFFFEC00  }
0x44a: {  	[spmem:s9] =	stream.indirect.scatter.add.f32 [tilespmem:s6], [sflag:$0xF], $0x80, s8, s30, $0xb8;
	[tilespmem:$0x1E280] =	vst v63  }
0x44b: {  	_ =	swait.ge [sflag:s28], $0x1400  }
0x44c: {  	[sflag:s28] =	ssyncset.done $0x0  }
0x44d: {  	[sflag:s28] =	ssyncadd.s32 $0xFFFFEC00  }
0x44e: {  	[spmem:s9] =	stream.indirect.scatter.add.f32 [tilespmem:s14], [sflag:$0x10], $0x80, s1, s30, $0xb8;
	[tilespmem:$0x1E280] =	vst v63  }
0x44f: {  	_ =	swait.ge [sflag:s16], $0x1400  }
0x450: {  	[sflag:s16] =	ssyncset.done $0x0  }
0x451: {  	[sflag:s16] =	ssyncadd.s32 $0xFFFFEC00  }
0x452: {  	_ =	swait.ge [sflag:s11], $0x1400  }
0x453: {  	[sflag:s11] =	ssyncset.done $0x0  }
0x454: {  	[sflag:s11] =	ssyncadd.s32 $0xFFFFEC00  }
0x455: {  	_ =	swait.ge [sflag:s12], $0x1400  }
0x456: {  	[sflag:s12] =	ssyncset.done $0x0  }
0x457: {  	[sflag:s12] =	ssyncadd.s32 $0xFFFFEC00  }
0x458: {  	_ =	swait.ge [sflag:s13], $0x1400  }
0x459: {  	[sflag:s13] =	ssyncset.done $0x0  }
0x45a: {  	[sflag:s13] =	ssyncadd.s32 $0xFFFFEC00  }
0x45b: {  	_ =	swait.ge [sflag:s15], $0x1400  }
0x45c: {  	[sflag:s15] =	ssyncset.done $0x0  }
0x45d: {  	[sflag:s15] =	ssyncadd.s32 $0xFFFFEC00  }
0x45e: {  	_ =	swait.ge [sflag:s20], $0x1400  }
0x45f: {  	[sflag:s20] =	ssyncset.done $0x0  }
0x460: {  	[sflag:s20] =	ssyncadd.s32 $0xFFFFEC00  }
0x461: {  	_ =	swait.ge [sflag:s29], $0x1400  }
0x462: {  	[sflag:s29] =	ssyncset.done $0x0  }
0x463: {  	[sflag:s29] =	ssyncadd.s32 $0xFFFFEC00  }
0x464: {  	_ =	swait.ge [sflag:s7], $0x1400  }
0x465: {  	[sflag:s7] =	ssyncset.done $0x0  }
0x466: {  	[sflag:s7] =	ssyncadd.s32 $0xFFFFEC00  }
0x467: {  	[bflag:$0x0] =	sbarrier.arrive $0xFFFF  }
0x468: {  	s20 =	sld [smem:$0x7FC]  }
0x469: {  	s16 =	stileid.u32  }
0x46a: {  	s14 =	sshll.u32 s16, $0x6  }
0x46b: {  	s14 =	sor.u32 $0x1C17, s14;
	s18 =	rddreg [dreg:$0x19];
	s17 =	sshrl.u32 s20, $0x3  }
0x46c: {  	[hbm:s18], [sflag:s14] =	dma.local [spmem:s17], $0x280  }
0x46d: {  	s18 =	simm.s32 $0x17  }
0x46e: {  	_ =	swait.ge [sflag:s18], $0x280  }
0x46f: {  	s31 =	sld [smem:$0x7FD];
	_ =	sdelay $0x1  }
0x470: {  	[sflag:s18] =	ssyncset.done $0x0  }
0x471: {  	s21 =	rddreg [dreg:$0x1a];
	[sflag:s18] =	ssyncadd.s32 $0xFFFFFD80;
	s19 =	sshrl.u32 s31, $0x3  }
0x472: {  	[hbm:s21], [sflag:s14] =	dma.local [spmem:s19], $0x280  }
0x473: {  	_ =	swait.ge [sflag:s18], $0x280  }
0x474: {  	s22 =	sld [smem:$0x7DA];
	_ =	sdelay $0x1  }
0x475: {  	[sflag:s18] =	ssyncset.done $0x0  }
0x476: {  	s23 =	rddreg [dreg:$0x1b];
	[sflag:s18] =	ssyncadd.s32 $0xFFFFFD80;
	s15 =	sshrl.u32 s22, $0x3  }
0x477: {  	[hbm:s23], [sflag:s14] =	dma.local [spmem:s15], $0x280  }
0x478: {  	_ =	swait.ge [sflag:s18], $0x280  }
0x479: {  	s24 =	sld [smem:$0x7DB];
	_ =	sdelay $0x1  }
0x47a: {  	[sflag:s18] =	ssyncset.done $0x0  }
0x47b: {  	s25 =	rddreg [dreg:$0x1c];
	[sflag:s18] =	ssyncadd.s32 $0xFFFFFD80;
	s15 =	sshrl.u32 s24, $0x3  }
0x47c: {  	[hbm:s25], [sflag:s14] =	dma.local [spmem:s15], $0x280  }
0x47d: {  	_ =	swait.ge [sflag:s18], $0x280  }
0x47e: {  	s26 =	sld [smem:$0x7DE];
	_ =	sdelay $0x1  }
0x47f: {  	[sflag:s18] =	ssyncset.done $0x0  }
0x480: {  	s28 =	rddreg [dreg:$0x1d];
	[sflag:s18] =	ssyncadd.s32 $0xFFFFFD80;
	s15 =	sshrl.u32 s26, $0x3  }
0x481: {  	[hbm:s28], [sflag:s14] =	dma.local [spmem:s15], $0x280  }
0x482: {  	_ =	swait.ge [sflag:s18], $0x280  }
0x483: {  	s29 =	sld [smem:$0x7DF];
	_ =	sdelay $0x1  }
0x484: {  	[sflag:s18] =	ssyncset.done $0x0  }
0x485: {  	s0 =	rddreg [dreg:$0x1e];
	[sflag:s18] =	ssyncadd.s32 $0xFFFFFD80;
	s15 =	sshrl.u32 s29, $0x3  }
0x486: {  	[hbm:s0], [sflag:s14] =	dma.local [spmem:s15], $0x280  }
0x487: {  	_ =	swait.ge [sflag:s18], $0x280  }
0x488: {  	s1 =	sld [smem:$0x7E2];
	_ =	sdelay $0x1  }
0x489: {  	[sflag:s18] =	ssyncset.done $0x0  }
0x48a: {  	s4 =	rddreg [dreg:$0x1f];
	[sflag:s18] =	ssyncadd.s32 $0xFFFFFD80;
	s15 =	sshrl.u32 s1, $0x3  }
0x48b: {  	[hbm:s4], [sflag:s14] =	dma.local [spmem:s15], $0x280  }
0x48c: {  	_ =	swait.ge [sflag:s18], $0x280  }
0x48d: {  	s5 =	sld [smem:$0x7E3]  }
0x48e: {  	s6 =	sld [smem:$0x7CA]  }
0x48f: {  	[sflag:s18] =	ssyncset.done $0x0  }
0x490: {  	[sflag:s18] =	ssyncadd.s32 $0xFFFFFD80;
	s15 =	sshrl.u32 s5, $0x3  }
0x491: {  	[hbm:s6], [sflag:s14] =	dma.local [spmem:s15], $0x280  }
0x492: {  	_ =	swait.ge [sflag:s18], $0x280  }
0x493: {  	s7 =	sld [smem:$0x7E6]  }
0x494: {  	s8 =	sld [smem:$0x7CB]  }
0x495: {  	[sflag:s18] =	ssyncset.done $0x0  }
0x496: {  	[sflag:s18] =	ssyncadd.s32 $0xFFFFFD80;
	s15 =	sshrl.u32 s7, $0x3  }
0x497: {  	[hbm:s8], [sflag:s14] =	dma.local [spmem:s15], $0x280  }
0x498: {  	_ =	swait.ge [sflag:s18], $0x280  }
0x499: {  	s9 =	sld [smem:$0x7E7]  }
0x49a: {  	s11 =	sld [smem:$0x7CC]  }
0x49b: {  	[sflag:s18] =	ssyncset.done $0x0  }
0x49c: {  	[sflag:s18] =	ssyncadd.s32 $0xFFFFFD80;
	s15 =	sshrl.u32 s9, $0x3  }
0x49d: {  	[hbm:s11], [sflag:s14] =	dma.local [spmem:s15], $0x280  }
0x49e: {  	_ =	swait.ge [sflag:s18], $0x280  }
0x49f: {  	s12 =	sld [smem:$0x7E8]  }
0x4a0: {  	s13 =	sld [smem:$0x7CD]  }
0x4a1: {  	[sflag:s18] =	ssyncset.done $0x0  }
0x4a2: {  	[sflag:s18] =	ssyncadd.s32 $0xFFFFFD80;
	s15 =	sshrl.u32 s12, $0x3  }
0x4a3: {  	[hbm:s13], [sflag:s14] =	dma.local [spmem:s15], $0x280  }
0x4a4: {  	_ =	swait.ge [sflag:s18], $0x280  }
0x4a5: {  	s17 =	sld [smem:$0x7E9]  }
0x4a6: {  	s19 =	sld [smem:$0x7CE]  }
0x4a7: {  	[sflag:s18] =	ssyncset.done $0x0  }
0x4a8: {  	[sflag:s18] =	ssyncadd.s32 $0xFFFFFD80;
	s15 =	sshrl.u32 s17, $0x3  }
0x4a9: {  	[hbm:s19], [sflag:s14] =	dma.local [spmem:s15], $0x280  }
0x4aa: {  	_ =	swait.ge [sflag:s18], $0x280  }
0x4ab: {  	s21 =	sld [smem:$0x7EA]  }
0x4ac: {  	s22 =	sld [smem:$0x7CF]  }
0x4ad: {  	[sflag:s18] =	ssyncset.done $0x0  }
0x4ae: {  	[sflag:s18] =	ssyncadd.s32 $0xFFFFFD80;
	s15 =	sshrl.u32 s21, $0x3  }
0x4af: {  	[hbm:s22], [sflag:s14] =	dma.local [spmem:s15], $0x280  }
0x4b0: {  	_ =	swait.ge [sflag:s18], $0x280  }
0x4b1: {  	s23 =	sld [smem:$0x7EB]  }
0x4b2: {  	s24 =	sld [smem:$0x7D0]  }
0x4b3: {  	[sflag:s18] =	ssyncset.done $0x0  }
0x4b4: {  	[sflag:s18] =	ssyncadd.s32 $0xFFFFFD80;
	s15 =	sshrl.u32 s23, $0x3  }
0x4b5: {  	[hbm:s24], [sflag:s14] =	dma.local [spmem:s15], $0x280  }
0x4b6: {  	_ =	swait.ge [sflag:s18], $0x280  }
0x4b7: {  	s25 =	sld [smem:$0x7EC]  }
0x4b8: {  	s26 =	sld [smem:$0x7D1]  }
0x4b9: {  	[sflag:s18] =	ssyncset.done $0x0  }
0x4ba: {  	[sflag:s18] =	ssyncadd.s32 $0xFFFFFD80;
	s15 =	sshrl.u32 s25, $0x3  }
0x4bb: {  	[hbm:s26], [sflag:s14] =	dma.local [spmem:s15], $0x280  }
0x4bc: {  	_ =	swait.ge [sflag:s18], $0x280  }
0x4bd: {  	s15 =	sld [smem:$0x7ED]  }
0x4be: {  	s16 =	sld [smem:$0x7D2]  }
0x4bf: {  	[sflag:s18] =	ssyncset.done $0x0  }
0x4c0: {  	[sflag:s18] =	ssyncadd.s32 $0xFFFFFD80;
	s15 =	sshrl.u32 @!p0 s15, $0x3  }
0x4c1: {  	[hbm:s16], [sflag:s14] =	dma.local @!p0 [spmem:s15], $0x280  }
0x4c2: {  	s14 =	simm.s32 @!p0 $0x17  }
0x4c3: {  	_ =	swait.ge @!p0 [sflag:s14], $0x280  }
0x4c4: {  	s28 =	sld [smem:$0x7C9]  }
0x4c5: {  	s29 =	sld [smem:$0x7F7];
	_ =	sdelay $0x1  }
0x4c6: {  	s1 =	sadd.s32 $0x1, s28  }
0x4c7: {  	p1 =	sne.s32 s1, s29  }
.Ltmp2:
0x4c8: {  	_ = 	snop;
	(pc) =	sbr.rel @p1 .LBB2_1-.Ltmp2, $3  }
0x4c9: {  	_ =	sdelay $0x1  }
0x4ca: {  	s2 =	simm.s32 $0x380;
	s0 =	simm.s32 $0x3;
	[sflag:s14] =	ssyncset.done @!p0 $0x0  }
0x4cb: {  	s15 =	simm.s32 $0x200;
	s16 =	simm.s32 $0x280;
	[sflag:s14] =	ssyncadd.s32 @!p0 $0xFFFFFD80  }
0x4cc: {  	_ =	sfence.sel $0x180000  }
0x4cd: {  	[bflag:$0x0] =	sbarrier.arrive $0xFFFF  }
0x4ce: {  	_ =	strace $0x90000047  }
0x4cf: {  	s0 =	stileid.u32;
	[bflag:$0x2] =	sbarrier.arrive $0xFFFF  }
0x4d0: {  	p0 =	sne.s32 s0, $0x0;
	s0 =	rddreg [dreg:$0x4]  }
0x4d1: {  	s0 =	sadd.s32 @!p0 $0x100000, s0  }
0x4d2: {  	[sflag:s0] =	ssyncadd.tile.s32 @!p0 $0x1;
	_ =	shalt  }
.Lfunc_end2:
_tile_overlayer_lowered:
.L_overlay_start_2:
0x4d3: {  	(tag) =	ssettag $0x2  }
0x4d4: {  	s0 =	rddreg [dreg:$0x0];
	s2 =	stileid.u32  }
0x4d5: {  	s1 =	rddreg [dreg:$0x1];
	p0 =	sne.s32 s2, $0x0  }
0x4d6: {  	s3 =	rddreg [dreg:$0x2];
	[bflag:$0x3] =	sbarrier.arrive $0xFFFF;
	s2 =	simm.s32 @!p0 $0x1C17  }
0x4d7: {  	[timem:s3], [sflag:s2] =	dma.local @!p0 [hbm:s0], s1  }
0x4d8: {  	s0 =	simm.s32 @!p0 $0x17  }
0x4d9: {  	_ =	swait.ge @!p0 [sflag:s0], s1  }
0x4da: {  	s1 =	ssub.s32 @!p0 $0x0, s1;
	[sflag:s0] =	ssyncset.done @!p0 $0x0  }
0x4db: {  	[sflag:s0] =	ssyncadd.s32 @!p0 s1  }
0x4dc: {  	[bflag:$0x3] =	sbarrier.arrive $0xFFFF  }
0x4dd: {  	_ =	shalt  }

</sc_bundles>
